<compile_context>
chip_gen: v7x
topology: tpu7x:2x2x1
jax: 0.10.2.dev20260603
libtpu: 0.0.44.dev20260713+nightly
codegen_flags: <defaults>
</compile_context>

<pallas_src>
import jax
import jax.numpy as jnp
from jax import lax
from jax.experimental import pallas as pl
from jax.experimental.pallas import tpu as pltpu
from jax.experimental.pallas import tpu_sc as plsc

NC = 2
NS = 16
LN = 16
CH = 80
AUGW = 272

_f32 = jnp.float32
_bf16 = jnp.bfloat16
_i32 = jnp.int32



HWW = 288


def _aug(cat, d):
    r = cat.shape[0]
    ones = jnp.ones((r, 1), _f32)
    pad = jnp.zeros((r, HWW - d - 1), _f32)
    return jnp.concatenate([cat[:, d:], ones, pad], axis=1).astype(_bf16)


def _agg_mean(agg_ref, d):
    a = agg_ref[0].astype(_f32) + agg_ref[1].astype(_f32)
    rdeg = 1.0 / jnp.maximum(a[:, d:d + 1], 1.0)
    return a[:, :d] * rdeg


def _mm1_body(x_ref, w_ref, hs_ref, hw_ref):
    cat = jnp.dot(x_ref[...], w_ref[...], preferred_element_type=_f32)
    d = x_ref.shape[1]
    hs_ref[...] = cat[:, :d]
    hw_ref[...] = _aug(cat, d)


def _mm2_body(hs_ref, agg_ref, b_ref, w_ref, hs2_ref, hw2_ref):
    d = hs_ref.shape[1]
    h1 = jnp.maximum(hs_ref[...] + _agg_mean(agg_ref, d) + b_ref[...], 0.0)
    cat = jnp.dot(h1, w_ref[...], preferred_element_type=_f32)
    hs2_ref[...] = cat[:, :d]
    hw2_ref[...] = _aug(cat, d)


def _comb_body(hs_ref, agg_ref, b_ref, out_ref):
    d = hs_ref.shape[1]
    h2 = hs_ref[...] + _agg_mean(agg_ref, d) + b_ref[...]
    nsq = jnp.sum(h2 * h2, axis=1, keepdims=True)
    pad = jnp.zeros((h2.shape[0], AUGW - h2.shape[1] - 1), _f32)
    out_ref[...] = jnp.concatenate([h2, nsq, pad], axis=1)


def _tc_specs(d, r):
    row = pl.BlockSpec((r, d), lambda i: (i, 0))
    hww = pl.BlockSpec((r, HWW), lambda i: (i, 0))
    aggs = pl.BlockSpec((2, r, HWW), lambda i: (0, i, 0))
    bias = pl.BlockSpec((1, d), lambda i: (0, 0))
    wmat = pl.BlockSpec((d, 2 * d), lambda i: (0, 0))
    return row, hww, aggs, bias, wmat


def _mm1(x, wcat, r):
    n, d = x.shape
    row, hww, _, _, wmat = _tc_specs(d, r)
    return pl.pallas_call(
        _mm1_body,
        grid=(n // r,),
        in_specs=[row, wmat],
        out_specs=[row, hww],
        out_shape=[jax.ShapeDtypeStruct((n, d), _f32),
                   jax.ShapeDtypeStruct((n, HWW), _bf16)],
    )(x, wcat)


def _mm2(hs, agg, b2, wcat, r):
    n, d = hs.shape
    row, hww, aggs, bias, wmat = _tc_specs(d, r)
    return pl.pallas_call(
        _mm2_body,
        grid=(n // r,),
        in_specs=[row, aggs, bias, wmat],
        out_specs=[row, hww],
        out_shape=[jax.ShapeDtypeStruct((n, d), _f32),
                   jax.ShapeDtypeStruct((n, HWW), _bf16)],
    )(hs, agg, b2, wcat)


def _comb(hs, agg, b2, r):
    n, d = hs.shape
    row, hww, aggs, bias, _ = _tc_specs(d, r)
    return pl.pallas_call(
        _comb_body,
        grid=(n // r,),
        in_specs=[row, aggs, bias],
        out_specs=pl.BlockSpec((r, AUGW), lambda i: (i, 0)),
        out_shape=jax.ShapeDtypeStruct((n, AUGW), _f32),
    )(hs, agg, b2)



def _make_agg(n, e):
    w = HWW
    CHA = 128
    npad = ((n + 127) // 128) * 128
    rows_pt = npad // NS
    e_pt = e // NC // NS
    rem = e_pt % CHA
    nchunks = e_pt // CHA
    NP = nchunks - ((nchunks - 4) % 2)
    assert rem % 8 == 0 and rem > 0

    mesh = plsc.VectorSubcoreMesh(core_axis_name="c", subcore_axis_name="s")

    NB = 2
    assert (NP - NB - 2) % NB == 0 and NP >= 2 * NB

    scratch = [
        *[pltpu.VMEM((CHA,), _i32) for _ in range(NB)],
        *[pltpu.VMEM((CHA,), _i32) for _ in range(NB)],
        *[pltpu.VMEM((CHA, w), _bf16) for _ in range(NB)],
        pltpu.VMEM((rem,), _i32),
        pltpu.VMEM((rem,), _i32),
        pltpu.VMEM((rem, w), _bf16),
        *[pltpu.SemaphoreType.DMA for _ in range(4 * NB)],
        pltpu.VMEM_SHARED((npad, w), _bf16),
    ]

    def body(hw_ref, src_ref, dst_ref, z_ref, agg_out, *rest):
        idxs = rest[0:NB]
        idxd = rest[NB:2 * NB]
        rows = rest[2 * NB:3 * NB]
        idxs_r, idxd_r, rows_r = rest[3 * NB:3 * NB + 3]
        rest = rest[3 * NB + 3:]
        gsem = rest[0:NB]
        isem = rest[NB:2 * NB]
        dsem = rest[2 * NB:3 * NB]
        ssem = rest[3 * NB:4 * NB]
        agg_sh = rest[4 * NB]

        c = lax.axis_index("c")
        s = lax.axis_index("s")
        r0 = s * rows_pt
        ebase = c * (e // NC) + s * e_pt

        pltpu.sync_copy(z_ref, agg_sh.at[pl.ds(r0, rows_pt)])
        plsc.subcore_barrier()

        def idxload(k, p):
            pltpu.async_copy(src_ref.at[pl.ds(ebase + k * CHA, CHA)],
                             idxs[p], isem[p])
            pltpu.async_copy(dst_ref.at[pl.ds(ebase + k * CHA, CHA)],
                             idxd[p], dsem[p])

        def slot(k, p, load_next=True, scat=True, retire=True):
            pm = (p + NB - 1) % NB
            if scat:
                pltpu.make_async_copy(hw_ref.at[idxs[pm]], rows[pm],
                                      gsem[pm]).wait()
                pltpu.async_copy(rows[pm], agg_sh.at[idxd[pm]], ssem[pm],
                                 add=True)
            if retire:
                p2 = (p + NB - 2) % NB
                pltpu.make_async_copy(rows[p2], agg_sh.at[idxd[p2]],
                                      ssem[p2]).wait()
            pltpu.make_async_copy(src_ref.at[pl.ds(ebase, CHA)],
                                  idxs[p], isem[p]).wait()
            pltpu.make_async_copy(dst_ref.at[pl.ds(ebase, CHA)],
                                  idxd[p], dsem[p]).wait()
            pltpu.async_copy(hw_ref.at[idxs[p]], rows[p], gsem[p])
            if load_next:
                idxload(k + 1, (p + 1) % NB)

        idxload(0, 0)
        slot(0, 0, scat=False, retire=False)
        slot(1, 1, retire=False)

        nmain = (NP - NB - 2) // NB

        @pl.loop(0, nmain)
        def _pair(j):
            a = NB * j + NB
            for p in range(NB):
                slot(a + p, p)

        last = NP - 1
        slot(last - 1, (last - 1) % NB)
        slot(last, last % NB, load_next=False)
        pf = last % NB
        pltpu.make_async_copy(hw_ref.at[idxs[pf]], rows[pf],
                              gsem[pf]).wait()
        pltpu.async_copy(rows[pf], agg_sh.at[idxd[pf]], ssem[pf], add=True)
        for q in (last - 1, last):
            pq = q % NB
            pltpu.make_async_copy(rows[pq], agg_sh.at[idxd[pq]],
                                  ssem[pq]).wait()

        for q in range(NP, nchunks):
            qoff = ebase + q * CHA
            pltpu.sync_copy(src_ref.at[pl.ds(qoff, CHA)], idxs[0])
            pltpu.sync_copy(dst_ref.at[pl.ds(qoff, CHA)], idxd[0])
            pltpu.async_copy(hw_ref.at[idxs[0]], rows[0], gsem[0]).wait()
            pltpu.sync_copy(rows[0], agg_sh.at[idxd[0]], add=True)

        roff = ebase + nchunks * CHA
        pltpu.sync_copy(src_ref.at[pl.ds(roff, rem)], idxs_r)
        pltpu.sync_copy(dst_ref.at[pl.ds(roff, rem)], idxd_r)
        pltpu.async_copy(hw_ref.at[idxs_r], rows_r, gsem[0]).wait()
        pltpu.sync_copy(rows_r, agg_sh.at[idxd_r], add=True)

        plsc.subcore_barrier()
        pltpu.sync_copy(agg_sh.at[pl.ds(r0, rows_pt)],
                        agg_out.at[c, pl.ds(r0, rows_pt)])

    return pl.kernel(body,
                     out_type=jax.ShapeDtypeStruct((NC, npad, w), _bf16),
                     mesh=mesh, scratch_types=scratch,
                     compiler_params=pltpu.CompilerParams(
                         use_tc_tiling_on_sc=False,
                         needs_layout_passes=False))


def _make_score(n, e):
    e_pt = e // NS
    nchunks = e_pt // CH
    assert e_pt % CH == 0

    mesh = plsc.VectorSubcoreMesh(core_axis_name="c", subcore_axis_name="s")

    NB = 3
    assert nchunks % NB == 2 and nchunks >= 2 * NB

    scratch = [
        pltpu.VMEM((e_pt,), _i32),
        pltpu.VMEM((e_pt,), _i32),
        *[pltpu.VMEM((CH, AUGW), _f32) for _ in range(NB)],
        *[pltpu.VMEM((CH,), _f32) for _ in range(NB)],
        pltpu.VMEM((LN, 17), _f32),
        *[pltpu.SemaphoreType.DMA for _ in range(3 * NB)],
    ]

    def body(h2_ref, idx_ref, out_ref, idxs_v, idxd_v, *rest):
        buf = rest[0:NB]
        res = rest[NB:2 * NB]
        scr_v = rest[2 * NB]
        gasem = rest[2 * NB + 1:2 * NB + 1 + NB]
        gbsem = rest[2 * NB + 1 + NB:2 * NB + 1 + 2 * NB]
        osem = rest[2 * NB + 1 + 2 * NB:2 * NB + 1 + 3 * NB]
        c = lax.axis_index("c")
        s = lax.axis_index("s")
        ebase = s * e_pt

        pltpu.sync_copy(idx_ref.at[pl.ds(c * 2 * e + ebase, e_pt)], idxs_v)
        pltpu.sync_copy(idx_ref.at[pl.ds(c * 2 * e + e + ebase, e_pt)],
                        idxd_v)

        def issue_src(k, p):
            pltpu.async_copy(h2_ref.at[idxs_v.at[pl.ds(k * CH, CH)]],
                             buf[p], gasem[p])

        def issue_add(k, p):
            pltpu.make_async_copy(h2_ref.at[idxs_v.at[pl.ds(0, CH)]],
                                  buf[p], gasem[p]).wait()
            pltpu.async_copy(h2_ref.at[idxd_v.at[pl.ds(k * CH, CH)]],
                             buf[p], gbsem[p], add=True)

        def compute(k, p, sync_out, owait):
            pltpu.make_async_copy(h2_ref.at[idxd_v.at[pl.ds(0, CH)]],
                                  buf[p], gbsem[p]).wait()
            if owait:
                pltpu.make_async_copy(
                    res[p], out_ref.at[pl.ds(c * e + ebase, CH)],
                    osem[p]).wait()
            buf_v = buf[p]
            res_v = res[p]
            lane = lax.iota(_i32, LN)

            @pl.loop(0, CH // LN)
            def _grp(g):
                @pl.loop(0, LN)
                def _edge(ii):
                    i = g * LN + ii
                    acc = jnp.zeros((LN,), _f32)
                    for t in range(256 // LN):
                        v = buf_v[i, pl.ds(t * LN, LN)]
                        acc = acc + v * v
                    scr_v[ii, pl.ds(0, LN)] = acc
                rows = lane + g * LN
                nsqv = plsc.load_gather(
                    buf_v, [rows, jnp.full((LN,), 256, _i32)])
                tot = jnp.zeros((LN,), _f32)
                for j in range(LN):
                    tot = tot + plsc.load_gather(
                        scr_v, [lane, jnp.full((LN,), j, _i32)])
                res_v[pl.ds(g * LN, LN)] = (tot - nsqv) * 0.5

            dst = out_ref.at[pl.ds(c * e + ebase + k * CH, CH)]
            if sync_out:
                pltpu.sync_copy(res_v, dst)
            else:
                pltpu.async_copy(res_v, dst, osem[p])

        def slot(k, p, sync_out=False, owait=True, prefetch=True,
                 addpre=True):
            compute(k, p, sync_out, owait)
            if prefetch:
                issue_src(k + NB, p)
            if addpre:
                p2 = (p + 2) % NB
                issue_add(k + 2, p2)

        issue_src(0, 0)
        issue_src(1, 1)
        issue_src(2, 2)
        issue_add(0, 0)
        issue_add(1, 1)
        slot(0, 0, owait=False)
        slot(1, 1, owait=False)
        slot(2, 2, owait=False)

        assert (nchunks - 8) % NB == 0
        nmain = (nchunks - 8) // NB

        @pl.loop(0, nmain)
        def _triple(j):
            a = NB * j + NB
            for p in range(NB):
                slot(a + p, p)

        ka = nchunks - 5
        slot(ka, ka % NB)
        slot(ka + 1, (ka + 1) % NB)
        slot(ka + 2, (ka + 2) % NB, prefetch=False)
        slot(ka + 3, (ka + 3) % NB, sync_out=True, prefetch=False,
             addpre=False)
        slot(ka + 4, (ka + 4) % NB, sync_out=True, prefetch=False,
             addpre=False)
        pr = (ka + 2) % NB
        pltpu.make_async_copy(
            res[pr], out_ref.at[pl.ds(c * e + ebase, CH)], osem[pr]).wait()

    return pl.kernel(
        body,
        out_type=jax.ShapeDtypeStruct((NC * e,), _f32),
        mesh=mesh,
        scratch_types=scratch,
        compiler_params=pltpu.CompilerParams(use_tc_tiling_on_sc=False,
                                             needs_layout_passes=False),
    )



@jax.jit
def kernel(x, edge_index, neg_edge_index, W_self, W_neigh, b):
    n, d = x.shape
    e = edge_index.shape[1]
    r = 1000

    npad = ((n + 127) // 128) * 128
    wcat = jnp.concatenate([W_self, W_neigh], axis=1)
    b2 = b[None, :]
    zw = jnp.zeros((npad // NS, HWW), _bf16)

    agg_k = _make_agg(n, e)
    score_k = _make_score(n, e)

    src, dst = edge_index[0], edge_index[1]
    hs1, hw1 = _mm1(x, wcat, r)
    agg1 = agg_k(hw1, src, dst, zw)
    hs2, hw2 = _mm2(hs1, agg1, b2, wcat, r)
    agg2 = agg_k(hw2, src, dst, zw)
    h2aug = _comb(hs2, agg2, b2, r)

    idx_flat = jnp.concatenate(
        [edge_index.reshape(-1), neg_edge_index.reshape(-1)])
    out = score_k(h2aug, idx_flat)
    return (out[:e, None], out[e:, None])

# --- scband reference (transcript-rebuilt; emitter-appended) ---
"""Pipeline reference for scband-trash-net-25177098289283 (READ-ONLY COPY).

The authoritative reference and input builder live on the scoring server;
editing this copy changes nothing except your own understanding.
"""

import jax, jax.numpy as jnp
import numpy as np

N = 10000
E = 160000
D = 256


def setup_inputs(seed: int = 0) -> dict:
    key = jax.random.key(seed)
    k1, k2, k3, k4, k5, k6 = jax.random.split(key, 6)
    x = jax.random.normal(k1, (N, D), dtype=jnp.float32)
    edge_index = jax.random.randint(k2, (2, E), 0, N, dtype=jnp.int32)
    neg_edge_index = jax.random.randint(k3, (2, E), 0, N, dtype=jnp.int32)
    scale = 1.0 / np.sqrt(D)
    W_self = jax.random.uniform(k4, (D, D), dtype=jnp.float32, minval=-scale, maxval=scale)
    W_neigh = jax.random.uniform(k5, (D, D), dtype=jnp.float32, minval=-scale, maxval=scale)
    b = jax.random.uniform(k6, (D,), dtype=jnp.float32, minval=-scale, maxval=scale)
    return {"x": x, "edge_index": edge_index, "neg_edge_index": neg_edge_index,
            "W_self": W_self, "W_neigh": W_neigh, "b": b}


def _sage_mean(h, src, dst, W_self, W_neigh, b):
    # DGL SAGEConv(aggregator_type='mean'): fc_self(h_dst) + fc_neigh(mean_{u in N(v)} h_u) + bias
    msg = jnp.take(h, src, axis=0)
    agg = jax.ops.segment_sum(msg, dst, num_segments=N)
    deg = jax.ops.segment_sum(jnp.ones((src.shape[0],), h.dtype), dst, num_segments=N)
    mean = agg / jnp.maximum(deg, 1.0)[:, None]
    return h @ W_self + mean @ W_neigh + b


def reference(x, edge_index, neg_edge_index, W_self, W_neigh, b):
    src, dst = edge_index[0], edge_index[1]
    # forward_: h = sage(G, x); h = relu(h); h = sage(G, h)
    h = _sage_mean(x, src, dst, W_self, W_neigh, b)
    h = jax.nn.relu(h)
    h = _sage_mean(h, src, dst, W_self, W_neigh, b)
    # DotProductPredictor: per-edge u_dot_v(h, h) -> [E, 1]
    pos = jnp.sum(jnp.take(h, edge_index[0], axis=0) * jnp.take(h, edge_index[1], axis=0), axis=-1, keepdims=True)
    neg = jnp.sum(jnp.take(h, neg_edge_index[0], axis=0) * jnp.take(h, neg_edge_index[1], axis=0), axis=-1, keepdims=True)
    return (pos, neg)

if __name__ == "__main__":
    import jax
    _d = setup_inputs()
    print(jax.jit(kernel)(*tuple(_d.values())))

</pallas_src>

<mosaic_0001>
#map = affine_map<(d0, d1) -> (0, 0)>
#map1 = affine_map<(d0, d1) -> (0)>
#map2 = affine_map<(d0, d1) -> (0, 0, 0)>
module attributes {stable_mosaic.version = 14 : i64} {
  func.func @body(%arg0: i32, %arg1: i32, %arg2: memref<10000x288xbf16, #tpu.memory_space<hbm>>, %arg3: memref<160000xi32, #tpu.memory_space<hbm>>, %arg4: memref<160000xi32, #tpu.memory_space<hbm>>, %arg5: memref<632x288xbf16, #tpu.memory_space<hbm>>, %arg6: memref<2x10112x288xbf16, #tpu.memory_space<hbm>>, %arg7: memref<128xi32, #tpu.memory_space<vmem>>, %arg8: memref<128xi32, #tpu.memory_space<vmem>>, %arg9: memref<128xi32, #tpu.memory_space<vmem>>, %arg10: memref<128xi32, #tpu.memory_space<vmem>>, %arg11: memref<128x288xbf16, #tpu.memory_space<vmem>>, %arg12: memref<128x288xbf16, #tpu.memory_space<vmem>>, %arg13: memref<8xi32, #tpu.memory_space<vmem>>, %arg14: memref<8xi32, #tpu.memory_space<vmem>>, %arg15: memref<8x288xbf16, #tpu.memory_space<vmem>>, %arg16: memref<!tpu.dma_semaphore, #tpu.memory_space<semaphore_mem>>, %arg17: memref<!tpu.dma_semaphore, #tpu.memory_space<semaphore_mem>>, %arg18: memref<!tpu.dma_semaphore, #tpu.memory_space<semaphore_mem>>, %arg19: memref<!tpu.dma_semaphore, #tpu.memory_space<semaphore_mem>>, %arg20: memref<!tpu.dma_semaphore, #tpu.memory_space<semaphore_mem>>, %arg21: memref<!tpu.dma_semaphore, #tpu.memory_space<semaphore_mem>>, %arg22: memref<!tpu.dma_semaphore, #tpu.memory_space<semaphore_mem>>, %arg23: memref<!tpu.dma_semaphore, #tpu.memory_space<semaphore_mem>>, %arg24: memref<10112x288xbf16, #tpu.memory_space<vmem_shared>>) attributes {dimension_semantics = [#tpu.dimension_semantics<core_parallel>, #tpu.dimension_semantics<subcore_parallel>], iteration_bounds = array<i64: 2, 16>, scalar_prefetch = 0 : i64, scratch_operands = 18 : i64, tpu.core_type = #tpu.core_type<sc_vector_subcore>, window_params = [{transform_indices = #map}, {transform_indices = #map1}, {transform_indices = #map1}, {transform_indices = #map}, {transform_indices = #map2}]} {
    %mul3A = arith.constant 632 : i32
    %mul3A_0 = arith.muli %arg1, %mul3A : i32
    %mul3A_1 = arith.constant 80000 : i32
    %mul3A_2 = arith.muli %arg0, %mul3A_1 : i32
    %mul3A_3 = arith.constant 5000 : i32
    %mul3A_4 = arith.muli %arg1, %mul3A_3 : i32
    %add3A = arith.addi %mul3A_2, %mul3A_4 : i32
    "tpu.region"() ({
      %run_scoped3A = tpu.sem_alloc : memref<!tpu.dma_semaphore, #tpu.memory_space<semaphore_mem>>
      %dma_start3A_120 = arith.constant 0 : i32
      %dma_start3A_121 = tpu.memref_slice %arg24[%mul3A_0, %dma_start3A_120] : memref<10112x288xbf16, #tpu.memory_space<vmem_shared>> -> memref<632x288xbf16, #tpu.memory_space<vmem_shared>>
      tpu.enqueue_dma source(%arg5 : memref<632x288xbf16, #tpu.memory_space<hbm>>) target(%dma_start3A_121 : memref<632x288xbf16, #tpu.memory_space<vmem_shared>>) target_semaphore(%run_scoped3A : memref<!tpu.dma_semaphore, #tpu.memory_space<semaphore_mem>>)
      %dma_wait3A_122 = arith.constant 0 : i32
      %dma_wait3A_123 = tpu.memref_slice %arg24[%mul3A_0, %dma_wait3A_122] : memref<10112x288xbf16, #tpu.memory_space<vmem_shared>> -> memref<632x288xbf16, #tpu.memory_space<vmem_shared>>
      tpu.wait_dma2 semaphore(%run_scoped3A : memref<!tpu.dma_semaphore, #tpu.memory_space<semaphore_mem>>) src(%arg5 : memref<632x288xbf16, #tpu.memory_space<hbm>>) dst(%dma_wait3A_123 : memref<632x288xbf16, #tpu.memory_space<vmem_shared>>)
      tpu.yield
    }) : () -> ()
    %barrier3A = arith.constant 0 : index
    tpu.barrier barrier_id(%barrier3A)
    %add3A_5 = arith.constant 0 : i32
    %add3A_6 = arith.addi %add3A, %add3A_5 : i32
    %dma_start3A = tpu.memref_slice %arg3[%add3A_6] : memref<160000xi32, #tpu.memory_space<hbm>> -> memref<128xi32, #tpu.memory_space<hbm>>
    %dma_start3A_7 = tpu.memref_slice %arg3[%add3A_6] : memref<160000xi32, #tpu.memory_space<hbm>> -> memref<128xi32, #tpu.memory_space<hbm>>
    tpu.enqueue_dma source(%dma_start3A_7 : memref<128xi32, #tpu.memory_space<hbm>>) target(%arg7 : memref<128xi32, #tpu.memory_space<vmem>>) target_semaphore(%arg18 : memref<!tpu.dma_semaphore, #tpu.memory_space<semaphore_mem>>)
    %add3A_8 = arith.constant 0 : i32
    %add3A_9 = arith.addi %add3A, %add3A_8 : i32
    %dma_start3A_10 = tpu.memref_slice %arg4[%add3A_9] : memref<160000xi32, #tpu.memory_space<hbm>> -> memref<128xi32, #tpu.memory_space<hbm>>
    %dma_start3A_11 = tpu.memref_slice %arg4[%add3A_9] : memref<160000xi32, #tpu.memory_space<hbm>> -> memref<128xi32, #tpu.memory_space<hbm>>
    tpu.enqueue_dma source(%dma_start3A_11 : memref<128xi32, #tpu.memory_space<hbm>>) target(%arg9 : memref<128xi32, #tpu.memory_space<vmem>>) target_semaphore(%arg20 : memref<!tpu.dma_semaphore, #tpu.memory_space<semaphore_mem>>)
    %dma_wait3A = tpu.memref_slice %arg3[%add3A] : memref<160000xi32, #tpu.memory_space<hbm>> -> memref<128xi32, #tpu.memory_space<hbm>>
    %dma_wait3A_12 = tpu.memref_slice %arg3[%add3A] : memref<160000xi32, #tpu.memory_space<hbm>> -> memref<128xi32, #tpu.memory_space<hbm>>
    tpu.wait_dma2 semaphore(%arg18 : memref<!tpu.dma_semaphore, #tpu.memory_space<semaphore_mem>>) src(%dma_wait3A_12 : memref<128xi32, #tpu.memory_space<hbm>>) dst(%arg7 : memref<128xi32, #tpu.memory_space<vmem>>)
    %dma_wait3A_13 = tpu.memref_slice %arg4[%add3A] : memref<160000xi32, #tpu.memory_space<hbm>> -> memref<128xi32, #tpu.memory_space<hbm>>
    %dma_wait3A_14 = tpu.memref_slice %arg4[%add3A] : memref<160000xi32, #tpu.memory_space<hbm>> -> memref<128xi32, #tpu.memory_space<hbm>>
    tpu.wait_dma2 semaphore(%arg20 : memref<!tpu.dma_semaphore, #tpu.memory_space<semaphore_mem>>) src(%dma_wait3A_14 : memref<128xi32, #tpu.memory_space<hbm>>) dst(%arg9 : memref<128xi32, #tpu.memory_space<vmem>>)
    %dma_start3A_15 = arith.constant 0 : i32
    %dma_start3A_16 = arith.constant 0 : i32
    %dma_start3A_17 = tpu.memref_slice %arg2[%dma_start3A_15, %dma_start3A_16] : memref<10000x288xbf16, #tpu.memory_space<hbm>> -> memref<10000x288xbf16, #tpu.memory_space<hbm>>
    tpu.enqueue_indirect_dma source(%dma_start3A_17 : memref<10000x288xbf16, #tpu.memory_space<hbm>>) target(%arg11 : memref<128x288xbf16, #tpu.memory_space<vmem>>) offsets(%arg7 : memref<128xi32, #tpu.memory_space<vmem>>) semaphore(%arg16 : memref<!tpu.dma_semaphore, #tpu.memory_space<semaphore_mem>>)
    %add3A_18 = arith.constant 128 : i32
    %add3A_19 = arith.addi %add3A, %add3A_18 : i32
    %dma_start3A_20 = tpu.memref_slice %arg3[%add3A_19] : memref<160000xi32, #tpu.memory_space<hbm>> -> memref<128xi32, #tpu.memory_space<hbm>>
    %dma_start3A_21 = tpu.memref_slice %arg3[%add3A_19] : memref<160000xi32, #tpu.memory_space<hbm>> -> memref<128xi32, #tpu.memory_space<hbm>>
    tpu.enqueue_dma source(%dma_start3A_21 : memref<128xi32, #tpu.memory_space<hbm>>) target(%arg8 : memref<128xi32, #tpu.memory_space<vmem>>) target_semaphore(%arg19 : memref<!tpu.dma_semaphore, #tpu.memory_space<semaphore_mem>>)
    %add3A_22 = arith.constant 128 : i32
    %add3A_23 = arith.addi %add3A, %add3A_22 : i32
    %dma_start3A_24 = tpu.memref_slice %arg4[%add3A_23] : memref<160000xi32, #tpu.memory_space<hbm>> -> memref<128xi32, #tpu.memory_space<hbm>>
    %dma_start3A_25 = tpu.memref_slice %arg4[%add3A_23] : memref<160000xi32, #tpu.memory_space<hbm>> -> memref<128xi32, #tpu.memory_space<hbm>>
    tpu.enqueue_dma source(%dma_start3A_25 : memref<128xi32, #tpu.memory_space<hbm>>) target(%arg10 : memref<128xi32, #tpu.memory_space<vmem>>) target_semaphore(%arg21 : memref<!tpu.dma_semaphore, #tpu.memory_space<semaphore_mem>>)
    %dma_wait3A_26 = arith.constant 0 : i32
    %dma_wait3A_27 = arith.constant 0 : i32
    %dma_wait3A_28 = tpu.memref_slice %arg2[%dma_wait3A_26, %dma_wait3A_27] : memref<10000x288xbf16, #tpu.memory_space<hbm>> -> memref<10000x288xbf16, #tpu.memory_space<hbm>>
    tpu.wait_indirect_dma semaphore(%arg16 : memref<!tpu.dma_semaphore, #tpu.memory_space<semaphore_mem>>) src(%dma_wait3A_28 : memref<10000x288xbf16, #tpu.memory_space<hbm>>) dst(%arg11 : memref<128x288xbf16, #tpu.memory_space<vmem>>)
    %dma_start3A_29 = arith.constant 0 : i32
    %dma_start3A_30 = arith.constant 0 : i32
    %dma_start3A_31 = tpu.memref_slice %arg24[%dma_start3A_29, %dma_start3A_30] : memref<10112x288xbf16, #tpu.memory_space<vmem_shared>> -> memref<10112x288xbf16, #tpu.memory_space<vmem_shared>>
    tpu.enqueue_indirect_dma source(%arg11 : memref<128x288xbf16, #tpu.memory_space<vmem>>) target(%dma_start3A_31 : memref<10112x288xbf16, #tpu.memory_space<vmem_shared>>) offsets(%arg9 : memref<128xi32, #tpu.memory_space<vmem>>) semaphore(%arg22 : memref<!tpu.dma_semaphore, #tpu.memory_space<semaphore_mem>>) {add = true}
    %dma_wait3A_32 = tpu.memref_slice %arg3[%add3A] : memref<160000xi32, #tpu.memory_space<hbm>> -> memref<128xi32, #tpu.memory_space<hbm>>
    %dma_wait3A_33 = tpu.memref_slice %arg3[%add3A] : memref<160000xi32, #tpu.memory_space<hbm>> -> memref<128xi32, #tpu.memory_space<hbm>>
    tpu.wait_dma2 semaphore(%arg19 : memref<!tpu.dma_semaphore, #tpu.memory_space<semaphore_mem>>) src(%dma_wait3A_33 : memref<128xi32, #tpu.memory_space<hbm>>) dst(%arg8 : memref<128xi32, #tpu.memory_space<vmem>>)
    %dma_wait3A_34 = tpu.memref_slice %arg4[%add3A] : memref<160000xi32, #tpu.memory_space<hbm>> -> memref<128xi32, #tpu.memory_space<hbm>>
    %dma_wait3A_35 = tpu.memref_slice %arg4[%add3A] : memref<160000xi32, #tpu.memory_space<hbm>> -> memref<128xi32, #tpu.memory_space<hbm>>
    tpu.wait_dma2 semaphore(%arg21 : memref<!tpu.dma_semaphore, #tpu.memory_space<semaphore_mem>>) src(%dma_wait3A_35 : memref<128xi32, #tpu.memory_space<hbm>>) dst(%arg10 : memref<128xi32, #tpu.memory_space<vmem>>)
    %dma_start3A_36 = arith.constant 0 : i32
    %dma_start3A_37 = arith.constant 0 : i32
    %dma_start3A_38 = tpu.memref_slice %arg2[%dma_start3A_36, %dma_start3A_37] : memref<10000x288xbf16, #tpu.memory_space<hbm>> -> memref<10000x288xbf16, #tpu.memory_space<hbm>>
    tpu.enqueue_indirect_dma source(%dma_start3A_38 : memref<10000x288xbf16, #tpu.memory_space<hbm>>) target(%arg12 : memref<128x288xbf16, #tpu.memory_space<vmem>>) offsets(%arg8 : memref<128xi32, #tpu.memory_space<vmem>>) semaphore(%arg17 : memref<!tpu.dma_semaphore, #tpu.memory_space<semaphore_mem>>)
    %add3A_39 = arith.constant 256 : i32
    %add3A_40 = arith.addi %add3A, %add3A_39 : i32
    %dma_start3A_41 = tpu.memref_slice %arg3[%add3A_40] : memref<160000xi32, #tpu.memory_space<hbm>> -> memref<128xi32, #tpu.memory_space<hbm>>
    %dma_start3A_42 = tpu.memref_slice %arg3[%add3A_40] : memref<160000xi32, #tpu.memory_space<hbm>> -> memref<128xi32, #tpu.memory_space<hbm>>
    tpu.enqueue_dma source(%dma_start3A_42 : memref<128xi32, #tpu.memory_space<hbm>>) target(%arg7 : memref<128xi32, #tpu.memory_space<vmem>>) target_semaphore(%arg18 : memref<!tpu.dma_semaphore, #tpu.memory_space<semaphore_mem>>)
    %add3A_43 = arith.constant 256 : i32
    %add3A_44 = arith.addi %add3A, %add3A_43 : i32
    %dma_start3A_45 = tpu.memref_slice %arg4[%add3A_44] : memref<160000xi32, #tpu.memory_space<hbm>> -> memref<128xi32, #tpu.memory_space<hbm>>
    %dma_start3A_46 = tpu.memref_slice %arg4[%add3A_44] : memref<160000xi32, #tpu.memory_space<hbm>> -> memref<128xi32, #tpu.memory_space<hbm>>
    tpu.enqueue_dma source(%dma_start3A_46 : memref<128xi32, #tpu.memory_space<hbm>>) target(%arg9 : memref<128xi32, #tpu.memory_space<vmem>>) target_semaphore(%arg20 : memref<!tpu.dma_semaphore, #tpu.memory_space<semaphore_mem>>)
    %scan3A = arith.constant 0 : i32
    %scan3A_47 = arith.constant 17 : i32
    %scan3A_48 = arith.addi %scan3A, %scan3A_47 : i32
    %scan3A_49 = arith.constant 1 : i32
    scf.for %scan3A_120 = %scan3A to %scan3A_48 step %scan3A_49  : i32 {
      %mul3A_121 = arith.constant 1 : i32
      %mul3A_122 = arith.muli %scan3A_120, %mul3A_121 : i32
      %add3A_123 = arith.constant 0 : i32
      %add3A_124 = arith.addi %add3A_123, %mul3A_122 : i32
      %mul3A_125 = arith.constant 2 : i32
      %mul3A_126 = arith.muli %mul3A_125, %add3A_124 : i32
      %add3A_127 = arith.constant 2 : i32
      %add3A_128 = arith.addi %mul3A_126, %add3A_127 : i32
      %add3A_129 = arith.constant 0 : i32
      %add3A_130 = arith.addi %add3A_128, %add3A_129 : i32
      %dma_wait3A_131 = arith.constant 0 : i32
      %dma_wait3A_132 = arith.constant 0 : i32
      %dma_wait3A_133 = tpu.memref_slice %arg2[%dma_wait3A_131, %dma_wait3A_132] : memref<10000x288xbf16, #tpu.memory_space<hbm>> -> memref<10000x288xbf16, #tpu.memory_space<hbm>>
      tpu.wait_indirect_dma semaphore(%arg17 : memref<!tpu.dma_semaphore, #tpu.memory_space<semaphore_mem>>) src(%dma_wait3A_133 : memref<10000x288xbf16, #tpu.memory_space<hbm>>) dst(%arg12 : memref<128x288xbf16, #tpu.memory_space<vmem>>)
      %dma_start3A_134 = arith.constant 0 : i32
      %dma_start3A_135 = arith.constant 0 : i32
      %dma_start3A_136 = tpu.memref_slice %arg24[%dma_start3A_134, %dma_start3A_135] : memref<10112x288xbf16, #tpu.memory_space<vmem_shared>> -> memref<10112x288xbf16, #tpu.memory_space<vmem_shared>>
      tpu.enqueue_indirect_dma source(%arg12 : memref<128x288xbf16, #tpu.memory_space<vmem>>) target(%dma_start3A_136 : memref<10112x288xbf16, #tpu.memory_space<vmem_shared>>) offsets(%arg10 : memref<128xi32, #tpu.memory_space<vmem>>) semaphore(%arg23 : memref<!tpu.dma_semaphore, #tpu.memory_space<semaphore_mem>>) {add = true}
      %dma_wait3A_137 = arith.constant 0 : i32
      %dma_wait3A_138 = arith.constant 0 : i32
      %dma_wait3A_139 = tpu.memref_slice %arg24[%dma_wait3A_137, %dma_wait3A_138] : memref<10112x288xbf16, #tpu.memory_space<vmem_shared>> -> memref<10112x288xbf16, #tpu.memory_space<vmem_shared>>
      tpu.wait_indirect_dma semaphore(%arg22 : memref<!tpu.dma_semaphore, #tpu.memory_space<semaphore_mem>>) src(%arg11 : memref<128x288xbf16, #tpu.memory_space<vmem>>) dst(%dma_wait3A_139 : memref<10112x288xbf16, #tpu.memory_space<vmem_shared>>)
      %dma_wait3A_140 = tpu.memref_slice %arg3[%add3A] : memref<160000xi32, #tpu.memory_space<hbm>> -> memref<128xi32, #tpu.memory_space<hbm>>
      %dma_wait3A_141 = tpu.memref_slice %arg3[%add3A] : memref<160000xi32, #tpu.memory_space<hbm>> -> memref<128xi32, #tpu.memory_space<hbm>>
      tpu.wait_dma2 semaphore(%arg18 : memref<!tpu.dma_semaphore, #tpu.memory_space<semaphore_mem>>) src(%dma_wait3A_141 : memref<128xi32, #tpu.memory_space<hbm>>) dst(%arg7 : memref<128xi32, #tpu.memory_space<vmem>>)
      %dma_wait3A_142 = tpu.memref_slice %arg4[%add3A] : memref<160000xi32, #tpu.memory_space<hbm>> -> memref<128xi32, #tpu.memory_space<hbm>>
      %dma_wait3A_143 = tpu.memref_slice %arg4[%add3A] : memref<160000xi32, #tpu.memory_space<hbm>> -> memref<128xi32, #tpu.memory_space<hbm>>
      tpu.wait_dma2 semaphore(%arg20 : memref<!tpu.dma_semaphore, #tpu.memory_space<semaphore_mem>>) src(%dma_wait3A_143 : memref<128xi32, #tpu.memory_space<hbm>>) dst(%arg9 : memref<128xi32, #tpu.memory_space<vmem>>)
      %dma_start3A_144 = arith.constant 0 : i32
      %dma_start3A_145 = arith.constant 0 : i32
      %dma_start3A_146 = tpu.memref_slice %arg2[%dma_start3A_144, %dma_start3A_145] : memref<10000x288xbf16, #tpu.memory_space<hbm>> -> memref<10000x288xbf16, #tpu.memory_space<hbm>>
      tpu.enqueue_indirect_dma source(%dma_start3A_146 : memref<10000x288xbf16, #tpu.memory_space<hbm>>) target(%arg11 : memref<128x288xbf16, #tpu.memory_space<vmem>>) offsets(%arg7 : memref<128xi32, #tpu.memory_space<vmem>>) semaphore(%arg16 : memref<!tpu.dma_semaphore, #tpu.memory_space<semaphore_mem>>)
      %add3A_147 = arith.constant 1 : i32
      %add3A_148 = arith.addi %add3A_130, %add3A_147 : i32
      %mul3A_149 = arith.constant 128 : i32
      %mul3A_150 = arith.muli %add3A_148, %mul3A_149 : i32
      %add3A_151 = arith.addi %add3A, %mul3A_150 : i32
      %dma_start3A_152 = tpu.memref_slice %arg3[%add3A_151] : memref<160000xi32, #tpu.memory_space<hbm>> -> memref<128xi32, #tpu.memory_space<hbm>>
      %dma_start3A_153 = tpu.memref_slice %arg3[%add3A_151] : memref<160000xi32, #tpu.memory_space<hbm>> -> memref<128xi32, #tpu.memory_space<hbm>>
      tpu.enqueue_dma source(%dma_start3A_153 : memref<128xi32, #tpu.memory_space<hbm>>) target(%arg8 : memref<128xi32, #tpu.memory_space<vmem>>) target_semaphore(%arg19 : memref<!tpu.dma_semaphore, #tpu.memory_space<semaphore_mem>>)
      %mul3A_154 = arith.constant 128 : i32
      %mul3A_155 = arith.muli %add3A_148, %mul3A_154 : i32
      %add3A_156 = arith.addi %add3A, %mul3A_155 : i32
      %dma_start3A_157 = tpu.memref_slice %arg4[%add3A_156] : memref<160000xi32, #tpu.memory_space<hbm>> -> memref<128xi32, #tpu.memory_space<hbm>>
      %dma_start3A_158 = tpu.memref_slice %arg4[%add3A_156] : memref<160000xi32, #tpu.memory_space<hbm>> -> memref<128xi32, #tpu.memory_space<hbm>>
      tpu.enqueue_dma source(%dma_start3A_158 : memref<128xi32, #tpu.memory_space<hbm>>) target(%arg10 : memref<128xi32, #tpu.memory_space<vmem>>) target_semaphore(%arg21 : memref<!tpu.dma_semaphore, #tpu.memory_space<semaphore_mem>>)
      %add3A_159 = arith.constant 1 : i32
      %add3A_160 = arith.addi %add3A_128, %add3A_159 : i32
      %dma_wait3A_161 = arith.constant 0 : i32
      %dma_wait3A_162 = arith.constant 0 : i32
      %dma_wait3A_163 = tpu.memref_slice %arg2[%dma_wait3A_161, %dma_wait3A_162] : memref<10000x288xbf16, #tpu.memory_space<hbm>> -> memref<10000x288xbf16, #tpu.memory_space<hbm>>
      tpu.wait_indirect_dma semaphore(%arg16 : memref<!tpu.dma_semaphore, #tpu.memory_space<semaphore_mem>>) src(%dma_wait3A_163 : memref<10000x288xbf16, #tpu.memory_space<hbm>>) dst(%arg11 : memref<128x288xbf16, #tpu.memory_space<vmem>>)
      %dma_start3A_164 = arith.constant 0 : i32
      %dma_start3A_165 = arith.constant 0 : i32
      %dma_start3A_166 = tpu.memref_slice %arg24[%dma_start3A_164, %dma_start3A_165] : memref<10112x288xbf16, #tpu.memory_space<vmem_shared>> -> memref<10112x288xbf16, #tpu.memory_space<vmem_shared>>
      tpu.enqueue_indirect_dma source(%arg11 : memref<128x288xbf16, #tpu.memory_space<vmem>>) target(%dma_start3A_166 : memref<10112x288xbf16, #tpu.memory_space<vmem_shared>>) offsets(%arg9 : memref<128xi32, #tpu.memory_space<vmem>>) semaphore(%arg22 : memref<!tpu.dma_semaphore, #tpu.memory_space<semaphore_mem>>) {add = true}
      %dma_wait3A_167 = arith.constant 0 : i32
      %dma_wait3A_168 = arith.constant 0 : i32
      %dma_wait3A_169 = tpu.memref_slice %arg24[%dma_wait3A_167, %dma_wait3A_168] : memref<10112x288xbf16, #tpu.memory_space<vmem_shared>> -> memref<10112x288xbf16, #tpu.memory_space<vmem_shared>>
      tpu.wait_indirect_dma semaphore(%arg23 : memref<!tpu.dma_semaphore, #tpu.memory_space<semaphore_mem>>) src(%arg12 : memref<128x288xbf16, #tpu.memory_space<vmem>>) dst(%dma_wait3A_169 : memref<10112x288xbf16, #tpu.memory_space<vmem_shared>>)
      %dma_wait3A_170 = tpu.memref_slice %arg3[%add3A] : memref<160000xi32, #tpu.memory_space<hbm>> -> memref<128xi32, #tpu.memory_space<hbm>>
      %dma_wait3A_171 = tpu.memref_slice %arg3[%add3A] : memref<160000xi32, #tpu.memory_space<hbm>> -> memref<128xi32, #tpu.memory_space<hbm>>
      tpu.wait_dma2 semaphore(%arg19 : memref<!tpu.dma_semaphore, #tpu.memory_space<semaphore_mem>>) src(%dma_wait3A_171 : memref<128xi32, #tpu.memory_space<hbm>>) dst(%arg8 : memref<128xi32, #tpu.memory_space<vmem>>)
      %dma_wait3A_172 = tpu.memref_slice %arg4[%add3A] : memref<160000xi32, #tpu.memory_space<hbm>> -> memref<128xi32, #tpu.memory_space<hbm>>
      %dma_wait3A_173 = tpu.memref_slice %arg4[%add3A] : memref<160000xi32, #tpu.memory_space<hbm>> -> memref<128xi32, #tpu.memory_space<hbm>>
      tpu.wait_dma2 semaphore(%arg21 : memref<!tpu.dma_semaphore, #tpu.memory_space<semaphore_mem>>) src(%dma_wait3A_173 : memref<128xi32, #tpu.memory_space<hbm>>) dst(%arg10 : memref<128xi32, #tpu.memory_space<vmem>>)
      %dma_start3A_174 = arith.constant 0 : i32
      %dma_start3A_175 = arith.constant 0 : i32
      %dma_start3A_176 = tpu.memref_slice %arg2[%dma_start3A_174, %dma_start3A_175] : memref<10000x288xbf16, #tpu.memory_space<hbm>> -> memref<10000x288xbf16, #tpu.memory_space<hbm>>
      tpu.enqueue_indirect_dma source(%dma_start3A_176 : memref<10000x288xbf16, #tpu.memory_space<hbm>>) target(%arg12 : memref<128x288xbf16, #tpu.memory_space<vmem>>) offsets(%arg8 : memref<128xi32, #tpu.memory_space<vmem>>) semaphore(%arg17 : memref<!tpu.dma_semaphore, #tpu.memory_space<semaphore_mem>>)
      %add3A_177 = arith.constant 1 : i32
      %add3A_178 = arith.addi %add3A_160, %add3A_177 : i32
      %mul3A_179 = arith.constant 128 : i32
      %mul3A_180 = arith.muli %add3A_178, %mul3A_179 : i32
      %add3A_181 = arith.addi %add3A, %mul3A_180 : i32
      %dma_start3A_182 = tpu.memref_slice %arg3[%add3A_181] : memref<160000xi32, #tpu.memory_space<hbm>> -> memref<128xi32, #tpu.memory_space<hbm>>
      %dma_start3A_183 = tpu.memref_slice %arg3[%add3A_181] : memref<160000xi32, #tpu.memory_space<hbm>> -> memref<128xi32, #tpu.memory_space<hbm>>
      tpu.enqueue_dma source(%dma_start3A_183 : memref<128xi32, #tpu.memory_space<hbm>>) target(%arg7 : memref<128xi32, #tpu.memory_space<vmem>>) target_semaphore(%arg18 : memref<!tpu.dma_semaphore, #tpu.memory_space<semaphore_mem>>)
      %mul3A_184 = arith.constant 128 : i32
      %mul3A_185 = arith.muli %add3A_178, %mul3A_184 : i32
      %add3A_186 = arith.addi %add3A, %mul3A_185 : i32
      %dma_start3A_187 = tpu.memref_slice %arg4[%add3A_186] : memref<160000xi32, #tpu.memory_space<hbm>> -> memref<128xi32, #tpu.memory_space<hbm>>
      %dma_start3A_188 = tpu.memref_slice %arg4[%add3A_186] : memref<160000xi32, #tpu.memory_space<hbm>> -> memref<128xi32, #tpu.memory_space<hbm>>
      tpu.enqueue_dma source(%dma_start3A_188 : memref<128xi32, #tpu.memory_space<hbm>>) target(%arg9 : memref<128xi32, #tpu.memory_space<vmem>>) target_semaphore(%arg20 : memref<!tpu.dma_semaphore, #tpu.memory_space<semaphore_mem>>)
    }
    %scan3A_50 = arith.constant 17 : i32
    %dma_wait3A_51 = arith.constant 0 : i32
    %dma_wait3A_52 = arith.constant 0 : i32
    %dma_wait3A_53 = tpu.memref_slice %arg2[%dma_wait3A_51, %dma_wait3A_52] : memref<10000x288xbf16, #tpu.memory_space<hbm>> -> memref<10000x288xbf16, #tpu.memory_space<hbm>>
    tpu.wait_indirect_dma semaphore(%arg17 : memref<!tpu.dma_semaphore, #tpu.memory_space<semaphore_mem>>) src(%dma_wait3A_53 : memref<10000x288xbf16, #tpu.memory_space<hbm>>) dst(%arg12 : memref<128x288xbf16, #tpu.memory_space<vmem>>)
    %dma_start3A_54 = arith.constant 0 : i32
    %dma_start3A_55 = arith.constant 0 : i32
    %dma_start3A_56 = tpu.memref_slice %arg24[%dma_start3A_54, %dma_start3A_55] : memref<10112x288xbf16, #tpu.memory_space<vmem_shared>> -> memref<10112x288xbf16, #tpu.memory_space<vmem_shared>>
    tpu.enqueue_indirect_dma source(%arg12 : memref<128x288xbf16, #tpu.memory_space<vmem>>) target(%dma_start3A_56 : memref<10112x288xbf16, #tpu.memory_space<vmem_shared>>) offsets(%arg10 : memref<128xi32, #tpu.memory_space<vmem>>) semaphore(%arg23 : memref<!tpu.dma_semaphore, #tpu.memory_space<semaphore_mem>>) {add = true}
    %dma_wait3A_57 = arith.constant 0 : i32
    %dma_wait3A_58 = arith.constant 0 : i32
    %dma_wait3A_59 = tpu.memref_slice %arg24[%dma_wait3A_57, %dma_wait3A_58] : memref<10112x288xbf16, #tpu.memory_space<vmem_shared>> -> memref<10112x288xbf16, #tpu.memory_space<vmem_shared>>
    tpu.wait_indirect_dma semaphore(%arg22 : memref<!tpu.dma_semaphore, #tpu.memory_space<semaphore_mem>>) src(%arg11 : memref<128x288xbf16, #tpu.memory_space<vmem>>) dst(%dma_wait3A_59 : memref<10112x288xbf16, #tpu.memory_space<vmem_shared>>)
    %dma_wait3A_60 = tpu.memref_slice %arg3[%add3A] : memref<160000xi32, #tpu.memory_space<hbm>> -> memref<128xi32, #tpu.memory_space<hbm>>
    %dma_wait3A_61 = tpu.memref_slice %arg3[%add3A] : memref<160000xi32, #tpu.memory_space<hbm>> -> memref<128xi32, #tpu.memory_space<hbm>>
    tpu.wait_dma2 semaphore(%arg18 : memref<!tpu.dma_semaphore, #tpu.memory_space<semaphore_mem>>) src(%dma_wait3A_61 : memref<128xi32, #tpu.memory_space<hbm>>) dst(%arg7 : memref<128xi32, #tpu.memory_space<vmem>>)
    %dma_wait3A_62 = tpu.memref_slice %arg4[%add3A] : memref<160000xi32, #tpu.memory_space<hbm>> -> memref<128xi32, #tpu.memory_space<hbm>>
    %dma_wait3A_63 = tpu.memref_slice %arg4[%add3A] : memref<160000xi32, #tpu.memory_space<hbm>> -> memref<128xi32, #tpu.memory_space<hbm>>
    tpu.wait_dma2 semaphore(%arg20 : memref<!tpu.dma_semaphore, #tpu.memory_space<semaphore_mem>>) src(%dma_wait3A_63 : memref<128xi32, #tpu.memory_space<hbm>>) dst(%arg9 : memref<128xi32, #tpu.memory_space<vmem>>)
    %dma_start3A_64 = arith.constant 0 : i32
    %dma_start3A_65 = arith.constant 0 : i32
    %dma_start3A_66 = tpu.memref_slice %arg2[%dma_start3A_64, %dma_start3A_65] : memref<10000x288xbf16, #tpu.memory_space<hbm>> -> memref<10000x288xbf16, #tpu.memory_space<hbm>>
    tpu.enqueue_indirect_dma source(%dma_start3A_66 : memref<10000x288xbf16, #tpu.memory_space<hbm>>) target(%arg11 : memref<128x288xbf16, #tpu.memory_space<vmem>>) offsets(%arg7 : memref<128xi32, #tpu.memory_space<vmem>>) semaphore(%arg16 : memref<!tpu.dma_semaphore, #tpu.memory_space<semaphore_mem>>)
    %add3A_67 = arith.constant 4736 : i32
    %add3A_68 = arith.addi %add3A, %add3A_67 : i32
    %dma_start3A_69 = tpu.memref_slice %arg3[%add3A_68] : memref<160000xi32, #tpu.memory_space<hbm>> -> memref<128xi32, #tpu.memory_space<hbm>>
    %dma_start3A_70 = tpu.memref_slice %arg3[%add3A_68] : memref<160000xi32, #tpu.memory_space<hbm>> -> memref<128xi32, #tpu.memory_space<hbm>>
    tpu.enqueue_dma source(%dma_start3A_70 : memref<128xi32, #tpu.memory_space<hbm>>) target(%arg8 : memref<128xi32, #tpu.memory_space<vmem>>) target_semaphore(%arg19 : memref<!tpu.dma_semaphore, #tpu.memory_space<semaphore_mem>>)
    %add3A_71 = arith.constant 4736 : i32
    %add3A_72 = arith.addi %add3A, %add3A_71 : i32
    %dma_start3A_73 = tpu.memref_slice %arg4[%add3A_72] : memref<160000xi32, #tpu.memory_space<hbm>> -> memref<128xi32, #tpu.memory_space<hbm>>
    %dma_start3A_74 = tpu.memref_slice %arg4[%add3A_72] : memref<160000xi32, #tpu.memory_space<hbm>> -> memref<128xi32, #tpu.memory_space<hbm>>
    tpu.enqueue_dma source(%dma_start3A_74 : memref<128xi32, #tpu.memory_space<hbm>>) target(%arg10 : memref<128xi32, #tpu.memory_space<vmem>>) target_semaphore(%arg21 : memref<!tpu.dma_semaphore, #tpu.memory_space<semaphore_mem>>)
    %dma_wait3A_75 = arith.constant 0 : i32
    %dma_wait3A_76 = arith.constant 0 : i32
    %dma_wait3A_77 = tpu.memref_slice %arg2[%dma_wait3A_75, %dma_wait3A_76] : memref<10000x288xbf16, #tpu.memory_space<hbm>> -> memref<10000x288xbf16, #tpu.memory_space<hbm>>
    tpu.wait_indirect_dma semaphore(%arg16 : memref<!tpu.dma_semaphore, #tpu.memory_space<semaphore_mem>>) src(%dma_wait3A_77 : memref<10000x288xbf16, #tpu.memory_space<hbm>>) dst(%arg11 : memref<128x288xbf16, #tpu.memory_space<vmem>>)
    %dma_start3A_78 = arith.constant 0 : i32
    %dma_start3A_79 = arith.constant 0 : i32
    %dma_start3A_80 = tpu.memref_slice %arg24[%dma_start3A_78, %dma_start3A_79] : memref<10112x288xbf16, #tpu.memory_space<vmem_shared>> -> memref<10112x288xbf16, #tpu.memory_space<vmem_shared>>
    tpu.enqueue_indirect_dma source(%arg11 : memref<128x288xbf16, #tpu.memory_space<vmem>>) target(%dma_start3A_80 : memref<10112x288xbf16, #tpu.memory_space<vmem_shared>>) offsets(%arg9 : memref<128xi32, #tpu.memory_space<vmem>>) semaphore(%arg22 : memref<!tpu.dma_semaphore, #tpu.memory_space<semaphore_mem>>) {add = true}
    %dma_wait3A_81 = arith.constant 0 : i32
    %dma_wait3A_82 = arith.constant 0 : i32
    %dma_wait3A_83 = tpu.memref_slice %arg24[%dma_wait3A_81, %dma_wait3A_82] : memref<10112x288xbf16, #tpu.memory_space<vmem_shared>> -> memref<10112x288xbf16, #tpu.memory_space<vmem_shared>>
    tpu.wait_indirect_dma semaphore(%arg23 : memref<!tpu.dma_semaphore, #tpu.memory_space<semaphore_mem>>) src(%arg12 : memref<128x288xbf16, #tpu.memory_space<vmem>>) dst(%dma_wait3A_83 : memref<10112x288xbf16, #tpu.memory_space<vmem_shared>>)
    %dma_wait3A_84 = tpu.memref_slice %arg3[%add3A] : memref<160000xi32, #tpu.memory_space<hbm>> -> memref<128xi32, #tpu.memory_space<hbm>>
    %dma_wait3A_85 = tpu.memref_slice %arg3[%add3A] : memref<160000xi32, #tpu.memory_space<hbm>> -> memref<128xi32, #tpu.memory_space<hbm>>
    tpu.wait_dma2 semaphore(%arg19 : memref<!tpu.dma_semaphore, #tpu.memory_space<semaphore_mem>>) src(%dma_wait3A_85 : memref<128xi32, #tpu.memory_space<hbm>>) dst(%arg8 : memref<128xi32, #tpu.memory_space<vmem>>)
    %dma_wait3A_86 = tpu.memref_slice %arg4[%add3A] : memref<160000xi32, #tpu.memory_space<hbm>> -> memref<128xi32, #tpu.memory_space<hbm>>
    %dma_wait3A_87 = tpu.memref_slice %arg4[%add3A] : memref<160000xi32, #tpu.memory_space<hbm>> -> memref<128xi32, #tpu.memory_space<hbm>>
    tpu.wait_dma2 semaphore(%arg21 : memref<!tpu.dma_semaphore, #tpu.memory_space<semaphore_mem>>) src(%dma_wait3A_87 : memref<128xi32, #tpu.memory_space<hbm>>) dst(%arg10 : memref<128xi32, #tpu.memory_space<vmem>>)
    %dma_start3A_88 = arith.constant 0 : i32
    %dma_start3A_89 = arith.constant 0 : i32
    %dma_start3A_90 = tpu.memref_slice %arg2[%dma_start3A_88, %dma_start3A_89] : memref<10000x288xbf16, #tpu.memory_space<hbm>> -> memref<10000x288xbf16, #tpu.memory_space<hbm>>
    tpu.enqueue_indirect_dma source(%dma_start3A_90 : memref<10000x288xbf16, #tpu.memory_space<hbm>>) target(%arg12 : memref<128x288xbf16, #tpu.memory_space<vmem>>) offsets(%arg8 : memref<128xi32, #tpu.memory_space<vmem>>) semaphore(%arg17 : memref<!tpu.dma_semaphore, #tpu.memory_space<semaphore_mem>>)
    %dma_wait3A_91 = arith.constant 0 : i32
    %dma_wait3A_92 = arith.constant 0 : i32
    %dma_wait3A_93 = tpu.memref_slice %arg2[%dma_wait3A_91, %dma_wait3A_92] : memref<10000x288xbf16, #tpu.memory_space<hbm>> -> memref<10000x288xbf16, #tpu.memory_space<hbm>>
    tpu.wait_indirect_dma semaphore(%arg17 : memref<!tpu.dma_semaphore, #tpu.memory_space<semaphore_mem>>) src(%dma_wait3A_93 : memref<10000x288xbf16, #tpu.memory_space<hbm>>) dst(%arg12 : memref<128x288xbf16, #tpu.memory_space<vmem>>)
    %dma_start3A_94 = arith.constant 0 : i32
    %dma_start3A_95 = arith.constant 0 : i32
    %dma_start3A_96 = tpu.memref_slice %arg24[%dma_start3A_94, %dma_start3A_95] : memref<10112x288xbf16, #tpu.memory_space<vmem_shared>> -> memref<10112x288xbf16, #tpu.memory_space<vmem_shared>>
    tpu.enqueue_indirect_dma source(%arg12 : memref<128x288xbf16, #tpu.memory_space<vmem>>) target(%dma_start3A_96 : memref<10112x288xbf16, #tpu.memory_space<vmem_shared>>) offsets(%arg10 : memref<128xi32, #tpu.memory_space<vmem>>) semaphore(%arg23 : memref<!tpu.dma_semaphore, #tpu.memory_space<semaphore_mem>>) {add = true}
    %dma_wait3A_97 = arith.constant 0 : i32
    %dma_wait3A_98 = arith.constant 0 : i32
    %dma_wait3A_99 = tpu.memref_slice %arg24[%dma_wait3A_97, %dma_wait3A_98] : memref<10112x288xbf16, #tpu.memory_space<vmem_shared>> -> memref<10112x288xbf16, #tpu.memory_space<vmem_shared>>
    tpu.wait_indirect_dma semaphore(%arg22 : memref<!tpu.dma_semaphore, #tpu.memory_space<semaphore_mem>>) src(%arg11 : memref<128x288xbf16, #tpu.memory_space<vmem>>) dst(%dma_wait3A_99 : memref<10112x288xbf16, #tpu.memory_space<vmem_shared>>)
    %dma_wait3A_100 = arith.constant 0 : i32
    %dma_wait3A_101 = arith.constant 0 : i32
    %dma_wait3A_102 = tpu.memref_slice %arg24[%dma_wait3A_100, %dma_wait3A_101] : memref<10112x288xbf16, #tpu.memory_space<vmem_shared>> -> memref<10112x288xbf16, #tpu.memory_space<vmem_shared>>
    tpu.wait_indirect_dma semaphore(%arg23 : memref<!tpu.dma_semaphore, #tpu.memory_space<semaphore_mem>>) src(%arg12 : memref<128x288xbf16, #tpu.memory_space<vmem>>) dst(%dma_wait3A_102 : memref<10112x288xbf16, #tpu.memory_space<vmem_shared>>)
    %add3A_103 = arith.constant 4864 : i32
    %add3A_104 = arith.addi %add3A, %add3A_103 : i32
    "tpu.region"() ({
      %run_scoped3A = tpu.sem_alloc : memref<!tpu.dma_semaphore, #tpu.memory_space<semaphore_mem>>
      %dma_start3A_120 = tpu.memref_slice %arg3[%add3A_104] : memref<160000xi32, #tpu.memory_space<hbm>> -> memref<128xi32, #tpu.memory_space<hbm>>
      %dma_start3A_121 = tpu.memref_slice %arg3[%add3A_104] : memref<160000xi32, #tpu.memory_space<hbm>> -> memref<128xi32, #tpu.memory_space<hbm>>
      tpu.enqueue_dma source(%dma_start3A_121 : memref<128xi32, #tpu.memory_space<hbm>>) target(%arg7 : memref<128xi32, #tpu.memory_space<vmem>>) target_semaphore(%run_scoped3A : memref<!tpu.dma_semaphore, #tpu.memory_space<semaphore_mem>>)
      %dma_wait3A_122 = tpu.memref_slice %arg3[%add3A_104] : memref<160000xi32, #tpu.memory_space<hbm>> -> memref<128xi32, #tpu.memory_space<hbm>>
      %dma_wait3A_123 = tpu.memref_slice %arg3[%add3A_104] : memref<160000xi32, #tpu.memory_space<hbm>> -> memref<128xi32, #tpu.memory_space<hbm>>
      tpu.wait_dma2 semaphore(%run_scoped3A : memref<!tpu.dma_semaphore, #tpu.memory_space<semaphore_mem>>) src(%dma_wait3A_123 : memref<128xi32, #tpu.memory_space<hbm>>) dst(%arg7 : memref<128xi32, #tpu.memory_space<vmem>>)
      tpu.yield
    }) : () -> ()
    "tpu.region"() ({
      %run_scoped3A = tpu.sem_alloc : memref<!tpu.dma_semaphore, #tpu.memory_space<semaphore_mem>>
      %dma_start3A_120 = tpu.memref_slice %arg4[%add3A_104] : memref<160000xi32, #tpu.memory_space<hbm>> -> memref<128xi32, #tpu.memory_space<hbm>>
      %dma_start3A_121 = tpu.memref_slice %arg4[%add3A_104] : memref<160000xi32, #tpu.memory_space<hbm>> -> memref<128xi32, #tpu.memory_space<hbm>>
      tpu.enqueue_dma source(%dma_start3A_121 : memref<128xi32, #tpu.memory_space<hbm>>) target(%arg9 : memref<128xi32, #tpu.memory_space<vmem>>) target_semaphore(%run_scoped3A : memref<!tpu.dma_semaphore, #tpu.memory_space<semaphore_mem>>)
      %dma_wait3A_122 = tpu.memref_slice %arg4[%add3A_104] : memref<160000xi32, #tpu.memory_space<hbm>> -> memref<128xi32, #tpu.memory_space<hbm>>
      %dma_wait3A_123 = tpu.memref_slice %arg4[%add3A_104] : memref<160000xi32, #tpu.memory_space<hbm>> -> memref<128xi32, #tpu.memory_space<hbm>>
      tpu.wait_dma2 semaphore(%run_scoped3A : memref<!tpu.dma_semaphore, #tpu.memory_space<semaphore_mem>>) src(%dma_wait3A_123 : memref<128xi32, #tpu.memory_space<hbm>>) dst(%arg9 : memref<128xi32, #tpu.memory_space<vmem>>)
      tpu.yield
    }) : () -> ()
    %dma_start3A_105 = arith.constant 0 : i32
    %dma_start3A_106 = arith.constant 0 : i32
    %dma_start3A_107 = tpu.memref_slice %arg2[%dma_start3A_105, %dma_start3A_106] : memref<10000x288xbf16, #tpu.memory_space<hbm>> -> memref<10000x288xbf16, #tpu.memory_space<hbm>>
    tpu.enqueue_indirect_dma source(%dma_start3A_107 : memref<10000x288xbf16, #tpu.memory_space<hbm>>) target(%arg11 : memref<128x288xbf16, #tpu.memory_space<vmem>>) offsets(%arg7 : memref<128xi32, #tpu.memory_space<vmem>>) semaphore(%arg16 : memref<!tpu.dma_semaphore, #tpu.memory_space<semaphore_mem>>)
    %dma_wait3A_108 = arith.constant 0 : i32
    %dma_wait3A_109 = arith.constant 0 : i32
    %dma_wait3A_110 = tpu.memref_slice %arg2[%dma_wait3A_108, %dma_wait3A_109] : memref<10000x288xbf16, #tpu.memory_space<hbm>> -> memref<10000x288xbf16, #tpu.memory_space<hbm>>
    tpu.wait_indirect_dma semaphore(%arg16 : memref<!tpu.dma_semaphore, #tpu.memory_space<semaphore_mem>>) src(%dma_wait3A_110 : memref<10000x288xbf16, #tpu.memory_space<hbm>>) dst(%arg11 : memref<128x288xbf16, #tpu.memory_space<vmem>>)
    "tpu.region"() ({
      %run_scoped3A = tpu.sem_alloc : memref<!tpu.dma_semaphore, #tpu.memory_space<semaphore_mem>>
      %dma_start3A_120 = arith.constant 0 : i32
      %dma_start3A_121 = arith.constant 0 : i32
      %dma_start3A_122 = tpu.memref_slice %arg24[%dma_start3A_120, %dma_start3A_121] : memref<10112x288xbf16, #tpu.memory_space<vmem_shared>> -> memref<10112x288xbf16, #tpu.memory_space<vmem_shared>>
      tpu.enqueue_indirect_dma source(%arg11 : memref<128x288xbf16, #tpu.memory_space<vmem>>) target(%dma_start3A_122 : memref<10112x288xbf16, #tpu.memory_space<vmem_shared>>) offsets(%arg9 : memref<128xi32, #tpu.memory_space<vmem>>) semaphore(%run_scoped3A : memref<!tpu.dma_semaphore, #tpu.memory_space<semaphore_mem>>) {add = true}
      %dma_wait3A_123 = arith.constant 0 : i32
      %dma_wait3A_124 = arith.constant 0 : i32
      %dma_wait3A_125 = tpu.memref_slice %arg24[%dma_wait3A_123, %dma_wait3A_124] : memref<10112x288xbf16, #tpu.memory_space<vmem_shared>> -> memref<10112x288xbf16, #tpu.memory_space<vmem_shared>>
      tpu.wait_indirect_dma semaphore(%run_scoped3A : memref<!tpu.dma_semaphore, #tpu.memory_space<semaphore_mem>>) src(%arg11 : memref<128x288xbf16, #tpu.memory_space<vmem>>) dst(%dma_wait3A_125 : memref<10112x288xbf16, #tpu.memory_space<vmem_shared>>)
      tpu.yield
    }) : () -> ()
    %add3A_111 = arith.constant 4992 : i32
    %add3A_112 = arith.addi %add3A, %add3A_111 : i32
    "tpu.region"() ({
      %run_scoped3A = tpu.sem_alloc : memref<!tpu.dma_semaphore, #tpu.memory_space<semaphore_mem>>
      %dma_start3A_120 = tpu.memref_slice %arg3[%add3A_112] : memref<160000xi32, #tpu.memory_space<hbm>> -> memref<8xi32, #tpu.memory_space<hbm>>
      %dma_start3A_121 = tpu.memref_slice %arg3[%add3A_112] : memref<160000xi32, #tpu.memory_space<hbm>> -> memref<8xi32, #tpu.memory_space<hbm>>
      tpu.enqueue_dma source(%dma_start3A_121 : memref<8xi32, #tpu.memory_space<hbm>>) target(%arg13 : memref<8xi32, #tpu.memory_space<vmem>>) target_semaphore(%run_scoped3A : memref<!tpu.dma_semaphore, #tpu.memory_space<semaphore_mem>>)
      %dma_wait3A_122 = tpu.memref_slice %arg3[%add3A_112] : memref<160000xi32, #tpu.memory_space<hbm>> -> memref<8xi32, #tpu.memory_space<hbm>>
      %dma_wait3A_123 = tpu.memref_slice %arg3[%add3A_112] : memref<160000xi32, #tpu.memory_space<hbm>> -> memref<8xi32, #tpu.memory_space<hbm>>
      tpu.wait_dma2 semaphore(%run_scoped3A : memref<!tpu.dma_semaphore, #tpu.memory_space<semaphore_mem>>) src(%dma_wait3A_123 : memref<8xi32, #tpu.memory_space<hbm>>) dst(%arg13 : memref<8xi32, #tpu.memory_space<vmem>>)
      tpu.yield
    }) : () -> ()
    "tpu.region"() ({
      %run_scoped3A = tpu.sem_alloc : memref<!tpu.dma_semaphore, #tpu.memory_space<semaphore_mem>>
      %dma_start3A_120 = tpu.memref_slice %arg4[%add3A_112] : memref<160000xi32, #tpu.memory_space<hbm>> -> memref<8xi32, #tpu.memory_space<hbm>>
      %dma_start3A_121 = tpu.memref_slice %arg4[%add3A_112] : memref<160000xi32, #tpu.memory_space<hbm>> -> memref<8xi32, #tpu.memory_space<hbm>>
      tpu.enqueue_dma source(%dma_start3A_121 : memref<8xi32, #tpu.memory_space<hbm>>) target(%arg14 : memref<8xi32, #tpu.memory_space<vmem>>) target_semaphore(%run_scoped3A : memref<!tpu.dma_semaphore, #tpu.memory_space<semaphore_mem>>)
      %dma_wait3A_122 = tpu.memref_slice %arg4[%add3A_112] : memref<160000xi32, #tpu.memory_space<hbm>> -> memref<8xi32, #tpu.memory_space<hbm>>
      %dma_wait3A_123 = tpu.memref_slice %arg4[%add3A_112] : memref<160000xi32, #tpu.memory_space<hbm>> -> memref<8xi32, #tpu.memory_space<hbm>>
      tpu.wait_dma2 semaphore(%run_scoped3A : memref<!tpu.dma_semaphore, #tpu.memory_space<semaphore_mem>>) src(%dma_wait3A_123 : memref<8xi32, #tpu.memory_space<hbm>>) dst(%arg14 : memref<8xi32, #tpu.memory_space<vmem>>)
      tpu.yield
    }) : () -> ()
    %dma_start3A_113 = arith.constant 0 : i32
    %dma_start3A_114 = arith.constant 0 : i32
    %dma_start3A_115 = tpu.memref_slice %arg2[%dma_start3A_113, %dma_start3A_114] : memref<10000x288xbf16, #tpu.memory_space<hbm>> -> memref<10000x288xbf16, #tpu.memory_space<hbm>>
    tpu.enqueue_indirect_dma source(%dma_start3A_115 : memref<10000x288xbf16, #tpu.memory_space<hbm>>) target(%arg15 : memref<8x288xbf16, #tpu.memory_space<vmem>>) offsets(%arg13 : memref<8xi32, #tpu.memory_space<vmem>>) semaphore(%arg16 : memref<!tpu.dma_semaphore, #tpu.memory_space<semaphore_mem>>)
    %dma_wait3A_116 = arith.constant 0 : i32
    %dma_wait3A_117 = arith.constant 0 : i32
    %dma_wait3A_118 = tpu.memref_slice %arg2[%dma_wait3A_116, %dma_wait3A_117] : memref<10000x288xbf16, #tpu.memory_space<hbm>> -> memref<10000x288xbf16, #tpu.memory_space<hbm>>
    tpu.wait_indirect_dma semaphore(%arg16 : memref<!tpu.dma_semaphore, #tpu.memory_space<semaphore_mem>>) src(%dma_wait3A_118 : memref<10000x288xbf16, #tpu.memory_space<hbm>>) dst(%arg15 : memref<8x288xbf16, #tpu.memory_space<vmem>>)
    "tpu.region"() ({
      %run_scoped3A = tpu.sem_alloc : memref<!tpu.dma_semaphore, #tpu.memory_space<semaphore_mem>>
      %dma_start3A_120 = arith.constant 0 : i32
      %dma_start3A_121 = arith.constant 0 : i32
      %dma_start3A_122 = tpu.memref_slice %arg24[%dma_start3A_120, %dma_start3A_121] : memref<10112x288xbf16, #tpu.memory_space<vmem_shared>> -> memref<10112x288xbf16, #tpu.memory_space<vmem_shared>>
      tpu.enqueue_indirect_dma source(%arg15 : memref<8x288xbf16, #tpu.memory_space<vmem>>) target(%dma_start3A_122 : memref<10112x288xbf16, #tpu.memory_space<vmem_shared>>) offsets(%arg14 : memref<8xi32, #tpu.memory_space<vmem>>) semaphore(%run_scoped3A : memref<!tpu.dma_semaphore, #tpu.memory_space<semaphore_mem>>) {add = true}
      %dma_wait3A_123 = arith.constant 0 : i32
      %dma_wait3A_124 = arith.constant 0 : i32
      %dma_wait3A_125 = tpu.memref_slice %arg24[%dma_wait3A_123, %dma_wait3A_124] : memref<10112x288xbf16, #tpu.memory_space<vmem_shared>> -> memref<10112x288xbf16, #tpu.memory_space<vmem_shared>>
      tpu.wait_indirect_dma semaphore(%run_scoped3A : memref<!tpu.dma_semaphore, #tpu.memory_space<semaphore_mem>>) src(%arg15 : memref<8x288xbf16, #tpu.memory_space<vmem>>) dst(%dma_wait3A_125 : memref<10112x288xbf16, #tpu.memory_space<vmem_shared>>)
      tpu.yield
    }) : () -> ()
    %barrier3A_119 = arith.constant 0 : index
    tpu.barrier barrier_id(%barrier3A_119)
    "tpu.region"() ({
      %run_scoped3A = tpu.sem_alloc : memref<!tpu.dma_semaphore, #tpu.memory_space<semaphore_mem>>
      %dma_start3A_120 = arith.constant 0 : i32
      %dma_start3A_121 = tpu.memref_slice %arg6[%arg0, %mul3A_0, %dma_start3A_120] : memref<2x10112x288xbf16, #tpu.memory_space<hbm>> -> memref<1x632x288xbf16, #tpu.memory_space<hbm>>
      %dma_start3A_122 = tpu.memref_squeeze %dma_start3A_121 : memref<1x632x288xbf16, #tpu.memory_space<hbm>> -> memref<632x288xbf16, #tpu.memory_space<hbm>>
      %dma_start3A_123 = arith.constant 0 : i32
      %dma_start3A_124 = tpu.memref_slice %arg24[%mul3A_0, %dma_start3A_123] : memref<10112x288xbf16, #tpu.memory_space<vmem_shared>> -> memref<632x288xbf16, #tpu.memory_space<vmem_shared>>
      tpu.enqueue_dma source(%dma_start3A_124 : memref<632x288xbf16, #tpu.memory_space<vmem_shared>>) target(%dma_start3A_122 : memref<632x288xbf16, #tpu.memory_space<hbm>>) target_semaphore(%run_scoped3A : memref<!tpu.dma_semaphore, #tpu.memory_space<semaphore_mem>>)
      %dma_wait3A_125 = arith.constant 0 : i32
      %dma_wait3A_126 = tpu.memref_slice %arg6[%arg0, %mul3A_0, %dma_wait3A_125] : memref<2x10112x288xbf16, #tpu.memory_space<hbm>> -> memref<1x632x288xbf16, #tpu.memory_space<hbm>>
      %dma_wait3A_127 = tpu.memref_squeeze %dma_wait3A_126 : memref<1x632x288xbf16, #tpu.memory_space<hbm>> -> memref<632x288xbf16, #tpu.memory_space<hbm>>
      %dma_wait3A_128 = arith.constant 0 : i32
      %dma_wait3A_129 = tpu.memref_slice %arg24[%mul3A_0, %dma_wait3A_128] : memref<10112x288xbf16, #tpu.memory_space<vmem_shared>> -> memref<632x288xbf16, #tpu.memory_space<vmem_shared>>
      tpu.wait_dma2 semaphore(%run_scoped3A : memref<!tpu.dma_semaphore, #tpu.memory_space<semaphore_mem>>) src(%dma_wait3A_129 : memref<632x288xbf16, #tpu.memory_space<vmem_shared>>) dst(%dma_wait3A_127 : memref<632x288xbf16, #tpu.memory_space<hbm>>)
      tpu.yield
    }) : () -> ()
    return
  }
}

#map = affine_map<(d0, d1) -> (0, 0)>
#map1 = affine_map<(d0, d1) -> (0)>
#map2 = affine_map<(d0, d1) -> (0, 0, 0)>
module attributes {stable_mosaic.version = 14 : i64} {
  func.func @body(%arg0: i32, %arg1: i32, %arg2: memref<10000x288xbf16, #tpu.memory_space<hbm>>, %arg3: memref<160000xi32, #tpu.memory_space<hbm>>, %arg4: memref<160000xi32, #tpu.memory_space<hbm>>, %arg5: memref<632x288xbf16, #tpu.memory_space<hbm>>, %arg6: memref<2x10112x288xbf16, #tpu.memory_space<hbm>>, %arg7: memref<128xi32, #tpu.memory_space<vmem>>, %arg8: memref<128xi32, #tpu.memory_space<vmem>>, %arg9: memref<128xi32, #tpu.memory_space<vmem>>, %arg10: memref<128xi32, #tpu.memory_space<vmem>>, %arg11: memref<128x288xbf16, #tpu.memory_space<vmem>>, %arg12: memref<128x288xbf16, #tpu.memory_space<vmem>>, %arg13: memref<8xi32, #tpu.memory_space<vmem>>, %arg14: memref<8xi32, #tpu.memory_space<vmem>>, %arg15: memref<8x288xbf16, #tpu.memory_space<vmem>>, %arg16: memref<!tpu.dma_semaphore, #tpu.memory_space<semaphore_mem>>, %arg17: memref<!tpu.dma_semaphore, #tpu.memory_space<semaphore_mem>>, %arg18: memref<!tpu.dma_semaphore, #tpu.memory_space<semaphore_mem>>, %arg19: memref<!tpu.dma_semaphore, #tpu.memory_space<semaphore_mem>>, %arg20: memref<!tpu.dma_semaphore, #tpu.memory_space<semaphore_mem>>, %arg21: memref<!tpu.dma_semaphore, #tpu.memory_space<semaphore_mem>>, %arg22: memref<!tpu.dma_semaphore, #tpu.memory_space<semaphore_mem>>, %arg23: memref<!tpu.dma_semaphore, #tpu.memory_space<semaphore_mem>>, %arg24: memref<10112x288xbf16, #tpu.memory_space<vmem_shared>>) attributes {dimension_semantics = [#tpu.dimension_semantics<core_parallel>, #tpu.dimension_semantics<subcore_parallel>], iteration_bounds = array<i64: 2, 16>, scalar_prefetch = 0 : i64, scratch_operands = 18 : i64, tpu.core_type = #tpu.core_type<sc_vector_subcore>, window_params = [{transform_indices = #map}, {transform_indices = #map1}, {transform_indices = #map1}, {transform_indices = #map}, {transform_indices = #map2}]} {
    %mul3A = arith.constant 632 : i32
    %mul3A_0 = arith.muli %arg1, %mul3A : i32
    %mul3A_1 = arith.constant 80000 : i32
    %mul3A_2 = arith.muli %arg0, %mul3A_1 : i32
    %mul3A_3 = arith.constant 5000 : i32
    %mul3A_4 = arith.muli %arg1, %mul3A_3 : i32
    %add3A = arith.addi %mul3A_2, %mul3A_4 : i32
    "tpu.region"() ({
      %run_scoped3A = tpu.sem_alloc : memref<!tpu.dma_semaphore, #tpu.memory_space<semaphore_mem>>
      %dma_start3A_120 = arith.constant 0 : i32
      %dma_start3A_121 = tpu.memref_slice %arg24[%mul3A_0, %dma_start3A_120] : memref<10112x288xbf16, #tpu.memory_space<vmem_shared>> -> memref<632x288xbf16, #tpu.memory_space<vmem_shared>>
      tpu.enqueue_dma source(%arg5 : memref<632x288xbf16, #tpu.memory_space<hbm>>) target(%dma_start3A_121 : memref<632x288xbf16, #tpu.memory_space<vmem_shared>>) target_semaphore(%run_scoped3A : memref<!tpu.dma_semaphore, #tpu.memory_space<semaphore_mem>>)
      %dma_wait3A_122 = arith.constant 0 : i32
      %dma_wait3A_123 = tpu.memref_slice %arg24[%mul3A_0, %dma_wait3A_122] : memref<10112x288xbf16, #tpu.memory_space<vmem_shared>> -> memref<632x288xbf16, #tpu.memory_space<vmem_shared>>
      tpu.wait_dma2 semaphore(%run_scoped3A : memref<!tpu.dma_semaphore, #tpu.memory_space<semaphore_mem>>) src(%arg5 : memref<632x288xbf16, #tpu.memory_space<hbm>>) dst(%dma_wait3A_123 : memref<632x288xbf16, #tpu.memory_space<vmem_shared>>)
      tpu.yield
    }) : () -> ()
    %barrier3A = arith.constant 0 : index
    tpu.barrier barrier_id(%barrier3A)
    %add3A_5 = arith.constant 0 : i32
    %add3A_6 = arith.addi %add3A, %add3A_5 : i32
    %dma_start3A = tpu.memref_slice %arg3[%add3A_6] : memref<160000xi32, #tpu.memory_space<hbm>> -> memref<128xi32, #tpu.memory_space<hbm>>
    %dma_start3A_7 = tpu.memref_slice %arg3[%add3A_6] : memref<160000xi32, #tpu.memory_space<hbm>> -> memref<128xi32, #tpu.memory_space<hbm>>
    tpu.enqueue_dma source(%dma_start3A_7 : memref<128xi32, #tpu.memory_space<hbm>>) target(%arg7 : memref<128xi32, #tpu.memory_space<vmem>>) target_semaphore(%arg18 : memref<!tpu.dma_semaphore, #tpu.memory_space<semaphore_mem>>)
    %add3A_8 = arith.constant 0 : i32
    %add3A_9 = arith.addi %add3A, %add3A_8 : i32
    %dma_start3A_10 = tpu.memref_slice %arg4[%add3A_9] : memref<160000xi32, #tpu.memory_space<hbm>> -> memref<128xi32, #tpu.memory_space<hbm>>
    %dma_start3A_11 = tpu.memref_slice %arg4[%add3A_9] : memref<160000xi32, #tpu.memory_space<hbm>> -> memref<128xi32, #tpu.memory_space<hbm>>
    tpu.enqueue_dma source(%dma_start3A_11 : memref<128xi32, #tpu.memory_space<hbm>>) target(%arg9 : memref<128xi32, #tpu.memory_space<vmem>>) target_semaphore(%arg20 : memref<!tpu.dma_semaphore, #tpu.memory_space<semaphore_mem>>)
    %dma_wait3A = tpu.memref_slice %arg3[%add3A] : memref<160000xi32, #tpu.memory_space<hbm>> -> memref<128xi32, #tpu.memory_space<hbm>>
    %dma_wait3A_12 = tpu.memref_slice %arg3[%add3A] : memref<160000xi32, #tpu.memory_space<hbm>> -> memref<128xi32, #tpu.memory_space<hbm>>
    tpu.wait_dma2 semaphore(%arg18 : memref<!tpu.dma_semaphore, #tpu.memory_space<semaphore_mem>>) src(%dma_wait3A_12 : memref<128xi32, #tpu.memory_space<hbm>>) dst(%arg7 : memref<128xi32, #tpu.memory_space<vmem>>)
    %dma_wait3A_13 = tpu.memref_slice %arg4[%add3A] : memref<160000xi32, #tpu.memory_space<hbm>> -> memref<128xi32, #tpu.memory_space<hbm>>
    %dma_wait3A_14 = tpu.memref_slice %arg4[%add3A] : memref<160000xi32, #tpu.memory_space<hbm>> -> memref<128xi32, #tpu.memory_space<hbm>>
    tpu.wait_dma2 semaphore(%arg20 : memref<!tpu.dma_semaphore, #tpu.memory_space<semaphore_mem>>) src(%dma_wait3A_14 : memref<128xi32, #tpu.memory_space<hbm>>) dst(%arg9 : memref<128xi32, #tpu.memory_space<vmem>>)
    %dma_start3A_15 = arith.constant 0 : i32
    %dma_start3A_16 = arith.constant 0 : i32
    %dma_start3A_17 = tpu.memref_slice %arg2[%dma_start3A_15, %dma_start3A_16] : memref<10000x288xbf16, #tpu.memory_space<hbm>> -> memref<10000x288xbf16, #tpu.memory_space<hbm>>
    tpu.enqueue_indirect_dma source(%dma_start3A_17 : memref<10000x288xbf16, #tpu.memory_space<hbm>>) target(%arg11 : memref<128x288xbf16, #tpu.memory_space<vmem>>) offsets(%arg7 : memref<128xi32, #tpu.memory_space<vmem>>) semaphore(%arg16 : memref<!tpu.dma_semaphore, #tpu.memory_space<semaphore_mem>>)
    %add3A_18 = arith.constant 128 : i32
    %add3A_19 = arith.addi %add3A, %add3A_18 : i32
    %dma_start3A_20 = tpu.memref_slice %arg3[%add3A_19] : memref<160000xi32, #tpu.memory_space<hbm>> -> memref<128xi32, #tpu.memory_space<hbm>>
    %dma_start3A_21 = tpu.memref_slice %arg3[%add3A_19] : memref<160000xi32, #tpu.memory_space<hbm>> -> memref<128xi32, #tpu.memory_space<hbm>>
    tpu.enqueue_dma source(%dma_start3A_21 : memref<128xi32, #tpu.memory_space<hbm>>) target(%arg8 : memref<128xi32, #tpu.memory_space<vmem>>) target_semaphore(%arg19 : memref<!tpu.dma_semaphore, #tpu.memory_space<semaphore_mem>>)
    %add3A_22 = arith.constant 128 : i32
    %add3A_23 = arith.addi %add3A, %add3A_22 : i32
    %dma_start3A_24 = tpu.memref_slice %arg4[%add3A_23] : memref<160000xi32, #tpu.memory_space<hbm>> -> memref<128xi32, #tpu.memory_space<hbm>>
    %dma_start3A_25 = tpu.memref_slice %arg4[%add3A_23] : memref<160000xi32, #tpu.memory_space<hbm>> -> memref<128xi32, #tpu.memory_space<hbm>>
    tpu.enqueue_dma source(%dma_start3A_25 : memref<128xi32, #tpu.memory_space<hbm>>) target(%arg10 : memref<128xi32, #tpu.memory_space<vmem>>) target_semaphore(%arg21 : memref<!tpu.dma_semaphore, #tpu.memory_space<semaphore_mem>>)
    %dma_wait3A_26 = arith.constant 0 : i32
    %dma_wait3A_27 = arith.constant 0 : i32
    %dma_wait3A_28 = tpu.memref_slice %arg2[%dma_wait3A_26, %dma_wait3A_27] : memref<10000x288xbf16, #tpu.memory_space<hbm>> -> memref<10000x288xbf16, #tpu.memory_space<hbm>>
    tpu.wait_indirect_dma semaphore(%arg16 : memref<!tpu.dma_semaphore, #tpu.memory_space<semaphore_mem>>) src(%dma_wait3A_28 : memref<10000x288xbf16, #tpu.memory_space<hbm>>) dst(%arg11 : memref<128x288xbf16, #tpu.memory_space<vmem>>)
    %dma_start3A_29 = arith.constant 0 : i32
    %dma_start3A_30 = arith.constant 0 : i32
    %dma_start3A_31 = tpu.memref_slice %arg24[%dma_start3A_29, %dma_start3A_30] : memref<10112x288xbf16, #tpu.memory_space<vmem_shared>> -> memref<10112x288xbf16, #tpu.memory_space<vmem_shared>>
    tpu.enqueue_indirect_dma source(%arg11 : memref<128x288xbf16, #tpu.memory_space<vmem>>) target(%dma_start3A_31 : memref<10112x288xbf16, #tpu.memory_space<vmem_shared>>) offsets(%arg9 : memref<128xi32, #tpu.memory_space<vmem>>) semaphore(%arg22 : memref<!tpu.dma_semaphore, #tpu.memory_space<semaphore_mem>>) {add = true}
    %dma_wait3A_32 = tpu.memref_slice %arg3[%add3A] : memref<160000xi32, #tpu.memory_space<hbm>> -> memref<128xi32, #tpu.memory_space<hbm>>
    %dma_wait3A_33 = tpu.memref_slice %arg3[%add3A] : memref<160000xi32, #tpu.memory_space<hbm>> -> memref<128xi32, #tpu.memory_space<hbm>>
    tpu.wait_dma2 semaphore(%arg19 : memref<!tpu.dma_semaphore, #tpu.memory_space<semaphore_mem>>) src(%dma_wait3A_33 : memref<128xi32, #tpu.memory_space<hbm>>) dst(%arg8 : memref<128xi32, #tpu.memory_space<vmem>>)
    %dma_wait3A_34 = tpu.memref_slice %arg4[%add3A] : memref<160000xi32, #tpu.memory_space<hbm>> -> memref<128xi32, #tpu.memory_space<hbm>>
    %dma_wait3A_35 = tpu.memref_slice %arg4[%add3A] : memref<160000xi32, #tpu.memory_space<hbm>> -> memref<128xi32, #tpu.memory_space<hbm>>
    tpu.wait_dma2 semaphore(%arg21 : memref<!tpu.dma_semaphore, #tpu.memory_space<semaphore_mem>>) src(%dma_wait3A_35 : memref<128xi32, #tpu.memory_space<hbm>>) dst(%arg10 : memref<128xi32, #tpu.memory_space<vmem>>)
    %dma_start3A_36 = arith.constant 0 : i32
    %dma_start3A_37 = arith.constant 0 : i32
    %dma_start3A_38 = tpu.memref_slice %arg2[%dma_start3A_36, %dma_start3A_37] : memref<10000x288xbf16, #tpu.memory_space<hbm>> -> memref<10000x288xbf16, #tpu.memory_space<hbm>>
    tpu.enqueue_indirect_dma source(%dma_start3A_38 : memref<10000x288xbf16, #tpu.memory_space<hbm>>) target(%arg12 : memref<128x288xbf16, #tpu.memory_space<vmem>>) offsets(%arg8 : memref<128xi32, #tpu.memory_space<vmem>>) semaphore(%arg17 : memref<!tpu.dma_semaphore, #tpu.memory_space<semaphore_mem>>)
    %add3A_39 = arith.constant 256 : i32
    %add3A_40 = arith.addi %add3A, %add3A_39 : i32
    %dma_start3A_41 = tpu.memref_slice %arg3[%add3A_40] : memref<160000xi32, #tpu.memory_space<hbm>> -> memref<128xi32, #tpu.memory_space<hbm>>
    %dma_start3A_42 = tpu.memref_slice %arg3[%add3A_40] : memref<160000xi32, #tpu.memory_space<hbm>> -> memref<128xi32, #tpu.memory_space<hbm>>
    tpu.enqueue_dma source(%dma_start3A_42 : memref<128xi32, #tpu.memory_space<hbm>>) target(%arg7 : memref<128xi32, #tpu.memory_space<vmem>>) target_semaphore(%arg18 : memref<!tpu.dma_semaphore, #tpu.memory_space<semaphore_mem>>)
    %add3A_43 = arith.constant 256 : i32
    %add3A_44 = arith.addi %add3A, %add3A_43 : i32
    %dma_start3A_45 = tpu.memref_slice %arg4[%add3A_44] : memref<160000xi32, #tpu.memory_space<hbm>> -> memref<128xi32, #tpu.memory_space<hbm>>
    %dma_start3A_46 = tpu.memref_slice %arg4[%add3A_44] : memref<160000xi32, #tpu.memory_space<hbm>> -> memref<128xi32, #tpu.memory_space<hbm>>
    tpu.enqueue_dma source(%dma_start3A_46 : memref<128xi32, #tpu.memory_space<hbm>>) target(%arg9 : memref<128xi32, #tpu.memory_space<vmem>>) target_semaphore(%arg20 : memref<!tpu.dma_semaphore, #tpu.memory_space<semaphore_mem>>)
    %scan3A = arith.constant 0 : i32
    %scan3A_47 = arith.constant 17 : i32
    %scan3A_48 = arith.addi %scan3A, %scan3A_47 : i32
    %scan3A_49 = arith.constant 1 : i32
    scf.for %scan3A_120 = %scan3A to %scan3A_48 step %scan3A_49  : i32 {
      %mul3A_121 = arith.constant 1 : i32
      %mul3A_122 = arith.muli %scan3A_120, %mul3A_121 : i32
      %add3A_123 = arith.constant 0 : i32
      %add3A_124 = arith.addi %add3A_123, %mul3A_122 : i32
      %mul3A_125 = arith.constant 2 : i32
      %mul3A_126 = arith.muli %mul3A_125, %add3A_124 : i32
      %add3A_127 = arith.constant 2 : i32
      %add3A_128 = arith.addi %mul3A_126, %add3A_127 : i32
      %add3A_129 = arith.constant 0 : i32
      %add3A_130 = arith.addi %add3A_128, %add3A_129 : i32
      %dma_wait3A_131 = arith.constant 0 : i32
      %dma_wait3A_132 = arith.constant 0 : i32
      %dma_wait3A_133 = tpu.memref_slice %arg2[%dma_wait3A_131, %dma_wait3A_132] : memref<10000x288xbf16, #tpu.memory_space<hbm>> -> memref<10000x288xbf16, #tpu.memory_space<hbm>>
      tpu.wait_indirect_dma semaphore(%arg17 : memref<!tpu.dma_semaphore, #tpu.memory_space<semaphore_mem>>) src(%dma_wait3A_133 : memref<10000x288xbf16, #tpu.memory_space<hbm>>) dst(%arg12 : memref<128x288xbf16, #tpu.memory_space<vmem>>)
      %dma_start3A_134 = arith.constant 0 : i32
      %dma_start3A_135 = arith.constant 0 : i32
      %dma_start3A_136 = tpu.memref_slice %arg24[%dma_start3A_134, %dma_start3A_135] : memref<10112x288xbf16, #tpu.memory_space<vmem_shared>> -> memref<10112x288xbf16, #tpu.memory_space<vmem_shared>>
      tpu.enqueue_indirect_dma source(%arg12 : memref<128x288xbf16, #tpu.memory_space<vmem>>) target(%dma_start3A_136 : memref<10112x288xbf16, #tpu.memory_space<vmem_shared>>) offsets(%arg10 : memref<128xi32, #tpu.memory_space<vmem>>) semaphore(%arg23 : memref<!tpu.dma_semaphore, #tpu.memory_space<semaphore_mem>>) {add = true}
      %dma_wait3A_137 = arith.constant 0 : i32
      %dma_wait3A_138 = arith.constant 0 : i32
      %dma_wait3A_139 = tpu.memref_slice %arg24[%dma_wait3A_137, %dma_wait3A_138] : memref<10112x288xbf16, #tpu.memory_space<vmem_shared>> -> memref<10112x288xbf16, #tpu.memory_space<vmem_shared>>
      tpu.wait_indirect_dma semaphore(%arg22 : memref<!tpu.dma_semaphore, #tpu.memory_space<semaphore_mem>>) src(%arg11 : memref<128x288xbf16, #tpu.memory_space<vmem>>) dst(%dma_wait3A_139 : memref<10112x288xbf16, #tpu.memory_space<vmem_shared>>)
      %dma_wait3A_140 = tpu.memref_slice %arg3[%add3A] : memref<160000xi32, #tpu.memory_space<hbm>> -> memref<128xi32, #tpu.memory_space<hbm>>
      %dma_wait3A_141 = tpu.memref_slice %arg3[%add3A] : memref<160000xi32, #tpu.memory_space<hbm>> -> memref<128xi32, #tpu.memory_space<hbm>>
      tpu.wait_dma2 semaphore(%arg18 : memref<!tpu.dma_semaphore, #tpu.memory_space<semaphore_mem>>) src(%dma_wait3A_141 : memref<128xi32, #tpu.memory_space<hbm>>) dst(%arg7 : memref<128xi32, #tpu.memory_space<vmem>>)
      %dma_wait3A_142 = tpu.memref_slice %arg4[%add3A] : memref<160000xi32, #tpu.memory_space<hbm>> -> memref<128xi32, #tpu.memory_space<hbm>>
      %dma_wait3A_143 = tpu.memref_slice %arg4[%add3A] : memref<160000xi32, #tpu.memory_space<hbm>> -> memref<128xi32, #tpu.memory_space<hbm>>
      tpu.wait_dma2 semaphore(%arg20 : memref<!tpu.dma_semaphore, #tpu.memory_space<semaphore_mem>>) src(%dma_wait3A_143 : memref<128xi32, #tpu.memory_space<hbm>>) dst(%arg9 : memref<128xi32, #tpu.memory_space<vmem>>)
      %dma_start3A_144 = arith.constant 0 : i32
      %dma_start3A_145 = arith.constant 0 : i32
      %dma_start3A_146 = tpu.memref_slice %arg2[%dma_start3A_144, %dma_start3A_145] : memref<10000x288xbf16, #tpu.memory_space<hbm>> -> memref<10000x288xbf16, #tpu.memory_space<hbm>>
      tpu.enqueue_indirect_dma source(%dma_start3A_146 : memref<10000x288xbf16, #tpu.memory_space<hbm>>) target(%arg11 : memref<128x288xbf16, #tpu.memory_space<vmem>>) offsets(%arg7 : memref<128xi32, #tpu.memory_space<vmem>>) semaphore(%arg16 : memref<!tpu.dma_semaphore, #tpu.memory_space<semaphore_mem>>)
      %add3A_147 = arith.constant 1 : i32
      %add3A_148 = arith.addi %add3A_130, %add3A_147 : i32
      %mul3A_149 = arith.constant 128 : i32
      %mul3A_150 = arith.muli %add3A_148, %mul3A_149 : i32
      %add3A_151 = arith.addi %add3A, %mul3A_150 : i32
      %dma_start3A_152 = tpu.memref_slice %arg3[%add3A_151] : memref<160000xi32, #tpu.memory_space<hbm>> -> memref<128xi32, #tpu.memory_space<hbm>>
      %dma_start3A_153 = tpu.memref_slice %arg3[%add3A_151] : memref<160000xi32, #tpu.memory_space<hbm>> -> memref<128xi32, #tpu.memory_space<hbm>>
      tpu.enqueue_dma source(%dma_start3A_153 : memref<128xi32, #tpu.memory_space<hbm>>) target(%arg8 : memref<128xi32, #tpu.memory_space<vmem>>) target_semaphore(%arg19 : memref<!tpu.dma_semaphore, #tpu.memory_space<semaphore_mem>>)
      %mul3A_154 = arith.constant 128 : i32
      %mul3A_155 = arith.muli %add3A_148, %mul3A_154 : i32
      %add3A_156 = arith.addi %add3A, %mul3A_155 : i32
      %dma_start3A_157 = tpu.memref_slice %arg4[%add3A_156] : memref<160000xi32, #tpu.memory_space<hbm>> -> memref<128xi32, #tpu.memory_space<hbm>>
      %dma_start3A_158 = tpu.memref_slice %arg4[%add3A_156] : memref<160000xi32, #tpu.memory_space<hbm>> -> memref<128xi32, #tpu.memory_space<hbm>>
      tpu.enqueue_dma source(%dma_start3A_158 : memref<128xi32, #tpu.memory_space<hbm>>) target(%arg10 : memref<128xi32, #tpu.memory_space<vmem>>) target_semaphore(%arg21 : memref<!tpu.dma_semaphore, #tpu.memory_space<semaphore_mem>>)
      %add3A_159 = arith.constant 1 : i32
      %add3A_160 = arith.addi %add3A_128, %add3A_159 : i32
      %dma_wait3A_161 = arith.constant 0 : i32
      %dma_wait3A_162 = arith.constant 0 : i32
      %dma_wait3A_163 = tpu.memref_slice %arg2[%dma_wait3A_161, %dma_wait3A_162] : memref<10000x288xbf16, #tpu.memory_space<hbm>> -> memref<10000x288xbf16, #tpu.memory_space<hbm>>
      tpu.wait_indirect_dma semaphore(%arg16 : memref<!tpu.dma_semaphore, #tpu.memory_space<semaphore_mem>>) src(%dma_wait3A_163 : memref<10000x288xbf16, #tpu.memory_space<hbm>>) dst(%arg11 : memref<128x288xbf16, #tpu.memory_space<vmem>>)
      %dma_start3A_164 = arith.constant 0 : i32
      %dma_start3A_165 = arith.constant 0 : i32
      %dma_start3A_166 = tpu.memref_slice %arg24[%dma_start3A_164, %dma_start3A_165] : memref<10112x288xbf16, #tpu.memory_space<vmem_shared>> -> memref<10112x288xbf16, #tpu.memory_space<vmem_shared>>
      tpu.enqueue_indirect_dma source(%arg11 : memref<128x288xbf16, #tpu.memory_space<vmem>>) target(%dma_start3A_166 : memref<10112x288xbf16, #tpu.memory_space<vmem_shared>>) offsets(%arg9 : memref<128xi32, #tpu.memory_space<vmem>>) semaphore(%arg22 : memref<!tpu.dma_semaphore, #tpu.memory_space<semaphore_mem>>) {add = true}
      %dma_wait3A_167 = arith.constant 0 : i32
      %dma_wait3A_168 = arith.constant 0 : i32
      %dma_wait3A_169 = tpu.memref_slice %arg24[%dma_wait3A_167, %dma_wait3A_168] : memref<10112x288xbf16, #tpu.memory_space<vmem_shared>> -> memref<10112x288xbf16, #tpu.memory_space<vmem_shared>>
      tpu.wait_indirect_dma semaphore(%arg23 : memref<!tpu.dma_semaphore, #tpu.memory_space<semaphore_mem>>) src(%arg12 : memref<128x288xbf16, #tpu.memory_space<vmem>>) dst(%dma_wait3A_169 : memref<10112x288xbf16, #tpu.memory_space<vmem_shared>>)
      %dma_wait3A_170 = tpu.memref_slice %arg3[%add3A] : memref<160000xi32, #tpu.memory_space<hbm>> -> memref<128xi32, #tpu.memory_space<hbm>>
      %dma_wait3A_171 = tpu.memref_slice %arg3[%add3A] : memref<160000xi32, #tpu.memory_space<hbm>> -> memref<128xi32, #tpu.memory_space<hbm>>
      tpu.wait_dma2 semaphore(%arg19 : memref<!tpu.dma_semaphore, #tpu.memory_space<semaphore_mem>>) src(%dma_wait3A_171 : memref<128xi32, #tpu.memory_space<hbm>>) dst(%arg8 : memref<128xi32, #tpu.memory_space<vmem>>)
      %dma_wait3A_172 = tpu.memref_slice %arg4[%add3A] : memref<160000xi32, #tpu.memory_space<hbm>> -> memref<128xi32, #tpu.memory_space<hbm>>
      %dma_wait3A_173 = tpu.memref_slice %arg4[%add3A] : memref<160000xi32, #tpu.memory_space<hbm>> -> memref<128xi32, #tpu.memory_space<hbm>>
      tpu.wait_dma2 semaphore(%arg21 : memref<!tpu.dma_semaphore, #tpu.memory_space<semaphore_mem>>) src(%dma_wait3A_173 : memref<128xi32, #tpu.memory_space<hbm>>) dst(%arg10 : memref<128xi32, #tpu.memory_space<vmem>>)
      %dma_start3A_174 = arith.constant 0 : i32
      %dma_start3A_175 = arith.constant 0 : i32
      %dma_start3A_176 = tpu.memref_slice %arg2[%dma_start3A_174, %dma_start3A_175] : memref<10000x288xbf16, #tpu.memory_space<hbm>> -> memref<10000x288xbf16, #tpu.memory_space<hbm>>
      tpu.enqueue_indirect_dma source(%dma_start3A_176 : memref<10000x288xbf16, #tpu.memory_space<hbm>>) target(%arg12 : memref<128x288xbf16, #tpu.memory_space<vmem>>) offsets(%arg8 : memref<128xi32, #tpu.memory_space<vmem>>) semaphore(%arg17 : memref<!tpu.dma_semaphore, #tpu.memory_space<semaphore_mem>>)
      %add3A_177 = arith.constant 1 : i32
      %add3A_178 = arith.addi %add3A_160, %add3A_177 : i32
      %mul3A_179 = arith.constant 128 : i32
      %mul3A_180 = arith.muli %add3A_178, %mul3A_179 : i32
      %add3A_181 = arith.addi %add3A, %mul3A_180 : i32
      %dma_start3A_182 = tpu.memref_slice %arg3[%add3A_181] : memref<160000xi32, #tpu.memory_space<hbm>> -> memref<128xi32, #tpu.memory_space<hbm>>
      %dma_start3A_183 = tpu.memref_slice %arg3[%add3A_181] : memref<160000xi32, #tpu.memory_space<hbm>> -> memref<128xi32, #tpu.memory_space<hbm>>
      tpu.enqueue_dma source(%dma_start3A_183 : memref<128xi32, #tpu.memory_space<hbm>>) target(%arg7 : memref<128xi32, #tpu.memory_space<vmem>>) target_semaphore(%arg18 : memref<!tpu.dma_semaphore, #tpu.memory_space<semaphore_mem>>)
      %mul3A_184 = arith.constant 128 : i32
      %mul3A_185 = arith.muli %add3A_178, %mul3A_184 : i32
      %add3A_186 = arith.addi %add3A, %mul3A_185 : i32
      %dma_start3A_187 = tpu.memref_slice %arg4[%add3A_186] : memref<160000xi32, #tpu.memory_space<hbm>> -> memref<128xi32, #tpu.memory_space<hbm>>
      %dma_start3A_188 = tpu.memref_slice %arg4[%add3A_186] : memref<160000xi32, #tpu.memory_space<hbm>> -> memref<128xi32, #tpu.memory_space<hbm>>
      tpu.enqueue_dma source(%dma_start3A_188 : memref<128xi32, #tpu.memory_space<hbm>>) target(%arg9 : memref<128xi32, #tpu.memory_space<vmem>>) target_semaphore(%arg20 : memref<!tpu.dma_semaphore, #tpu.memory_space<semaphore_mem>>)
    }
    %scan3A_50 = arith.constant 17 : i32
    %dma_wait3A_51 = arith.constant 0 : i32
    %dma_wait3A_52 = arith.constant 0 : i32
    %dma_wait3A_53 = tpu.memref_slice %arg2[%dma_wait3A_51, %dma_wait3A_52] : memref<10000x288xbf16, #tpu.memory_space<hbm>> -> memref<10000x288xbf16, #tpu.memory_space<hbm>>
    tpu.wait_indirect_dma semaphore(%arg17 : memref<!tpu.dma_semaphore, #tpu.memory_space<semaphore_mem>>) src(%dma_wait3A_53 : memref<10000x288xbf16, #tpu.memory_space<hbm>>) dst(%arg12 : memref<128x288xbf16, #tpu.memory_space<vmem>>)
    %dma_start3A_54 = arith.constant 0 : i32
    %dma_start3A_55 = arith.constant 0 : i32
    %dma_start3A_56 = tpu.memref_slice %arg24[%dma_start3A_54, %dma_start3A_55] : memref<10112x288xbf16, #tpu.memory_space<vmem_shared>> -> memref<10112x288xbf16, #tpu.memory_space<vmem_shared>>
    tpu.enqueue_indirect_dma source(%arg12 : memref<128x288xbf16, #tpu.memory_space<vmem>>) target(%dma_start3A_56 : memref<10112x288xbf16, #tpu.memory_space<vmem_shared>>) offsets(%arg10 : memref<128xi32, #tpu.memory_space<vmem>>) semaphore(%arg23 : memref<!tpu.dma_semaphore, #tpu.memory_space<semaphore_mem>>) {add = true}
    %dma_wait3A_57 = arith.constant 0 : i32
    %dma_wait3A_58 = arith.constant 0 : i32
    %dma_wait3A_59 = tpu.memref_slice %arg24[%dma_wait3A_57, %dma_wait3A_58] : memref<10112x288xbf16, #tpu.memory_space<vmem_shared>> -> memref<10112x288xbf16, #tpu.memory_space<vmem_shared>>
    tpu.wait_indirect_dma semaphore(%arg22 : memref<!tpu.dma_semaphore, #tpu.memory_space<semaphore_mem>>) src(%arg11 : memref<128x288xbf16, #tpu.memory_space<vmem>>) dst(%dma_wait3A_59 : memref<10112x288xbf16, #tpu.memory_space<vmem_shared>>)
    %dma_wait3A_60 = tpu.memref_slice %arg3[%add3A] : memref<160000xi32, #tpu.memory_space<hbm>> -> memref<128xi32, #tpu.memory_space<hbm>>
    %dma_wait3A_61 = tpu.memref_slice %arg3[%add3A] : memref<160000xi32, #tpu.memory_space<hbm>> -> memref<128xi32, #tpu.memory_space<hbm>>
    tpu.wait_dma2 semaphore(%arg18 : memref<!tpu.dma_semaphore, #tpu.memory_space<semaphore_mem>>) src(%dma_wait3A_61 : memref<128xi32, #tpu.memory_space<hbm>>) dst(%arg7 : memref<128xi32, #tpu.memory_space<vmem>>)
    %dma_wait3A_62 = tpu.memref_slice %arg4[%add3A] : memref<160000xi32, #tpu.memory_space<hbm>> -> memref<128xi32, #tpu.memory_space<hbm>>
    %dma_wait3A_63 = tpu.memref_slice %arg4[%add3A] : memref<160000xi32, #tpu.memory_space<hbm>> -> memref<128xi32, #tpu.memory_space<hbm>>
    tpu.wait_dma2 semaphore(%arg20 : memref<!tpu.dma_semaphore, #tpu.memory_space<semaphore_mem>>) src(%dma_wait3A_63 : memref<128xi32, #tpu.memory_space<hbm>>) dst(%arg9 : memref<128xi32, #tpu.memory_space<vmem>>)
    %dma_start3A_64 = arith.constant 0 : i32
    %dma_start3A_65 = arith.constant 0 : i32
    %dma_start3A_66 = tpu.memref_slice %arg2[%dma_start3A_64, %dma_start3A_65] : memref<10000x288xbf16, #tpu.memory_space<hbm>> -> memref<10000x288xbf16, #tpu.memory_space<hbm>>
    tpu.enqueue_indirect_dma source(%dma_start3A_66 : memref<10000x288xbf16, #tpu.memory_space<hbm>>) target(%arg11 : memref<128x288xbf16, #tpu.memory_space<vmem>>) offsets(%arg7 : memref<128xi32, #tpu.memory_space<vmem>>) semaphore(%arg16 : memref<!tpu.dma_semaphore, #tpu.memory_space<semaphore_mem>>)
    %add3A_67 = arith.constant 4736 : i32
    %add3A_68 = arith.addi %add3A, %add3A_67 : i32
    %dma_start3A_69 = tpu.memref_slice %arg3[%add3A_68] : memref<160000xi32, #tpu.memory_space<hbm>> -> memref<128xi32, #tpu.memory_space<hbm>>
    %dma_start3A_70 = tpu.memref_slice %arg3[%add3A_68] : memref<160000xi32, #tpu.memory_space<hbm>> -> memref<128xi32, #tpu.memory_space<hbm>>
    tpu.enqueue_dma source(%dma_start3A_70 : memref<128xi32, #tpu.memory_space<hbm>>) target(%arg8 : memref<128xi32, #tpu.memory_space<vmem>>) target_semaphore(%arg19 : memref<!tpu.dma_semaphore, #tpu.memory_space<semaphore_mem>>)
    %add3A_71 = arith.constant 4736 : i32
    %add3A_72 = arith.addi %add3A, %add3A_71 : i32
    %dma_start3A_73 = tpu.memref_slice %arg4[%add3A_72] : memref<160000xi32, #tpu.memory_space<hbm>> -> memref<128xi32, #tpu.memory_space<hbm>>
    %dma_start3A_74 = tpu.memref_slice %arg4[%add3A_72] : memref<160000xi32, #tpu.memory_space<hbm>> -> memref<128xi32, #tpu.memory_space<hbm>>
    tpu.enqueue_dma source(%dma_start3A_74 : memref<128xi32, #tpu.memory_space<hbm>>) target(%arg10 : memref<128xi32, #tpu.memory_space<vmem>>) target_semaphore(%arg21 : memref<!tpu.dma_semaphore, #tpu.memory_space<semaphore_mem>>)
    %dma_wait3A_75 = arith.constant 0 : i32
    %dma_wait3A_76 = arith.constant 0 : i32
    %dma_wait3A_77 = tpu.memref_slice %arg2[%dma_wait3A_75, %dma_wait3A_76] : memref<10000x288xbf16, #tpu.memory_space<hbm>> -> memref<10000x288xbf16, #tpu.memory_space<hbm>>
    tpu.wait_indirect_dma semaphore(%arg16 : memref<!tpu.dma_semaphore, #tpu.memory_space<semaphore_mem>>) src(%dma_wait3A_77 : memref<10000x288xbf16, #tpu.memory_space<hbm>>) dst(%arg11 : memref<128x288xbf16, #tpu.memory_space<vmem>>)
    %dma_start3A_78 = arith.constant 0 : i32
    %dma_start3A_79 = arith.constant 0 : i32
    %dma_start3A_80 = tpu.memref_slice %arg24[%dma_start3A_78, %dma_start3A_79] : memref<10112x288xbf16, #tpu.memory_space<vmem_shared>> -> memref<10112x288xbf16, #tpu.memory_space<vmem_shared>>
    tpu.enqueue_indirect_dma source(%arg11 : memref<128x288xbf16, #tpu.memory_space<vmem>>) target(%dma_start3A_80 : memref<10112x288xbf16, #tpu.memory_space<vmem_shared>>) offsets(%arg9 : memref<128xi32, #tpu.memory_space<vmem>>) semaphore(%arg22 : memref<!tpu.dma_semaphore, #tpu.memory_space<semaphore_mem>>) {add = true}
    %dma_wait3A_81 = arith.constant 0 : i32
    %dma_wait3A_82 = arith.constant 0 : i32
    %dma_wait3A_83 = tpu.memref_slice %arg24[%dma_wait3A_81, %dma_wait3A_82] : memref<10112x288xbf16, #tpu.memory_space<vmem_shared>> -> memref<10112x288xbf16, #tpu.memory_space<vmem_shared>>
    tpu.wait_indirect_dma semaphore(%arg23 : memref<!tpu.dma_semaphore, #tpu.memory_space<semaphore_mem>>) src(%arg12 : memref<128x288xbf16, #tpu.memory_space<vmem>>) dst(%dma_wait3A_83 : memref<10112x288xbf16, #tpu.memory_space<vmem_shared>>)
    %dma_wait3A_84 = tpu.memref_slice %arg3[%add3A] : memref<160000xi32, #tpu.memory_space<hbm>> -> memref<128xi32, #tpu.memory_space<hbm>>
    %dma_wait3A_85 = tpu.memref_slice %arg3[%add3A] : memref<160000xi32, #tpu.memory_space<hbm>> -> memref<128xi32, #tpu.memory_space<hbm>>
    tpu.wait_dma2 semaphore(%arg19 : memref<!tpu.dma_semaphore, #tpu.memory_space<semaphore_mem>>) src(%dma_wait3A_85 : memref<128xi32, #tpu.memory_space<hbm>>) dst(%arg8 : memref<128xi32, #tpu.memory_space<vmem>>)
    %dma_wait3A_86 = tpu.memref_slice %arg4[%add3A] : memref<160000xi32, #tpu.memory_space<hbm>> -> memref<128xi32, #tpu.memory_space<hbm>>
    %dma_wait3A_87 = tpu.memref_slice %arg4[%add3A] : memref<160000xi32, #tpu.memory_space<hbm>> -> memref<128xi32, #tpu.memory_space<hbm>>
    tpu.wait_dma2 semaphore(%arg21 : memref<!tpu.dma_semaphore, #tpu.memory_space<semaphore_mem>>) src(%dma_wait3A_87 : memref<128xi32, #tpu.memory_space<hbm>>) dst(%arg10 : memref<128xi32, #tpu.memory_space<vmem>>)
    %dma_start3A_88 = arith.constant 0 : i32
    %dma_start3A_89 = arith.constant 0 : i32
    %dma_start3A_90 = tpu.memref_slice %arg2[%dma_start3A_88, %dma_start3A_89] : memref<10000x288xbf16, #tpu.memory_space<hbm>> -> memref<10000x288xbf16, #tpu.memory_space<hbm>>
    tpu.enqueue_indirect_dma source(%dma_start3A_90 : memref<10000x288xbf16, #tpu.memory_space<hbm>>) target(%arg12 : memref<128x288xbf16, #tpu.memory_space<vmem>>) offsets(%arg8 : memref<128xi32, #tpu.memory_space<vmem>>) semaphore(%arg17 : memref<!tpu.dma_semaphore, #tpu.memory_space<semaphore_mem>>)
    %dma_wait3A_91 = arith.constant 0 : i32
    %dma_wait3A_92 = arith.constant 0 : i32
    %dma_wait3A_93 = tpu.memref_slice %arg2[%dma_wait3A_91, %dma_wait3A_92] : memref<10000x288xbf16, #tpu.memory_space<hbm>> -> memref<10000x288xbf16, #tpu.memory_space<hbm>>
    tpu.wait_indirect_dma semaphore(%arg17 : memref<!tpu.dma_semaphore, #tpu.memory_space<semaphore_mem>>) src(%dma_wait3A_93 : memref<10000x288xbf16, #tpu.memory_space<hbm>>) dst(%arg12 : memref<128x288xbf16, #tpu.memory_space<vmem>>)
    %dma_start3A_94 = arith.constant 0 : i32
    %dma_start3A_95 = arith.constant 0 : i32
    %dma_start3A_96 = tpu.memref_slice %arg24[%dma_start3A_94, %dma_start3A_95] : memref<10112x288xbf16, #tpu.memory_space<vmem_shared>> -> memref<10112x288xbf16, #tpu.memory_space<vmem_shared>>
    tpu.enqueue_indirect_dma source(%arg12 : memref<128x288xbf16, #tpu.memory_space<vmem>>) target(%dma_start3A_96 : memref<10112x288xbf16, #tpu.memory_space<vmem_shared>>) offsets(%arg10 : memref<128xi32, #tpu.memory_space<vmem>>) semaphore(%arg23 : memref<!tpu.dma_semaphore, #tpu.memory_space<semaphore_mem>>) {add = true}
    %dma_wait3A_97 = arith.constant 0 : i32
    %dma_wait3A_98 = arith.constant 0 : i32
    %dma_wait3A_99 = tpu.memref_slice %arg24[%dma_wait3A_97, %dma_wait3A_98] : memref<10112x288xbf16, #tpu.memory_space<vmem_shared>> -> memref<10112x288xbf16, #tpu.memory_space<vmem_shared>>
    tpu.wait_indirect_dma semaphore(%arg22 : memref<!tpu.dma_semaphore, #tpu.memory_space<semaphore_mem>>) src(%arg11 : memref<128x288xbf16, #tpu.memory_space<vmem>>) dst(%dma_wait3A_99 : memref<10112x288xbf16, #tpu.memory_space<vmem_shared>>)
    %dma_wait3A_100 = arith.constant 0 : i32
    %dma_wait3A_101 = arith.constant 0 : i32
    %dma_wait3A_102 = tpu.memref_slice %arg24[%dma_wait3A_100, %dma_wait3A_101] : memref<10112x288xbf16, #tpu.memory_space<vmem_shared>> -> memref<10112x288xbf16, #tpu.memory_space<vmem_shared>>
    tpu.wait_indirect_dma semaphore(%arg23 : memref<!tpu.dma_semaphore, #tpu.memory_space<semaphore_mem>>) src(%arg12 : memref<128x288xbf16, #tpu.memory_space<vmem>>) dst(%dma_wait3A_102 : memref<10112x288xbf16, #tpu.memory_space<vmem_shared>>)
    %add3A_103 = arith.constant 4864 : i32
    %add3A_104 = arith.addi %add3A, %add3A_103 : i32
    "tpu.region"() ({
      %run_scoped3A = tpu.sem_alloc : memref<!tpu.dma_semaphore, #tpu.memory_space<semaphore_mem>>
      %dma_start3A_120 = tpu.memref_slice %arg3[%add3A_104] : memref<160000xi32, #tpu.memory_space<hbm>> -> memref<128xi32, #tpu.memory_space<hbm>>
      %dma_start3A_121 = tpu.memref_slice %arg3[%add3A_104] : memref<160000xi32, #tpu.memory_space<hbm>> -> memref<128xi32, #tpu.memory_space<hbm>>
      tpu.enqueue_dma source(%dma_start3A_121 : memref<128xi32, #tpu.memory_space<hbm>>) target(%arg7 : memref<128xi32, #tpu.memory_space<vmem>>) target_semaphore(%run_scoped3A : memref<!tpu.dma_semaphore, #tpu.memory_space<semaphore_mem>>)
      %dma_wait3A_122 = tpu.memref_slice %arg3[%add3A_104] : memref<160000xi32, #tpu.memory_space<hbm>> -> memref<128xi32, #tpu.memory_space<hbm>>
      %dma_wait3A_123 = tpu.memref_slice %arg3[%add3A_104] : memref<160000xi32, #tpu.memory_space<hbm>> -> memref<128xi32, #tpu.memory_space<hbm>>
      tpu.wait_dma2 semaphore(%run_scoped3A : memref<!tpu.dma_semaphore, #tpu.memory_space<semaphore_mem>>) src(%dma_wait3A_123 : memref<128xi32, #tpu.memory_space<hbm>>) dst(%arg7 : memref<128xi32, #tpu.memory_space<vmem>>)
      tpu.yield
    }) : () -> ()
    "tpu.region"() ({
      %run_scoped3A = tpu.sem_alloc : memref<!tpu.dma_semaphore, #tpu.memory_space<semaphore_mem>>
      %dma_start3A_120 = tpu.memref_slice %arg4[%add3A_104] : memref<160000xi32, #tpu.memory_space<hbm>> -> memref<128xi32, #tpu.memory_space<hbm>>
      %dma_start3A_121 = tpu.memref_slice %arg4[%add3A_104] : memref<160000xi32, #tpu.memory_space<hbm>> -> memref<128xi32, #tpu.memory_space<hbm>>
      tpu.enqueue_dma source(%dma_start3A_121 : memref<128xi32, #tpu.memory_space<hbm>>) target(%arg9 : memref<128xi32, #tpu.memory_space<vmem>>) target_semaphore(%run_scoped3A : memref<!tpu.dma_semaphore, #tpu.memory_space<semaphore_mem>>)
      %dma_wait3A_122 = tpu.memref_slice %arg4[%add3A_104] : memref<160000xi32, #tpu.memory_space<hbm>> -> memref<128xi32, #tpu.memory_space<hbm>>
      %dma_wait3A_123 = tpu.memref_slice %arg4[%add3A_104] : memref<160000xi32, #tpu.memory_space<hbm>> -> memref<128xi32, #tpu.memory_space<hbm>>
      tpu.wait_dma2 semaphore(%run_scoped3A : memref<!tpu.dma_semaphore, #tpu.memory_space<semaphore_mem>>) src(%dma_wait3A_123 : memref<128xi32, #tpu.memory_space<hbm>>) dst(%arg9 : memref<128xi32, #tpu.memory_space<vmem>>)
      tpu.yield
    }) : () -> ()
    %dma_start3A_105 = arith.constant 0 : i32
    %dma_start3A_106 = arith.constant 0 : i32
    %dma_start3A_107 = tpu.memref_slice %arg2[%dma_start3A_105, %dma_start3A_106] : memref<10000x288xbf16, #tpu.memory_space<hbm>> -> memref<10000x288xbf16, #tpu.memory_space<hbm>>
    tpu.enqueue_indirect_dma source(%dma_start3A_107 : memref<10000x288xbf16, #tpu.memory_space<hbm>>) target(%arg11 : memref<128x288xbf16, #tpu.memory_space<vmem>>) offsets(%arg7 : memref<128xi32, #tpu.memory_space<vmem>>) semaphore(%arg16 : memref<!tpu.dma_semaphore, #tpu.memory_space<semaphore_mem>>)
    %dma_wait3A_108 = arith.constant 0 : i32
    %dma_wait3A_109 = arith.constant 0 : i32
    %dma_wait3A_110 = tpu.memref_slice %arg2[%dma_wait3A_108, %dma_wait3A_109] : memref<10000x288xbf16, #tpu.memory_space<hbm>> -> memref<10000x288xbf16, #tpu.memory_space<hbm>>
    tpu.wait_indirect_dma semaphore(%arg16 : memref<!tpu.dma_semaphore, #tpu.memory_space<semaphore_mem>>) src(%dma_wait3A_110 : memref<10000x288xbf16, #tpu.memory_space<hbm>>) dst(%arg11 : memref<128x288xbf16, #tpu.memory_space<vmem>>)
    "tpu.region"() ({
      %run_scoped3A = tpu.sem_alloc : memref<!tpu.dma_semaphore, #tpu.memory_space<semaphore_mem>>
      %dma_start3A_120 = arith.constant 0 : i32
      %dma_start3A_121 = arith.constant 0 : i32
      %dma_start3A_122 = tpu.memref_slice %arg24[%dma_start3A_120, %dma_start3A_121] : memref<10112x288xbf16, #tpu.memory_space<vmem_shared>> -> memref<10112x288xbf16, #tpu.memory_space<vmem_shared>>
      tpu.enqueue_indirect_dma source(%arg11 : memref<128x288xbf16, #tpu.memory_space<vmem>>) target(%dma_start3A_122 : memref<10112x288xbf16, #tpu.memory_space<vmem_shared>>) offsets(%arg9 : memref<128xi32, #tpu.memory_space<vmem>>) semaphore(%run_scoped3A : memref<!tpu.dma_semaphore, #tpu.memory_space<semaphore_mem>>) {add = true}
      %dma_wait3A_123 = arith.constant 0 : i32
      %dma_wait3A_124 = arith.constant 0 : i32
      %dma_wait3A_125 = tpu.memref_slice %arg24[%dma_wait3A_123, %dma_wait3A_124] : memref<10112x288xbf16, #tpu.memory_space<vmem_shared>> -> memref<10112x288xbf16, #tpu.memory_space<vmem_shared>>
      tpu.wait_indirect_dma semaphore(%run_scoped3A : memref<!tpu.dma_semaphore, #tpu.memory_space<semaphore_mem>>) src(%arg11 : memref<128x288xbf16, #tpu.memory_space<vmem>>) dst(%dma_wait3A_125 : memref<10112x288xbf16, #tpu.memory_space<vmem_shared>>)
      tpu.yield
    }) : () -> ()
    %add3A_111 = arith.constant 4992 : i32
    %add3A_112 = arith.addi %add3A, %add3A_111 : i32
    "tpu.region"() ({
      %run_scoped3A = tpu.sem_alloc : memref<!tpu.dma_semaphore, #tpu.memory_space<semaphore_mem>>
      %dma_start3A_120 = tpu.memref_slice %arg3[%add3A_112] : memref<160000xi32, #tpu.memory_space<hbm>> -> memref<8xi32, #tpu.memory_space<hbm>>
      %dma_start3A_121 = tpu.memref_slice %arg3[%add3A_112] : memref<160000xi32, #tpu.memory_space<hbm>> -> memref<8xi32, #tpu.memory_space<hbm>>
      tpu.enqueue_dma source(%dma_start3A_121 : memref<8xi32, #tpu.memory_space<hbm>>) target(%arg13 : memref<8xi32, #tpu.memory_space<vmem>>) target_semaphore(%run_scoped3A : memref<!tpu.dma_semaphore, #tpu.memory_space<semaphore_mem>>)
      %dma_wait3A_122 = tpu.memref_slice %arg3[%add3A_112] : memref<160000xi32, #tpu.memory_space<hbm>> -> memref<8xi32, #tpu.memory_space<hbm>>
      %dma_wait3A_123 = tpu.memref_slice %arg3[%add3A_112] : memref<160000xi32, #tpu.memory_space<hbm>> -> memref<8xi32, #tpu.memory_space<hbm>>
      tpu.wait_dma2 semaphore(%run_scoped3A : memref<!tpu.dma_semaphore, #tpu.memory_space<semaphore_mem>>) src(%dma_wait3A_123 : memref<8xi32, #tpu.memory_space<hbm>>) dst(%arg13 : memref<8xi32, #tpu.memory_space<vmem>>)
      tpu.yield
    }) : () -> ()
    "tpu.region"() ({
      %run_scoped3A = tpu.sem_alloc : memref<!tpu.dma_semaphore, #tpu.memory_space<semaphore_mem>>
      %dma_start3A_120 = tpu.memref_slice %arg4[%add3A_112] : memref<160000xi32, #tpu.memory_space<hbm>> -> memref<8xi32, #tpu.memory_space<hbm>>
      %dma_start3A_121 = tpu.memref_slice %arg4[%add3A_112] : memref<160000xi32, #tpu.memory_space<hbm>> -> memref<8xi32, #tpu.memory_space<hbm>>
      tpu.enqueue_dma source(%dma_start3A_121 : memref<8xi32, #tpu.memory_space<hbm>>) target(%arg14 : memref<8xi32, #tpu.memory_space<vmem>>) target_semaphore(%run_scoped3A : memref<!tpu.dma_semaphore, #tpu.memory_space<semaphore_mem>>)
      %dma_wait3A_122 = tpu.memref_slice %arg4[%add3A_112] : memref<160000xi32, #tpu.memory_space<hbm>> -> memref<8xi32, #tpu.memory_space<hbm>>
      %dma_wait3A_123 = tpu.memref_slice %arg4[%add3A_112] : memref<160000xi32, #tpu.memory_space<hbm>> -> memref<8xi32, #tpu.memory_space<hbm>>
      tpu.wait_dma2 semaphore(%run_scoped3A : memref<!tpu.dma_semaphore, #tpu.memory_space<semaphore_mem>>) src(%dma_wait3A_123 : memref<8xi32, #tpu.memory_space<hbm>>) dst(%arg14 : memref<8xi32, #tpu.memory_space<vmem>>)
      tpu.yield
    }) : () -> ()
    %dma_start3A_113 = arith.constant 0 : i32
    %dma_start3A_114 = arith.constant 0 : i32
    %dma_start3A_115 = tpu.memref_slice %arg2[%dma_start3A_113, %dma_start3A_114] : memref<10000x288xbf16, #tpu.memory_space<hbm>> -> memref<10000x288xbf16, #tpu.memory_space<hbm>>
    tpu.enqueue_indirect_dma source(%dma_start3A_115 : memref<10000x288xbf16, #tpu.memory_space<hbm>>) target(%arg15 : memref<8x288xbf16, #tpu.memory_space<vmem>>) offsets(%arg13 : memref<8xi32, #tpu.memory_space<vmem>>) semaphore(%arg16 : memref<!tpu.dma_semaphore, #tpu.memory_space<semaphore_mem>>)
    %dma_wait3A_116 = arith.constant 0 : i32
    %dma_wait3A_117 = arith.constant 0 : i32
    %dma_wait3A_118 = tpu.memref_slice %arg2[%dma_wait3A_116, %dma_wait3A_117] : memref<10000x288xbf16, #tpu.memory_space<hbm>> -> memref<10000x288xbf16, #tpu.memory_space<hbm>>
    tpu.wait_indirect_dma semaphore(%arg16 : memref<!tpu.dma_semaphore, #tpu.memory_space<semaphore_mem>>) src(%dma_wait3A_118 : memref<10000x288xbf16, #tpu.memory_space<hbm>>) dst(%arg15 : memref<8x288xbf16, #tpu.memory_space<vmem>>)
    "tpu.region"() ({
      %run_scoped3A = tpu.sem_alloc : memref<!tpu.dma_semaphore, #tpu.memory_space<semaphore_mem>>
      %dma_start3A_120 = arith.constant 0 : i32
      %dma_start3A_121 = arith.constant 0 : i32
      %dma_start3A_122 = tpu.memref_slice %arg24[%dma_start3A_120, %dma_start3A_121] : memref<10112x288xbf16, #tpu.memory_space<vmem_shared>> -> memref<10112x288xbf16, #tpu.memory_space<vmem_shared>>
      tpu.enqueue_indirect_dma source(%arg15 : memref<8x288xbf16, #tpu.memory_space<vmem>>) target(%dma_start3A_122 : memref<10112x288xbf16, #tpu.memory_space<vmem_shared>>) offsets(%arg14 : memref<8xi32, #tpu.memory_space<vmem>>) semaphore(%run_scoped3A : memref<!tpu.dma_semaphore, #tpu.memory_space<semaphore_mem>>) {add = true}
      %dma_wait3A_123 = arith.constant 0 : i32
      %dma_wait3A_124 = arith.constant 0 : i32
      %dma_wait3A_125 = tpu.memref_slice %arg24[%dma_wait3A_123, %dma_wait3A_124] : memref<10112x288xbf16, #tpu.memory_space<vmem_shared>> -> memref<10112x288xbf16, #tpu.memory_space<vmem_shared>>
      tpu.wait_indirect_dma semaphore(%run_scoped3A : memref<!tpu.dma_semaphore, #tpu.memory_space<semaphore_mem>>) src(%arg15 : memref<8x288xbf16, #tpu.memory_space<vmem>>) dst(%dma_wait3A_125 : memref<10112x288xbf16, #tpu.memory_space<vmem_shared>>)
      tpu.yield
    }) : () -> ()
    %barrier3A_119 = arith.constant 0 : index
    tpu.barrier barrier_id(%barrier3A_119)
    "tpu.region"() ({
      %run_scoped3A = tpu.sem_alloc : memref<!tpu.dma_semaphore, #tpu.memory_space<semaphore_mem>>
      %dma_start3A_120 = arith.constant 0 : i32
      %dma_start3A_121 = tpu.memref_slice %arg6[%arg0, %mul3A_0, %dma_start3A_120] : memref<2x10112x288xbf16, #tpu.memory_space<hbm>> -> memref<1x632x288xbf16, #tpu.memory_space<hbm>>
      %dma_start3A_122 = tpu.memref_squeeze %dma_start3A_121 : memref<1x632x288xbf16, #tpu.memory_space<hbm>> -> memref<632x288xbf16, #tpu.memory_space<hbm>>
      %dma_start3A_123 = arith.constant 0 : i32
      %dma_start3A_124 = tpu.memref_slice %arg24[%mul3A_0, %dma_start3A_123] : memref<10112x288xbf16, #tpu.memory_space<vmem_shared>> -> memref<632x288xbf16, #tpu.memory_space<vmem_shared>>
      tpu.enqueue_dma source(%dma_start3A_124 : memref<632x288xbf16, #tpu.memory_space<vmem_shared>>) target(%dma_start3A_122 : memref<632x288xbf16, #tpu.memory_space<hbm>>) target_semaphore(%run_scoped3A : memref<!tpu.dma_semaphore, #tpu.memory_space<semaphore_mem>>)
      %dma_wait3A_125 = arith.constant 0 : i32
      %dma_wait3A_126 = tpu.memref_slice %arg6[%arg0, %mul3A_0, %dma_wait3A_125] : memref<2x10112x288xbf16, #tpu.memory_space<hbm>> -> memref<1x632x288xbf16, #tpu.memory_space<hbm>>
      %dma_wait3A_127 = tpu.memref_squeeze %dma_wait3A_126 : memref<1x632x288xbf16, #tpu.memory_space<hbm>> -> memref<632x288xbf16, #tpu.memory_space<hbm>>
      %dma_wait3A_128 = arith.constant 0 : i32
      %dma_wait3A_129 = tpu.memref_slice %arg24[%mul3A_0, %dma_wait3A_128] : memref<10112x288xbf16, #tpu.memory_space<vmem_shared>> -> memref<632x288xbf16, #tpu.memory_space<vmem_shared>>
      tpu.wait_dma2 semaphore(%run_scoped3A : memref<!tpu.dma_semaphore, #tpu.memory_space<semaphore_mem>>) src(%dma_wait3A_129 : memref<632x288xbf16, #tpu.memory_space<vmem_shared>>) dst(%dma_wait3A_127 : memref<632x288xbf16, #tpu.memory_space<hbm>>)
      tpu.yield
    }) : () -> ()
    return
  }
}

#map = affine_map<(d0, d1) -> (0, 0)>
#map1 = affine_map<(d0, d1) -> (0)>
module attributes {stable_mosaic.version = 14 : i64} {
  func.func @body(%arg0: i32, %arg1: i32, %arg2: memref<10000x272xf32, #tpu.memory_space<hbm>>, %arg3: memref<640000xi32, #tpu.memory_space<hbm>>, %arg4: memref<320000xf32, #tpu.memory_space<hbm>>, %arg5: memref<10000xi32, #tpu.memory_space<vmem>>, %arg6: memref<10000xi32, #tpu.memory_space<vmem>>, %arg7: memref<80x272xf32, #tpu.memory_space<vmem>>, %arg8: memref<80x272xf32, #tpu.memory_space<vmem>>, %arg9: memref<80x272xf32, #tpu.memory_space<vmem>>, %arg10: memref<80xf32, #tpu.memory_space<vmem>>, %arg11: memref<80xf32, #tpu.memory_space<vmem>>, %arg12: memref<80xf32, #tpu.memory_space<vmem>>, %arg13: memref<16x17xf32, #tpu.memory_space<vmem>>, %arg14: memref<!tpu.dma_semaphore, #tpu.memory_space<semaphore_mem>>, %arg15: memref<!tpu.dma_semaphore, #tpu.memory_space<semaphore_mem>>, %arg16: memref<!tpu.dma_semaphore, #tpu.memory_space<semaphore_mem>>, %arg17: memref<!tpu.dma_semaphore, #tpu.memory_space<semaphore_mem>>, %arg18: memref<!tpu.dma_semaphore, #tpu.memory_space<semaphore_mem>>, %arg19: memref<!tpu.dma_semaphore, #tpu.memory_space<semaphore_mem>>, %arg20: memref<!tpu.dma_semaphore, #tpu.memory_space<semaphore_mem>>, %arg21: memref<!tpu.dma_semaphore, #tpu.memory_space<semaphore_mem>>, %arg22: memref<!tpu.dma_semaphore, #tpu.memory_space<semaphore_mem>>) attributes {dimension_semantics = [#tpu.dimension_semantics<core_parallel>, #tpu.dimension_semantics<subcore_parallel>], iteration_bounds = array<i64: 2, 16>, scalar_prefetch = 0 : i64, scratch_operands = 18 : i64, tpu.core_type = #tpu.core_type<sc_vector_subcore>, window_params = [{transform_indices = #map}, {transform_indices = #map1}, {transform_indices = #map1}]} {
    %mul3A = arith.constant 10000 : i32
    %mul3A_0 = arith.muli %arg1, %mul3A : i32
    %mul3A_1 = arith.constant 2 : i32
    %mul3A_2 = arith.muli %arg0, %mul3A_1 : i32
    %mul3A_3 = arith.constant 160000 : i32
    %mul3A_4 = arith.muli %mul3A_2, %mul3A_3 : i32
    %add3A = arith.addi %mul3A_4, %mul3A_0 : i32
    "tpu.region"() ({
      %run_scoped3A = tpu.sem_alloc : memref<!tpu.dma_semaphore, #tpu.memory_space<semaphore_mem>>
      %dma_start3A_303 = tpu.memref_slice %arg3[%add3A] : memref<640000xi32, #tpu.memory_space<hbm>> -> memref<10000xi32, #tpu.memory_space<hbm>>
      %dma_start3A_304 = tpu.memref_slice %arg3[%add3A] : memref<640000xi32, #tpu.memory_space<hbm>> -> memref<10000xi32, #tpu.memory_space<hbm>>
      tpu.enqueue_dma source(%dma_start3A_304 : memref<10000xi32, #tpu.memory_space<hbm>>) target(%arg5 : memref<10000xi32, #tpu.memory_space<vmem>>) target_semaphore(%run_scoped3A : memref<!tpu.dma_semaphore, #tpu.memory_space<semaphore_mem>>)
      %dma_wait3A_305 = tpu.memref_slice %arg3[%add3A] : memref<640000xi32, #tpu.memory_space<hbm>> -> memref<10000xi32, #tpu.memory_space<hbm>>
      %dma_wait3A_306 = tpu.memref_slice %arg3[%add3A] : memref<640000xi32, #tpu.memory_space<hbm>> -> memref<10000xi32, #tpu.memory_space<hbm>>
      tpu.wait_dma2 semaphore(%run_scoped3A : memref<!tpu.dma_semaphore, #tpu.memory_space<semaphore_mem>>) src(%dma_wait3A_306 : memref<10000xi32, #tpu.memory_space<hbm>>) dst(%arg5 : memref<10000xi32, #tpu.memory_space<vmem>>)
      tpu.yield
    }) : () -> ()
    %mul3A_5 = arith.constant 2 : i32
    %mul3A_6 = arith.muli %arg0, %mul3A_5 : i32
    %mul3A_7 = arith.constant 160000 : i32
    %mul3A_8 = arith.muli %mul3A_6, %mul3A_7 : i32
    %add3A_9 = arith.constant 160000 : i32
    %add3A_10 = arith.addi %mul3A_8, %add3A_9 : i32
    %add3A_11 = arith.addi %add3A_10, %mul3A_0 : i32
    "tpu.region"() ({
      %run_scoped3A = tpu.sem_alloc : memref<!tpu.dma_semaphore, #tpu.memory_space<semaphore_mem>>
      %dma_start3A_303 = tpu.memref_slice %arg3[%add3A_11] : memref<640000xi32, #tpu.memory_space<hbm>> -> memref<10000xi32, #tpu.memory_space<hbm>>
      %dma_start3A_304 = tpu.memref_slice %arg3[%add3A_11] : memref<640000xi32, #tpu.memory_space<hbm>> -> memref<10000xi32, #tpu.memory_space<hbm>>
      tpu.enqueue_dma source(%dma_start3A_304 : memref<10000xi32, #tpu.memory_space<hbm>>) target(%arg6 : memref<10000xi32, #tpu.memory_space<vmem>>) target_semaphore(%run_scoped3A : memref<!tpu.dma_semaphore, #tpu.memory_space<semaphore_mem>>)
      %dma_wait3A_305 = tpu.memref_slice %arg3[%add3A_11] : memref<640000xi32, #tpu.memory_space<hbm>> -> memref<10000xi32, #tpu.memory_space<hbm>>
      %dma_wait3A_306 = tpu.memref_slice %arg3[%add3A_11] : memref<640000xi32, #tpu.memory_space<hbm>> -> memref<10000xi32, #tpu.memory_space<hbm>>
      tpu.wait_dma2 semaphore(%run_scoped3A : memref<!tpu.dma_semaphore, #tpu.memory_space<semaphore_mem>>) src(%dma_wait3A_306 : memref<10000xi32, #tpu.memory_space<hbm>>) dst(%arg6 : memref<10000xi32, #tpu.memory_space<vmem>>)
      tpu.yield
    }) : () -> ()
    %dma_start3A = arith.constant 0 : i32
    %dma_start3A_12 = tpu.memref_slice %arg5[%dma_start3A] : memref<10000xi32, #tpu.memory_space<vmem>> -> memref<80xi32, #tpu.memory_space<vmem>>
    %dma_start3A_13 = arith.constant 0 : i32
    %dma_start3A_14 = arith.constant 0 : i32
    %dma_start3A_15 = tpu.memref_slice %arg2[%dma_start3A_13, %dma_start3A_14] : memref<10000x272xf32, #tpu.memory_space<hbm>> -> memref<10000x272xf32, #tpu.memory_space<hbm>>
    tpu.enqueue_indirect_dma source(%dma_start3A_15 : memref<10000x272xf32, #tpu.memory_space<hbm>>) target(%arg7 : memref<80x272xf32, #tpu.memory_space<vmem>>) offsets(%dma_start3A_12 : memref<80xi32, #tpu.memory_space<vmem>>) semaphore(%arg14 : memref<!tpu.dma_semaphore, #tpu.memory_space<semaphore_mem>>)
    %dma_start3A_16 = arith.constant 80 : i32
    %dma_start3A_17 = tpu.memref_slice %arg5[%dma_start3A_16] : memref<10000xi32, #tpu.memory_space<vmem>> -> memref<80xi32, #tpu.memory_space<vmem>>
    %dma_start3A_18 = arith.constant 0 : i32
    %dma_start3A_19 = arith.constant 0 : i32
    %dma_start3A_20 = tpu.memref_slice %arg2[%dma_start3A_18, %dma_start3A_19] : memref<10000x272xf32, #tpu.memory_space<hbm>> -> memref<10000x272xf32, #tpu.memory_space<hbm>>
    tpu.enqueue_indirect_dma source(%dma_start3A_20 : memref<10000x272xf32, #tpu.memory_space<hbm>>) target(%arg8 : memref<80x272xf32, #tpu.memory_space<vmem>>) offsets(%dma_start3A_17 : memref<80xi32, #tpu.memory_space<vmem>>) semaphore(%arg15 : memref<!tpu.dma_semaphore, #tpu.memory_space<semaphore_mem>>)
    %dma_start3A_21 = arith.constant 160 : i32
    %dma_start3A_22 = tpu.memref_slice %arg5[%dma_start3A_21] : memref<10000xi32, #tpu.memory_space<vmem>> -> memref<80xi32, #tpu.memory_space<vmem>>
    %dma_start3A_23 = arith.constant 0 : i32
    %dma_start3A_24 = arith.constant 0 : i32
    %dma_start3A_25 = tpu.memref_slice %arg2[%dma_start3A_23, %dma_start3A_24] : memref<10000x272xf32, #tpu.memory_space<hbm>> -> memref<10000x272xf32, #tpu.memory_space<hbm>>
    tpu.enqueue_indirect_dma source(%dma_start3A_25 : memref<10000x272xf32, #tpu.memory_space<hbm>>) target(%arg9 : memref<80x272xf32, #tpu.memory_space<vmem>>) offsets(%dma_start3A_22 : memref<80xi32, #tpu.memory_space<vmem>>) semaphore(%arg16 : memref<!tpu.dma_semaphore, #tpu.memory_space<semaphore_mem>>)
    %dma_wait3A = arith.constant 0 : i32
    %dma_wait3A_26 = tpu.memref_slice %arg5[%dma_wait3A] : memref<10000xi32, #tpu.memory_space<vmem>> -> memref<80xi32, #tpu.memory_space<vmem>>
    %dma_wait3A_27 = arith.constant 0 : i32
    %dma_wait3A_28 = arith.constant 0 : i32
    %dma_wait3A_29 = tpu.memref_slice %arg2[%dma_wait3A_27, %dma_wait3A_28] : memref<10000x272xf32, #tpu.memory_space<hbm>> -> memref<10000x272xf32, #tpu.memory_space<hbm>>
    tpu.wait_indirect_dma semaphore(%arg14 : memref<!tpu.dma_semaphore, #tpu.memory_space<semaphore_mem>>) src(%dma_wait3A_29 : memref<10000x272xf32, #tpu.memory_space<hbm>>) dst(%arg7 : memref<80x272xf32, #tpu.memory_space<vmem>>)
    %dma_start3A_30 = arith.constant 0 : i32
    %dma_start3A_31 = tpu.memref_slice %arg6[%dma_start3A_30] : memref<10000xi32, #tpu.memory_space<vmem>> -> memref<80xi32, #tpu.memory_space<vmem>>
    %dma_start3A_32 = arith.constant 0 : i32
    %dma_start3A_33 = arith.constant 0 : i32
    %dma_start3A_34 = tpu.memref_slice %arg2[%dma_start3A_32, %dma_start3A_33] : memref<10000x272xf32, #tpu.memory_space<hbm>> -> memref<10000x272xf32, #tpu.memory_space<hbm>>
    tpu.enqueue_indirect_dma source(%dma_start3A_34 : memref<10000x272xf32, #tpu.memory_space<hbm>>) target(%arg7 : memref<80x272xf32, #tpu.memory_space<vmem>>) offsets(%dma_start3A_31 : memref<80xi32, #tpu.memory_space<vmem>>) semaphore(%arg17 : memref<!tpu.dma_semaphore, #tpu.memory_space<semaphore_mem>>) {add = true}
    %dma_wait3A_35 = arith.constant 0 : i32
    %dma_wait3A_36 = tpu.memref_slice %arg5[%dma_wait3A_35] : memref<10000xi32, #tpu.memory_space<vmem>> -> memref<80xi32, #tpu.memory_space<vmem>>
    %dma_wait3A_37 = arith.constant 0 : i32
    %dma_wait3A_38 = arith.constant 0 : i32
    %dma_wait3A_39 = tpu.memref_slice %arg2[%dma_wait3A_37, %dma_wait3A_38] : memref<10000x272xf32, #tpu.memory_space<hbm>> -> memref<10000x272xf32, #tpu.memory_space<hbm>>
    tpu.wait_indirect_dma semaphore(%arg15 : memref<!tpu.dma_semaphore, #tpu.memory_space<semaphore_mem>>) src(%dma_wait3A_39 : memref<10000x272xf32, #tpu.memory_space<hbm>>) dst(%arg8 : memref<80x272xf32, #tpu.memory_space<vmem>>)
    %dma_start3A_40 = arith.constant 80 : i32
    %dma_start3A_41 = tpu.memref_slice %arg6[%dma_start3A_40] : memref<10000xi32, #tpu.memory_space<vmem>> -> memref<80xi32, #tpu.memory_space<vmem>>
    %dma_start3A_42 = arith.constant 0 : i32
    %dma_start3A_43 = arith.constant 0 : i32
    %dma_start3A_44 = tpu.memref_slice %arg2[%dma_start3A_42, %dma_start3A_43] : memref<10000x272xf32, #tpu.memory_space<hbm>> -> memref<10000x272xf32, #tpu.memory_space<hbm>>
    tpu.enqueue_indirect_dma source(%dma_start3A_44 : memref<10000x272xf32, #tpu.memory_space<hbm>>) target(%arg8 : memref<80x272xf32, #tpu.memory_space<vmem>>) offsets(%dma_start3A_41 : memref<80xi32, #tpu.memory_space<vmem>>) semaphore(%arg18 : memref<!tpu.dma_semaphore, #tpu.memory_space<semaphore_mem>>) {add = true}
    %dma_wait3A_45 = arith.constant 0 : i32
    %dma_wait3A_46 = tpu.memref_slice %arg6[%dma_wait3A_45] : memref<10000xi32, #tpu.memory_space<vmem>> -> memref<80xi32, #tpu.memory_space<vmem>>
    %dma_wait3A_47 = arith.constant 0 : i32
    %dma_wait3A_48 = arith.constant 0 : i32
    %dma_wait3A_49 = tpu.memref_slice %arg2[%dma_wait3A_47, %dma_wait3A_48] : memref<10000x272xf32, #tpu.memory_space<hbm>> -> memref<10000x272xf32, #tpu.memory_space<hbm>>
    tpu.wait_indirect_dma semaphore(%arg17 : memref<!tpu.dma_semaphore, #tpu.memory_space<semaphore_mem>>) src(%dma_wait3A_49 : memref<10000x272xf32, #tpu.memory_space<hbm>>) dst(%arg7 : memref<80x272xf32, #tpu.memory_space<vmem>>)
    %iota3A = tpu.iota {dimensions = array<i32: 0>} : vector<16xi32>
    %scan3A = arith.constant 0 : i32
    %scan3A_50 = arith.constant 5 : i32
    %scan3A_51 = arith.addi %scan3A, %scan3A_50 : i32
    %scan3A_52 = arith.constant 1 : i32
    scf.for %scan3A_303 = %scan3A to %scan3A_51 step %scan3A_52  : i32 {
      %mul3A_304 = arith.constant 1 : i32
      %mul3A_305 = arith.muli %scan3A_303, %mul3A_304 : i32
      %add3A_306 = arith.constant 0 : i32
      %add3A_307 = arith.addi %add3A_306, %mul3A_305 : i32
      %scan3A_308 = arith.constant 0 : i32
      %scan3A_309 = arith.constant 16 : i32
      %scan3A_310 = arith.addi %scan3A_308, %scan3A_309 : i32
      %scan3A_311 = arith.constant 1 : i32
      scf.for %scan3A_390 = %scan3A_308 to %scan3A_310 step %scan3A_311  : i32 {
        %mul3A_391 = arith.constant 1 : i32
        %mul3A_392 = arith.muli %scan3A_390, %mul3A_391 : i32
        %add3A_393 = arith.constant 0 : i32
        %add3A_394 = arith.addi %add3A_393, %mul3A_392 : i32
        %mul3A_395 = arith.constant 16 : i32
        %mul3A_396 = arith.muli %add3A_307, %mul3A_395 : i32
        %add3A_397 = arith.addi %mul3A_396, %add3A_394 : i32
        %broadcast_in_dim3A_398 = arith.constant 0.000000e+00 : f32
        %broadcast_in_dim3A_399 = vector.broadcast %broadcast_in_dim3A_398 : f32 to vector<16xf32>
        %get3A = arith.index_cast %add3A_397 : i32 to index
        %get3A_400 = arith.constant 0 : index
        %get3A_401 = tpu.vector_load %arg7[%get3A, %get3A_400] {strides = array<i32>} : memref<80x272xf32, #tpu.memory_space<vmem>>, vector<16xf32>,
        %mul3A_402 = arith.mulf %get3A_401, %get3A_401 : vector<16xf32>
        %add3A_403 = arith.addf %broadcast_in_dim3A_399, %mul3A_402 : vector<16xf32>
        %get3A_404 = arith.index_cast %add3A_397 : i32 to index
        %get3A_405 = arith.constant 16 : index
        %get3A_406 = tpu.vector_load %arg7[%get3A_404, %get3A_405] {strides = array<i32>} : memref<80x272xf32, #tpu.memory_space<vmem>>, vector<16xf32>,
        %mul3A_407 = arith.mulf %get3A_406, %get3A_406 : vector<16xf32>
        %add3A_408 = arith.addf %add3A_403, %mul3A_407 : vector<16xf32>
        %get3A_409 = arith.index_cast %add3A_397 : i32 to index
        %get3A_410 = arith.constant 32 : index
        %get3A_411 = tpu.vector_load %arg7[%get3A_409, %get3A_410] {strides = array<i32>} : memref<80x272xf32, #tpu.memory_space<vmem>>, vector<16xf32>,
        %mul3A_412 = arith.mulf %get3A_411, %get3A_411 : vector<16xf32>
        %add3A_413 = arith.addf %add3A_408, %mul3A_412 : vector<16xf32>
        %get3A_414 = arith.index_cast %add3A_397 : i32 to index
        %get3A_415 = arith.constant 48 : index
        %get3A_416 = tpu.vector_load %arg7[%get3A_414, %get3A_415] {strides = array<i32>} : memref<80x272xf32, #tpu.memory_space<vmem>>, vector<16xf32>,
        %mul3A_417 = arith.mulf %get3A_416, %get3A_416 : vector<16xf32>
        %add3A_418 = arith.addf %add3A_413, %mul3A_417 : vector<16xf32>
        %get3A_419 = arith.index_cast %add3A_397 : i32 to index
        %get3A_420 = arith.constant 64 : index
        %get3A_421 = tpu.vector_load %arg7[%get3A_419, %get3A_420] {strides = array<i32>} : memref<80x272xf32, #tpu.memory_space<vmem>>, vector<16xf32>,
        %mul3A_422 = arith.mulf %get3A_421, %get3A_421 : vector<16xf32>
        %add3A_423 = arith.addf %add3A_418, %mul3A_422 : vector<16xf32>
        %get3A_424 = arith.index_cast %add3A_397 : i32 to index
        %get3A_425 = arith.constant 80 : index
        %get3A_426 = tpu.vector_load %arg7[%get3A_424, %get3A_425] {strides = array<i32>} : memref<80x272xf32, #tpu.memory_space<vmem>>, vector<16xf32>,
        %mul3A_427 = arith.mulf %get3A_426, %get3A_426 : vector<16xf32>
        %add3A_428 = arith.addf %add3A_423, %mul3A_427 : vector<16xf32>
        %get3A_429 = arith.index_cast %add3A_397 : i32 to index
        %get3A_430 = arith.constant 96 : index
        %get3A_431 = tpu.vector_load %arg7[%get3A_429, %get3A_430] {strides = array<i32>} : memref<80x272xf32, #tpu.memory_space<vmem>>, vector<16xf32>,
        %mul3A_432 = arith.mulf %get3A_431, %get3A_431 : vector<16xf32>
        %add3A_433 = arith.addf %add3A_428, %mul3A_432 : vector<16xf32>
        %get3A_434 = arith.index_cast %add3A_397 : i32 to index
        %get3A_435 = arith.constant 112 : index
        %get3A_436 = tpu.vector_load %arg7[%get3A_434, %get3A_435] {strides = array<i32>} : memref<80x272xf32, #tpu.memory_space<vmem>>, vector<16xf32>,
        %mul3A_437 = arith.mulf %get3A_436, %get3A_436 : vector<16xf32>
        %add3A_438 = arith.addf %add3A_433, %mul3A_437 : vector<16xf32>
        %get3A_439 = arith.index_cast %add3A_397 : i32 to index
        %get3A_440 = arith.constant 128 : index
        %get3A_441 = tpu.vector_load %arg7[%get3A_439, %get3A_440] {strides = array<i32>} : memref<80x272xf32, #tpu.memory_space<vmem>>, vector<16xf32>,
        %mul3A_442 = arith.mulf %get3A_441, %get3A_441 : vector<16xf32>
        %add3A_443 = arith.addf %add3A_438, %mul3A_442 : vector<16xf32>
        %get3A_444 = arith.index_cast %add3A_397 : i32 to index
        %get3A_445 = arith.constant 144 : index
        %get3A_446 = tpu.vector_load %arg7[%get3A_444, %get3A_445] {strides = array<i32>} : memref<80x272xf32, #tpu.memory_space<vmem>>, vector<16xf32>,
        %mul3A_447 = arith.mulf %get3A_446, %get3A_446 : vector<16xf32>
        %add3A_448 = arith.addf %add3A_443, %mul3A_447 : vector<16xf32>
        %get3A_449 = arith.index_cast %add3A_397 : i32 to index
        %get3A_450 = arith.constant 160 : index
        %get3A_451 = tpu.vector_load %arg7[%get3A_449, %get3A_450] {strides = array<i32>} : memref<80x272xf32, #tpu.memory_space<vmem>>, vector<16xf32>,
        %mul3A_452 = arith.mulf %get3A_451, %get3A_451 : vector<16xf32>
        %add3A_453 = arith.addf %add3A_448, %mul3A_452 : vector<16xf32>
        %get3A_454 = arith.index_cast %add3A_397 : i32 to index
        %get3A_455 = arith.constant 176 : index
        %get3A_456 = tpu.vector_load %arg7[%get3A_454, %get3A_455] {strides = array<i32>} : memref<80x272xf32, #tpu.memory_space<vmem>>, vector<16xf32>,
        %mul3A_457 = arith.mulf %get3A_456, %get3A_456 : vector<16xf32>
        %add3A_458 = arith.addf %add3A_453, %mul3A_457 : vector<16xf32>
        %get3A_459 = arith.index_cast %add3A_397 : i32 to index
        %get3A_460 = arith.constant 192 : index
        %get3A_461 = tpu.vector_load %arg7[%get3A_459, %get3A_460] {strides = array<i32>} : memref<80x272xf32, #tpu.memory_space<vmem>>, vector<16xf32>,
        %mul3A_462 = arith.mulf %get3A_461, %get3A_461 : vector<16xf32>
        %add3A_463 = arith.addf %add3A_458, %mul3A_462 : vector<16xf32>
        %get3A_464 = arith.index_cast %add3A_397 : i32 to index
        %get3A_465 = arith.constant 208 : index
        %get3A_466 = tpu.vector_load %arg7[%get3A_464, %get3A_465] {strides = array<i32>} : memref<80x272xf32, #tpu.memory_space<vmem>>, vector<16xf32>,
        %mul3A_467 = arith.mulf %get3A_466, %get3A_466 : vector<16xf32>
        %add3A_468 = arith.addf %add3A_463, %mul3A_467 : vector<16xf32>
        %get3A_469 = arith.index_cast %add3A_397 : i32 to index
        %get3A_470 = arith.constant 224 : index
        %get3A_471 = tpu.vector_load %arg7[%get3A_469, %get3A_470] {strides = array<i32>} : memref<80x272xf32, #tpu.memory_space<vmem>>, vector<16xf32>,
        %mul3A_472 = arith.mulf %get3A_471, %get3A_471 : vector<16xf32>
        %add3A_473 = arith.addf %add3A_468, %mul3A_472 : vector<16xf32>
        %get3A_474 = arith.index_cast %add3A_397 : i32 to index
        %get3A_475 = arith.constant 240 : index
        %get3A_476 = tpu.vector_load %arg7[%get3A_474, %get3A_475] {strides = array<i32>} : memref<80x272xf32, #tpu.memory_space<vmem>>, vector<16xf32>,
        %mul3A_477 = arith.mulf %get3A_476, %get3A_476 : vector<16xf32>
        %add3A_478 = arith.addf %add3A_473, %mul3A_477 : vector<16xf32>
        %swap3A_479 = arith.index_cast %add3A_394 : i32 to index
        %swap3A_480 = arith.constant 0 : index
        %swap3A_481 = tpu.vector_load %arg13[%swap3A_479, %swap3A_480] {strides = array<i32>} : memref<16x17xf32, #tpu.memory_space<vmem>>, vector<16xf32>,
        tpu.vector_store %arg13[%swap3A_479, %swap3A_480], %add3A_478 {strides = array<i32>} : memref<16x17xf32, #tpu.memory_space<vmem>>, vector<16xf32>,
      }
      %scan3A_312 = arith.constant 16 : i32
      %mul3A_313 = arith.constant 16 : i32
      %mul3A_314 = arith.muli %add3A_307, %mul3A_313 : i32
      %add3A_315 = vector.broadcast %mul3A_314 : i32 to vector<16xi32>
      %add3A_316 = arith.addi %iota3A, %add3A_315 : vector<16xi32>
      %broadcast_in_dim3A = arith.constant 256 : i32
      %broadcast_in_dim3A_317 = vector.broadcast %broadcast_in_dim3A : i32 to vector<16xi32>
      %gather3A = tpu.vector_load_idx %arg7[%add3A_316, %broadcast_in_dim3A_317] : memref<80x272xf32, #tpu.memory_space<vmem>>[vector<16xi32>, vector<16xi32>], vector<16xf32>,
      %broadcast_in_dim3A_318 = arith.constant 0.000000e+00 : f32
      %broadcast_in_dim3A_319 = vector.broadcast %broadcast_in_dim3A_318 : f32 to vector<16xf32>
      %broadcast_in_dim3A_320 = arith.constant 0 : i32
      %broadcast_in_dim3A_321 = vector.broadcast %broadcast_in_dim3A_320 : i32 to vector<16xi32>
      %gather3A_322 = tpu.vector_load_idx %arg13[%iota3A, %broadcast_in_dim3A_321] : memref<16x17xf32, #tpu.memory_space<vmem>>[vector<16xi32>, vector<16xi32>], vector<16xf32>,
      %add3A_323 = arith.addf %broadcast_in_dim3A_319, %gather3A_322 : vector<16xf32>
      %broadcast_in_dim3A_324 = arith.constant 1 : i32
      %broadcast_in_dim3A_325 = vector.broadcast %broadcast_in_dim3A_324 : i32 to vector<16xi32>
      %gather3A_326 = tpu.vector_load_idx %arg13[%iota3A, %broadcast_in_dim3A_325] : memref<16x17xf32, #tpu.memory_space<vmem>>[vector<16xi32>, vector<16xi32>], vector<16xf32>,
      %add3A_327 = arith.addf %add3A_323, %gather3A_326 : vector<16xf32>
      %broadcast_in_dim3A_328 = arith.constant 2 : i32
      %broadcast_in_dim3A_329 = vector.broadcast %broadcast_in_dim3A_328 : i32 to vector<16xi32>
      %gather3A_330 = tpu.vector_load_idx %arg13[%iota3A, %broadcast_in_dim3A_329] : memref<16x17xf32, #tpu.memory_space<vmem>>[vector<16xi32>, vector<16xi32>], vector<16xf32>,
      %add3A_331 = arith.addf %add3A_327, %gather3A_330 : vector<16xf32>
      %broadcast_in_dim3A_332 = arith.constant 3 : i32
      %broadcast_in_dim3A_333 = vector.broadcast %broadcast_in_dim3A_332 : i32 to vector<16xi32>
      %gather3A_334 = tpu.vector_load_idx %arg13[%iota3A, %broadcast_in_dim3A_333] : memref<16x17xf32, #tpu.memory_space<vmem>>[vector<16xi32>, vector<16xi32>], vector<16xf32>,
      %add3A_335 = arith.addf %add3A_331, %gather3A_334 : vector<16xf32>
      %broadcast_in_dim3A_336 = arith.constant 4 : i32
      %broadcast_in_dim3A_337 = vector.broadcast %broadcast_in_dim3A_336 : i32 to vector<16xi32>
      %gather3A_338 = tpu.vector_load_idx %arg13[%iota3A, %broadcast_in_dim3A_337] : memref<16x17xf32, #tpu.memory_space<vmem>>[vector<16xi32>, vector<16xi32>], vector<16xf32>,
      %add3A_339 = arith.addf %add3A_335, %gather3A_338 : vector<16xf32>
      %broadcast_in_dim3A_340 = arith.constant 5 : i32
      %broadcast_in_dim3A_341 = vector.broadcast %broadcast_in_dim3A_340 : i32 to vector<16xi32>
      %gather3A_342 = tpu.vector_load_idx %arg13[%iota3A, %broadcast_in_dim3A_341] : memref<16x17xf32, #tpu.memory_space<vmem>>[vector<16xi32>, vector<16xi32>], vector<16xf32>,
      %add3A_343 = arith.addf %add3A_339, %gather3A_342 : vector<16xf32>
      %broadcast_in_dim3A_344 = arith.constant 6 : i32
      %broadcast_in_dim3A_345 = vector.broadcast %broadcast_in_dim3A_344 : i32 to vector<16xi32>
      %gather3A_346 = tpu.vector_load_idx %arg13[%iota3A, %broadcast_in_dim3A_345] : memref<16x17xf32, #tpu.memory_space<vmem>>[vector<16xi32>, vector<16xi32>], vector<16xf32>,
      %add3A_347 = arith.addf %add3A_343, %gather3A_346 : vector<16xf32>
      %broadcast_in_dim3A_348 = arith.constant 7 : i32
      %broadcast_in_dim3A_349 = vector.broadcast %broadcast_in_dim3A_348 : i32 to vector<16xi32>
      %gather3A_350 = tpu.vector_load_idx %arg13[%iota3A, %broadcast_in_dim3A_349] : memref<16x17xf32, #tpu.memory_space<vmem>>[vector<16xi32>, vector<16xi32>], vector<16xf32>,
      %add3A_351 = arith.addf %add3A_347, %gather3A_350 : vector<16xf32>
      %broadcast_in_dim3A_352 = arith.constant 8 : i32
      %broadcast_in_dim3A_353 = vector.broadcast %broadcast_in_dim3A_352 : i32 to vector<16xi32>
      %gather3A_354 = tpu.vector_load_idx %arg13[%iota3A, %broadcast_in_dim3A_353] : memref<16x17xf32, #tpu.memory_space<vmem>>[vector<16xi32>, vector<16xi32>], vector<16xf32>,
      %add3A_355 = arith.addf %add3A_351, %gather3A_354 : vector<16xf32>
      %broadcast_in_dim3A_356 = arith.constant 9 : i32
      %broadcast_in_dim3A_357 = vector.broadcast %broadcast_in_dim3A_356 : i32 to vector<16xi32>
      %gather3A_358 = tpu.vector_load_idx %arg13[%iota3A, %broadcast_in_dim3A_357] : memref<16x17xf32, #tpu.memory_space<vmem>>[vector<16xi32>, vector<16xi32>], vector<16xf32>,
      %add3A_359 = arith.addf %add3A_355, %gather3A_358 : vector<16xf32>
      %broadcast_in_dim3A_360 = arith.constant 10 : i32
      %broadcast_in_dim3A_361 = vector.broadcast %broadcast_in_dim3A_360 : i32 to vector<16xi32>
      %gather3A_362 = tpu.vector_load_idx %arg13[%iota3A, %broadcast_in_dim3A_361] : memref<16x17xf32, #tpu.memory_space<vmem>>[vector<16xi32>, vector<16xi32>], vector<16xf32>,
      %add3A_363 = arith.addf %add3A_359, %gather3A_362 : vector<16xf32>
      %broadcast_in_dim3A_364 = arith.constant 11 : i32
      %broadcast_in_dim3A_365 = vector.broadcast %broadcast_in_dim3A_364 : i32 to vector<16xi32>
      %gather3A_366 = tpu.vector_load_idx %arg13[%iota3A, %broadcast_in_dim3A_365] : memref<16x17xf32, #tpu.memory_space<vmem>>[vector<16xi32>, vector<16xi32>], vector<16xf32>,
      %add3A_367 = arith.addf %add3A_363, %gather3A_366 : vector<16xf32>
      %broadcast_in_dim3A_368 = arith.constant 12 : i32
      %broadcast_in_dim3A_369 = vector.broadcast %broadcast_in_dim3A_368 : i32 to vector<16xi32>
      %gather3A_370 = tpu.vector_load_idx %arg13[%iota3A, %broadcast_in_dim3A_369] : memref<16x17xf32, #tpu.memory_space<vmem>>[vector<16xi32>, vector<16xi32>], vector<16xf32>,
      %add3A_371 = arith.addf %add3A_367, %gather3A_370 : vector<16xf32>
      %broadcast_in_dim3A_372 = arith.constant 13 : i32
      %broadcast_in_dim3A_373 = vector.broadcast %broadcast_in_dim3A_372 : i32 to vector<16xi32>
      %gather3A_374 = tpu.vector_load_idx %arg13[%iota3A, %broadcast_in_dim3A_373] : memref<16x17xf32, #tpu.memory_space<vmem>>[vector<16xi32>, vector<16xi32>], vector<16xf32>,
      %add3A_375 = arith.addf %add3A_371, %gather3A_374 : vector<16xf32>
      %broadcast_in_dim3A_376 = arith.constant 14 : i32
      %broadcast_in_dim3A_377 = vector.broadcast %broadcast_in_dim3A_376 : i32 to vector<16xi32>
      %gather3A_378 = tpu.vector_load_idx %arg13[%iota3A, %broadcast_in_dim3A_377] : memref<16x17xf32, #tpu.memory_space<vmem>>[vector<16xi32>, vector<16xi32>], vector<16xf32>,
      %add3A_379 = arith.addf %add3A_375, %gather3A_378 : vector<16xf32>
      %broadcast_in_dim3A_380 = arith.constant 15 : i32
      %broadcast_in_dim3A_381 = vector.broadcast %broadcast_in_dim3A_380 : i32 to vector<16xi32>
      %gather3A_382 = tpu.vector_load_idx %arg13[%iota3A, %broadcast_in_dim3A_381] : memref<16x17xf32, #tpu.memory_space<vmem>>[vector<16xi32>, vector<16xi32>], vector<16xf32>,
      %add3A_383 = arith.addf %add3A_379, %gather3A_382 : vector<16xf32>
      %sub3A = arith.subf %add3A_383, %gather3A : vector<16xf32>
      %mul3A_384 = arith.constant 5.000000e-01 : f32
      %mul3A_385 = vector.broadcast %mul3A_384 : f32 to vector<16xf32>
      %mul3A_386 = arith.mulf %sub3A, %mul3A_385 : vector<16xf32>
      %mul3A_387 = arith.constant 16 : i32
      %mul3A_388 = arith.muli %add3A_307, %mul3A_387 : i32
      %swap3A = arith.index_cast %mul3A_388 : i32 to index
      %swap3A_389 = tpu.vector_load %arg10[%swap3A] {strides = array<i32>} : memref<80xf32, #tpu.memory_space<vmem>>, vector<16xf32>,
      tpu.vector_store %arg10[%swap3A], %mul3A_386 {strides = array<i32>} : memref<80xf32, #tpu.memory_space<vmem>>, vector<16xf32>,
    }
    %scan3A_53 = arith.constant 5 : i32
    %mul3A_54 = arith.constant 160000 : i32
    %mul3A_55 = arith.muli %arg0, %mul3A_54 : i32
    %add3A_56 = arith.addi %mul3A_55, %mul3A_0 : i32
    %add3A_57 = arith.constant 0 : i32
    %add3A_58 = arith.addi %add3A_56, %add3A_57 : i32
    %dma_start3A_59 = tpu.memref_slice %arg4[%add3A_58] : memref<320000xf32, #tpu.memory_space<hbm>> -> memref<80xf32, #tpu.memory_space<hbm>>
    %dma_start3A_60 = tpu.memref_slice %arg4[%add3A_58] : memref<320000xf32, #tpu.memory_space<hbm>> -> memref<80xf32, #tpu.memory_space<hbm>>
    tpu.enqueue_dma source(%arg10 : memref<80xf32, #tpu.memory_space<vmem>>) target(%dma_start3A_60 : memref<80xf32, #tpu.memory_space<hbm>>) target_semaphore(%arg20 : memref<!tpu.dma_semaphore, #tpu.memory_space<semaphore_mem>>)
    %dma_start3A_61 = arith.constant 240 : i32
    %dma_start3A_62 = tpu.memref_slice %arg5[%dma_start3A_61] : memref<10000xi32, #tpu.memory_space<vmem>> -> memref<80xi32, #tpu.memory_space<vmem>>
    %dma_start3A_63 = arith.constant 0 : i32
    %dma_start3A_64 = arith.constant 0 : i32
    %dma_start3A_65 = tpu.memref_slice %arg2[%dma_start3A_63, %dma_start3A_64] : memref<10000x272xf32, #tpu.memory_space<hbm>> -> memref<10000x272xf32, #tpu.memory_space<hbm>>
    tpu.enqueue_indirect_dma source(%dma_start3A_65 : memref<10000x272xf32, #tpu.memory_space<hbm>>) target(%arg7 : memref<80x272xf32, #tpu.memory_space<vmem>>) offsets(%dma_start3A_62 : memref<80xi32, #tpu.memory_space<vmem>>) semaphore(%arg14 : memref<!tpu.dma_semaphore, #tpu.memory_space<semaphore_mem>>)
    %dma_wait3A_66 = arith.constant 0 : i32
    %dma_wait3A_67 = tpu.memref_slice %arg5[%dma_wait3A_66] : memref<10000xi32, #tpu.memory_space<vmem>> -> memref<80xi32, #tpu.memory_space<vmem>>
    %dma_wait3A_68 = arith.constant 0 : i32
    %dma_wait3A_69 = arith.constant 0 : i32
    %dma_wait3A_70 = tpu.memref_slice %arg2[%dma_wait3A_68, %dma_wait3A_69] : memref<10000x272xf32, #tpu.memory_space<hbm>> -> memref<10000x272xf32, #tpu.memory_space<hbm>>
    tpu.wait_indirect_dma semaphore(%arg16 : memref<!tpu.dma_semaphore, #tpu.memory_space<semaphore_mem>>) src(%dma_wait3A_70 : memref<10000x272xf32, #tpu.memory_space<hbm>>) dst(%arg9 : memref<80x272xf32, #tpu.memory_space<vmem>>)
    %dma_start3A_71 = arith.constant 160 : i32
    %dma_start3A_72 = tpu.memref_slice %arg6[%dma_start3A_71] : memref<10000xi32, #tpu.memory_space<vmem>> -> memref<80xi32, #tpu.memory_space<vmem>>
    %dma_start3A_73 = arith.constant 0 : i32
    %dma_start3A_74 = arith.constant 0 : i32
    %dma_start3A_75 = tpu.memref_slice %arg2[%dma_start3A_73, %dma_start3A_74] : memref<10000x272xf32, #tpu.memory_space<hbm>> -> memref<10000x272xf32, #tpu.memory_space<hbm>>
    tpu.enqueue_indirect_dma source(%dma_start3A_75 : memref<10000x272xf32, #tpu.memory_space<hbm>>) target(%arg9 : memref<80x272xf32, #tpu.memory_space<vmem>>) offsets(%dma_start3A_72 : memref<80xi32, #tpu.memory_space<vmem>>) semaphore(%arg19 : memref<!tpu.dma_semaphore, #tpu.memory_space<semaphore_mem>>) {add = true}
    %dma_wait3A_76 = arith.constant 0 : i32
    %dma_wait3A_77 = tpu.memref_slice %arg6[%dma_wait3A_76] : memref<10000xi32, #tpu.memory_space<vmem>> -> memref<80xi32, #tpu.memory_space<vmem>>
    %dma_wait3A_78 = arith.constant 0 : i32
    %dma_wait3A_79 = arith.constant 0 : i32
    %dma_wait3A_80 = tpu.memref_slice %arg2[%dma_wait3A_78, %dma_wait3A_79] : memref<10000x272xf32, #tpu.memory_space<hbm>> -> memref<10000x272xf32, #tpu.memory_space<hbm>>
    tpu.wait_indirect_dma semaphore(%arg18 : memref<!tpu.dma_semaphore, #tpu.memory_space<semaphore_mem>>) src(%dma_wait3A_80 : memref<10000x272xf32, #tpu.memory_space<hbm>>) dst(%arg8 : memref<80x272xf32, #tpu.memory_space<vmem>>)
    %iota3A_81 = tpu.iota {dimensions = array<i32: 0>} : vector<16xi32>
    %scan3A_82 = arith.constant 0 : i32
    %scan3A_83 = arith.constant 5 : i32
    %scan3A_84 = arith.addi %scan3A_82, %scan3A_83 : i32
    %scan3A_85 = arith.constant 1 : i32
    scf.for %scan3A_303 = %scan3A_82 to %scan3A_84 step %scan3A_85  : i32 {
      %mul3A_304 = arith.constant 1 : i32
      %mul3A_305 = arith.muli %scan3A_303, %mul3A_304 : i32
      %add3A_306 = arith.constant 0 : i32
      %add3A_307 = arith.addi %add3A_306, %mul3A_305 : i32
      %scan3A_308 = arith.constant 0 : i32
      %scan3A_309 = arith.constant 16 : i32
      %scan3A_310 = arith.addi %scan3A_308, %scan3A_309 : i32
      %scan3A_311 = arith.constant 1 : i32
      scf.for %scan3A_390 = %scan3A_308 to %scan3A_310 step %scan3A_311  : i32 {
        %mul3A_391 = arith.constant 1 : i32
        %mul3A_392 = arith.muli %scan3A_390, %mul3A_391 : i32
        %add3A_393 = arith.constant 0 : i32
        %add3A_394 = arith.addi %add3A_393, %mul3A_392 : i32
        %mul3A_395 = arith.constant 16 : i32
        %mul3A_396 = arith.muli %add3A_307, %mul3A_395 : i32
        %add3A_397 = arith.addi %mul3A_396, %add3A_394 : i32
        %broadcast_in_dim3A_398 = arith.constant 0.000000e+00 : f32
        %broadcast_in_dim3A_399 = vector.broadcast %broadcast_in_dim3A_398 : f32 to vector<16xf32>
        %get3A = arith.index_cast %add3A_397 : i32 to index
        %get3A_400 = arith.constant 0 : index
        %get3A_401 = tpu.vector_load %arg8[%get3A, %get3A_400] {strides = array<i32>} : memref<80x272xf32, #tpu.memory_space<vmem>>, vector<16xf32>,
        %mul3A_402 = arith.mulf %get3A_401, %get3A_401 : vector<16xf32>
        %add3A_403 = arith.addf %broadcast_in_dim3A_399, %mul3A_402 : vector<16xf32>
        %get3A_404 = arith.index_cast %add3A_397 : i32 to index
        %get3A_405 = arith.constant 16 : index
        %get3A_406 = tpu.vector_load %arg8[%get3A_404, %get3A_405] {strides = array<i32>} : memref<80x272xf32, #tpu.memory_space<vmem>>, vector<16xf32>,
        %mul3A_407 = arith.mulf %get3A_406, %get3A_406 : vector<16xf32>
        %add3A_408 = arith.addf %add3A_403, %mul3A_407 : vector<16xf32>
        %get3A_409 = arith.index_cast %add3A_397 : i32 to index
        %get3A_410 = arith.constant 32 : index
        %get3A_411 = tpu.vector_load %arg8[%get3A_409, %get3A_410] {strides = array<i32>} : memref<80x272xf32, #tpu.memory_space<vmem>>, vector<16xf32>,
        %mul3A_412 = arith.mulf %get3A_411, %get3A_411 : vector<16xf32>
        %add3A_413 = arith.addf %add3A_408, %mul3A_412 : vector<16xf32>
        %get3A_414 = arith.index_cast %add3A_397 : i32 to index
        %get3A_415 = arith.constant 48 : index
        %get3A_416 = tpu.vector_load %arg8[%get3A_414, %get3A_415] {strides = array<i32>} : memref<80x272xf32, #tpu.memory_space<vmem>>, vector<16xf32>,
        %mul3A_417 = arith.mulf %get3A_416, %get3A_416 : vector<16xf32>
        %add3A_418 = arith.addf %add3A_413, %mul3A_417 : vector<16xf32>
        %get3A_419 = arith.index_cast %add3A_397 : i32 to index
        %get3A_420 = arith.constant 64 : index
        %get3A_421 = tpu.vector_load %arg8[%get3A_419, %get3A_420] {strides = array<i32>} : memref<80x272xf32, #tpu.memory_space<vmem>>, vector<16xf32>,
        %mul3A_422 = arith.mulf %get3A_421, %get3A_421 : vector<16xf32>
        %add3A_423 = arith.addf %add3A_418, %mul3A_422 : vector<16xf32>
        %get3A_424 = arith.index_cast %add3A_397 : i32 to index
        %get3A_425 = arith.constant 80 : index
        %get3A_426 = tpu.vector_load %arg8[%get3A_424, %get3A_425] {strides = array<i32>} : memref<80x272xf32, #tpu.memory_space<vmem>>, vector<16xf32>,
        %mul3A_427 = arith.mulf %get3A_426, %get3A_426 : vector<16xf32>
        %add3A_428 = arith.addf %add3A_423, %mul3A_427 : vector<16xf32>
        %get3A_429 = arith.index_cast %add3A_397 : i32 to index
        %get3A_430 = arith.constant 96 : index
        %get3A_431 = tpu.vector_load %arg8[%get3A_429, %get3A_430] {strides = array<i32>} : memref<80x272xf32, #tpu.memory_space<vmem>>, vector<16xf32>,
        %mul3A_432 = arith.mulf %get3A_431, %get3A_431 : vector<16xf32>
        %add3A_433 = arith.addf %add3A_428, %mul3A_432 : vector<16xf32>
        %get3A_434 = arith.index_cast %add3A_397 : i32 to index
        %get3A_435 = arith.constant 112 : index
        %get3A_436 = tpu.vector_load %arg8[%get3A_434, %get3A_435] {strides = array<i32>} : memref<80x272xf32, #tpu.memory_space<vmem>>, vector<16xf32>,
        %mul3A_437 = arith.mulf %get3A_436, %get3A_436 : vector<16xf32>
        %add3A_438 = arith.addf %add3A_433, %mul3A_437 : vector<16xf32>
        %get3A_439 = arith.index_cast %add3A_397 : i32 to index
        %get3A_440 = arith.constant 128 : index
        %get3A_441 = tpu.vector_load %arg8[%get3A_439, %get3A_440] {strides = array<i32>} : memref<80x272xf32, #tpu.memory_space<vmem>>, vector<16xf32>,
        %mul3A_442 = arith.mulf %get3A_441, %get3A_441 : vector<16xf32>
        %add3A_443 = arith.addf %add3A_438, %mul3A_442 : vector<16xf32>
        %get3A_444 = arith.index_cast %add3A_397 : i32 to index
        %get3A_445 = arith.constant 144 : index
        %get3A_446 = tpu.vector_load %arg8[%get3A_444, %get3A_445] {strides = array<i32>} : memref<80x272xf32, #tpu.memory_space<vmem>>, vector<16xf32>,
        %mul3A_447 = arith.mulf %get3A_446, %get3A_446 : vector<16xf32>
        %add3A_448 = arith.addf %add3A_443, %mul3A_447 : vector<16xf32>
        %get3A_449 = arith.index_cast %add3A_397 : i32 to index
        %get3A_450 = arith.constant 160 : index
        %get3A_451 = tpu.vector_load %arg8[%get3A_449, %get3A_450] {strides = array<i32>} : memref<80x272xf32, #tpu.memory_space<vmem>>, vector<16xf32>,
        %mul3A_452 = arith.mulf %get3A_451, %get3A_451 : vector<16xf32>
        %add3A_453 = arith.addf %add3A_448, %mul3A_452 : vector<16xf32>
        %get3A_454 = arith.index_cast %add3A_397 : i32 to index
        %get3A_455 = arith.constant 176 : index
        %get3A_456 = tpu.vector_load %arg8[%get3A_454, %get3A_455] {strides = array<i32>} : memref<80x272xf32, #tpu.memory_space<vmem>>, vector<16xf32>,
        %mul3A_457 = arith.mulf %get3A_456, %get3A_456 : vector<16xf32>
        %add3A_458 = arith.addf %add3A_453, %mul3A_457 : vector<16xf32>
        %get3A_459 = arith.index_cast %add3A_397 : i32 to index
        %get3A_460 = arith.constant 192 : index
        %get3A_461 = tpu.vector_load %arg8[%get3A_459, %get3A_460] {strides = array<i32>} : memref<80x272xf32, #tpu.memory_space<vmem>>, vector<16xf32>,
        %mul3A_462 = arith.mulf %get3A_461, %get3A_461 : vector<16xf32>
        %add3A_463 = arith.addf %add3A_458, %mul3A_462 : vector<16xf32>
        %get3A_464 = arith.index_cast %add3A_397 : i32 to index
        %get3A_465 = arith.constant 208 : index
        %get3A_466 = tpu.vector_load %arg8[%get3A_464, %get3A_465] {strides = array<i32>} : memref<80x272xf32, #tpu.memory_space<vmem>>, vector<16xf32>,
        %mul3A_467 = arith.mulf %get3A_466, %get3A_466 : vector<16xf32>
        %add3A_468 = arith.addf %add3A_463, %mul3A_467 : vector<16xf32>
        %get3A_469 = arith.index_cast %add3A_397 : i32 to index
        %get3A_470 = arith.constant 224 : index
        %get3A_471 = tpu.vector_load %arg8[%get3A_469, %get3A_470] {strides = array<i32>} : memref<80x272xf32, #tpu.memory_space<vmem>>, vector<16xf32>,
        %mul3A_472 = arith.mulf %get3A_471, %get3A_471 : vector<16xf32>
        %add3A_473 = arith.addf %add3A_468, %mul3A_472 : vector<16xf32>
        %get3A_474 = arith.index_cast %add3A_397 : i32 to index
        %get3A_475 = arith.constant 240 : index
        %get3A_476 = tpu.vector_load %arg8[%get3A_474, %get3A_475] {strides = array<i32>} : memref<80x272xf32, #tpu.memory_space<vmem>>, vector<16xf32>,
        %mul3A_477 = arith.mulf %get3A_476, %get3A_476 : vector<16xf32>
        %add3A_478 = arith.addf %add3A_473, %mul3A_477 : vector<16xf32>
        %swap3A_479 = arith.index_cast %add3A_394 : i32 to index
        %swap3A_480 = arith.constant 0 : index
        %swap3A_481 = tpu.vector_load %arg13[%swap3A_479, %swap3A_480] {strides = array<i32>} : memref<16x17xf32, #tpu.memory_space<vmem>>, vector<16xf32>,
        tpu.vector_store %arg13[%swap3A_479, %swap3A_480], %add3A_478 {strides = array<i32>} : memref<16x17xf32, #tpu.memory_space<vmem>>, vector<16xf32>,
      }
      %scan3A_312 = arith.constant 16 : i32
      %mul3A_313 = arith.constant 16 : i32
      %mul3A_314 = arith.muli %add3A_307, %mul3A_313 : i32
      %add3A_315 = vector.broadcast %mul3A_314 : i32 to vector<16xi32>
      %add3A_316 = arith.addi %iota3A_81, %add3A_315 : vector<16xi32>
      %broadcast_in_dim3A = arith.constant 256 : i32
      %broadcast_in_dim3A_317 = vector.broadcast %broadcast_in_dim3A : i32 to vector<16xi32>
      %gather3A = tpu.vector_load_idx %arg8[%add3A_316, %broadcast_in_dim3A_317] : memref<80x272xf32, #tpu.memory_space<vmem>>[vector<16xi32>, vector<16xi32>], vector<16xf32>,
      %broadcast_in_dim3A_318 = arith.constant 0.000000e+00 : f32
      %broadcast_in_dim3A_319 = vector.broadcast %broadcast_in_dim3A_318 : f32 to vector<16xf32>
      %broadcast_in_dim3A_320 = arith.constant 0 : i32
      %broadcast_in_dim3A_321 = vector.broadcast %broadcast_in_dim3A_320 : i32 to vector<16xi32>
      %gather3A_322 = tpu.vector_load_idx %arg13[%iota3A_81, %broadcast_in_dim3A_321] : memref<16x17xf32, #tpu.memory_space<vmem>>[vector<16xi32>, vector<16xi32>], vector<16xf32>,
      %add3A_323 = arith.addf %broadcast_in_dim3A_319, %gather3A_322 : vector<16xf32>
      %broadcast_in_dim3A_324 = arith.constant 1 : i32
      %broadcast_in_dim3A_325 = vector.broadcast %broadcast_in_dim3A_324 : i32 to vector<16xi32>
      %gather3A_326 = tpu.vector_load_idx %arg13[%iota3A_81, %broadcast_in_dim3A_325] : memref<16x17xf32, #tpu.memory_space<vmem>>[vector<16xi32>, vector<16xi32>], vector<16xf32>,
      %add3A_327 = arith.addf %add3A_323, %gather3A_326 : vector<16xf32>
      %broadcast_in_dim3A_328 = arith.constant 2 : i32
      %broadcast_in_dim3A_329 = vector.broadcast %broadcast_in_dim3A_328 : i32 to vector<16xi32>
      %gather3A_330 = tpu.vector_load_idx %arg13[%iota3A_81, %broadcast_in_dim3A_329] : memref<16x17xf32, #tpu.memory_space<vmem>>[vector<16xi32>, vector<16xi32>], vector<16xf32>,
      %add3A_331 = arith.addf %add3A_327, %gather3A_330 : vector<16xf32>
      %broadcast_in_dim3A_332 = arith.constant 3 : i32
      %broadcast_in_dim3A_333 = vector.broadcast %broadcast_in_dim3A_332 : i32 to vector<16xi32>
      %gather3A_334 = tpu.vector_load_idx %arg13[%iota3A_81, %broadcast_in_dim3A_333] : memref<16x17xf32, #tpu.memory_space<vmem>>[vector<16xi32>, vector<16xi32>], vector<16xf32>,
      %add3A_335 = arith.addf %add3A_331, %gather3A_334 : vector<16xf32>
      %broadcast_in_dim3A_336 = arith.constant 4 : i32
      %broadcast_in_dim3A_337 = vector.broadcast %broadcast_in_dim3A_336 : i32 to vector<16xi32>
      %gather3A_338 = tpu.vector_load_idx %arg13[%iota3A_81, %broadcast_in_dim3A_337] : memref<16x17xf32, #tpu.memory_space<vmem>>[vector<16xi32>, vector<16xi32>], vector<16xf32>,
      %add3A_339 = arith.addf %add3A_335, %gather3A_338 : vector<16xf32>
      %broadcast_in_dim3A_340 = arith.constant 5 : i32
      %broadcast_in_dim3A_341 = vector.broadcast %broadcast_in_dim3A_340 : i32 to vector<16xi32>
      %gather3A_342 = tpu.vector_load_idx %arg13[%iota3A_81, %broadcast_in_dim3A_341] : memref<16x17xf32, #tpu.memory_space<vmem>>[vector<16xi32>, vector<16xi32>], vector<16xf32>,
      %add3A_343 = arith.addf %add3A_339, %gather3A_342 : vector<16xf32>
      %broadcast_in_dim3A_344 = arith.constant 6 : i32
      %broadcast_in_dim3A_345 = vector.broadcast %broadcast_in_dim3A_344 : i32 to vector<16xi32>
      %gather3A_346 = tpu.vector_load_idx %arg13[%iota3A_81, %broadcast_in_dim3A_345] : memref<16x17xf32, #tpu.memory_space<vmem>>[vector<16xi32>, vector<16xi32>], vector<16xf32>,
      %add3A_347 = arith.addf %add3A_343, %gather3A_346 : vector<16xf32>
      %broadcast_in_dim3A_348 = arith.constant 7 : i32
      %broadcast_in_dim3A_349 = vector.broadcast %broadcast_in_dim3A_348 : i32 to vector<16xi32>
      %gather3A_350 = tpu.vector_load_idx %arg13[%iota3A_81, %broadcast_in_dim3A_349] : memref<16x17xf32, #tpu.memory_space<vmem>>[vector<16xi32>, vector<16xi32>], vector<16xf32>,
      %add3A_351 = arith.addf %add3A_347, %gather3A_350 : vector<16xf32>
      %broadcast_in_dim3A_352 = arith.constant 8 : i32
      %broadcast_in_dim3A_353 = vector.broadcast %broadcast_in_dim3A_352 : i32 to vector<16xi32>
      %gather3A_354 = tpu.vector_load_idx %arg13[%iota3A_81, %broadcast_in_dim3A_353] : memref<16x17xf32, #tpu.memory_space<vmem>>[vector<16xi32>, vector<16xi32>], vector<16xf32>,
      %add3A_355 = arith.addf %add3A_351, %gather3A_354 : vector<16xf32>
      %broadcast_in_dim3A_356 = arith.constant 9 : i32
      %broadcast_in_dim3A_357 = vector.broadcast %broadcast_in_dim3A_356 : i32 to vector<16xi32>
      %gather3A_358 = tpu.vector_load_idx %arg13[%iota3A_81, %broadcast_in_dim3A_357] : memref<16x17xf32, #tpu.memory_space<vmem>>[vector<16xi32>, vector<16xi32>], vector<16xf32>,
      %add3A_359 = arith.addf %add3A_355, %gather3A_358 : vector<16xf32>
      %broadcast_in_dim3A_360 = arith.constant 10 : i32
      %broadcast_in_dim3A_361 = vector.broadcast %broadcast_in_dim3A_360 : i32 to vector<16xi32>
      %gather3A_362 = tpu.vector_load_idx %arg13[%iota3A_81, %broadcast_in_dim3A_361] : memref<16x17xf32, #tpu.memory_space<vmem>>[vector<16xi32>, vector<16xi32>], vector<16xf32>,
      %add3A_363 = arith.addf %add3A_359, %gather3A_362 : vector<16xf32>
      %broadcast_in_dim3A_364 = arith.constant 11 : i32
      %broadcast_in_dim3A_365 = vector.broadcast %broadcast_in_dim3A_364 : i32 to vector<16xi32>
      %gather3A_366 = tpu.vector_load_idx %arg13[%iota3A_81, %broadcast_in_dim3A_365] : memref<16x17xf32, #tpu.memory_space<vmem>>[vector<16xi32>, vector<16xi32>], vector<16xf32>,
      %add3A_367 = arith.addf %add3A_363, %gather3A_366 : vector<16xf32>
      %broadcast_in_dim3A_368 = arith.constant 12 : i32
      %broadcast_in_dim3A_369 = vector.broadcast %broadcast_in_dim3A_368 : i32 to vector<16xi32>
      %gather3A_370 = tpu.vector_load_idx %arg13[%iota3A_81, %broadcast_in_dim3A_369] : memref<16x17xf32, #tpu.memory_space<vmem>>[vector<16xi32>, vector<16xi32>], vector<16xf32>,
      %add3A_371 = arith.addf %add3A_367, %gather3A_370 : vector<16xf32>
      %broadcast_in_dim3A_372 = arith.constant 13 : i32
      %broadcast_in_dim3A_373 = vector.broadcast %broadcast_in_dim3A_372 : i32 to vector<16xi32>
      %gather3A_374 = tpu.vector_load_idx %arg13[%iota3A_81, %broadcast_in_dim3A_373] : memref<16x17xf32, #tpu.memory_space<vmem>>[vector<16xi32>, vector<16xi32>], vector<16xf32>,
      %add3A_375 = arith.addf %add3A_371, %gather3A_374 : vector<16xf32>
      %broadcast_in_dim3A_376 = arith.constant 14 : i32
      %broadcast_in_dim3A_377 = vector.broadcast %broadcast_in_dim3A_376 : i32 to vector<16xi32>
      %gather3A_378 = tpu.vector_load_idx %arg13[%iota3A_81, %broadcast_in_dim3A_377] : memref<16x17xf32, #tpu.memory_space<vmem>>[vector<16xi32>, vector<16xi32>], vector<16xf32>,
      %add3A_379 = arith.addf %add3A_375, %gather3A_378 : vector<16xf32>
      %broadcast_in_dim3A_380 = arith.constant 15 : i32
      %broadcast_in_dim3A_381 = vector.broadcast %broadcast_in_dim3A_380 : i32 to vector<16xi32>
      %gather3A_382 = tpu.vector_load_idx %arg13[%iota3A_81, %broadcast_in_dim3A_381] : memref<16x17xf32, #tpu.memory_space<vmem>>[vector<16xi32>, vector<16xi32>], vector<16xf32>,
      %add3A_383 = arith.addf %add3A_379, %gather3A_382 : vector<16xf32>
      %sub3A = arith.subf %add3A_383, %gather3A : vector<16xf32>
      %mul3A_384 = arith.constant 5.000000e-01 : f32
      %mul3A_385 = vector.broadcast %mul3A_384 : f32 to vector<16xf32>
      %mul3A_386 = arith.mulf %sub3A, %mul3A_385 : vector<16xf32>
      %mul3A_387 = arith.constant 16 : i32
      %mul3A_388 = arith.muli %add3A_307, %mul3A_387 : i32
      %swap3A = arith.index_cast %mul3A_388 : i32 to index
      %swap3A_389 = tpu.vector_load %arg11[%swap3A] {strides = array<i32>} : memref<80xf32, #tpu.memory_space<vmem>>, vector<16xf32>,
      tpu.vector_store %arg11[%swap3A], %mul3A_386 {strides = array<i32>} : memref<80xf32, #tpu.memory_space<vmem>>, vector<16xf32>,
    }
    %scan3A_86 = arith.constant 5 : i32
    %mul3A_87 = arith.constant 160000 : i32
    %mul3A_88 = arith.muli %arg0, %mul3A_87 : i32
    %add3A_89 = arith.addi %mul3A_88, %mul3A_0 : i32
    %add3A_90 = arith.constant 80 : i32
    %add3A_91 = arith.addi %add3A_89, %add3A_90 : i32
    %dma_start3A_92 = tpu.memref_slice %arg4[%add3A_91] : memref<320000xf32, #tpu.memory_space<hbm>> -> memref<80xf32, #tpu.memory_space<hbm>>
    %dma_start3A_93 = tpu.memref_slice %arg4[%add3A_91] : memref<320000xf32, #tpu.memory_space<hbm>> -> memref<80xf32, #tpu.memory_space<hbm>>
    tpu.enqueue_dma source(%arg11 : memref<80xf32, #tpu.memory_space<vmem>>) target(%dma_start3A_93 : memref<80xf32, #tpu.memory_space<hbm>>) target_semaphore(%arg21 : memref<!tpu.dma_semaphore, #tpu.memory_space<semaphore_mem>>)
    %dma_start3A_94 = arith.constant 320 : i32
    %dma_start3A_95 = tpu.memref_slice %arg5[%dma_start3A_94] : memref<10000xi32, #tpu.memory_space<vmem>> -> memref<80xi32, #tpu.memory_space<vmem>>
    %dma_start3A_96 = arith.constant 0 : i32
    %dma_start3A_97 = arith.constant 0 : i32
    %dma_start3A_98 = tpu.memref_slice %arg2[%dma_start3A_96, %dma_start3A_97] : memref<10000x272xf32, #tpu.memory_space<hbm>> -> memref<10000x272xf32, #tpu.memory_space<hbm>>
    tpu.enqueue_indirect_dma source(%dma_start3A_98 : memref<10000x272xf32, #tpu.memory_space<hbm>>) target(%arg8 : memref<80x272xf32, #tpu.memory_space<vmem>>) offsets(%dma_start3A_95 : memref<80xi32, #tpu.memory_space<vmem>>) semaphore(%arg15 : memref<!tpu.dma_semaphore, #tpu.memory_space<semaphore_mem>>)
    %dma_wait3A_99 = arith.constant 0 : i32
    %dma_wait3A_100 = tpu.memref_slice %arg5[%dma_wait3A_99] : memref<10000xi32, #tpu.memory_space<vmem>> -> memref<80xi32, #tpu.memory_space<vmem>>
    %dma_wait3A_101 = arith.constant 0 : i32
    %dma_wait3A_102 = arith.constant 0 : i32
    %dma_wait3A_103 = tpu.memref_slice %arg2[%dma_wait3A_101, %dma_wait3A_102] : memref<10000x272xf32, #tpu.memory_space<hbm>> -> memref<10000x272xf32, #tpu.memory_space<hbm>>
    tpu.wait_indirect_dma semaphore(%arg14 : memref<!tpu.dma_semaphore, #tpu.memory_space<semaphore_mem>>) src(%dma_wait3A_103 : memref<10000x272xf32, #tpu.memory_space<hbm>>) dst(%arg7 : memref<80x272xf32, #tpu.memory_space<vmem>>)
    %dma_start3A_104 = arith.constant 240 : i32
    %dma_start3A_105 = tpu.memref_slice %arg6[%dma_start3A_104] : memref<10000xi32, #tpu.memory_space<vmem>> -> memref<80xi32, #tpu.memory_space<vmem>>
    %dma_start3A_106 = arith.constant 0 : i32
    %dma_start3A_107 = arith.constant 0 : i32
    %dma_start3A_108 = tpu.memref_slice %arg2[%dma_start3A_106, %dma_start3A_107] : memref<10000x272xf32, #tpu.memory_space<hbm>> -> memref<10000x272xf32, #tpu.memory_space<hbm>>
    tpu.enqueue_indirect_dma source(%dma_start3A_108 : memref<10000x272xf32, #tpu.memory_space<hbm>>) target(%arg7 : memref<80x272xf32, #tpu.memory_space<vmem>>) offsets(%dma_start3A_105 : memref<80xi32, #tpu.memory_space<vmem>>) semaphore(%arg17 : memref<!tpu.dma_semaphore, #tpu.memory_space<semaphore_mem>>) {add = true}
    %dma_wait3A_109 = arith.constant 0 : i32
    %dma_wait3A_110 = tpu.memref_slice %arg6[%dma_wait3A_109] : memref<10000xi32, #tpu.memory_space<vmem>> -> memref<80xi32, #tpu.memory_space<vmem>>
    %dma_wait3A_111 = arith.constant 0 : i32
    %dma_wait3A_112 = arith.constant 0 : i32
    %dma_wait3A_113 = tpu.memref_slice %arg2[%dma_wait3A_111, %dma_wait3A_112] : memref<10000x272xf32, #tpu.memory_space<hbm>> -> memref<10000x272xf32, #tpu.memory_space<hbm>>
    tpu.wait_indirect_dma semaphore(%arg19 : memref<!tpu.dma_semaphore, #tpu.memory_space<semaphore_mem>>) src(%dma_wait3A_113 : memref<10000x272xf32, #tpu.memory_space<hbm>>) dst(%arg9 : memref<80x272xf32, #tpu.memory_space<vmem>>)
    %iota3A_114 = tpu.iota {dimensions = array<i32: 0>} : vector<16xi32>
    %scan3A_115 = arith.constant 0 : i32
    %scan3A_116 = arith.constant 5 : i32
    %scan3A_117 = arith.addi %scan3A_115, %scan3A_116 : i32
    %scan3A_118 = arith.constant 1 : i32
    scf.for %scan3A_303 = %scan3A_115 to %scan3A_117 step %scan3A_118  : i32 {
      %mul3A_304 = arith.constant 1 : i32
      %mul3A_305 = arith.muli %scan3A_303, %mul3A_304 : i32
      %add3A_306 = arith.constant 0 : i32
      %add3A_307 = arith.addi %add3A_306, %mul3A_305 : i32
      %scan3A_308 = arith.constant 0 : i32
      %scan3A_309 = arith.constant 16 : i32
      %scan3A_310 = arith.addi %scan3A_308, %scan3A_309 : i32
      %scan3A_311 = arith.constant 1 : i32
      scf.for %scan3A_390 = %scan3A_308 to %scan3A_310 step %scan3A_311  : i32 {
        %mul3A_391 = arith.constant 1 : i32
        %mul3A_392 = arith.muli %scan3A_390, %mul3A_391 : i32
        %add3A_393 = arith.constant 0 : i32
        %add3A_394 = arith.addi %add3A_393, %mul3A_392 : i32
        %mul3A_395 = arith.constant 16 : i32
        %mul3A_396 = arith.muli %add3A_307, %mul3A_395 : i32
        %add3A_397 = arith.addi %mul3A_396, %add3A_394 : i32
        %broadcast_in_dim3A_398 = arith.constant 0.000000e+00 : f32
        %broadcast_in_dim3A_399 = vector.broadcast %broadcast_in_dim3A_398 : f32 to vector<16xf32>
        %get3A = arith.index_cast %add3A_397 : i32 to index
        %get3A_400 = arith.constant 0 : index
        %get3A_401 = tpu.vector_load %arg9[%get3A, %get3A_400] {strides = array<i32>} : memref<80x272xf32, #tpu.memory_space<vmem>>, vector<16xf32>,
        %mul3A_402 = arith.mulf %get3A_401, %get3A_401 : vector<16xf32>
        %add3A_403 = arith.addf %broadcast_in_dim3A_399, %mul3A_402 : vector<16xf32>
        %get3A_404 = arith.index_cast %add3A_397 : i32 to index
        %get3A_405 = arith.constant 16 : index
        %get3A_406 = tpu.vector_load %arg9[%get3A_404, %get3A_405] {strides = array<i32>} : memref<80x272xf32, #tpu.memory_space<vmem>>, vector<16xf32>,
        %mul3A_407 = arith.mulf %get3A_406, %get3A_406 : vector<16xf32>
        %add3A_408 = arith.addf %add3A_403, %mul3A_407 : vector<16xf32>
        %get3A_409 = arith.index_cast %add3A_397 : i32 to index
        %get3A_410 = arith.constant 32 : index
        %get3A_411 = tpu.vector_load %arg9[%get3A_409, %get3A_410] {strides = array<i32>} : memref<80x272xf32, #tpu.memory_space<vmem>>, vector<16xf32>,
        %mul3A_412 = arith.mulf %get3A_411, %get3A_411 : vector<16xf32>
        %add3A_413 = arith.addf %add3A_408, %mul3A_412 : vector<16xf32>
        %get3A_414 = arith.index_cast %add3A_397 : i32 to index
        %get3A_415 = arith.constant 48 : index
        %get3A_416 = tpu.vector_load %arg9[%get3A_414, %get3A_415] {strides = array<i32>} : memref<80x272xf32, #tpu.memory_space<vmem>>, vector<16xf32>,
        %mul3A_417 = arith.mulf %get3A_416, %get3A_416 : vector<16xf32>
        %add3A_418 = arith.addf %add3A_413, %mul3A_417 : vector<16xf32>
        %get3A_419 = arith.index_cast %add3A_397 : i32 to index
        %get3A_420 = arith.constant 64 : index
        %get3A_421 = tpu.vector_load %arg9[%get3A_419, %get3A_420] {strides = array<i32>} : memref<80x272xf32, #tpu.memory_space<vmem>>, vector<16xf32>,
        %mul3A_422 = arith.mulf %get3A_421, %get3A_421 : vector<16xf32>
        %add3A_423 = arith.addf %add3A_418, %mul3A_422 : vector<16xf32>
        %get3A_424 = arith.index_cast %add3A_397 : i32 to index
        %get3A_425 = arith.constant 80 : index
        %get3A_426 = tpu.vector_load %arg9[%get3A_424, %get3A_425] {strides = array<i32>} : memref<80x272xf32, #tpu.memory_space<vmem>>, vector<16xf32>,
        %mul3A_427 = arith.mulf %get3A_426, %get3A_426 : vector<16xf32>
        %add3A_428 = arith.addf %add3A_423, %mul3A_427 : vector<16xf32>
        %get3A_429 = arith.index_cast %add3A_397 : i32 to index
        %get3A_430 = arith.constant 96 : index
        %get3A_431 = tpu.vector_load %arg9[%get3A_429, %get3A_430] {strides = array<i32>} : memref<80x272xf32, #tpu.memory_space<vmem>>, vector<16xf32>,
        %mul3A_432 = arith.mulf %get3A_431, %get3A_431 : vector<16xf32>
        %add3A_433 = arith.addf %add3A_428, %mul3A_432 : vector<16xf32>
        %get3A_434 = arith.index_cast %add3A_397 : i32 to index
        %get3A_435 = arith.constant 112 : index
        %get3A_436 = tpu.vector_load %arg9[%get3A_434, %get3A_435] {strides = array<i32>} : memref<80x272xf32, #tpu.memory_space<vmem>>, vector<16xf32>,
        %mul3A_437 = arith.mulf %get3A_436, %get3A_436 : vector<16xf32>
        %add3A_438 = arith.addf %add3A_433, %mul3A_437 : vector<16xf32>
        %get3A_439 = arith.index_cast %add3A_397 : i32 to index
        %get3A_440 = arith.constant 128 : index
        %get3A_441 = tpu.vector_load %arg9[%get3A_439, %get3A_440] {strides = array<i32>} : memref<80x272xf32, #tpu.memory_space<vmem>>, vector<16xf32>,
        %mul3A_442 = arith.mulf %get3A_441, %get3A_441 : vector<16xf32>
        %add3A_443 = arith.addf %add3A_438, %mul3A_442 : vector<16xf32>
        %get3A_444 = arith.index_cast %add3A_397 : i32 to index
        %get3A_445 = arith.constant 144 : index
        %get3A_446 = tpu.vector_load %arg9[%get3A_444, %get3A_445] {strides = array<i32>} : memref<80x272xf32, #tpu.memory_space<vmem>>, vector<16xf32>,
        %mul3A_447 = arith.mulf %get3A_446, %get3A_446 : vector<16xf32>
        %add3A_448 = arith.addf %add3A_443, %mul3A_447 : vector<16xf32>
        %get3A_449 = arith.index_cast %add3A_397 : i32 to index
        %get3A_450 = arith.constant 160 : index
        %get3A_451 = tpu.vector_load %arg9[%get3A_449, %get3A_450] {strides = array<i32>} : memref<80x272xf32, #tpu.memory_space<vmem>>, vector<16xf32>,
        %mul3A_452 = arith.mulf %get3A_451, %get3A_451 : vector<16xf32>
        %add3A_453 = arith.addf %add3A_448, %mul3A_452 : vector<16xf32>
        %get3A_454 = arith.index_cast %add3A_397 : i32 to index
        %get3A_455 = arith.constant 176 : index
        %get3A_456 = tpu.vector_load %arg9[%get3A_454, %get3A_455] {strides = array<i32>} : memref<80x272xf32, #tpu.memory_space<vmem>>, vector<16xf32>,
        %mul3A_457 = arith.mulf %get3A_456, %get3A_456 : vector<16xf32>
        %add3A_458 = arith.addf %add3A_453, %mul3A_457 : vector<16xf32>
        %get3A_459 = arith.index_cast %add3A_397 : i32 to index
        %get3A_460 = arith.constant 192 : index
        %get3A_461 = tpu.vector_load %arg9[%get3A_459, %get3A_460] {strides = array<i32>} : memref<80x272xf32, #tpu.memory_space<vmem>>, vector<16xf32>,
        %mul3A_462 = arith.mulf %get3A_461, %get3A_461 : vector<16xf32>
        %add3A_463 = arith.addf %add3A_458, %mul3A_462 : vector<16xf32>
        %get3A_464 = arith.index_cast %add3A_397 : i32 to index
        %get3A_465 = arith.constant 208 : index
        %get3A_466 = tpu.vector_load %arg9[%get3A_464, %get3A_465] {strides = array<i32>} : memref<80x272xf32, #tpu.memory_space<vmem>>, vector<16xf32>,
        %mul3A_467 = arith.mulf %get3A_466, %get3A_466 : vector<16xf32>
        %add3A_468 = arith.addf %add3A_463, %mul3A_467 : vector<16xf32>
        %get3A_469 = arith.index_cast %add3A_397 : i32 to index
        %get3A_470 = arith.constant 224 : index
        %get3A_471 = tpu.vector_load %arg9[%get3A_469, %get3A_470] {strides = array<i32>} : memref<80x272xf32, #tpu.memory_space<vmem>>, vector<16xf32>,
        %mul3A_472 = arith.mulf %get3A_471, %get3A_471 : vector<16xf32>
        %add3A_473 = arith.addf %add3A_468, %mul3A_472 : vector<16xf32>
        %get3A_474 = arith.index_cast %add3A_397 : i32 to index
        %get3A_475 = arith.constant 240 : index
        %get3A_476 = tpu.vector_load %arg9[%get3A_474, %get3A_475] {strides = array<i32>} : memref<80x272xf32, #tpu.memory_space<vmem>>, vector<16xf32>,
        %mul3A_477 = arith.mulf %get3A_476, %get3A_476 : vector<16xf32>
        %add3A_478 = arith.addf %add3A_473, %mul3A_477 : vector<16xf32>
        %swap3A_479 = arith.index_cast %add3A_394 : i32 to index
        %swap3A_480 = arith.constant 0 : index
        %swap3A_481 = tpu.vector_load %arg13[%swap3A_479, %swap3A_480] {strides = array<i32>} : memref<16x17xf32, #tpu.memory_space<vmem>>, vector<16xf32>,
        tpu.vector_store %arg13[%swap3A_479, %swap3A_480], %add3A_478 {strides = array<i32>} : memref<16x17xf32, #tpu.memory_space<vmem>>, vector<16xf32>,
      }
      %scan3A_312 = arith.constant 16 : i32
      %mul3A_313 = arith.constant 16 : i32
      %mul3A_314 = arith.muli %add3A_307, %mul3A_313 : i32
      %add3A_315 = vector.broadcast %mul3A_314 : i32 to vector<16xi32>
      %add3A_316 = arith.addi %iota3A_114, %add3A_315 : vector<16xi32>
      %broadcast_in_dim3A = arith.constant 256 : i32
      %broadcast_in_dim3A_317 = vector.broadcast %broadcast_in_dim3A : i32 to vector<16xi32>
      %gather3A = tpu.vector_load_idx %arg9[%add3A_316, %broadcast_in_dim3A_317] : memref<80x272xf32, #tpu.memory_space<vmem>>[vector<16xi32>, vector<16xi32>], vector<16xf32>,
      %broadcast_in_dim3A_318 = arith.constant 0.000000e+00 : f32
      %broadcast_in_dim3A_319 = vector.broadcast %broadcast_in_dim3A_318 : f32 to vector<16xf32>
      %broadcast_in_dim3A_320 = arith.constant 0 : i32
      %broadcast_in_dim3A_321 = vector.broadcast %broadcast_in_dim3A_320 : i32 to vector<16xi32>
      %gather3A_322 = tpu.vector_load_idx %arg13[%iota3A_114, %broadcast_in_dim3A_321] : memref<16x17xf32, #tpu.memory_space<vmem>>[vector<16xi32>, vector<16xi32>], vector<16xf32>,
      %add3A_323 = arith.addf %broadcast_in_dim3A_319, %gather3A_322 : vector<16xf32>
      %broadcast_in_dim3A_324 = arith.constant 1 : i32
      %broadcast_in_dim3A_325 = vector.broadcast %broadcast_in_dim3A_324 : i32 to vector<16xi32>
      %gather3A_326 = tpu.vector_load_idx %arg13[%iota3A_114, %broadcast_in_dim3A_325] : memref<16x17xf32, #tpu.memory_space<vmem>>[vector<16xi32>, vector<16xi32>], vector<16xf32>,
      %add3A_327 = arith.addf %add3A_323, %gather3A_326 : vector<16xf32>
      %broadcast_in_dim3A_328 = arith.constant 2 : i32
      %broadcast_in_dim3A_329 = vector.broadcast %broadcast_in_dim3A_328 : i32 to vector<16xi32>
      %gather3A_330 = tpu.vector_load_idx %arg13[%iota3A_114, %broadcast_in_dim3A_329] : memref<16x17xf32, #tpu.memory_space<vmem>>[vector<16xi32>, vector<16xi32>], vector<16xf32>,
      %add3A_331 = arith.addf %add3A_327, %gather3A_330 : vector<16xf32>
      %broadcast_in_dim3A_332 = arith.constant 3 : i32
      %broadcast_in_dim3A_333 = vector.broadcast %broadcast_in_dim3A_332 : i32 to vector<16xi32>
      %gather3A_334 = tpu.vector_load_idx %arg13[%iota3A_114, %broadcast_in_dim3A_333] : memref<16x17xf32, #tpu.memory_space<vmem>>[vector<16xi32>, vector<16xi32>], vector<16xf32>,
      %add3A_335 = arith.addf %add3A_331, %gather3A_334 : vector<16xf32>
      %broadcast_in_dim3A_336 = arith.constant 4 : i32
      %broadcast_in_dim3A_337 = vector.broadcast %broadcast_in_dim3A_336 : i32 to vector<16xi32>
      %gather3A_338 = tpu.vector_load_idx %arg13[%iota3A_114, %broadcast_in_dim3A_337] : memref<16x17xf32, #tpu.memory_space<vmem>>[vector<16xi32>, vector<16xi32>], vector<16xf32>,
      %add3A_339 = arith.addf %add3A_335, %gather3A_338 : vector<16xf32>
      %broadcast_in_dim3A_340 = arith.constant 5 : i32
      %broadcast_in_dim3A_341 = vector.broadcast %broadcast_in_dim3A_340 : i32 to vector<16xi32>
      %gather3A_342 = tpu.vector_load_idx %arg13[%iota3A_114, %broadcast_in_dim3A_341] : memref<16x17xf32, #tpu.memory_space<vmem>>[vector<16xi32>, vector<16xi32>], vector<16xf32>,
      %add3A_343 = arith.addf %add3A_339, %gather3A_342 : vector<16xf32>
      %broadcast_in_dim3A_344 = arith.constant 6 : i32
      %broadcast_in_dim3A_345 = vector.broadcast %broadcast_in_dim3A_344 : i32 to vector<16xi32>
      %gather3A_346 = tpu.vector_load_idx %arg13[%iota3A_114, %broadcast_in_dim3A_345] : memref<16x17xf32, #tpu.memory_space<vmem>>[vector<16xi32>, vector<16xi32>], vector<16xf32>,
      %add3A_347 = arith.addf %add3A_343, %gather3A_346 : vector<16xf32>
      %broadcast_in_dim3A_348 = arith.constant 7 : i32
      %broadcast_in_dim3A_349 = vector.broadcast %broadcast_in_dim3A_348 : i32 to vector<16xi32>
      %gather3A_350 = tpu.vector_load_idx %arg13[%iota3A_114, %broadcast_in_dim3A_349] : memref<16x17xf32, #tpu.memory_space<vmem>>[vector<16xi32>, vector<16xi32>], vector<16xf32>,
      %add3A_351 = arith.addf %add3A_347, %gather3A_350 : vector<16xf32>
      %broadcast_in_dim3A_352 = arith.constant 8 : i32
      %broadcast_in_dim3A_353 = vector.broadcast %broadcast_in_dim3A_352 : i32 to vector<16xi32>
      %gather3A_354 = tpu.vector_load_idx %arg13[%iota3A_114, %broadcast_in_dim3A_353] : memref<16x17xf32, #tpu.memory_space<vmem>>[vector<16xi32>, vector<16xi32>], vector<16xf32>,
      %add3A_355 = arith.addf %add3A_351, %gather3A_354 : vector<16xf32>
      %broadcast_in_dim3A_356 = arith.constant 9 : i32
      %broadcast_in_dim3A_357 = vector.broadcast %broadcast_in_dim3A_356 : i32 to vector<16xi32>
      %gather3A_358 = tpu.vector_load_idx %arg13[%iota3A_114, %broadcast_in_dim3A_357] : memref<16x17xf32, #tpu.memory_space<vmem>>[vector<16xi32>, vector<16xi32>], vector<16xf32>,
      %add3A_359 = arith.addf %add3A_355, %gather3A_358 : vector<16xf32>
      %broadcast_in_dim3A_360 = arith.constant 10 : i32
      %broadcast_in_dim3A_361 = vector.broadcast %broadcast_in_dim3A_360 : i32 to vector<16xi32>
      %gather3A_362 = tpu.vector_load_idx %arg13[%iota3A_114, %broadcast_in_dim3A_361] : memref<16x17xf32, #tpu.memory_space<vmem>>[vector<16xi32>, vector<16xi32>], vector<16xf32>,
      %add3A_363 = arith.addf %add3A_359, %gather3A_362 : vector<16xf32>
      %broadcast_in_dim3A_364 = arith.constant 11 : i32
      %broadcast_in_dim3A_365 = vector.broadcast %broadcast_in_dim3A_364 : i32 to vector<16xi32>
      %gather3A_366 = tpu.vector_load_idx %arg13[%iota3A_114, %broadcast_in_dim3A_365] : memref<16x17xf32, #tpu.memory_space<vmem>>[vector<16xi32>, vector<16xi32>], vector<16xf32>,
      %add3A_367 = arith.addf %add3A_363, %gather3A_366 : vector<16xf32>
      %broadcast_in_dim3A_368 = arith.constant 12 : i32
      %broadcast_in_dim3A_369 = vector.broadcast %broadcast_in_dim3A_368 : i32 to vector<16xi32>
      %gather3A_370 = tpu.vector_load_idx %arg13[%iota3A_114, %broadcast_in_dim3A_369] : memref<16x17xf32, #tpu.memory_space<vmem>>[vector<16xi32>, vector<16xi32>], vector<16xf32>,
      %add3A_371 = arith.addf %add3A_367, %gather3A_370 : vector<16xf32>
      %broadcast_in_dim3A_372 = arith.constant 13 : i32
      %broadcast_in_dim3A_373 = vector.broadcast %broadcast_in_dim3A_372 : i32 to vector<16xi32>
      %gather3A_374 = tpu.vector_load_idx %arg13[%iota3A_114, %broadcast_in_dim3A_373] : memref<16x17xf32, #tpu.memory_space<vmem>>[vector<16xi32>, vector<16xi32>], vector<16xf32>,
      %add3A_375 = arith.addf %add3A_371, %gather3A_374 : vector<16xf32>
      %broadcast_in_dim3A_376 = arith.constant 14 : i32
      %broadcast_in_dim3A_377 = vector.broadcast %broadcast_in_dim3A_376 : i32 to vector<16xi32>
      %gather3A_378 = tpu.vector_load_idx %arg13[%iota3A_114, %broadcast_in_dim3A_377] : memref<16x17xf32, #tpu.memory_space<vmem>>[vector<16xi32>, vector<16xi32>], vector<16xf32>,
      %add3A_379 = arith.addf %add3A_375, %gather3A_378 : vector<16xf32>
      %broadcast_in_dim3A_380 = arith.constant 15 : i32
      %broadcast_in_dim3A_381 = vector.broadcast %broadcast_in_dim3A_380 : i32 to vector<16xi32>
      %gather3A_382 = tpu.vector_load_idx %arg13[%iota3A_114, %broadcast_in_dim3A_381] : memref<16x17xf32, #tpu.memory_space<vmem>>[vector<16xi32>, vector<16xi32>], vector<16xf32>,
      %add3A_383 = arith.addf %add3A_379, %gather3A_382 : vector<16xf32>
      %sub3A = arith.subf %add3A_383, %gather3A : vector<16xf32>
      %mul3A_384 = arith.constant 5.000000e-01 : f32
      %mul3A_385 = vector.broadcast %mul3A_384 : f32 to vector<16xf32>
      %mul3A_386 = arith.mulf %sub3A, %mul3A_385 : vector<16xf32>
      %mul3A_387 = arith.constant 16 : i32
      %mul3A_388 = arith.muli %add3A_307, %mul3A_387 : i32
      %swap3A = arith.index_cast %mul3A_388 : i32 to index
      %swap3A_389 = tpu.vector_load %arg12[%swap3A] {strides = array<i32>} : memref<80xf32, #tpu.memory_space<vmem>>, vector<16xf32>,
      tpu.vector_store %arg12[%swap3A], %mul3A_386 {strides = array<i32>} : memref<80xf32, #tpu.memory_space<vmem>>, vector<16xf32>,
    }
    %scan3A_119 = arith.constant 5 : i32
    %mul3A_120 = arith.constant 160000 : i32
    %mul3A_121 = arith.muli %arg0, %mul3A_120 : i32
    %add3A_122 = arith.addi %mul3A_121, %mul3A_0 : i32
    %add3A_123 = arith.constant 160 : i32
    %add3A_124 = arith.addi %add3A_122, %add3A_123 : i32
    %dma_start3A_125 = tpu.memref_slice %arg4[%add3A_124] : memref<320000xf32, #tpu.memory_space<hbm>> -> memref<80xf32, #tpu.memory_space<hbm>>
    %dma_start3A_126 = tpu.memref_slice %arg4[%add3A_124] : memref<320000xf32, #tpu.memory_space<hbm>> -> memref<80xf32, #tpu.memory_space<hbm>>
    tpu.enqueue_dma source(%arg12 : memref<80xf32, #tpu.memory_space<vmem>>) target(%dma_start3A_126 : memref<80xf32, #tpu.memory_space<hbm>>) target_semaphore(%arg22 : memref<!tpu.dma_semaphore, #tpu.memory_space<semaphore_mem>>)
    %dma_start3A_127 = arith.constant 400 : i32
    %dma_start3A_128 = tpu.memref_slice %arg5[%dma_start3A_127] : memref<10000xi32, #tpu.memory_space<vmem>> -> memref<80xi32, #tpu.memory_space<vmem>>
    %dma_start3A_129 = arith.constant 0 : i32
    %dma_start3A_130 = arith.constant 0 : i32
    %dma_start3A_131 = tpu.memref_slice %arg2[%dma_start3A_129, %dma_start3A_130] : memref<10000x272xf32, #tpu.memory_space<hbm>> -> memref<10000x272xf32, #tpu.memory_space<hbm>>
    tpu.enqueue_indirect_dma source(%dma_start3A_131 : memref<10000x272xf32, #tpu.memory_space<hbm>>) target(%arg9 : memref<80x272xf32, #tpu.memory_space<vmem>>) offsets(%dma_start3A_128 : memref<80xi32, #tpu.memory_space<vmem>>) semaphore(%arg16 : memref<!tpu.dma_semaphore, #tpu.memory_space<semaphore_mem>>)
    %dma_wait3A_132 = arith.constant 0 : i32
    %dma_wait3A_133 = tpu.memref_slice %arg5[%dma_wait3A_132] : memref<10000xi32, #tpu.memory_space<vmem>> -> memref<80xi32, #tpu.memory_space<vmem>>
    %dma_wait3A_134 = arith.constant 0 : i32
    %dma_wait3A_135 = arith.constant 0 : i32
    %dma_wait3A_136 = tpu.memref_slice %arg2[%dma_wait3A_134, %dma_wait3A_135] : memref<10000x272xf32, #tpu.memory_space<hbm>> -> memref<10000x272xf32, #tpu.memory_space<hbm>>
    tpu.wait_indirect_dma semaphore(%arg15 : memref<!tpu.dma_semaphore, #tpu.memory_space<semaphore_mem>>) src(%dma_wait3A_136 : memref<10000x272xf32, #tpu.memory_space<hbm>>) dst(%arg8 : memref<80x272xf32, #tpu.memory_space<vmem>>)
    %dma_start3A_137 = arith.constant 320 : i32
    %dma_start3A_138 = tpu.memref_slice %arg6[%dma_start3A_137] : memref<10000xi32, #tpu.memory_space<vmem>> -> memref<80xi32, #tpu.memory_space<vmem>>
    %dma_start3A_139 = arith.constant 0 : i32
    %dma_start3A_140 = arith.constant 0 : i32
    %dma_start3A_141 = tpu.memref_slice %arg2[%dma_start3A_139, %dma_start3A_140] : memref<10000x272xf32, #tpu.memory_space<hbm>> -> memref<10000x272xf32, #tpu.memory_space<hbm>>
    tpu.enqueue_indirect_dma source(%dma_start3A_141 : memref<10000x272xf32, #tpu.memory_space<hbm>>) target(%arg8 : memref<80x272xf32, #tpu.memory_space<vmem>>) offsets(%dma_start3A_138 : memref<80xi32, #tpu.memory_space<vmem>>) semaphore(%arg18 : memref<!tpu.dma_semaphore, #tpu.memory_space<semaphore_mem>>) {add = true}
    %scan3A_142 = arith.constant 0 : i32
    %scan3A_143 = arith.constant 39 : i32
    %scan3A_144 = arith.addi %scan3A_142, %scan3A_143 : i32
    %scan3A_145 = arith.constant 1 : i32
    scf.for %scan3A_303 = %scan3A_142 to %scan3A_144 step %scan3A_145  : i32 {
      %mul3A_304 = arith.constant 1 : i32
      %mul3A_305 = arith.muli %scan3A_303, %mul3A_304 : i32
      %add3A_306 = arith.constant 0 : i32
      %add3A_307 = arith.addi %add3A_306, %mul3A_305 : i32
      %mul3A_308 = arith.constant 3 : i32
      %mul3A_309 = arith.muli %mul3A_308, %add3A_307 : i32
      %add3A_310 = arith.constant 3 : i32
      %add3A_311 = arith.addi %mul3A_309, %add3A_310 : i32
      %add3A_312 = arith.constant 0 : i32
      %add3A_313 = arith.addi %add3A_311, %add3A_312 : i32
      %dma_wait3A_314 = arith.constant 0 : i32
      %dma_wait3A_315 = tpu.memref_slice %arg6[%dma_wait3A_314] : memref<10000xi32, #tpu.memory_space<vmem>> -> memref<80xi32, #tpu.memory_space<vmem>>
      %dma_wait3A_316 = arith.constant 0 : i32
      %dma_wait3A_317 = arith.constant 0 : i32
      %dma_wait3A_318 = tpu.memref_slice %arg2[%dma_wait3A_316, %dma_wait3A_317] : memref<10000x272xf32, #tpu.memory_space<hbm>> -> memref<10000x272xf32, #tpu.memory_space<hbm>>
      tpu.wait_indirect_dma semaphore(%arg17 : memref<!tpu.dma_semaphore, #tpu.memory_space<semaphore_mem>>) src(%dma_wait3A_318 : memref<10000x272xf32, #tpu.memory_space<hbm>>) dst(%arg7 : memref<80x272xf32, #tpu.memory_space<vmem>>)
      %mul3A_319 = arith.constant 160000 : i32
      %mul3A_320 = arith.muli %arg0, %mul3A_319 : i32
      %add3A_321 = arith.addi %mul3A_320, %mul3A_0 : i32
      %dma_wait3A_322 = tpu.memref_slice %arg4[%add3A_321] : memref<320000xf32, #tpu.memory_space<hbm>> -> memref<80xf32, #tpu.memory_space<hbm>>
      %dma_wait3A_323 = tpu.memref_slice %arg4[%add3A_321] : memref<320000xf32, #tpu.memory_space<hbm>> -> memref<80xf32, #tpu.memory_space<hbm>>
      tpu.wait_dma2 semaphore(%arg20 : memref<!tpu.dma_semaphore, #tpu.memory_space<semaphore_mem>>) src(%arg10 : memref<80xf32, #tpu.memory_space<vmem>>) dst(%dma_wait3A_323 : memref<80xf32, #tpu.memory_space<hbm>>)
      %iota3A_324 = tpu.iota {dimensions = array<i32: 0>} : vector<16xi32>
      %scan3A_325 = arith.constant 0 : i32
      %scan3A_326 = arith.constant 5 : i32
      %scan3A_327 = arith.addi %scan3A_325, %scan3A_326 : i32
      %scan3A_328 = arith.constant 1 : i32
      scf.for %scan3A_453 = %scan3A_325 to %scan3A_327 step %scan3A_328  : i32 {
        %mul3A_454 = arith.constant 1 : i32
        %mul3A_455 = arith.muli %scan3A_453, %mul3A_454 : i32
        %add3A_456 = arith.constant 0 : i32
        %add3A_457 = arith.addi %add3A_456, %mul3A_455 : i32
        %scan3A_458 = arith.constant 0 : i32
        %scan3A_459 = arith.constant 16 : i32
        %scan3A_460 = arith.addi %scan3A_458, %scan3A_459 : i32
        %scan3A_461 = arith.constant 1 : i32
        scf.for %scan3A_540 = %scan3A_458 to %scan3A_460 step %scan3A_461  : i32 {
          %mul3A_541 = arith.constant 1 : i32
          %mul3A_542 = arith.muli %scan3A_540, %mul3A_541 : i32
          %add3A_543 = arith.constant 0 : i32
          %add3A_544 = arith.addi %add3A_543, %mul3A_542 : i32
          %mul3A_545 = arith.constant 16 : i32
          %mul3A_546 = arith.muli %add3A_457, %mul3A_545 : i32
          %add3A_547 = arith.addi %mul3A_546, %add3A_544 : i32
          %broadcast_in_dim3A_548 = arith.constant 0.000000e+00 : f32
          %broadcast_in_dim3A_549 = vector.broadcast %broadcast_in_dim3A_548 : f32 to vector<16xf32>
          %get3A = arith.index_cast %add3A_547 : i32 to index
          %get3A_550 = arith.constant 0 : index
          %get3A_551 = tpu.vector_load %arg7[%get3A, %get3A_550] {strides = array<i32>} : memref<80x272xf32, #tpu.memory_space<vmem>>, vector<16xf32>,
          %mul3A_552 = arith.mulf %get3A_551, %get3A_551 : vector<16xf32>
          %add3A_553 = arith.addf %broadcast_in_dim3A_549, %mul3A_552 : vector<16xf32>
          %get3A_554 = arith.index_cast %add3A_547 : i32 to index
          %get3A_555 = arith.constant 16 : index
          %get3A_556 = tpu.vector_load %arg7[%get3A_554, %get3A_555] {strides = array<i32>} : memref<80x272xf32, #tpu.memory_space<vmem>>, vector<16xf32>,
          %mul3A_557 = arith.mulf %get3A_556, %get3A_556 : vector<16xf32>
          %add3A_558 = arith.addf %add3A_553, %mul3A_557 : vector<16xf32>
          %get3A_559 = arith.index_cast %add3A_547 : i32 to index
          %get3A_560 = arith.constant 32 : index
          %get3A_561 = tpu.vector_load %arg7[%get3A_559, %get3A_560] {strides = array<i32>} : memref<80x272xf32, #tpu.memory_space<vmem>>, vector<16xf32>,
          %mul3A_562 = arith.mulf %get3A_561, %get3A_561 : vector<16xf32>
          %add3A_563 = arith.addf %add3A_558, %mul3A_562 : vector<16xf32>
          %get3A_564 = arith.index_cast %add3A_547 : i32 to index
          %get3A_565 = arith.constant 48 : index
          %get3A_566 = tpu.vector_load %arg7[%get3A_564, %get3A_565] {strides = array<i32>} : memref<80x272xf32, #tpu.memory_space<vmem>>, vector<16xf32>,
          %mul3A_567 = arith.mulf %get3A_566, %get3A_566 : vector<16xf32>
          %add3A_568 = arith.addf %add3A_563, %mul3A_567 : vector<16xf32>
          %get3A_569 = arith.index_cast %add3A_547 : i32 to index
          %get3A_570 = arith.constant 64 : index
          %get3A_571 = tpu.vector_load %arg7[%get3A_569, %get3A_570] {strides = array<i32>} : memref<80x272xf32, #tpu.memory_space<vmem>>, vector<16xf32>,
          %mul3A_572 = arith.mulf %get3A_571, %get3A_571 : vector<16xf32>
          %add3A_573 = arith.addf %add3A_568, %mul3A_572 : vector<16xf32>
          %get3A_574 = arith.index_cast %add3A_547 : i32 to index
          %get3A_575 = arith.constant 80 : index
          %get3A_576 = tpu.vector_load %arg7[%get3A_574, %get3A_575] {strides = array<i32>} : memref<80x272xf32, #tpu.memory_space<vmem>>, vector<16xf32>,
          %mul3A_577 = arith.mulf %get3A_576, %get3A_576 : vector<16xf32>
          %add3A_578 = arith.addf %add3A_573, %mul3A_577 : vector<16xf32>
          %get3A_579 = arith.index_cast %add3A_547 : i32 to index
          %get3A_580 = arith.constant 96 : index
          %get3A_581 = tpu.vector_load %arg7[%get3A_579, %get3A_580] {strides = array<i32>} : memref<80x272xf32, #tpu.memory_space<vmem>>, vector<16xf32>,
          %mul3A_582 = arith.mulf %get3A_581, %get3A_581 : vector<16xf32>
          %add3A_583 = arith.addf %add3A_578, %mul3A_582 : vector<16xf32>
          %get3A_584 = arith.index_cast %add3A_547 : i32 to index
          %get3A_585 = arith.constant 112 : index
          %get3A_586 = tpu.vector_load %arg7[%get3A_584, %get3A_585] {strides = array<i32>} : memref<80x272xf32, #tpu.memory_space<vmem>>, vector<16xf32>,
          %mul3A_587 = arith.mulf %get3A_586, %get3A_586 : vector<16xf32>
          %add3A_588 = arith.addf %add3A_583, %mul3A_587 : vector<16xf32>
          %get3A_589 = arith.index_cast %add3A_547 : i32 to index
          %get3A_590 = arith.constant 128 : index
          %get3A_591 = tpu.vector_load %arg7[%get3A_589, %get3A_590] {strides = array<i32>} : memref<80x272xf32, #tpu.memory_space<vmem>>, vector<16xf32>,
          %mul3A_592 = arith.mulf %get3A_591, %get3A_591 : vector<16xf32>
          %add3A_593 = arith.addf %add3A_588, %mul3A_592 : vector<16xf32>
          %get3A_594 = arith.index_cast %add3A_547 : i32 to index
          %get3A_595 = arith.constant 144 : index
          %get3A_596 = tpu.vector_load %arg7[%get3A_594, %get3A_595] {strides = array<i32>} : memref<80x272xf32, #tpu.memory_space<vmem>>, vector<16xf32>,
          %mul3A_597 = arith.mulf %get3A_596, %get3A_596 : vector<16xf32>
          %add3A_598 = arith.addf %add3A_593, %mul3A_597 : vector<16xf32>
          %get3A_599 = arith.index_cast %add3A_547 : i32 to index
          %get3A_600 = arith.constant 160 : index
          %get3A_601 = tpu.vector_load %arg7[%get3A_599, %get3A_600] {strides = array<i32>} : memref<80x272xf32, #tpu.memory_space<vmem>>, vector<16xf32>,
          %mul3A_602 = arith.mulf %get3A_601, %get3A_601 : vector<16xf32>
          %add3A_603 = arith.addf %add3A_598, %mul3A_602 : vector<16xf32>
          %get3A_604 = arith.index_cast %add3A_547 : i32 to index
          %get3A_605 = arith.constant 176 : index
          %get3A_606 = tpu.vector_load %arg7[%get3A_604, %get3A_605] {strides = array<i32>} : memref<80x272xf32, #tpu.memory_space<vmem>>, vector<16xf32>,
          %mul3A_607 = arith.mulf %get3A_606, %get3A_606 : vector<16xf32>
          %add3A_608 = arith.addf %add3A_603, %mul3A_607 : vector<16xf32>
          %get3A_609 = arith.index_cast %add3A_547 : i32 to index
          %get3A_610 = arith.constant 192 : index
          %get3A_611 = tpu.vector_load %arg7[%get3A_609, %get3A_610] {strides = array<i32>} : memref<80x272xf32, #tpu.memory_space<vmem>>, vector<16xf32>,
          %mul3A_612 = arith.mulf %get3A_611, %get3A_611 : vector<16xf32>
          %add3A_613 = arith.addf %add3A_608, %mul3A_612 : vector<16xf32>
          %get3A_614 = arith.index_cast %add3A_547 : i32 to index
          %get3A_615 = arith.constant 208 : index
          %get3A_616 = tpu.vector_load %arg7[%get3A_614, %get3A_615] {strides = array<i32>} : memref<80x272xf32, #tpu.memory_space<vmem>>, vector<16xf32>,
          %mul3A_617 = arith.mulf %get3A_616, %get3A_616 : vector<16xf32>
          %add3A_618 = arith.addf %add3A_613, %mul3A_617 : vector<16xf32>
          %get3A_619 = arith.index_cast %add3A_547 : i32 to index
          %get3A_620 = arith.constant 224 : index
          %get3A_621 = tpu.vector_load %arg7[%get3A_619, %get3A_620] {strides = array<i32>} : memref<80x272xf32, #tpu.memory_space<vmem>>, vector<16xf32>,
          %mul3A_622 = arith.mulf %get3A_621, %get3A_621 : vector<16xf32>
          %add3A_623 = arith.addf %add3A_618, %mul3A_622 : vector<16xf32>
          %get3A_624 = arith.index_cast %add3A_547 : i32 to index
          %get3A_625 = arith.constant 240 : index
          %get3A_626 = tpu.vector_load %arg7[%get3A_624, %get3A_625] {strides = array<i32>} : memref<80x272xf32, #tpu.memory_space<vmem>>, vector<16xf32>,
          %mul3A_627 = arith.mulf %get3A_626, %get3A_626 : vector<16xf32>
          %add3A_628 = arith.addf %add3A_623, %mul3A_627 : vector<16xf32>
          %swap3A_629 = arith.index_cast %add3A_544 : i32 to index
          %swap3A_630 = arith.constant 0 : index
          %swap3A_631 = tpu.vector_load %arg13[%swap3A_629, %swap3A_630] {strides = array<i32>} : memref<16x17xf32, #tpu.memory_space<vmem>>, vector<16xf32>,
          tpu.vector_store %arg13[%swap3A_629, %swap3A_630], %add3A_628 {strides = array<i32>} : memref<16x17xf32, #tpu.memory_space<vmem>>, vector<16xf32>,
        }
        %scan3A_462 = arith.constant 16 : i32
        %mul3A_463 = arith.constant 16 : i32
        %mul3A_464 = arith.muli %add3A_457, %mul3A_463 : i32
        %add3A_465 = vector.broadcast %mul3A_464 : i32 to vector<16xi32>
        %add3A_466 = arith.addi %iota3A_324, %add3A_465 : vector<16xi32>
        %broadcast_in_dim3A = arith.constant 256 : i32
        %broadcast_in_dim3A_467 = vector.broadcast %broadcast_in_dim3A : i32 to vector<16xi32>
        %gather3A = tpu.vector_load_idx %arg7[%add3A_466, %broadcast_in_dim3A_467] : memref<80x272xf32, #tpu.memory_space<vmem>>[vector<16xi32>, vector<16xi32>], vector<16xf32>,
        %broadcast_in_dim3A_468 = arith.constant 0.000000e+00 : f32
        %broadcast_in_dim3A_469 = vector.broadcast %broadcast_in_dim3A_468 : f32 to vector<16xf32>
        %broadcast_in_dim3A_470 = arith.constant 0 : i32
        %broadcast_in_dim3A_471 = vector.broadcast %broadcast_in_dim3A_470 : i32 to vector<16xi32>
        %gather3A_472 = tpu.vector_load_idx %arg13[%iota3A_324, %broadcast_in_dim3A_471] : memref<16x17xf32, #tpu.memory_space<vmem>>[vector<16xi32>, vector<16xi32>], vector<16xf32>,
        %add3A_473 = arith.addf %broadcast_in_dim3A_469, %gather3A_472 : vector<16xf32>
        %broadcast_in_dim3A_474 = arith.constant 1 : i32
        %broadcast_in_dim3A_475 = vector.broadcast %broadcast_in_dim3A_474 : i32 to vector<16xi32>
        %gather3A_476 = tpu.vector_load_idx %arg13[%iota3A_324, %broadcast_in_dim3A_475] : memref<16x17xf32, #tpu.memory_space<vmem>>[vector<16xi32>, vector<16xi32>], vector<16xf32>,
        %add3A_477 = arith.addf %add3A_473, %gather3A_476 : vector<16xf32>
        %broadcast_in_dim3A_478 = arith.constant 2 : i32
        %broadcast_in_dim3A_479 = vector.broadcast %broadcast_in_dim3A_478 : i32 to vector<16xi32>
        %gather3A_480 = tpu.vector_load_idx %arg13[%iota3A_324, %broadcast_in_dim3A_479] : memref<16x17xf32, #tpu.memory_space<vmem>>[vector<16xi32>, vector<16xi32>], vector<16xf32>,
        %add3A_481 = arith.addf %add3A_477, %gather3A_480 : vector<16xf32>
        %broadcast_in_dim3A_482 = arith.constant 3 : i32
        %broadcast_in_dim3A_483 = vector.broadcast %broadcast_in_dim3A_482 : i32 to vector<16xi32>
        %gather3A_484 = tpu.vector_load_idx %arg13[%iota3A_324, %broadcast_in_dim3A_483] : memref<16x17xf32, #tpu.memory_space<vmem>>[vector<16xi32>, vector<16xi32>], vector<16xf32>,
        %add3A_485 = arith.addf %add3A_481, %gather3A_484 : vector<16xf32>
        %broadcast_in_dim3A_486 = arith.constant 4 : i32
        %broadcast_in_dim3A_487 = vector.broadcast %broadcast_in_dim3A_486 : i32 to vector<16xi32>
        %gather3A_488 = tpu.vector_load_idx %arg13[%iota3A_324, %broadcast_in_dim3A_487] : memref<16x17xf32, #tpu.memory_space<vmem>>[vector<16xi32>, vector<16xi32>], vector<16xf32>,
        %add3A_489 = arith.addf %add3A_485, %gather3A_488 : vector<16xf32>
        %broadcast_in_dim3A_490 = arith.constant 5 : i32
        %broadcast_in_dim3A_491 = vector.broadcast %broadcast_in_dim3A_490 : i32 to vector<16xi32>
        %gather3A_492 = tpu.vector_load_idx %arg13[%iota3A_324, %broadcast_in_dim3A_491] : memref<16x17xf32, #tpu.memory_space<vmem>>[vector<16xi32>, vector<16xi32>], vector<16xf32>,
        %add3A_493 = arith.addf %add3A_489, %gather3A_492 : vector<16xf32>
        %broadcast_in_dim3A_494 = arith.constant 6 : i32
        %broadcast_in_dim3A_495 = vector.broadcast %broadcast_in_dim3A_494 : i32 to vector<16xi32>
        %gather3A_496 = tpu.vector_load_idx %arg13[%iota3A_324, %broadcast_in_dim3A_495] : memref<16x17xf32, #tpu.memory_space<vmem>>[vector<16xi32>, vector<16xi32>], vector<16xf32>,
        %add3A_497 = arith.addf %add3A_493, %gather3A_496 : vector<16xf32>
        %broadcast_in_dim3A_498 = arith.constant 7 : i32
        %broadcast_in_dim3A_499 = vector.broadcast %broadcast_in_dim3A_498 : i32 to vector<16xi32>
        %gather3A_500 = tpu.vector_load_idx %arg13[%iota3A_324, %broadcast_in_dim3A_499] : memref<16x17xf32, #tpu.memory_space<vmem>>[vector<16xi32>, vector<16xi32>], vector<16xf32>,
        %add3A_501 = arith.addf %add3A_497, %gather3A_500 : vector<16xf32>
        %broadcast_in_dim3A_502 = arith.constant 8 : i32
        %broadcast_in_dim3A_503 = vector.broadcast %broadcast_in_dim3A_502 : i32 to vector<16xi32>
        %gather3A_504 = tpu.vector_load_idx %arg13[%iota3A_324, %broadcast_in_dim3A_503] : memref<16x17xf32, #tpu.memory_space<vmem>>[vector<16xi32>, vector<16xi32>], vector<16xf32>,
        %add3A_505 = arith.addf %add3A_501, %gather3A_504 : vector<16xf32>
        %broadcast_in_dim3A_506 = arith.constant 9 : i32
        %broadcast_in_dim3A_507 = vector.broadcast %broadcast_in_dim3A_506 : i32 to vector<16xi32>
        %gather3A_508 = tpu.vector_load_idx %arg13[%iota3A_324, %broadcast_in_dim3A_507] : memref<16x17xf32, #tpu.memory_space<vmem>>[vector<16xi32>, vector<16xi32>], vector<16xf32>,
        %add3A_509 = arith.addf %add3A_505, %gather3A_508 : vector<16xf32>
        %broadcast_in_dim3A_510 = arith.constant 10 : i32
        %broadcast_in_dim3A_511 = vector.broadcast %broadcast_in_dim3A_510 : i32 to vector<16xi32>
        %gather3A_512 = tpu.vector_load_idx %arg13[%iota3A_324, %broadcast_in_dim3A_511] : memref<16x17xf32, #tpu.memory_space<vmem>>[vector<16xi32>, vector<16xi32>], vector<16xf32>,
        %add3A_513 = arith.addf %add3A_509, %gather3A_512 : vector<16xf32>
        %broadcast_in_dim3A_514 = arith.constant 11 : i32
        %broadcast_in_dim3A_515 = vector.broadcast %broadcast_in_dim3A_514 : i32 to vector<16xi32>
        %gather3A_516 = tpu.vector_load_idx %arg13[%iota3A_324, %broadcast_in_dim3A_515] : memref<16x17xf32, #tpu.memory_space<vmem>>[vector<16xi32>, vector<16xi32>], vector<16xf32>,
        %add3A_517 = arith.addf %add3A_513, %gather3A_516 : vector<16xf32>
        %broadcast_in_dim3A_518 = arith.constant 12 : i32
        %broadcast_in_dim3A_519 = vector.broadcast %broadcast_in_dim3A_518 : i32 to vector<16xi32>
        %gather3A_520 = tpu.vector_load_idx %arg13[%iota3A_324, %broadcast_in_dim3A_519] : memref<16x17xf32, #tpu.memory_space<vmem>>[vector<16xi32>, vector<16xi32>], vector<16xf32>,
        %add3A_521 = arith.addf %add3A_517, %gather3A_520 : vector<16xf32>
        %broadcast_in_dim3A_522 = arith.constant 13 : i32
        %broadcast_in_dim3A_523 = vector.broadcast %broadcast_in_dim3A_522 : i32 to vector<16xi32>
        %gather3A_524 = tpu.vector_load_idx %arg13[%iota3A_324, %broadcast_in_dim3A_523] : memref<16x17xf32, #tpu.memory_space<vmem>>[vector<16xi32>, vector<16xi32>], vector<16xf32>,
        %add3A_525 = arith.addf %add3A_521, %gather3A_524 : vector<16xf32>
        %broadcast_in_dim3A_526 = arith.constant 14 : i32
        %broadcast_in_dim3A_527 = vector.broadcast %broadcast_in_dim3A_526 : i32 to vector<16xi32>
        %gather3A_528 = tpu.vector_load_idx %arg13[%iota3A_324, %broadcast_in_dim3A_527] : memref<16x17xf32, #tpu.memory_space<vmem>>[vector<16xi32>, vector<16xi32>], vector<16xf32>,
        %add3A_529 = arith.addf %add3A_525, %gather3A_528 : vector<16xf32>
        %broadcast_in_dim3A_530 = arith.constant 15 : i32
        %broadcast_in_dim3A_531 = vector.broadcast %broadcast_in_dim3A_530 : i32 to vector<16xi32>
        %gather3A_532 = tpu.vector_load_idx %arg13[%iota3A_324, %broadcast_in_dim3A_531] : memref<16x17xf32, #tpu.memory_space<vmem>>[vector<16xi32>, vector<16xi32>], vector<16xf32>,
        %add3A_533 = arith.addf %add3A_529, %gather3A_532 : vector<16xf32>
        %sub3A = arith.subf %add3A_533, %gather3A : vector<16xf32>
        %mul3A_534 = arith.constant 5.000000e-01 : f32
        %mul3A_535 = vector.broadcast %mul3A_534 : f32 to vector<16xf32>
        %mul3A_536 = arith.mulf %sub3A, %mul3A_535 : vector<16xf32>
        %mul3A_537 = arith.constant 16 : i32
        %mul3A_538 = arith.muli %add3A_457, %mul3A_537 : i32
        %swap3A = arith.index_cast %mul3A_538 : i32 to index
        %swap3A_539 = tpu.vector_load %arg10[%swap3A] {strides = array<i32>} : memref<80xf32, #tpu.memory_space<vmem>>, vector<16xf32>,
        tpu.vector_store %arg10[%swap3A], %mul3A_536 {strides = array<i32>} : memref<80xf32, #tpu.memory_space<vmem>>, vector<16xf32>,
      }
      %scan3A_329 = arith.constant 5 : i32
      %mul3A_330 = arith.constant 160000 : i32
      %mul3A_331 = arith.muli %arg0, %mul3A_330 : i32
      %add3A_332 = arith.addi %mul3A_331, %mul3A_0 : i32
      %mul3A_333 = arith.constant 80 : i32
      %mul3A_334 = arith.muli %add3A_313, %mul3A_333 : i32
      %add3A_335 = arith.addi %add3A_332, %mul3A_334 : i32
      %dma_start3A_336 = tpu.memref_slice %arg4[%add3A_335] : memref<320000xf32, #tpu.memory_space<hbm>> -> memref<80xf32, #tpu.memory_space<hbm>>
      %dma_start3A_337 = tpu.memref_slice %arg4[%add3A_335] : memref<320000xf32, #tpu.memory_space<hbm>> -> memref<80xf32, #tpu.memory_space<hbm>>
      tpu.enqueue_dma source(%arg10 : memref<80xf32, #tpu.memory_space<vmem>>) target(%dma_start3A_337 : memref<80xf32, #tpu.memory_space<hbm>>) target_semaphore(%arg20 : memref<!tpu.dma_semaphore, #tpu.memory_space<semaphore_mem>>)
      %add3A_338 = arith.constant 3 : i32
      %add3A_339 = arith.addi %add3A_313, %add3A_338 : i32
      %mul3A_340 = arith.constant 80 : i32
      %mul3A_341 = arith.muli %add3A_339, %mul3A_340 : i32
      %dma_start3A_342 = tpu.memref_slice %arg5[%mul3A_341] : memref<10000xi32, #tpu.memory_space<vmem>> -> memref<80xi32, #tpu.memory_space<vmem>>
      %dma_start3A_343 = arith.constant 0 : i32
      %dma_start3A_344 = arith.constant 0 : i32
      %dma_start3A_345 = tpu.memref_slice %arg2[%dma_start3A_343, %dma_start3A_344] : memref<10000x272xf32, #tpu.memory_space<hbm>> -> memref<10000x272xf32, #tpu.memory_space<hbm>>
      tpu.enqueue_indirect_dma source(%dma_start3A_345 : memref<10000x272xf32, #tpu.memory_space<hbm>>) target(%arg7 : memref<80x272xf32, #tpu.memory_space<vmem>>) offsets(%dma_start3A_342 : memref<80xi32, #tpu.memory_space<vmem>>) semaphore(%arg14 : memref<!tpu.dma_semaphore, #tpu.memory_space<semaphore_mem>>)
      %add3A_346 = arith.constant 2 : i32
      %add3A_347 = arith.addi %add3A_313, %add3A_346 : i32
      %dma_wait3A_348 = arith.constant 0 : i32
      %dma_wait3A_349 = tpu.memref_slice %arg5[%dma_wait3A_348] : memref<10000xi32, #tpu.memory_space<vmem>> -> memref<80xi32, #tpu.memory_space<vmem>>
      %dma_wait3A_350 = arith.constant 0 : i32
      %dma_wait3A_351 = arith.constant 0 : i32
      %dma_wait3A_352 = tpu.memref_slice %arg2[%dma_wait3A_350, %dma_wait3A_351] : memref<10000x272xf32, #tpu.memory_space<hbm>> -> memref<10000x272xf32, #tpu.memory_space<hbm>>
      tpu.wait_indirect_dma semaphore(%arg16 : memref<!tpu.dma_semaphore, #tpu.memory_space<semaphore_mem>>) src(%dma_wait3A_352 : memref<10000x272xf32, #tpu.memory_space<hbm>>) dst(%arg9 : memref<80x272xf32, #tpu.memory_space<vmem>>)
      %mul3A_353 = arith.constant 80 : i32
      %mul3A_354 = arith.muli %add3A_347, %mul3A_353 : i32
      %dma_start3A_355 = tpu.memref_slice %arg6[%mul3A_354] : memref<10000xi32, #tpu.memory_space<vmem>> -> memref<80xi32, #tpu.memory_space<vmem>>
      %dma_start3A_356 = arith.constant 0 : i32
      %dma_start3A_357 = arith.constant 0 : i32
      %dma_start3A_358 = tpu.memref_slice %arg2[%dma_start3A_356, %dma_start3A_357] : memref<10000x272xf32, #tpu.memory_space<hbm>> -> memref<10000x272xf32, #tpu.memory_space<hbm>>
      tpu.enqueue_indirect_dma source(%dma_start3A_358 : memref<10000x272xf32, #tpu.memory_space<hbm>>) target(%arg9 : memref<80x272xf32, #tpu.memory_space<vmem>>) offsets(%dma_start3A_355 : memref<80xi32, #tpu.memory_space<vmem>>) semaphore(%arg19 : memref<!tpu.dma_semaphore, #tpu.memory_space<semaphore_mem>>) {add = true}
      %add3A_359 = arith.constant 1 : i32
      %add3A_360 = arith.addi %add3A_311, %add3A_359 : i32
      %dma_wait3A_361 = arith.constant 0 : i32
      %dma_wait3A_362 = tpu.memref_slice %arg6[%dma_wait3A_361] : memref<10000xi32, #tpu.memory_space<vmem>> -> memref<80xi32, #tpu.memory_space<vmem>>
      %dma_wait3A_363 = arith.constant 0 : i32
      %dma_wait3A_364 = arith.constant 0 : i32
      %dma_wait3A_365 = tpu.memref_slice %arg2[%dma_wait3A_363, %dma_wait3A_364] : memref<10000x272xf32, #tpu.memory_space<hbm>> -> memref<10000x272xf32, #tpu.memory_space<hbm>>
      tpu.wait_indirect_dma semaphore(%arg18 : memref<!tpu.dma_semaphore, #tpu.memory_space<semaphore_mem>>) src(%dma_wait3A_365 : memref<10000x272xf32, #tpu.memory_space<hbm>>) dst(%arg8 : memref<80x272xf32, #tpu.memory_space<vmem>>)
      %mul3A_366 = arith.constant 160000 : i32
      %mul3A_367 = arith.muli %arg0, %mul3A_366 : i32
      %add3A_368 = arith.addi %mul3A_367, %mul3A_0 : i32
      %dma_wait3A_369 = tpu.memref_slice %arg4[%add3A_368] : memref<320000xf32, #tpu.memory_space<hbm>> -> memref<80xf32, #tpu.memory_space<hbm>>
      %dma_wait3A_370 = tpu.memref_slice %arg4[%add3A_368] : memref<320000xf32, #tpu.memory_space<hbm>> -> memref<80xf32, #tpu.memory_space<hbm>>
      tpu.wait_dma2 semaphore(%arg21 : memref<!tpu.dma_semaphore, #tpu.memory_space<semaphore_mem>>) src(%arg11 : memref<80xf32, #tpu.memory_space<vmem>>) dst(%dma_wait3A_370 : memref<80xf32, #tpu.memory_space<hbm>>)
      %iota3A_371 = tpu.iota {dimensions = array<i32: 0>} : vector<16xi32>
      %scan3A_372 = arith.constant 0 : i32
      %scan3A_373 = arith.constant 5 : i32
      %scan3A_374 = arith.addi %scan3A_372, %scan3A_373 : i32
      %scan3A_375 = arith.constant 1 : i32
      scf.for %scan3A_453 = %scan3A_372 to %scan3A_374 step %scan3A_375  : i32 {
        %mul3A_454 = arith.constant 1 : i32
        %mul3A_455 = arith.muli %scan3A_453, %mul3A_454 : i32
        %add3A_456 = arith.constant 0 : i32
        %add3A_457 = arith.addi %add3A_456, %mul3A_455 : i32
        %scan3A_458 = arith.constant 0 : i32
        %scan3A_459 = arith.constant 16 : i32
        %scan3A_460 = arith.addi %scan3A_458, %scan3A_459 : i32
        %scan3A_461 = arith.constant 1 : i32
        scf.for %scan3A_540 = %scan3A_458 to %scan3A_460 step %scan3A_461  : i32 {
          %mul3A_541 = arith.constant 1 : i32
          %mul3A_542 = arith.muli %scan3A_540, %mul3A_541 : i32
          %add3A_543 = arith.constant 0 : i32
          %add3A_544 = arith.addi %add3A_543, %mul3A_542 : i32
          %mul3A_545 = arith.constant 16 : i32
          %mul3A_546 = arith.muli %add3A_457, %mul3A_545 : i32
          %add3A_547 = arith.addi %mul3A_546, %add3A_544 : i32
          %broadcast_in_dim3A_548 = arith.constant 0.000000e+00 : f32
          %broadcast_in_dim3A_549 = vector.broadcast %broadcast_in_dim3A_548 : f32 to vector<16xf32>
          %get3A = arith.index_cast %add3A_547 : i32 to index
          %get3A_550 = arith.constant 0 : index
          %get3A_551 = tpu.vector_load %arg8[%get3A, %get3A_550] {strides = array<i32>} : memref<80x272xf32, #tpu.memory_space<vmem>>, vector<16xf32>,
          %mul3A_552 = arith.mulf %get3A_551, %get3A_551 : vector<16xf32>
          %add3A_553 = arith.addf %broadcast_in_dim3A_549, %mul3A_552 : vector<16xf32>
          %get3A_554 = arith.index_cast %add3A_547 : i32 to index
          %get3A_555 = arith.constant 16 : index
          %get3A_556 = tpu.vector_load %arg8[%get3A_554, %get3A_555] {strides = array<i32>} : memref<80x272xf32, #tpu.memory_space<vmem>>, vector<16xf32>,
          %mul3A_557 = arith.mulf %get3A_556, %get3A_556 : vector<16xf32>
          %add3A_558 = arith.addf %add3A_553, %mul3A_557 : vector<16xf32>
          %get3A_559 = arith.index_cast %add3A_547 : i32 to index
          %get3A_560 = arith.constant 32 : index
          %get3A_561 = tpu.vector_load %arg8[%get3A_559, %get3A_560] {strides = array<i32>} : memref<80x272xf32, #tpu.memory_space<vmem>>, vector<16xf32>,
          %mul3A_562 = arith.mulf %get3A_561, %get3A_561 : vector<16xf32>
          %add3A_563 = arith.addf %add3A_558, %mul3A_562 : vector<16xf32>
          %get3A_564 = arith.index_cast %add3A_547 : i32 to index
          %get3A_565 = arith.constant 48 : index
          %get3A_566 = tpu.vector_load %arg8[%get3A_564, %get3A_565] {strides = array<i32>} : memref<80x272xf32, #tpu.memory_space<vmem>>, vector<16xf32>,
          %mul3A_567 = arith.mulf %get3A_566, %get3A_566 : vector<16xf32>
          %add3A_568 = arith.addf %add3A_563, %mul3A_567 : vector<16xf32>
          %get3A_569 = arith.index_cast %add3A_547 : i32 to index
          %get3A_570 = arith.constant 64 : index
          %get3A_571 = tpu.vector_load %arg8[%get3A_569, %get3A_570] {strides = array<i32>} : memref<80x272xf32, #tpu.memory_space<vmem>>, vector<16xf32>,
          %mul3A_572 = arith.mulf %get3A_571, %get3A_571 : vector<16xf32>
          %add3A_573 = arith.addf %add3A_568, %mul3A_572 : vector<16xf32>
          %get3A_574 = arith.index_cast %add3A_547 : i32 to index
          %get3A_575 = arith.constant 80 : index
          %get3A_576 = tpu.vector_load %arg8[%get3A_574, %get3A_575] {strides = array<i32>} : memref<80x272xf32, #tpu.memory_space<vmem>>, vector<16xf32>,
          %mul3A_577 = arith.mulf %get3A_576, %get3A_576 : vector<16xf32>
          %add3A_578 = arith.addf %add3A_573, %mul3A_577 : vector<16xf32>
          %get3A_579 = arith.index_cast %add3A_547 : i32 to index
          %get3A_580 = arith.constant 96 : index
          %get3A_581 = tpu.vector_load %arg8[%get3A_579, %get3A_580] {strides = array<i32>} : memref<80x272xf32, #tpu.memory_space<vmem>>, vector<16xf32>,
          %mul3A_582 = arith.mulf %get3A_581, %get3A_581 : vector<16xf32>
          %add3A_583 = arith.addf %add3A_578, %mul3A_582 : vector<16xf32>
          %get3A_584 = arith.index_cast %add3A_547 : i32 to index
          %get3A_585 = arith.constant 112 : index
          %get3A_586 = tpu.vector_load %arg8[%get3A_584, %get3A_585] {strides = array<i32>} : memref<80x272xf32, #tpu.memory_space<vmem>>, vector<16xf32>,
          %mul3A_587 = arith.mulf %get3A_586, %get3A_586 : vector<16xf32>
          %add3A_588 = arith.addf %add3A_583, %mul3A_587 : vector<16xf32>
          %get3A_589 = arith.index_cast %add3A_547 : i32 to index
          %get3A_590 = arith.constant 128 : index
          %get3A_591 = tpu.vector_load %arg8[%get3A_589, %get3A_590] {strides = array<i32>} : memref<80x272xf32, #tpu.memory_space<vmem>>, vector<16xf32>,
          %mul3A_592 = arith.mulf %get3A_591, %get3A_591 : vector<16xf32>
          %add3A_593 = arith.addf %add3A_588, %mul3A_592 : vector<16xf32>
          %get3A_594 = arith.index_cast %add3A_547 : i32 to index
          %get3A_595 = arith.constant 144 : index
          %get3A_596 = tpu.vector_load %arg8[%get3A_594, %get3A_595] {strides = array<i32>} : memref<80x272xf32, #tpu.memory_space<vmem>>, vector<16xf32>,
          %mul3A_597 = arith.mulf %get3A_596, %get3A_596 : vector<16xf32>
          %add3A_598 = arith.addf %add3A_593, %mul3A_597 : vector<16xf32>
          %get3A_599 = arith.index_cast %add3A_547 : i32 to index
          %get3A_600 = arith.constant 160 : index
          %get3A_601 = tpu.vector_load %arg8[%get3A_599, %get3A_600] {strides = array<i32>} : memref<80x272xf32, #tpu.memory_space<vmem>>, vector<16xf32>,
          %mul3A_602 = arith.mulf %get3A_601, %get3A_601 : vector<16xf32>
          %add3A_603 = arith.addf %add3A_598, %mul3A_602 : vector<16xf32>
          %get3A_604 = arith.index_cast %add3A_547 : i32 to index
          %get3A_605 = arith.constant 176 : index
          %get3A_606 = tpu.vector_load %arg8[%get3A_604, %get3A_605] {strides = array<i32>} : memref<80x272xf32, #tpu.memory_space<vmem>>, vector<16xf32>,
          %mul3A_607 = arith.mulf %get3A_606, %get3A_606 : vector<16xf32>
          %add3A_608 = arith.addf %add3A_603, %mul3A_607 : vector<16xf32>
          %get3A_609 = arith.index_cast %add3A_547 : i32 to index
          %get3A_610 = arith.constant 192 : index
          %get3A_611 = tpu.vector_load %arg8[%get3A_609, %get3A_610] {strides = array<i32>} : memref<80x272xf32, #tpu.memory_space<vmem>>, vector<16xf32>,
          %mul3A_612 = arith.mulf %get3A_611, %get3A_611 : vector<16xf32>
          %add3A_613 = arith.addf %add3A_608, %mul3A_612 : vector<16xf32>
          %get3A_614 = arith.index_cast %add3A_547 : i32 to index
          %get3A_615 = arith.constant 208 : index
          %get3A_616 = tpu.vector_load %arg8[%get3A_614, %get3A_615] {strides = array<i32>} : memref<80x272xf32, #tpu.memory_space<vmem>>, vector<16xf32>,
          %mul3A_617 = arith.mulf %get3A_616, %get3A_616 : vector<16xf32>
          %add3A_618 = arith.addf %add3A_613, %mul3A_617 : vector<16xf32>
          %get3A_619 = arith.index_cast %add3A_547 : i32 to index
          %get3A_620 = arith.constant 224 : index
          %get3A_621 = tpu.vector_load %arg8[%get3A_619, %get3A_620] {strides = array<i32>} : memref<80x272xf32, #tpu.memory_space<vmem>>, vector<16xf32>,
          %mul3A_622 = arith.mulf %get3A_621, %get3A_621 : vector<16xf32>
          %add3A_623 = arith.addf %add3A_618, %mul3A_622 : vector<16xf32>
          %get3A_624 = arith.index_cast %add3A_547 : i32 to index
          %get3A_625 = arith.constant 240 : index
          %get3A_626 = tpu.vector_load %arg8[%get3A_624, %get3A_625] {strides = array<i32>} : memref<80x272xf32, #tpu.memory_space<vmem>>, vector<16xf32>,
          %mul3A_627 = arith.mulf %get3A_626, %get3A_626 : vector<16xf32>
          %add3A_628 = arith.addf %add3A_623, %mul3A_627 : vector<16xf32>
          %swap3A_629 = arith.index_cast %add3A_544 : i32 to index
          %swap3A_630 = arith.constant 0 : index
          %swap3A_631 = tpu.vector_load %arg13[%swap3A_629, %swap3A_630] {strides = array<i32>} : memref<16x17xf32, #tpu.memory_space<vmem>>, vector<16xf32>,
          tpu.vector_store %arg13[%swap3A_629, %swap3A_630], %add3A_628 {strides = array<i32>} : memref<16x17xf32, #tpu.memory_space<vmem>>, vector<16xf32>,
        }
        %scan3A_462 = arith.constant 16 : i32
        %mul3A_463 = arith.constant 16 : i32
        %mul3A_464 = arith.muli %add3A_457, %mul3A_463 : i32
        %add3A_465 = vector.broadcast %mul3A_464 : i32 to vector<16xi32>
        %add3A_466 = arith.addi %iota3A_371, %add3A_465 : vector<16xi32>
        %broadcast_in_dim3A = arith.constant 256 : i32
        %broadcast_in_dim3A_467 = vector.broadcast %broadcast_in_dim3A : i32 to vector<16xi32>
        %gather3A = tpu.vector_load_idx %arg8[%add3A_466, %broadcast_in_dim3A_467] : memref<80x272xf32, #tpu.memory_space<vmem>>[vector<16xi32>, vector<16xi32>], vector<16xf32>,
        %broadcast_in_dim3A_468 = arith.constant 0.000000e+00 : f32
        %broadcast_in_dim3A_469 = vector.broadcast %broadcast_in_dim3A_468 : f32 to vector<16xf32>
        %broadcast_in_dim3A_470 = arith.constant 0 : i32
        %broadcast_in_dim3A_471 = vector.broadcast %broadcast_in_dim3A_470 : i32 to vector<16xi32>
        %gather3A_472 = tpu.vector_load_idx %arg13[%iota3A_371, %broadcast_in_dim3A_471] : memref<16x17xf32, #tpu.memory_space<vmem>>[vector<16xi32>, vector<16xi32>], vector<16xf32>,
        %add3A_473 = arith.addf %broadcast_in_dim3A_469, %gather3A_472 : vector<16xf32>
        %broadcast_in_dim3A_474 = arith.constant 1 : i32
        %broadcast_in_dim3A_475 = vector.broadcast %broadcast_in_dim3A_474 : i32 to vector<16xi32>
        %gather3A_476 = tpu.vector_load_idx %arg13[%iota3A_371, %broadcast_in_dim3A_475] : memref<16x17xf32, #tpu.memory_space<vmem>>[vector<16xi32>, vector<16xi32>], vector<16xf32>,
        %add3A_477 = arith.addf %add3A_473, %gather3A_476 : vector<16xf32>
        %broadcast_in_dim3A_478 = arith.constant 2 : i32
        %broadcast_in_dim3A_479 = vector.broadcast %broadcast_in_dim3A_478 : i32 to vector<16xi32>
        %gather3A_480 = tpu.vector_load_idx %arg13[%iota3A_371, %broadcast_in_dim3A_479] : memref<16x17xf32, #tpu.memory_space<vmem>>[vector<16xi32>, vector<16xi32>], vector<16xf32>,
        %add3A_481 = arith.addf %add3A_477, %gather3A_480 : vector<16xf32>
        %broadcast_in_dim3A_482 = arith.constant 3 : i32
        %broadcast_in_dim3A_483 = vector.broadcast %broadcast_in_dim3A_482 : i32 to vector<16xi32>
        %gather3A_484 = tpu.vector_load_idx %arg13[%iota3A_371, %broadcast_in_dim3A_483] : memref<16x17xf32, #tpu.memory_space<vmem>>[vector<16xi32>, vector<16xi32>], vector<16xf32>,
        %add3A_485 = arith.addf %add3A_481, %gather3A_484 : vector<16xf32>
        %broadcast_in_dim3A_486 = arith.constant 4 : i32
        %broadcast_in_dim3A_487 = vector.broadcast %broadcast_in_dim3A_486 : i32 to vector<16xi32>
        %gather3A_488 = tpu.vector_load_idx %arg13[%iota3A_371, %broadcast_in_dim3A_487] : memref<16x17xf32, #tpu.memory_space<vmem>>[vector<16xi32>, vector<16xi32>], vector<16xf32>,
        %add3A_489 = arith.addf %add3A_485, %gather3A_488 : vector<16xf32>
        %broadcast_in_dim3A_490 = arith.constant 5 : i32
        %broadcast_in_dim3A_491 = vector.broadcast %broadcast_in_dim3A_490 : i32 to vector<16xi32>
        %gather3A_492 = tpu.vector_load_idx %arg13[%iota3A_371, %broadcast_in_dim3A_491] : memref<16x17xf32, #tpu.memory_space<vmem>>[vector<16xi32>, vector<16xi32>], vector<16xf32>,
        %add3A_493 = arith.addf %add3A_489, %gather3A_492 : vector<16xf32>
        %broadcast_in_dim3A_494 = arith.constant 6 : i32
        %broadcast_in_dim3A_495 = vector.broadcast %broadcast_in_dim3A_494 : i32 to vector<16xi32>
        %gather3A_496 = tpu.vector_load_idx %arg13[%iota3A_371, %broadcast_in_dim3A_495] : memref<16x17xf32, #tpu.memory_space<vmem>>[vector<16xi32>, vector<16xi32>], vector<16xf32>,
        %add3A_497 = arith.addf %add3A_493, %gather3A_496 : vector<16xf32>
        %broadcast_in_dim3A_498 = arith.constant 7 : i32
        %broadcast_in_dim3A_499 = vector.broadcast %broadcast_in_dim3A_498 : i32 to vector<16xi32>
        %gather3A_500 = tpu.vector_load_idx %arg13[%iota3A_371, %broadcast_in_dim3A_499] : memref<16x17xf32, #tpu.memory_space<vmem>>[vector<16xi32>, vector<16xi32>], vector<16xf32>,
        %add3A_501 = arith.addf %add3A_497, %gather3A_500 : vector<16xf32>
        %broadcast_in_dim3A_502 = arith.constant 8 : i32
        %broadcast_in_dim3A_503 = vector.broadcast %broadcast_in_dim3A_502 : i32 to vector<16xi32>
        %gather3A_504 = tpu.vector_load_idx %arg13[%iota3A_371, %broadcast_in_dim3A_503] : memref<16x17xf32, #tpu.memory_space<vmem>>[vector<16xi32>, vector<16xi32>], vector<16xf32>,
        %add3A_505 = arith.addf %add3A_501, %gather3A_504 : vector<16xf32>
        %broadcast_in_dim3A_506 = arith.constant 9 : i32
        %broadcast_in_dim3A_507 = vector.broadcast %broadcast_in_dim3A_506 : i32 to vector<16xi32>
        %gather3A_508 = tpu.vector_load_idx %arg13[%iota3A_371, %broadcast_in_dim3A_507] : memref<16x17xf32, #tpu.memory_space<vmem>>[vector<16xi32>, vector<16xi32>], vector<16xf32>,
        %add3A_509 = arith.addf %add3A_505, %gather3A_508 : vector<16xf32>
        %broadcast_in_dim3A_510 = arith.constant 10 : i32
        %broadcast_in_dim3A_511 = vector.broadcast %broadcast_in_dim3A_510 : i32 to vector<16xi32>
        %gather3A_512 = tpu.vector_load_idx %arg13[%iota3A_371, %broadcast_in_dim3A_511] : memref<16x17xf32, #tpu.memory_space<vmem>>[vector<16xi32>, vector<16xi32>], vector<16xf32>,
        %add3A_513 = arith.addf %add3A_509, %gather3A_512 : vector<16xf32>
        %broadcast_in_dim3A_514 = arith.constant 11 : i32
        %broadcast_in_dim3A_515 = vector.broadcast %broadcast_in_dim3A_514 : i32 to vector<16xi32>
        %gather3A_516 = tpu.vector_load_idx %arg13[%iota3A_371, %broadcast_in_dim3A_515] : memref<16x17xf32, #tpu.memory_space<vmem>>[vector<16xi32>, vector<16xi32>], vector<16xf32>,
        %add3A_517 = arith.addf %add3A_513, %gather3A_516 : vector<16xf32>
        %broadcast_in_dim3A_518 = arith.constant 12 : i32
        %broadcast_in_dim3A_519 = vector.broadcast %broadcast_in_dim3A_518 : i32 to vector<16xi32>
        %gather3A_520 = tpu.vector_load_idx %arg13[%iota3A_371, %broadcast_in_dim3A_519] : memref<16x17xf32, #tpu.memory_space<vmem>>[vector<16xi32>, vector<16xi32>], vector<16xf32>,
        %add3A_521 = arith.addf %add3A_517, %gather3A_520 : vector<16xf32>
        %broadcast_in_dim3A_522 = arith.constant 13 : i32
        %broadcast_in_dim3A_523 = vector.broadcast %broadcast_in_dim3A_522 : i32 to vector<16xi32>
        %gather3A_524 = tpu.vector_load_idx %arg13[%iota3A_371, %broadcast_in_dim3A_523] : memref<16x17xf32, #tpu.memory_space<vmem>>[vector<16xi32>, vector<16xi32>], vector<16xf32>,
        %add3A_525 = arith.addf %add3A_521, %gather3A_524 : vector<16xf32>
        %broadcast_in_dim3A_526 = arith.constant 14 : i32
        %broadcast_in_dim3A_527 = vector.broadcast %broadcast_in_dim3A_526 : i32 to vector<16xi32>
        %gather3A_528 = tpu.vector_load_idx %arg13[%iota3A_371, %broadcast_in_dim3A_527] : memref<16x17xf32, #tpu.memory_space<vmem>>[vector<16xi32>, vector<16xi32>], vector<16xf32>,
        %add3A_529 = arith.addf %add3A_525, %gather3A_528 : vector<16xf32>
        %broadcast_in_dim3A_530 = arith.constant 15 : i32
        %broadcast_in_dim3A_531 = vector.broadcast %broadcast_in_dim3A_530 : i32 to vector<16xi32>
        %gather3A_532 = tpu.vector_load_idx %arg13[%iota3A_371, %broadcast_in_dim3A_531] : memref<16x17xf32, #tpu.memory_space<vmem>>[vector<16xi32>, vector<16xi32>], vector<16xf32>,
        %add3A_533 = arith.addf %add3A_529, %gather3A_532 : vector<16xf32>
        %sub3A = arith.subf %add3A_533, %gather3A : vector<16xf32>
        %mul3A_534 = arith.constant 5.000000e-01 : f32
        %mul3A_535 = vector.broadcast %mul3A_534 : f32 to vector<16xf32>
        %mul3A_536 = arith.mulf %sub3A, %mul3A_535 : vector<16xf32>
        %mul3A_537 = arith.constant 16 : i32
        %mul3A_538 = arith.muli %add3A_457, %mul3A_537 : i32
        %swap3A = arith.index_cast %mul3A_538 : i32 to index
        %swap3A_539 = tpu.vector_load %arg11[%swap3A] {strides = array<i32>} : memref<80xf32, #tpu.memory_space<vmem>>, vector<16xf32>,
        tpu.vector_store %arg11[%swap3A], %mul3A_536 {strides = array<i32>} : memref<80xf32, #tpu.memory_space<vmem>>, vector<16xf32>,
      }
      %scan3A_376 = arith.constant 5 : i32
      %mul3A_377 = arith.constant 160000 : i32
      %mul3A_378 = arith.muli %arg0, %mul3A_377 : i32
      %add3A_379 = arith.addi %mul3A_378, %mul3A_0 : i32
      %mul3A_380 = arith.constant 80 : i32
      %mul3A_381 = arith.muli %add3A_360, %mul3A_380 : i32
      %add3A_382 = arith.addi %add3A_379, %mul3A_381 : i32
      %dma_start3A_383 = tpu.memref_slice %arg4[%add3A_382] : memref<320000xf32, #tpu.memory_space<hbm>> -> memref<80xf32, #tpu.memory_space<hbm>>
      %dma_start3A_384 = tpu.memref_slice %arg4[%add3A_382] : memref<320000xf32, #tpu.memory_space<hbm>> -> memref<80xf32, #tpu.memory_space<hbm>>
      tpu.enqueue_dma source(%arg11 : memref<80xf32, #tpu.memory_space<vmem>>) target(%dma_start3A_384 : memref<80xf32, #tpu.memory_space<hbm>>) target_semaphore(%arg21 : memref<!tpu.dma_semaphore, #tpu.memory_space<semaphore_mem>>)
      %add3A_385 = arith.constant 3 : i32
      %add3A_386 = arith.addi %add3A_360, %add3A_385 : i32
      %mul3A_387 = arith.constant 80 : i32
      %mul3A_388 = arith.muli %add3A_386, %mul3A_387 : i32
      %dma_start3A_389 = tpu.memref_slice %arg5[%mul3A_388] : memref<10000xi32, #tpu.memory_space<vmem>> -> memref<80xi32, #tpu.memory_space<vmem>>
      %dma_start3A_390 = arith.constant 0 : i32
      %dma_start3A_391 = arith.constant 0 : i32
      %dma_start3A_392 = tpu.memref_slice %arg2[%dma_start3A_390, %dma_start3A_391] : memref<10000x272xf32, #tpu.memory_space<hbm>> -> memref<10000x272xf32, #tpu.memory_space<hbm>>
      tpu.enqueue_indirect_dma source(%dma_start3A_392 : memref<10000x272xf32, #tpu.memory_space<hbm>>) target(%arg8 : memref<80x272xf32, #tpu.memory_space<vmem>>) offsets(%dma_start3A_389 : memref<80xi32, #tpu.memory_space<vmem>>) semaphore(%arg15 : memref<!tpu.dma_semaphore, #tpu.memory_space<semaphore_mem>>)
      %add3A_393 = arith.constant 2 : i32
      %add3A_394 = arith.addi %add3A_360, %add3A_393 : i32
      %dma_wait3A_395 = arith.constant 0 : i32
      %dma_wait3A_396 = tpu.memref_slice %arg5[%dma_wait3A_395] : memref<10000xi32, #tpu.memory_space<vmem>> -> memref<80xi32, #tpu.memory_space<vmem>>
      %dma_wait3A_397 = arith.constant 0 : i32
      %dma_wait3A_398 = arith.constant 0 : i32
      %dma_wait3A_399 = tpu.memref_slice %arg2[%dma_wait3A_397, %dma_wait3A_398] : memref<10000x272xf32, #tpu.memory_space<hbm>> -> memref<10000x272xf32, #tpu.memory_space<hbm>>
      tpu.wait_indirect_dma semaphore(%arg14 : memref<!tpu.dma_semaphore, #tpu.memory_space<semaphore_mem>>) src(%dma_wait3A_399 : memref<10000x272xf32, #tpu.memory_space<hbm>>) dst(%arg7 : memref<80x272xf32, #tpu.memory_space<vmem>>)
      %mul3A_400 = arith.constant 80 : i32
      %mul3A_401 = arith.muli %add3A_394, %mul3A_400 : i32
      %dma_start3A_402 = tpu.memref_slice %arg6[%mul3A_401] : memref<10000xi32, #tpu.memory_space<vmem>> -> memref<80xi32, #tpu.memory_space<vmem>>
      %dma_start3A_403 = arith.constant 0 : i32
      %dma_start3A_404 = arith.constant 0 : i32
      %dma_start3A_405 = tpu.memref_slice %arg2[%dma_start3A_403, %dma_start3A_404] : memref<10000x272xf32, #tpu.memory_space<hbm>> -> memref<10000x272xf32, #tpu.memory_space<hbm>>
      tpu.enqueue_indirect_dma source(%dma_start3A_405 : memref<10000x272xf32, #tpu.memory_space<hbm>>) target(%arg7 : memref<80x272xf32, #tpu.memory_space<vmem>>) offsets(%dma_start3A_402 : memref<80xi32, #tpu.memory_space<vmem>>) semaphore(%arg17 : memref<!tpu.dma_semaphore, #tpu.memory_space<semaphore_mem>>) {add = true}
      %add3A_406 = arith.constant 2 : i32
      %add3A_407 = arith.addi %add3A_311, %add3A_406 : i32
      %dma_wait3A_408 = arith.constant 0 : i32
      %dma_wait3A_409 = tpu.memref_slice %arg6[%dma_wait3A_408] : memref<10000xi32, #tpu.memory_space<vmem>> -> memref<80xi32, #tpu.memory_space<vmem>>
      %dma_wait3A_410 = arith.constant 0 : i32
      %dma_wait3A_411 = arith.constant 0 : i32
      %dma_wait3A_412 = tpu.memref_slice %arg2[%dma_wait3A_410, %dma_wait3A_411] : memref<10000x272xf32, #tpu.memory_space<hbm>> -> memref<10000x272xf32, #tpu.memory_space<hbm>>
      tpu.wait_indirect_dma semaphore(%arg19 : memref<!tpu.dma_semaphore, #tpu.memory_space<semaphore_mem>>) src(%dma_wait3A_412 : memref<10000x272xf32, #tpu.memory_space<hbm>>) dst(%arg9 : memref<80x272xf32, #tpu.memory_space<vmem>>)
      %mul3A_413 = arith.constant 160000 : i32
      %mul3A_414 = arith.muli %arg0, %mul3A_413 : i32
      %add3A_415 = arith.addi %mul3A_414, %mul3A_0 : i32
      %dma_wait3A_416 = tpu.memref_slice %arg4[%add3A_415] : memref<320000xf32, #tpu.memory_space<hbm>> -> memref<80xf32, #tpu.memory_space<hbm>>
      %dma_wait3A_417 = tpu.memref_slice %arg4[%add3A_415] : memref<320000xf32, #tpu.memory_space<hbm>> -> memref<80xf32, #tpu.memory_space<hbm>>
      tpu.wait_dma2 semaphore(%arg22 : memref<!tpu.dma_semaphore, #tpu.memory_space<semaphore_mem>>) src(%arg12 : memref<80xf32, #tpu.memory_space<vmem>>) dst(%dma_wait3A_417 : memref<80xf32, #tpu.memory_space<hbm>>)
      %iota3A_418 = tpu.iota {dimensions = array<i32: 0>} : vector<16xi32>
      %scan3A_419 = arith.constant 0 : i32
      %scan3A_420 = arith.constant 5 : i32
      %scan3A_421 = arith.addi %scan3A_419, %scan3A_420 : i32
      %scan3A_422 = arith.constant 1 : i32
      scf.for %scan3A_453 = %scan3A_419 to %scan3A_421 step %scan3A_422  : i32 {
        %mul3A_454 = arith.constant 1 : i32
        %mul3A_455 = arith.muli %scan3A_453, %mul3A_454 : i32
        %add3A_456 = arith.constant 0 : i32
        %add3A_457 = arith.addi %add3A_456, %mul3A_455 : i32
        %scan3A_458 = arith.constant 0 : i32
        %scan3A_459 = arith.constant 16 : i32
        %scan3A_460 = arith.addi %scan3A_458, %scan3A_459 : i32
        %scan3A_461 = arith.constant 1 : i32
        scf.for %scan3A_540 = %scan3A_458 to %scan3A_460 step %scan3A_461  : i32 {
          %mul3A_541 = arith.constant 1 : i32
          %mul3A_542 = arith.muli %scan3A_540, %mul3A_541 : i32
          %add3A_543 = arith.constant 0 : i32
          %add3A_544 = arith.addi %add3A_543, %mul3A_542 : i32
          %mul3A_545 = arith.constant 16 : i32
          %mul3A_546 = arith.muli %add3A_457, %mul3A_545 : i32
          %add3A_547 = arith.addi %mul3A_546, %add3A_544 : i32
          %broadcast_in_dim3A_548 = arith.constant 0.000000e+00 : f32
          %broadcast_in_dim3A_549 = vector.broadcast %broadcast_in_dim3A_548 : f32 to vector<16xf32>
          %get3A = arith.index_cast %add3A_547 : i32 to index
          %get3A_550 = arith.constant 0 : index
          %get3A_551 = tpu.vector_load %arg9[%get3A, %get3A_550] {strides = array<i32>} : memref<80x272xf32, #tpu.memory_space<vmem>>, vector<16xf32>,
          %mul3A_552 = arith.mulf %get3A_551, %get3A_551 : vector<16xf32>
          %add3A_553 = arith.addf %broadcast_in_dim3A_549, %mul3A_552 : vector<16xf32>
          %get3A_554 = arith.index_cast %add3A_547 : i32 to index
          %get3A_555 = arith.constant 16 : index
          %get3A_556 = tpu.vector_load %arg9[%get3A_554, %get3A_555] {strides = array<i32>} : memref<80x272xf32, #tpu.memory_space<vmem>>, vector<16xf32>,
          %mul3A_557 = arith.mulf %get3A_556, %get3A_556 : vector<16xf32>
          %add3A_558 = arith.addf %add3A_553, %mul3A_557 : vector<16xf32>
          %get3A_559 = arith.index_cast %add3A_547 : i32 to index
          %get3A_560 = arith.constant 32 : index
          %get3A_561 = tpu.vector_load %arg9[%get3A_559, %get3A_560] {strides = array<i32>} : memref<80x272xf32, #tpu.memory_space<vmem>>, vector<16xf32>,
          %mul3A_562 = arith.mulf %get3A_561, %get3A_561 : vector<16xf32>
          %add3A_563 = arith.addf %add3A_558, %mul3A_562 : vector<16xf32>
          %get3A_564 = arith.index_cast %add3A_547 : i32 to index
          %get3A_565 = arith.constant 48 : index
          %get3A_566 = tpu.vector_load %arg9[%get3A_564, %get3A_565] {strides = array<i32>} : memref<80x272xf32, #tpu.memory_space<vmem>>, vector<16xf32>,
          %mul3A_567 = arith.mulf %get3A_566, %get3A_566 : vector<16xf32>
          %add3A_568 = arith.addf %add3A_563, %mul3A_567 : vector<16xf32>
          %get3A_569 = arith.index_cast %add3A_547 : i32 to index
          %get3A_570 = arith.constant 64 : index
          %get3A_571 = tpu.vector_load %arg9[%get3A_569, %get3A_570] {strides = array<i32>} : memref<80x272xf32, #tpu.memory_space<vmem>>, vector<16xf32>,
          %mul3A_572 = arith.mulf %get3A_571, %get3A_571 : vector<16xf32>
          %add3A_573 = arith.addf %add3A_568, %mul3A_572 : vector<16xf32>
          %get3A_574 = arith.index_cast %add3A_547 : i32 to index
          %get3A_575 = arith.constant 80 : index
          %get3A_576 = tpu.vector_load %arg9[%get3A_574, %get3A_575] {strides = array<i32>} : memref<80x272xf32, #tpu.memory_space<vmem>>, vector<16xf32>,
          %mul3A_577 = arith.mulf %get3A_576, %get3A_576 : vector<16xf32>
          %add3A_578 = arith.addf %add3A_573, %mul3A_577 : vector<16xf32>
          %get3A_579 = arith.index_cast %add3A_547 : i32 to index
          %get3A_580 = arith.constant 96 : index
          %get3A_581 = tpu.vector_load %arg9[%get3A_579, %get3A_580] {strides = array<i32>} : memref<80x272xf32, #tpu.memory_space<vmem>>, vector<16xf32>,
          %mul3A_582 = arith.mulf %get3A_581, %get3A_581 : vector<16xf32>
          %add3A_583 = arith.addf %add3A_578, %mul3A_582 : vector<16xf32>
          %get3A_584 = arith.index_cast %add3A_547 : i32 to index
          %get3A_585 = arith.constant 112 : index
          %get3A_586 = tpu.vector_load %arg9[%get3A_584, %get3A_585] {strides = array<i32>} : memref<80x272xf32, #tpu.memory_space<vmem>>, vector<16xf32>,
          %mul3A_587 = arith.mulf %get3A_586, %get3A_586 : vector<16xf32>
          %add3A_588 = arith.addf %add3A_583, %mul3A_587 : vector<16xf32>
          %get3A_589 = arith.index_cast %add3A_547 : i32 to index
          %get3A_590 = arith.constant 128 : index
          %get3A_591 = tpu.vector_load %arg9[%get3A_589, %get3A_590] {strides = array<i32>} : memref<80x272xf32, #tpu.memory_space<vmem>>, vector<16xf32>,
          %mul3A_592 = arith.mulf %get3A_591, %get3A_591 : vector<16xf32>
          %add3A_593 = arith.addf %add3A_588, %mul3A_592 : vector<16xf32>
          %get3A_594 = arith.index_cast %add3A_547 : i32 to index
          %get3A_595 = arith.constant 144 : index
          %get3A_596 = tpu.vector_load %arg9[%get3A_594, %get3A_595] {strides = array<i32>} : memref<80x272xf32, #tpu.memory_space<vmem>>, vector<16xf32>,
          %mul3A_597 = arith.mulf %get3A_596, %get3A_596 : vector<16xf32>
          %add3A_598 = arith.addf %add3A_593, %mul3A_597 : vector<16xf32>
          %get3A_599 = arith.index_cast %add3A_547 : i32 to index
          %get3A_600 = arith.constant 160 : index
          %get3A_601 = tpu.vector_load %arg9[%get3A_599, %get3A_600] {strides = array<i32>} : memref<80x272xf32, #tpu.memory_space<vmem>>, vector<16xf32>,
          %mul3A_602 = arith.mulf %get3A_601, %get3A_601 : vector<16xf32>
          %add3A_603 = arith.addf %add3A_598, %mul3A_602 : vector<16xf32>
          %get3A_604 = arith.index_cast %add3A_547 : i32 to index
          %get3A_605 = arith.constant 176 : index
          %get3A_606 = tpu.vector_load %arg9[%get3A_604, %get3A_605] {strides = array<i32>} : memref<80x272xf32, #tpu.memory_space<vmem>>, vector<16xf32>,
          %mul3A_607 = arith.mulf %get3A_606, %get3A_606 : vector<16xf32>
          %add3A_608 = arith.addf %add3A_603, %mul3A_607 : vector<16xf32>
          %get3A_609 = arith.index_cast %add3A_547 : i32 to index
          %get3A_610 = arith.constant 192 : index
          %get3A_611 = tpu.vector_load %arg9[%get3A_609, %get3A_610] {strides = array<i32>} : memref<80x272xf32, #tpu.memory_space<vmem>>, vector<16xf32>,
          %mul3A_612 = arith.mulf %get3A_611, %get3A_611 : vector<16xf32>
          %add3A_613 = arith.addf %add3A_608, %mul3A_612 : vector<16xf32>
          %get3A_614 = arith.index_cast %add3A_547 : i32 to index
          %get3A_615 = arith.constant 208 : index
          %get3A_616 = tpu.vector_load %arg9[%get3A_614, %get3A_615] {strides = array<i32>} : memref<80x272xf32, #tpu.memory_space<vmem>>, vector<16xf32>,
          %mul3A_617 = arith.mulf %get3A_616, %get3A_616 : vector<16xf32>
          %add3A_618 = arith.addf %add3A_613, %mul3A_617 : vector<16xf32>
          %get3A_619 = arith.index_cast %add3A_547 : i32 to index
          %get3A_620 = arith.constant 224 : index
          %get3A_621 = tpu.vector_load %arg9[%get3A_619, %get3A_620] {strides = array<i32>} : memref<80x272xf32, #tpu.memory_space<vmem>>, vector<16xf32>,
          %mul3A_622 = arith.mulf %get3A_621, %get3A_621 : vector<16xf32>
          %add3A_623 = arith.addf %add3A_618, %mul3A_622 : vector<16xf32>
          %get3A_624 = arith.index_cast %add3A_547 : i32 to index
          %get3A_625 = arith.constant 240 : index
          %get3A_626 = tpu.vector_load %arg9[%get3A_624, %get3A_625] {strides = array<i32>} : memref<80x272xf32, #tpu.memory_space<vmem>>, vector<16xf32>,
          %mul3A_627 = arith.mulf %get3A_626, %get3A_626 : vector<16xf32>
          %add3A_628 = arith.addf %add3A_623, %mul3A_627 : vector<16xf32>
          %swap3A_629 = arith.index_cast %add3A_544 : i32 to index
          %swap3A_630 = arith.constant 0 : index
          %swap3A_631 = tpu.vector_load %arg13[%swap3A_629, %swap3A_630] {strides = array<i32>} : memref<16x17xf32, #tpu.memory_space<vmem>>, vector<16xf32>,
          tpu.vector_store %arg13[%swap3A_629, %swap3A_630], %add3A_628 {strides = array<i32>} : memref<16x17xf32, #tpu.memory_space<vmem>>, vector<16xf32>,
        }
        %scan3A_462 = arith.constant 16 : i32
        %mul3A_463 = arith.constant 16 : i32
        %mul3A_464 = arith.muli %add3A_457, %mul3A_463 : i32
        %add3A_465 = vector.broadcast %mul3A_464 : i32 to vector<16xi32>
        %add3A_466 = arith.addi %iota3A_418, %add3A_465 : vector<16xi32>
        %broadcast_in_dim3A = arith.constant 256 : i32
        %broadcast_in_dim3A_467 = vector.broadcast %broadcast_in_dim3A : i32 to vector<16xi32>
        %gather3A = tpu.vector_load_idx %arg9[%add3A_466, %broadcast_in_dim3A_467] : memref<80x272xf32, #tpu.memory_space<vmem>>[vector<16xi32>, vector<16xi32>], vector<16xf32>,
        %broadcast_in_dim3A_468 = arith.constant 0.000000e+00 : f32
        %broadcast_in_dim3A_469 = vector.broadcast %broadcast_in_dim3A_468 : f32 to vector<16xf32>
        %broadcast_in_dim3A_470 = arith.constant 0 : i32
        %broadcast_in_dim3A_471 = vector.broadcast %broadcast_in_dim3A_470 : i32 to vector<16xi32>
        %gather3A_472 = tpu.vector_load_idx %arg13[%iota3A_418, %broadcast_in_dim3A_471] : memref<16x17xf32, #tpu.memory_space<vmem>>[vector<16xi32>, vector<16xi32>], vector<16xf32>,
        %add3A_473 = arith.addf %broadcast_in_dim3A_469, %gather3A_472 : vector<16xf32>
        %broadcast_in_dim3A_474 = arith.constant 1 : i32
        %broadcast_in_dim3A_475 = vector.broadcast %broadcast_in_dim3A_474 : i32 to vector<16xi32>
        %gather3A_476 = tpu.vector_load_idx %arg13[%iota3A_418, %broadcast_in_dim3A_475] : memref<16x17xf32, #tpu.memory_space<vmem>>[vector<16xi32>, vector<16xi32>], vector<16xf32>,
        %add3A_477 = arith.addf %add3A_473, %gather3A_476 : vector<16xf32>
        %broadcast_in_dim3A_478 = arith.constant 2 : i32
        %broadcast_in_dim3A_479 = vector.broadcast %broadcast_in_dim3A_478 : i32 to vector<16xi32>
        %gather3A_480 = tpu.vector_load_idx %arg13[%iota3A_418, %broadcast_in_dim3A_479] : memref<16x17xf32, #tpu.memory_space<vmem>>[vector<16xi32>, vector<16xi32>], vector<16xf32>,
        %add3A_481 = arith.addf %add3A_477, %gather3A_480 : vector<16xf32>
        %broadcast_in_dim3A_482 = arith.constant 3 : i32
        %broadcast_in_dim3A_483 = vector.broadcast %broadcast_in_dim3A_482 : i32 to vector<16xi32>
        %gather3A_484 = tpu.vector_load_idx %arg13[%iota3A_418, %broadcast_in_dim3A_483] : memref<16x17xf32, #tpu.memory_space<vmem>>[vector<16xi32>, vector<16xi32>], vector<16xf32>,
        %add3A_485 = arith.addf %add3A_481, %gather3A_484 : vector<16xf32>
        %broadcast_in_dim3A_486 = arith.constant 4 : i32
        %broadcast_in_dim3A_487 = vector.broadcast %broadcast_in_dim3A_486 : i32 to vector<16xi32>
        %gather3A_488 = tpu.vector_load_idx %arg13[%iota3A_418, %broadcast_in_dim3A_487] : memref<16x17xf32, #tpu.memory_space<vmem>>[vector<16xi32>, vector<16xi32>], vector<16xf32>,
        %add3A_489 = arith.addf %add3A_485, %gather3A_488 : vector<16xf32>
        %broadcast_in_dim3A_490 = arith.constant 5 : i32
        %broadcast_in_dim3A_491 = vector.broadcast %broadcast_in_dim3A_490 : i32 to vector<16xi32>
        %gather3A_492 = tpu.vector_load_idx %arg13[%iota3A_418, %broadcast_in_dim3A_491] : memref<16x17xf32, #tpu.memory_space<vmem>>[vector<16xi32>, vector<16xi32>], vector<16xf32>,
        %add3A_493 = arith.addf %add3A_489, %gather3A_492 : vector<16xf32>
        %broadcast_in_dim3A_494 = arith.constant 6 : i32
        %broadcast_in_dim3A_495 = vector.broadcast %broadcast_in_dim3A_494 : i32 to vector<16xi32>
        %gather3A_496 = tpu.vector_load_idx %arg13[%iota3A_418, %broadcast_in_dim3A_495] : memref<16x17xf32, #tpu.memory_space<vmem>>[vector<16xi32>, vector<16xi32>], vector<16xf32>,
        %add3A_497 = arith.addf %add3A_493, %gather3A_496 : vector<16xf32>
        %broadcast_in_dim3A_498 = arith.constant 7 : i32
        %broadcast_in_dim3A_499 = vector.broadcast %broadcast_in_dim3A_498 : i32 to vector<16xi32>
        %gather3A_500 = tpu.vector_load_idx %arg13[%iota3A_418, %broadcast_in_dim3A_499] : memref<16x17xf32, #tpu.memory_space<vmem>>[vector<16xi32>, vector<16xi32>], vector<16xf32>,
        %add3A_501 = arith.addf %add3A_497, %gather3A_500 : vector<16xf32>
        %broadcast_in_dim3A_502 = arith.constant 8 : i32
        %broadcast_in_dim3A_503 = vector.broadcast %broadcast_in_dim3A_502 : i32 to vector<16xi32>
        %gather3A_504 = tpu.vector_load_idx %arg13[%iota3A_418, %broadcast_in_dim3A_503] : memref<16x17xf32, #tpu.memory_space<vmem>>[vector<16xi32>, vector<16xi32>], vector<16xf32>,
        %add3A_505 = arith.addf %add3A_501, %gather3A_504 : vector<16xf32>
        %broadcast_in_dim3A_506 = arith.constant 9 : i32
        %broadcast_in_dim3A_507 = vector.broadcast %broadcast_in_dim3A_506 : i32 to vector<16xi32>
        %gather3A_508 = tpu.vector_load_idx %arg13[%iota3A_418, %broadcast_in_dim3A_507] : memref<16x17xf32, #tpu.memory_space<vmem>>[vector<16xi32>, vector<16xi32>], vector<16xf32>,
        %add3A_509 = arith.addf %add3A_505, %gather3A_508 : vector<16xf32>
        %broadcast_in_dim3A_510 = arith.constant 10 : i32
        %broadcast_in_dim3A_511 = vector.broadcast %broadcast_in_dim3A_510 : i32 to vector<16xi32>
        %gather3A_512 = tpu.vector_load_idx %arg13[%iota3A_418, %broadcast_in_dim3A_511] : memref<16x17xf32, #tpu.memory_space<vmem>>[vector<16xi32>, vector<16xi32>], vector<16xf32>,
        %add3A_513 = arith.addf %add3A_509, %gather3A_512 : vector<16xf32>
        %broadcast_in_dim3A_514 = arith.constant 11 : i32
        %broadcast_in_dim3A_515 = vector.broadcast %broadcast_in_dim3A_514 : i32 to vector<16xi32>
        %gather3A_516 = tpu.vector_load_idx %arg13[%iota3A_418, %broadcast_in_dim3A_515] : memref<16x17xf32, #tpu.memory_space<vmem>>[vector<16xi32>, vector<16xi32>], vector<16xf32>,
        %add3A_517 = arith.addf %add3A_513, %gather3A_516 : vector<16xf32>
        %broadcast_in_dim3A_518 = arith.constant 12 : i32
        %broadcast_in_dim3A_519 = vector.broadcast %broadcast_in_dim3A_518 : i32 to vector<16xi32>
        %gather3A_520 = tpu.vector_load_idx %arg13[%iota3A_418, %broadcast_in_dim3A_519] : memref<16x17xf32, #tpu.memory_space<vmem>>[vector<16xi32>, vector<16xi32>], vector<16xf32>,
        %add3A_521 = arith.addf %add3A_517, %gather3A_520 : vector<16xf32>
        %broadcast_in_dim3A_522 = arith.constant 13 : i32
        %broadcast_in_dim3A_523 = vector.broadcast %broadcast_in_dim3A_522 : i32 to vector<16xi32>
        %gather3A_524 = tpu.vector_load_idx %arg13[%iota3A_418, %broadcast_in_dim3A_523] : memref<16x17xf32, #tpu.memory_space<vmem>>[vector<16xi32>, vector<16xi32>], vector<16xf32>,
        %add3A_525 = arith.addf %add3A_521, %gather3A_524 : vector<16xf32>
        %broadcast_in_dim3A_526 = arith.constant 14 : i32
        %broadcast_in_dim3A_527 = vector.broadcast %broadcast_in_dim3A_526 : i32 to vector<16xi32>
        %gather3A_528 = tpu.vector_load_idx %arg13[%iota3A_418, %broadcast_in_dim3A_527] : memref<16x17xf32, #tpu.memory_space<vmem>>[vector<16xi32>, vector<16xi32>], vector<16xf32>,
        %add3A_529 = arith.addf %add3A_525, %gather3A_528 : vector<16xf32>
        %broadcast_in_dim3A_530 = arith.constant 15 : i32
        %broadcast_in_dim3A_531 = vector.broadcast %broadcast_in_dim3A_530 : i32 to vector<16xi32>
        %gather3A_532 = tpu.vector_load_idx %arg13[%iota3A_418, %broadcast_in_dim3A_531] : memref<16x17xf32, #tpu.memory_space<vmem>>[vector<16xi32>, vector<16xi32>], vector<16xf32>,
        %add3A_533 = arith.addf %add3A_529, %gather3A_532 : vector<16xf32>
        %sub3A = arith.subf %add3A_533, %gather3A : vector<16xf32>
        %mul3A_534 = arith.constant 5.000000e-01 : f32
        %mul3A_535 = vector.broadcast %mul3A_534 : f32 to vector<16xf32>
        %mul3A_536 = arith.mulf %sub3A, %mul3A_535 : vector<16xf32>
        %mul3A_537 = arith.constant 16 : i32
        %mul3A_538 = arith.muli %add3A_457, %mul3A_537 : i32
        %swap3A = arith.index_cast %mul3A_538 : i32 to index
        %swap3A_539 = tpu.vector_load %arg12[%swap3A] {strides = array<i32>} : memref<80xf32, #tpu.memory_space<vmem>>, vector<16xf32>,
        tpu.vector_store %arg12[%swap3A], %mul3A_536 {strides = array<i32>} : memref<80xf32, #tpu.memory_space<vmem>>, vector<16xf32>,
      }
      %scan3A_423 = arith.constant 5 : i32
      %mul3A_424 = arith.constant 160000 : i32
      %mul3A_425 = arith.muli %arg0, %mul3A_424 : i32
      %add3A_426 = arith.addi %mul3A_425, %mul3A_0 : i32
      %mul3A_427 = arith.constant 80 : i32
      %mul3A_428 = arith.muli %add3A_407, %mul3A_427 : i32
      %add3A_429 = arith.addi %add3A_426, %mul3A_428 : i32
      %dma_start3A_430 = tpu.memref_slice %arg4[%add3A_429] : memref<320000xf32, #tpu.memory_space<hbm>> -> memref<80xf32, #tpu.memory_space<hbm>>
      %dma_start3A_431 = tpu.memref_slice %arg4[%add3A_429] : memref<320000xf32, #tpu.memory_space<hbm>> -> memref<80xf32, #tpu.memory_space<hbm>>
      tpu.enqueue_dma source(%arg12 : memref<80xf32, #tpu.memory_space<vmem>>) target(%dma_start3A_431 : memref<80xf32, #tpu.memory_space<hbm>>) target_semaphore(%arg22 : memref<!tpu.dma_semaphore, #tpu.memory_space<semaphore_mem>>)
      %add3A_432 = arith.constant 3 : i32
      %add3A_433 = arith.addi %add3A_407, %add3A_432 : i32
      %mul3A_434 = arith.constant 80 : i32
      %mul3A_435 = arith.muli %add3A_433, %mul3A_434 : i32
      %dma_start3A_436 = tpu.memref_slice %arg5[%mul3A_435] : memref<10000xi32, #tpu.memory_space<vmem>> -> memref<80xi32, #tpu.memory_space<vmem>>
      %dma_start3A_437 = arith.constant 0 : i32
      %dma_start3A_438 = arith.constant 0 : i32
      %dma_start3A_439 = tpu.memref_slice %arg2[%dma_start3A_437, %dma_start3A_438] : memref<10000x272xf32, #tpu.memory_space<hbm>> -> memref<10000x272xf32, #tpu.memory_space<hbm>>
      tpu.enqueue_indirect_dma source(%dma_start3A_439 : memref<10000x272xf32, #tpu.memory_space<hbm>>) target(%arg9 : memref<80x272xf32, #tpu.memory_space<vmem>>) offsets(%dma_start3A_436 : memref<80xi32, #tpu.memory_space<vmem>>) semaphore(%arg16 : memref<!tpu.dma_semaphore, #tpu.memory_space<semaphore_mem>>)
      %add3A_440 = arith.constant 2 : i32
      %add3A_441 = arith.addi %add3A_407, %add3A_440 : i32
      %dma_wait3A_442 = arith.constant 0 : i32
      %dma_wait3A_443 = tpu.memref_slice %arg5[%dma_wait3A_442] : memref<10000xi32, #tpu.memory_space<vmem>> -> memref<80xi32, #tpu.memory_space<vmem>>
      %dma_wait3A_444 = arith.constant 0 : i32
      %dma_wait3A_445 = arith.constant 0 : i32
      %dma_wait3A_446 = tpu.memref_slice %arg2[%dma_wait3A_444, %dma_wait3A_445] : memref<10000x272xf32, #tpu.memory_space<hbm>> -> memref<10000x272xf32, #tpu.memory_space<hbm>>
      tpu.wait_indirect_dma semaphore(%arg15 : memref<!tpu.dma_semaphore, #tpu.memory_space<semaphore_mem>>) src(%dma_wait3A_446 : memref<10000x272xf32, #tpu.memory_space<hbm>>) dst(%arg8 : memref<80x272xf32, #tpu.memory_space<vmem>>)
      %mul3A_447 = arith.constant 80 : i32
      %mul3A_448 = arith.muli %add3A_441, %mul3A_447 : i32
      %dma_start3A_449 = tpu.memref_slice %arg6[%mul3A_448] : memref<10000xi32, #tpu.memory_space<vmem>> -> memref<80xi32, #tpu.memory_space<vmem>>
      %dma_start3A_450 = arith.constant 0 : i32
      %dma_start3A_451 = arith.constant 0 : i32
      %dma_start3A_452 = tpu.memref_slice %arg2[%dma_start3A_450, %dma_start3A_451] : memref<10000x272xf32, #tpu.memory_space<hbm>> -> memref<10000x272xf32, #tpu.memory_space<hbm>>
      tpu.enqueue_indirect_dma source(%dma_start3A_452 : memref<10000x272xf32, #tpu.memory_space<hbm>>) target(%arg8 : memref<80x272xf32, #tpu.memory_space<vmem>>) offsets(%dma_start3A_449 : memref<80xi32, #tpu.memory_space<vmem>>) semaphore(%arg18 : memref<!tpu.dma_semaphore, #tpu.memory_space<semaphore_mem>>) {add = true}
    }
    %scan3A_146 = arith.constant 39 : i32
    %dma_wait3A_147 = arith.constant 0 : i32
    %dma_wait3A_148 = tpu.memref_slice %arg6[%dma_wait3A_147] : memref<10000xi32, #tpu.memory_space<vmem>> -> memref<80xi32, #tpu.memory_space<vmem>>
    %dma_wait3A_149 = arith.constant 0 : i32
    %dma_wait3A_150 = arith.constant 0 : i32
    %dma_wait3A_151 = tpu.memref_slice %arg2[%dma_wait3A_149, %dma_wait3A_150] : memref<10000x272xf32, #tpu.memory_space<hbm>> -> memref<10000x272xf32, #tpu.memory_space<hbm>>
    tpu.wait_indirect_dma semaphore(%arg17 : memref<!tpu.dma_semaphore, #tpu.memory_space<semaphore_mem>>) src(%dma_wait3A_151 : memref<10000x272xf32, #tpu.memory_space<hbm>>) dst(%arg7 : memref<80x272xf32, #tpu.memory_space<vmem>>)
    %mul3A_152 = arith.constant 160000 : i32
    %mul3A_153 = arith.muli %arg0, %mul3A_152 : i32
    %add3A_154 = arith.addi %mul3A_153, %mul3A_0 : i32
    %dma_wait3A_155 = tpu.memref_slice %arg4[%add3A_154] : memref<320000xf32, #tpu.memory_space<hbm>> -> memref<80xf32, #tpu.memory_space<hbm>>
    %dma_wait3A_156 = tpu.memref_slice %arg4[%add3A_154] : memref<320000xf32, #tpu.memory_space<hbm>> -> memref<80xf32, #tpu.memory_space<hbm>>
    tpu.wait_dma2 semaphore(%arg20 : memref<!tpu.dma_semaphore, #tpu.memory_space<semaphore_mem>>) src(%arg10 : memref<80xf32, #tpu.memory_space<vmem>>) dst(%dma_wait3A_156 : memref<80xf32, #tpu.memory_space<hbm>>)
    %iota3A_157 = tpu.iota {dimensions = array<i32: 0>} : vector<16xi32>
    %scan3A_158 = arith.constant 0 : i32
    %scan3A_159 = arith.constant 5 : i32
    %scan3A_160 = arith.addi %scan3A_158, %scan3A_159 : i32
    %scan3A_161 = arith.constant 1 : i32
    scf.for %scan3A_303 = %scan3A_158 to %scan3A_160 step %scan3A_161  : i32 {
      %mul3A_304 = arith.constant 1 : i32
      %mul3A_305 = arith.muli %scan3A_303, %mul3A_304 : i32
      %add3A_306 = arith.constant 0 : i32
      %add3A_307 = arith.addi %add3A_306, %mul3A_305 : i32
      %scan3A_308 = arith.constant 0 : i32
      %scan3A_309 = arith.constant 16 : i32
      %scan3A_310 = arith.addi %scan3A_308, %scan3A_309 : i32
      %scan3A_311 = arith.constant 1 : i32
      scf.for %scan3A_390 = %scan3A_308 to %scan3A_310 step %scan3A_311  : i32 {
        %mul3A_391 = arith.constant 1 : i32
        %mul3A_392 = arith.muli %scan3A_390, %mul3A_391 : i32
        %add3A_393 = arith.constant 0 : i32
        %add3A_394 = arith.addi %add3A_393, %mul3A_392 : i32
        %mul3A_395 = arith.constant 16 : i32
        %mul3A_396 = arith.muli %add3A_307, %mul3A_395 : i32
        %add3A_397 = arith.addi %mul3A_396, %add3A_394 : i32
        %broadcast_in_dim3A_398 = arith.constant 0.000000e+00 : f32
        %broadcast_in_dim3A_399 = vector.broadcast %broadcast_in_dim3A_398 : f32 to vector<16xf32>
        %get3A = arith.index_cast %add3A_397 : i32 to index
        %get3A_400 = arith.constant 0 : index
        %get3A_401 = tpu.vector_load %arg7[%get3A, %get3A_400] {strides = array<i32>} : memref<80x272xf32, #tpu.memory_space<vmem>>, vector<16xf32>,
        %mul3A_402 = arith.mulf %get3A_401, %get3A_401 : vector<16xf32>
        %add3A_403 = arith.addf %broadcast_in_dim3A_399, %mul3A_402 : vector<16xf32>
        %get3A_404 = arith.index_cast %add3A_397 : i32 to index
        %get3A_405 = arith.constant 16 : index
        %get3A_406 = tpu.vector_load %arg7[%get3A_404, %get3A_405] {strides = array<i32>} : memref<80x272xf32, #tpu.memory_space<vmem>>, vector<16xf32>,
        %mul3A_407 = arith.mulf %get3A_406, %get3A_406 : vector<16xf32>
        %add3A_408 = arith.addf %add3A_403, %mul3A_407 : vector<16xf32>
        %get3A_409 = arith.index_cast %add3A_397 : i32 to index
        %get3A_410 = arith.constant 32 : index
        %get3A_411 = tpu.vector_load %arg7[%get3A_409, %get3A_410] {strides = array<i32>} : memref<80x272xf32, #tpu.memory_space<vmem>>, vector<16xf32>,
        %mul3A_412 = arith.mulf %get3A_411, %get3A_411 : vector<16xf32>
        %add3A_413 = arith.addf %add3A_408, %mul3A_412 : vector<16xf32>
        %get3A_414 = arith.index_cast %add3A_397 : i32 to index
        %get3A_415 = arith.constant 48 : index
        %get3A_416 = tpu.vector_load %arg7[%get3A_414, %get3A_415] {strides = array<i32>} : memref<80x272xf32, #tpu.memory_space<vmem>>, vector<16xf32>,
        %mul3A_417 = arith.mulf %get3A_416, %get3A_416 : vector<16xf32>
        %add3A_418 = arith.addf %add3A_413, %mul3A_417 : vector<16xf32>
        %get3A_419 = arith.index_cast %add3A_397 : i32 to index
        %get3A_420 = arith.constant 64 : index
        %get3A_421 = tpu.vector_load %arg7[%get3A_419, %get3A_420] {strides = array<i32>} : memref<80x272xf32, #tpu.memory_space<vmem>>, vector<16xf32>,
        %mul3A_422 = arith.mulf %get3A_421, %get3A_421 : vector<16xf32>
        %add3A_423 = arith.addf %add3A_418, %mul3A_422 : vector<16xf32>
        %get3A_424 = arith.index_cast %add3A_397 : i32 to index
        %get3A_425 = arith.constant 80 : index
        %get3A_426 = tpu.vector_load %arg7[%get3A_424, %get3A_425] {strides = array<i32>} : memref<80x272xf32, #tpu.memory_space<vmem>>, vector<16xf32>,
        %mul3A_427 = arith.mulf %get3A_426, %get3A_426 : vector<16xf32>
        %add3A_428 = arith.addf %add3A_423, %mul3A_427 : vector<16xf32>
        %get3A_429 = arith.index_cast %add3A_397 : i32 to index
        %get3A_430 = arith.constant 96 : index
        %get3A_431 = tpu.vector_load %arg7[%get3A_429, %get3A_430] {strides = array<i32>} : memref<80x272xf32, #tpu.memory_space<vmem>>, vector<16xf32>,
        %mul3A_432 = arith.mulf %get3A_431, %get3A_431 : vector<16xf32>
        %add3A_433 = arith.addf %add3A_428, %mul3A_432 : vector<16xf32>
        %get3A_434 = arith.index_cast %add3A_397 : i32 to index
        %get3A_435 = arith.constant 112 : index
        %get3A_436 = tpu.vector_load %arg7[%get3A_434, %get3A_435] {strides = array<i32>} : memref<80x272xf32, #tpu.memory_space<vmem>>, vector<16xf32>,
        %mul3A_437 = arith.mulf %get3A_436, %get3A_436 : vector<16xf32>
        %add3A_438 = arith.addf %add3A_433, %mul3A_437 : vector<16xf32>
        %get3A_439 = arith.index_cast %add3A_397 : i32 to index
        %get3A_440 = arith.constant 128 : index
        %get3A_441 = tpu.vector_load %arg7[%get3A_439, %get3A_440] {strides = array<i32>} : memref<80x272xf32, #tpu.memory_space<vmem>>, vector<16xf32>,
        %mul3A_442 = arith.mulf %get3A_441, %get3A_441 : vector<16xf32>
        %add3A_443 = arith.addf %add3A_438, %mul3A_442 : vector<16xf32>
        %get3A_444 = arith.index_cast %add3A_397 : i32 to index
        %get3A_445 = arith.constant 144 : index
        %get3A_446 = tpu.vector_load %arg7[%get3A_444, %get3A_445] {strides = array<i32>} : memref<80x272xf32, #tpu.memory_space<vmem>>, vector<16xf32>,
        %mul3A_447 = arith.mulf %get3A_446, %get3A_446 : vector<16xf32>
        %add3A_448 = arith.addf %add3A_443, %mul3A_447 : vector<16xf32>
        %get3A_449 = arith.index_cast %add3A_397 : i32 to index
        %get3A_450 = arith.constant 160 : index
        %get3A_451 = tpu.vector_load %arg7[%get3A_449, %get3A_450] {strides = array<i32>} : memref<80x272xf32, #tpu.memory_space<vmem>>, vector<16xf32>,
        %mul3A_452 = arith.mulf %get3A_451, %get3A_451 : vector<16xf32>
        %add3A_453 = arith.addf %add3A_448, %mul3A_452 : vector<16xf32>
        %get3A_454 = arith.index_cast %add3A_397 : i32 to index
        %get3A_455 = arith.constant 176 : index
        %get3A_456 = tpu.vector_load %arg7[%get3A_454, %get3A_455] {strides = array<i32>} : memref<80x272xf32, #tpu.memory_space<vmem>>, vector<16xf32>,
        %mul3A_457 = arith.mulf %get3A_456, %get3A_456 : vector<16xf32>
        %add3A_458 = arith.addf %add3A_453, %mul3A_457 : vector<16xf32>
        %get3A_459 = arith.index_cast %add3A_397 : i32 to index
        %get3A_460 = arith.constant 192 : index
        %get3A_461 = tpu.vector_load %arg7[%get3A_459, %get3A_460] {strides = array<i32>} : memref<80x272xf32, #tpu.memory_space<vmem>>, vector<16xf32>,
        %mul3A_462 = arith.mulf %get3A_461, %get3A_461 : vector<16xf32>
        %add3A_463 = arith.addf %add3A_458, %mul3A_462 : vector<16xf32>
        %get3A_464 = arith.index_cast %add3A_397 : i32 to index
        %get3A_465 = arith.constant 208 : index
        %get3A_466 = tpu.vector_load %arg7[%get3A_464, %get3A_465] {strides = array<i32>} : memref<80x272xf32, #tpu.memory_space<vmem>>, vector<16xf32>,
        %mul3A_467 = arith.mulf %get3A_466, %get3A_466 : vector<16xf32>
        %add3A_468 = arith.addf %add3A_463, %mul3A_467 : vector<16xf32>
        %get3A_469 = arith.index_cast %add3A_397 : i32 to index
        %get3A_470 = arith.constant 224 : index
        %get3A_471 = tpu.vector_load %arg7[%get3A_469, %get3A_470] {strides = array<i32>} : memref<80x272xf32, #tpu.memory_space<vmem>>, vector<16xf32>,
        %mul3A_472 = arith.mulf %get3A_471, %get3A_471 : vector<16xf32>
        %add3A_473 = arith.addf %add3A_468, %mul3A_472 : vector<16xf32>
        %get3A_474 = arith.index_cast %add3A_397 : i32 to index
        %get3A_475 = arith.constant 240 : index
        %get3A_476 = tpu.vector_load %arg7[%get3A_474, %get3A_475] {strides = array<i32>} : memref<80x272xf32, #tpu.memory_space<vmem>>, vector<16xf32>,
        %mul3A_477 = arith.mulf %get3A_476, %get3A_476 : vector<16xf32>
        %add3A_478 = arith.addf %add3A_473, %mul3A_477 : vector<16xf32>
        %swap3A_479 = arith.index_cast %add3A_394 : i32 to index
        %swap3A_480 = arith.constant 0 : index
        %swap3A_481 = tpu.vector_load %arg13[%swap3A_479, %swap3A_480] {strides = array<i32>} : memref<16x17xf32, #tpu.memory_space<vmem>>, vector<16xf32>,
        tpu.vector_store %arg13[%swap3A_479, %swap3A_480], %add3A_478 {strides = array<i32>} : memref<16x17xf32, #tpu.memory_space<vmem>>, vector<16xf32>,
      }
      %scan3A_312 = arith.constant 16 : i32
      %mul3A_313 = arith.constant 16 : i32
      %mul3A_314 = arith.muli %add3A_307, %mul3A_313 : i32
      %add3A_315 = vector.broadcast %mul3A_314 : i32 to vector<16xi32>
      %add3A_316 = arith.addi %iota3A_157, %add3A_315 : vector<16xi32>
      %broadcast_in_dim3A = arith.constant 256 : i32
      %broadcast_in_dim3A_317 = vector.broadcast %broadcast_in_dim3A : i32 to vector<16xi32>
      %gather3A = tpu.vector_load_idx %arg7[%add3A_316, %broadcast_in_dim3A_317] : memref<80x272xf32, #tpu.memory_space<vmem>>[vector<16xi32>, vector<16xi32>], vector<16xf32>,
      %broadcast_in_dim3A_318 = arith.constant 0.000000e+00 : f32
      %broadcast_in_dim3A_319 = vector.broadcast %broadcast_in_dim3A_318 : f32 to vector<16xf32>
      %broadcast_in_dim3A_320 = arith.constant 0 : i32
      %broadcast_in_dim3A_321 = vector.broadcast %broadcast_in_dim3A_320 : i32 to vector<16xi32>
      %gather3A_322 = tpu.vector_load_idx %arg13[%iota3A_157, %broadcast_in_dim3A_321] : memref<16x17xf32, #tpu.memory_space<vmem>>[vector<16xi32>, vector<16xi32>], vector<16xf32>,
      %add3A_323 = arith.addf %broadcast_in_dim3A_319, %gather3A_322 : vector<16xf32>
      %broadcast_in_dim3A_324 = arith.constant 1 : i32
      %broadcast_in_dim3A_325 = vector.broadcast %broadcast_in_dim3A_324 : i32 to vector<16xi32>
      %gather3A_326 = tpu.vector_load_idx %arg13[%iota3A_157, %broadcast_in_dim3A_325] : memref<16x17xf32, #tpu.memory_space<vmem>>[vector<16xi32>, vector<16xi32>], vector<16xf32>,
      %add3A_327 = arith.addf %add3A_323, %gather3A_326 : vector<16xf32>
      %broadcast_in_dim3A_328 = arith.constant 2 : i32
      %broadcast_in_dim3A_329 = vector.broadcast %broadcast_in_dim3A_328 : i32 to vector<16xi32>
      %gather3A_330 = tpu.vector_load_idx %arg13[%iota3A_157, %broadcast_in_dim3A_329] : memref<16x17xf32, #tpu.memory_space<vmem>>[vector<16xi32>, vector<16xi32>], vector<16xf32>,
      %add3A_331 = arith.addf %add3A_327, %gather3A_330 : vector<16xf32>
      %broadcast_in_dim3A_332 = arith.constant 3 : i32
      %broadcast_in_dim3A_333 = vector.broadcast %broadcast_in_dim3A_332 : i32 to vector<16xi32>
      %gather3A_334 = tpu.vector_load_idx %arg13[%iota3A_157, %broadcast_in_dim3A_333] : memref<16x17xf32, #tpu.memory_space<vmem>>[vector<16xi32>, vector<16xi32>], vector<16xf32>,
      %add3A_335 = arith.addf %add3A_331, %gather3A_334 : vector<16xf32>
      %broadcast_in_dim3A_336 = arith.constant 4 : i32
      %broadcast_in_dim3A_337 = vector.broadcast %broadcast_in_dim3A_336 : i32 to vector<16xi32>
      %gather3A_338 = tpu.vector_load_idx %arg13[%iota3A_157, %broadcast_in_dim3A_337] : memref<16x17xf32, #tpu.memory_space<vmem>>[vector<16xi32>, vector<16xi32>], vector<16xf32>,
      %add3A_339 = arith.addf %add3A_335, %gather3A_338 : vector<16xf32>
      %broadcast_in_dim3A_340 = arith.constant 5 : i32
      %broadcast_in_dim3A_341 = vector.broadcast %broadcast_in_dim3A_340 : i32 to vector<16xi32>
      %gather3A_342 = tpu.vector_load_idx %arg13[%iota3A_157, %broadcast_in_dim3A_341] : memref<16x17xf32, #tpu.memory_space<vmem>>[vector<16xi32>, vector<16xi32>], vector<16xf32>,
      %add3A_343 = arith.addf %add3A_339, %gather3A_342 : vector<16xf32>
      %broadcast_in_dim3A_344 = arith.constant 6 : i32
      %broadcast_in_dim3A_345 = vector.broadcast %broadcast_in_dim3A_344 : i32 to vector<16xi32>
      %gather3A_346 = tpu.vector_load_idx %arg13[%iota3A_157, %broadcast_in_dim3A_345] : memref<16x17xf32, #tpu.memory_space<vmem>>[vector<16xi32>, vector<16xi32>], vector<16xf32>,
      %add3A_347 = arith.addf %add3A_343, %gather3A_346 : vector<16xf32>
      %broadcast_in_dim3A_348 = arith.constant 7 : i32
      %broadcast_in_dim3A_349 = vector.broadcast %broadcast_in_dim3A_348 : i32 to vector<16xi32>
      %gather3A_350 = tpu.vector_load_idx %arg13[%iota3A_157, %broadcast_in_dim3A_349] : memref<16x17xf32, #tpu.memory_space<vmem>>[vector<16xi32>, vector<16xi32>], vector<16xf32>,
      %add3A_351 = arith.addf %add3A_347, %gather3A_350 : vector<16xf32>
      %broadcast_in_dim3A_352 = arith.constant 8 : i32
      %broadcast_in_dim3A_353 = vector.broadcast %broadcast_in_dim3A_352 : i32 to vector<16xi32>
      %gather3A_354 = tpu.vector_load_idx %arg13[%iota3A_157, %broadcast_in_dim3A_353] : memref<16x17xf32, #tpu.memory_space<vmem>>[vector<16xi32>, vector<16xi32>], vector<16xf32>,
      %add3A_355 = arith.addf %add3A_351, %gather3A_354 : vector<16xf32>
      %broadcast_in_dim3A_356 = arith.constant 9 : i32
      %broadcast_in_dim3A_357 = vector.broadcast %broadcast_in_dim3A_356 : i32 to vector<16xi32>
      %gather3A_358 = tpu.vector_load_idx %arg13[%iota3A_157, %broadcast_in_dim3A_357] : memref<16x17xf32, #tpu.memory_space<vmem>>[vector<16xi32>, vector<16xi32>], vector<16xf32>,
      %add3A_359 = arith.addf %add3A_355, %gather3A_358 : vector<16xf32>
      %broadcast_in_dim3A_360 = arith.constant 10 : i32
      %broadcast_in_dim3A_361 = vector.broadcast %broadcast_in_dim3A_360 : i32 to vector<16xi32>
      %gather3A_362 = tpu.vector_load_idx %arg13[%iota3A_157, %broadcast_in_dim3A_361] : memref<16x17xf32, #tpu.memory_space<vmem>>[vector<16xi32>, vector<16xi32>], vector<16xf32>,
      %add3A_363 = arith.addf %add3A_359, %gather3A_362 : vector<16xf32>
      %broadcast_in_dim3A_364 = arith.constant 11 : i32
      %broadcast_in_dim3A_365 = vector.broadcast %broadcast_in_dim3A_364 : i32 to vector<16xi32>
      %gather3A_366 = tpu.vector_load_idx %arg13[%iota3A_157, %broadcast_in_dim3A_365] : memref<16x17xf32, #tpu.memory_space<vmem>>[vector<16xi32>, vector<16xi32>], vector<16xf32>,
      %add3A_367 = arith.addf %add3A_363, %gather3A_366 : vector<16xf32>
      %broadcast_in_dim3A_368 = arith.constant 12 : i32
      %broadcast_in_dim3A_369 = vector.broadcast %broadcast_in_dim3A_368 : i32 to vector<16xi32>
      %gather3A_370 = tpu.vector_load_idx %arg13[%iota3A_157, %broadcast_in_dim3A_369] : memref<16x17xf32, #tpu.memory_space<vmem>>[vector<16xi32>, vector<16xi32>], vector<16xf32>,
      %add3A_371 = arith.addf %add3A_367, %gather3A_370 : vector<16xf32>
      %broadcast_in_dim3A_372 = arith.constant 13 : i32
      %broadcast_in_dim3A_373 = vector.broadcast %broadcast_in_dim3A_372 : i32 to vector<16xi32>
      %gather3A_374 = tpu.vector_load_idx %arg13[%iota3A_157, %broadcast_in_dim3A_373] : memref<16x17xf32, #tpu.memory_space<vmem>>[vector<16xi32>, vector<16xi32>], vector<16xf32>,
      %add3A_375 = arith.addf %add3A_371, %gather3A_374 : vector<16xf32>
      %broadcast_in_dim3A_376 = arith.constant 14 : i32
      %broadcast_in_dim3A_377 = vector.broadcast %broadcast_in_dim3A_376 : i32 to vector<16xi32>
      %gather3A_378 = tpu.vector_load_idx %arg13[%iota3A_157, %broadcast_in_dim3A_377] : memref<16x17xf32, #tpu.memory_space<vmem>>[vector<16xi32>, vector<16xi32>], vector<16xf32>,
      %add3A_379 = arith.addf %add3A_375, %gather3A_378 : vector<16xf32>
      %broadcast_in_dim3A_380 = arith.constant 15 : i32
      %broadcast_in_dim3A_381 = vector.broadcast %broadcast_in_dim3A_380 : i32 to vector<16xi32>
      %gather3A_382 = tpu.vector_load_idx %arg13[%iota3A_157, %broadcast_in_dim3A_381] : memref<16x17xf32, #tpu.memory_space<vmem>>[vector<16xi32>, vector<16xi32>], vector<16xf32>,
      %add3A_383 = arith.addf %add3A_379, %gather3A_382 : vector<16xf32>
      %sub3A = arith.subf %add3A_383, %gather3A : vector<16xf32>
      %mul3A_384 = arith.constant 5.000000e-01 : f32
      %mul3A_385 = vector.broadcast %mul3A_384 : f32 to vector<16xf32>
      %mul3A_386 = arith.mulf %sub3A, %mul3A_385 : vector<16xf32>
      %mul3A_387 = arith.constant 16 : i32
      %mul3A_388 = arith.muli %add3A_307, %mul3A_387 : i32
      %swap3A = arith.index_cast %mul3A_388 : i32 to index
      %swap3A_389 = tpu.vector_load %arg10[%swap3A] {strides = array<i32>} : memref<80xf32, #tpu.memory_space<vmem>>, vector<16xf32>,
      tpu.vector_store %arg10[%swap3A], %mul3A_386 {strides = array<i32>} : memref<80xf32, #tpu.memory_space<vmem>>, vector<16xf32>,
    }
    %scan3A_162 = arith.constant 5 : i32
    %mul3A_163 = arith.constant 160000 : i32
    %mul3A_164 = arith.muli %arg0, %mul3A_163 : i32
    %add3A_165 = arith.addi %mul3A_164, %mul3A_0 : i32
    %add3A_166 = arith.constant 9600 : i32
    %add3A_167 = arith.addi %add3A_165, %add3A_166 : i32
    %dma_start3A_168 = tpu.memref_slice %arg4[%add3A_167] : memref<320000xf32, #tpu.memory_space<hbm>> -> memref<80xf32, #tpu.memory_space<hbm>>
    %dma_start3A_169 = tpu.memref_slice %arg4[%add3A_167] : memref<320000xf32, #tpu.memory_space<hbm>> -> memref<80xf32, #tpu.memory_space<hbm>>
    tpu.enqueue_dma source(%arg10 : memref<80xf32, #tpu.memory_space<vmem>>) target(%dma_start3A_169 : memref<80xf32, #tpu.memory_space<hbm>>) target_semaphore(%arg20 : memref<!tpu.dma_semaphore, #tpu.memory_space<semaphore_mem>>)
    %dma_start3A_170 = arith.constant 9840 : i32
    %dma_start3A_171 = tpu.memref_slice %arg5[%dma_start3A_170] : memref<10000xi32, #tpu.memory_space<vmem>> -> memref<80xi32, #tpu.memory_space<vmem>>
    %dma_start3A_172 = arith.constant 0 : i32
    %dma_start3A_173 = arith.constant 0 : i32
    %dma_start3A_174 = tpu.memref_slice %arg2[%dma_start3A_172, %dma_start3A_173] : memref<10000x272xf32, #tpu.memory_space<hbm>> -> memref<10000x272xf32, #tpu.memory_space<hbm>>
    tpu.enqueue_indirect_dma source(%dma_start3A_174 : memref<10000x272xf32, #tpu.memory_space<hbm>>) target(%arg7 : memref<80x272xf32, #tpu.memory_space<vmem>>) offsets(%dma_start3A_171 : memref<80xi32, #tpu.memory_space<vmem>>) semaphore(%arg14 : memref<!tpu.dma_semaphore, #tpu.memory_space<semaphore_mem>>)
    %dma_wait3A_175 = arith.constant 0 : i32
    %dma_wait3A_176 = tpu.memref_slice %arg5[%dma_wait3A_175] : memref<10000xi32, #tpu.memory_space<vmem>> -> memref<80xi32, #tpu.memory_space<vmem>>
    %dma_wait3A_177 = arith.constant 0 : i32
    %dma_wait3A_178 = arith.constant 0 : i32
    %dma_wait3A_179 = tpu.memref_slice %arg2[%dma_wait3A_177, %dma_wait3A_178] : memref<10000x272xf32, #tpu.memory_space<hbm>> -> memref<10000x272xf32, #tpu.memory_space<hbm>>
    tpu.wait_indirect_dma semaphore(%arg16 : memref<!tpu.dma_semaphore, #tpu.memory_space<semaphore_mem>>) src(%dma_wait3A_179 : memref<10000x272xf32, #tpu.memory_space<hbm>>) dst(%arg9 : memref<80x272xf32, #tpu.memory_space<vmem>>)
    %dma_start3A_180 = arith.constant 9760 : i32
    %dma_start3A_181 = tpu.memref_slice %arg6[%dma_start3A_180] : memref<10000xi32, #tpu.memory_space<vmem>> -> memref<80xi32, #tpu.memory_space<vmem>>
    %dma_start3A_182 = arith.constant 0 : i32
    %dma_start3A_183 = arith.constant 0 : i32
    %dma_start3A_184 = tpu.memref_slice %arg2[%dma_start3A_182, %dma_start3A_183] : memref<10000x272xf32, #tpu.memory_space<hbm>> -> memref<10000x272xf32, #tpu.memory_space<hbm>>
    tpu.enqueue_indirect_dma source(%dma_start3A_184 : memref<10000x272xf32, #tpu.memory_space<hbm>>) target(%arg9 : memref<80x272xf32, #tpu.memory_space<vmem>>) offsets(%dma_start3A_181 : memref<80xi32, #tpu.memory_space<vmem>>) semaphore(%arg19 : memref<!tpu.dma_semaphore, #tpu.memory_space<semaphore_mem>>) {add = true}
    %dma_wait3A_185 = arith.constant 0 : i32
    %dma_wait3A_186 = tpu.memref_slice %arg6[%dma_wait3A_185] : memref<10000xi32, #tpu.memory_space<vmem>> -> memref<80xi32, #tpu.memory_space<vmem>>
    %dma_wait3A_187 = arith.constant 0 : i32
    %dma_wait3A_188 = arith.constant 0 : i32
    %dma_wait3A_189 = tpu.memref_slice %arg2[%dma_wait3A_187, %dma_wait3A_188] : memref<10000x272xf32, #tpu.memory_space<hbm>> -> memref<10000x272xf32, #tpu.memory_space<hbm>>
    tpu.wait_indirect_dma semaphore(%arg18 : memref<!tpu.dma_semaphore, #tpu.memory_space<semaphore_mem>>) src(%dma_wait3A_189 : memref<10000x272xf32, #tpu.memory_space<hbm>>) dst(%arg8 : memref<80x272xf32, #tpu.memory_space<vmem>>)
    %mul3A_190 = arith.constant 160000 : i32
    %mul3A_191 = arith.muli %arg0, %mul3A_190 : i32
    %add3A_192 = arith.addi %mul3A_191, %mul3A_0 : i32
    %dma_wait3A_193 = tpu.memref_slice %arg4[%add3A_192] : memref<320000xf32, #tpu.memory_space<hbm>> -> memref<80xf32, #tpu.memory_space<hbm>>
    %dma_wait3A_194 = tpu.memref_slice %arg4[%add3A_192] : memref<320000xf32, #tpu.memory_space<hbm>> -> memref<80xf32, #tpu.memory_space<hbm>>
    tpu.wait_dma2 semaphore(%arg21 : memref<!tpu.dma_semaphore, #tpu.memory_space<semaphore_mem>>) src(%arg11 : memref<80xf32, #tpu.memory_space<vmem>>) dst(%dma_wait3A_194 : memref<80xf32, #tpu.memory_space<hbm>>)
    %iota3A_195 = tpu.iota {dimensions = array<i32: 0>} : vector<16xi32>
    %scan3A_196 = arith.constant 0 : i32
    %scan3A_197 = arith.constant 5 : i32
    %scan3A_198 = arith.addi %scan3A_196, %scan3A_197 : i32
    %scan3A_199 = arith.constant 1 : i32
    scf.for %scan3A_303 = %scan3A_196 to %scan3A_198 step %scan3A_199  : i32 {
      %mul3A_304 = arith.constant 1 : i32
      %mul3A_305 = arith.muli %scan3A_303, %mul3A_304 : i32
      %add3A_306 = arith.constant 0 : i32
      %add3A_307 = arith.addi %add3A_306, %mul3A_305 : i32
      %scan3A_308 = arith.constant 0 : i32
      %scan3A_309 = arith.constant 16 : i32
      %scan3A_310 = arith.addi %scan3A_308, %scan3A_309 : i32
      %scan3A_311 = arith.constant 1 : i32
      scf.for %scan3A_390 = %scan3A_308 to %scan3A_310 step %scan3A_311  : i32 {
        %mul3A_391 = arith.constant 1 : i32
        %mul3A_392 = arith.muli %scan3A_390, %mul3A_391 : i32
        %add3A_393 = arith.constant 0 : i32
        %add3A_394 = arith.addi %add3A_393, %mul3A_392 : i32
        %mul3A_395 = arith.constant 16 : i32
        %mul3A_396 = arith.muli %add3A_307, %mul3A_395 : i32
        %add3A_397 = arith.addi %mul3A_396, %add3A_394 : i32
        %broadcast_in_dim3A_398 = arith.constant 0.000000e+00 : f32
        %broadcast_in_dim3A_399 = vector.broadcast %broadcast_in_dim3A_398 : f32 to vector<16xf32>
        %get3A = arith.index_cast %add3A_397 : i32 to index
        %get3A_400 = arith.constant 0 : index
        %get3A_401 = tpu.vector_load %arg8[%get3A, %get3A_400] {strides = array<i32>} : memref<80x272xf32, #tpu.memory_space<vmem>>, vector<16xf32>,
        %mul3A_402 = arith.mulf %get3A_401, %get3A_401 : vector<16xf32>
        %add3A_403 = arith.addf %broadcast_in_dim3A_399, %mul3A_402 : vector<16xf32>
        %get3A_404 = arith.index_cast %add3A_397 : i32 to index
        %get3A_405 = arith.constant 16 : index
        %get3A_406 = tpu.vector_load %arg8[%get3A_404, %get3A_405] {strides = array<i32>} : memref<80x272xf32, #tpu.memory_space<vmem>>, vector<16xf32>,
        %mul3A_407 = arith.mulf %get3A_406, %get3A_406 : vector<16xf32>
        %add3A_408 = arith.addf %add3A_403, %mul3A_407 : vector<16xf32>
        %get3A_409 = arith.index_cast %add3A_397 : i32 to index
        %get3A_410 = arith.constant 32 : index
        %get3A_411 = tpu.vector_load %arg8[%get3A_409, %get3A_410] {strides = array<i32>} : memref<80x272xf32, #tpu.memory_space<vmem>>, vector<16xf32>,
        %mul3A_412 = arith.mulf %get3A_411, %get3A_411 : vector<16xf32>
        %add3A_413 = arith.addf %add3A_408, %mul3A_412 : vector<16xf32>
        %get3A_414 = arith.index_cast %add3A_397 : i32 to index
        %get3A_415 = arith.constant 48 : index
        %get3A_416 = tpu.vector_load %arg8[%get3A_414, %get3A_415] {strides = array<i32>} : memref<80x272xf32, #tpu.memory_space<vmem>>, vector<16xf32>,
        %mul3A_417 = arith.mulf %get3A_416, %get3A_416 : vector<16xf32>
        %add3A_418 = arith.addf %add3A_413, %mul3A_417 : vector<16xf32>
        %get3A_419 = arith.index_cast %add3A_397 : i32 to index
        %get3A_420 = arith.constant 64 : index
        %get3A_421 = tpu.vector_load %arg8[%get3A_419, %get3A_420] {strides = array<i32>} : memref<80x272xf32, #tpu.memory_space<vmem>>, vector<16xf32>,
        %mul3A_422 = arith.mulf %get3A_421, %get3A_421 : vector<16xf32>
        %add3A_423 = arith.addf %add3A_418, %mul3A_422 : vector<16xf32>
        %get3A_424 = arith.index_cast %add3A_397 : i32 to index
        %get3A_425 = arith.constant 80 : index
        %get3A_426 = tpu.vector_load %arg8[%get3A_424, %get3A_425] {strides = array<i32>} : memref<80x272xf32, #tpu.memory_space<vmem>>, vector<16xf32>,
        %mul3A_427 = arith.mulf %get3A_426, %get3A_426 : vector<16xf32>
        %add3A_428 = arith.addf %add3A_423, %mul3A_427 : vector<16xf32>
        %get3A_429 = arith.index_cast %add3A_397 : i32 to index
        %get3A_430 = arith.constant 96 : index
        %get3A_431 = tpu.vector_load %arg8[%get3A_429, %get3A_430] {strides = array<i32>} : memref<80x272xf32, #tpu.memory_space<vmem>>, vector<16xf32>,
        %mul3A_432 = arith.mulf %get3A_431, %get3A_431 : vector<16xf32>
        %add3A_433 = arith.addf %add3A_428, %mul3A_432 : vector<16xf32>
        %get3A_434 = arith.index_cast %add3A_397 : i32 to index
        %get3A_435 = arith.constant 112 : index
        %get3A_436 = tpu.vector_load %arg8[%get3A_434, %get3A_435] {strides = array<i32>} : memref<80x272xf32, #tpu.memory_space<vmem>>, vector<16xf32>,
        %mul3A_437 = arith.mulf %get3A_436, %get3A_436 : vector<16xf32>
        %add3A_438 = arith.addf %add3A_433, %mul3A_437 : vector<16xf32>
        %get3A_439 = arith.index_cast %add3A_397 : i32 to index
        %get3A_440 = arith.constant 128 : index
        %get3A_441 = tpu.vector_load %arg8[%get3A_439, %get3A_440] {strides = array<i32>} : memref<80x272xf32, #tpu.memory_space<vmem>>, vector<16xf32>,
        %mul3A_442 = arith.mulf %get3A_441, %get3A_441 : vector<16xf32>
        %add3A_443 = arith.addf %add3A_438, %mul3A_442 : vector<16xf32>
        %get3A_444 = arith.index_cast %add3A_397 : i32 to index
        %get3A_445 = arith.constant 144 : index
        %get3A_446 = tpu.vector_load %arg8[%get3A_444, %get3A_445] {strides = array<i32>} : memref<80x272xf32, #tpu.memory_space<vmem>>, vector<16xf32>,
        %mul3A_447 = arith.mulf %get3A_446, %get3A_446 : vector<16xf32>
        %add3A_448 = arith.addf %add3A_443, %mul3A_447 : vector<16xf32>
        %get3A_449 = arith.index_cast %add3A_397 : i32 to index
        %get3A_450 = arith.constant 160 : index
        %get3A_451 = tpu.vector_load %arg8[%get3A_449, %get3A_450] {strides = array<i32>} : memref<80x272xf32, #tpu.memory_space<vmem>>, vector<16xf32>,
        %mul3A_452 = arith.mulf %get3A_451, %get3A_451 : vector<16xf32>
        %add3A_453 = arith.addf %add3A_448, %mul3A_452 : vector<16xf32>
        %get3A_454 = arith.index_cast %add3A_397 : i32 to index
        %get3A_455 = arith.constant 176 : index
        %get3A_456 = tpu.vector_load %arg8[%get3A_454, %get3A_455] {strides = array<i32>} : memref<80x272xf32, #tpu.memory_space<vmem>>, vector<16xf32>,
        %mul3A_457 = arith.mulf %get3A_456, %get3A_456 : vector<16xf32>
        %add3A_458 = arith.addf %add3A_453, %mul3A_457 : vector<16xf32>
        %get3A_459 = arith.index_cast %add3A_397 : i32 to index
        %get3A_460 = arith.constant 192 : index
        %get3A_461 = tpu.vector_load %arg8[%get3A_459, %get3A_460] {strides = array<i32>} : memref<80x272xf32, #tpu.memory_space<vmem>>, vector<16xf32>,
        %mul3A_462 = arith.mulf %get3A_461, %get3A_461 : vector<16xf32>
        %add3A_463 = arith.addf %add3A_458, %mul3A_462 : vector<16xf32>
        %get3A_464 = arith.index_cast %add3A_397 : i32 to index
        %get3A_465 = arith.constant 208 : index
        %get3A_466 = tpu.vector_load %arg8[%get3A_464, %get3A_465] {strides = array<i32>} : memref<80x272xf32, #tpu.memory_space<vmem>>, vector<16xf32>,
        %mul3A_467 = arith.mulf %get3A_466, %get3A_466 : vector<16xf32>
        %add3A_468 = arith.addf %add3A_463, %mul3A_467 : vector<16xf32>
        %get3A_469 = arith.index_cast %add3A_397 : i32 to index
        %get3A_470 = arith.constant 224 : index
        %get3A_471 = tpu.vector_load %arg8[%get3A_469, %get3A_470] {strides = array<i32>} : memref<80x272xf32, #tpu.memory_space<vmem>>, vector<16xf32>,
        %mul3A_472 = arith.mulf %get3A_471, %get3A_471 : vector<16xf32>
        %add3A_473 = arith.addf %add3A_468, %mul3A_472 : vector<16xf32>
        %get3A_474 = arith.index_cast %add3A_397 : i32 to index
        %get3A_475 = arith.constant 240 : index
        %get3A_476 = tpu.vector_load %arg8[%get3A_474, %get3A_475] {strides = array<i32>} : memref<80x272xf32, #tpu.memory_space<vmem>>, vector<16xf32>,
        %mul3A_477 = arith.mulf %get3A_476, %get3A_476 : vector<16xf32>
        %add3A_478 = arith.addf %add3A_473, %mul3A_477 : vector<16xf32>
        %swap3A_479 = arith.index_cast %add3A_394 : i32 to index
        %swap3A_480 = arith.constant 0 : index
        %swap3A_481 = tpu.vector_load %arg13[%swap3A_479, %swap3A_480] {strides = array<i32>} : memref<16x17xf32, #tpu.memory_space<vmem>>, vector<16xf32>,
        tpu.vector_store %arg13[%swap3A_479, %swap3A_480], %add3A_478 {strides = array<i32>} : memref<16x17xf32, #tpu.memory_space<vmem>>, vector<16xf32>,
      }
      %scan3A_312 = arith.constant 16 : i32
      %mul3A_313 = arith.constant 16 : i32
      %mul3A_314 = arith.muli %add3A_307, %mul3A_313 : i32
      %add3A_315 = vector.broadcast %mul3A_314 : i32 to vector<16xi32>
      %add3A_316 = arith.addi %iota3A_195, %add3A_315 : vector<16xi32>
      %broadcast_in_dim3A = arith.constant 256 : i32
      %broadcast_in_dim3A_317 = vector.broadcast %broadcast_in_dim3A : i32 to vector<16xi32>
      %gather3A = tpu.vector_load_idx %arg8[%add3A_316, %broadcast_in_dim3A_317] : memref<80x272xf32, #tpu.memory_space<vmem>>[vector<16xi32>, vector<16xi32>], vector<16xf32>,
      %broadcast_in_dim3A_318 = arith.constant 0.000000e+00 : f32
      %broadcast_in_dim3A_319 = vector.broadcast %broadcast_in_dim3A_318 : f32 to vector<16xf32>
      %broadcast_in_dim3A_320 = arith.constant 0 : i32
      %broadcast_in_dim3A_321 = vector.broadcast %broadcast_in_dim3A_320 : i32 to vector<16xi32>
      %gather3A_322 = tpu.vector_load_idx %arg13[%iota3A_195, %broadcast_in_dim3A_321] : memref<16x17xf32, #tpu.memory_space<vmem>>[vector<16xi32>, vector<16xi32>], vector<16xf32>,
      %add3A_323 = arith.addf %broadcast_in_dim3A_319, %gather3A_322 : vector<16xf32>
      %broadcast_in_dim3A_324 = arith.constant 1 : i32
      %broadcast_in_dim3A_325 = vector.broadcast %broadcast_in_dim3A_324 : i32 to vector<16xi32>
      %gather3A_326 = tpu.vector_load_idx %arg13[%iota3A_195, %broadcast_in_dim3A_325] : memref<16x17xf32, #tpu.memory_space<vmem>>[vector<16xi32>, vector<16xi32>], vector<16xf32>,
      %add3A_327 = arith.addf %add3A_323, %gather3A_326 : vector<16xf32>
      %broadcast_in_dim3A_328 = arith.constant 2 : i32
      %broadcast_in_dim3A_329 = vector.broadcast %broadcast_in_dim3A_328 : i32 to vector<16xi32>
      %gather3A_330 = tpu.vector_load_idx %arg13[%iota3A_195, %broadcast_in_dim3A_329] : memref<16x17xf32, #tpu.memory_space<vmem>>[vector<16xi32>, vector<16xi32>], vector<16xf32>,
      %add3A_331 = arith.addf %add3A_327, %gather3A_330 : vector<16xf32>
      %broadcast_in_dim3A_332 = arith.constant 3 : i32
      %broadcast_in_dim3A_333 = vector.broadcast %broadcast_in_dim3A_332 : i32 to vector<16xi32>
      %gather3A_334 = tpu.vector_load_idx %arg13[%iota3A_195, %broadcast_in_dim3A_333] : memref<16x17xf32, #tpu.memory_space<vmem>>[vector<16xi32>, vector<16xi32>], vector<16xf32>,
      %add3A_335 = arith.addf %add3A_331, %gather3A_334 : vector<16xf32>
      %broadcast_in_dim3A_336 = arith.constant 4 : i32
      %broadcast_in_dim3A_337 = vector.broadcast %broadcast_in_dim3A_336 : i32 to vector<16xi32>
      %gather3A_338 = tpu.vector_load_idx %arg13[%iota3A_195, %broadcast_in_dim3A_337] : memref<16x17xf32, #tpu.memory_space<vmem>>[vector<16xi32>, vector<16xi32>], vector<16xf32>,
      %add3A_339 = arith.addf %add3A_335, %gather3A_338 : vector<16xf32>
      %broadcast_in_dim3A_340 = arith.constant 5 : i32
      %broadcast_in_dim3A_341 = vector.broadcast %broadcast_in_dim3A_340 : i32 to vector<16xi32>
      %gather3A_342 = tpu.vector_load_idx %arg13[%iota3A_195, %broadcast_in_dim3A_341] : memref<16x17xf32, #tpu.memory_space<vmem>>[vector<16xi32>, vector<16xi32>], vector<16xf32>,
      %add3A_343 = arith.addf %add3A_339, %gather3A_342 : vector<16xf32>
      %broadcast_in_dim3A_344 = arith.constant 6 : i32
      %broadcast_in_dim3A_345 = vector.broadcast %broadcast_in_dim3A_344 : i32 to vector<16xi32>
      %gather3A_346 = tpu.vector_load_idx %arg13[%iota3A_195, %broadcast_in_dim3A_345] : memref<16x17xf32, #tpu.memory_space<vmem>>[vector<16xi32>, vector<16xi32>], vector<16xf32>,
      %add3A_347 = arith.addf %add3A_343, %gather3A_346 : vector<16xf32>
      %broadcast_in_dim3A_348 = arith.constant 7 : i32
      %broadcast_in_dim3A_349 = vector.broadcast %broadcast_in_dim3A_348 : i32 to vector<16xi32>
      %gather3A_350 = tpu.vector_load_idx %arg13[%iota3A_195, %broadcast_in_dim3A_349] : memref<16x17xf32, #tpu.memory_space<vmem>>[vector<16xi32>, vector<16xi32>], vector<16xf32>,
      %add3A_351 = arith.addf %add3A_347, %gather3A_350 : vector<16xf32>
      %broadcast_in_dim3A_352 = arith.constant 8 : i32
      %broadcast_in_dim3A_353 = vector.broadcast %broadcast_in_dim3A_352 : i32 to vector<16xi32>
      %gather3A_354 = tpu.vector_load_idx %arg13[%iota3A_195, %broadcast_in_dim3A_353] : memref<16x17xf32, #tpu.memory_space<vmem>>[vector<16xi32>, vector<16xi32>], vector<16xf32>,
      %add3A_355 = arith.addf %add3A_351, %gather3A_354 : vector<16xf32>
      %broadcast_in_dim3A_356 = arith.constant 9 : i32
      %broadcast_in_dim3A_357 = vector.broadcast %broadcast_in_dim3A_356 : i32 to vector<16xi32>
      %gather3A_358 = tpu.vector_load_idx %arg13[%iota3A_195, %broadcast_in_dim3A_357] : memref<16x17xf32, #tpu.memory_space<vmem>>[vector<16xi32>, vector<16xi32>], vector<16xf32>,
      %add3A_359 = arith.addf %add3A_355, %gather3A_358 : vector<16xf32>
      %broadcast_in_dim3A_360 = arith.constant 10 : i32
      %broadcast_in_dim3A_361 = vector.broadcast %broadcast_in_dim3A_360 : i32 to vector<16xi32>
      %gather3A_362 = tpu.vector_load_idx %arg13[%iota3A_195, %broadcast_in_dim3A_361] : memref<16x17xf32, #tpu.memory_space<vmem>>[vector<16xi32>, vector<16xi32>], vector<16xf32>,
      %add3A_363 = arith.addf %add3A_359, %gather3A_362 : vector<16xf32>
      %broadcast_in_dim3A_364 = arith.constant 11 : i32
      %broadcast_in_dim3A_365 = vector.broadcast %broadcast_in_dim3A_364 : i32 to vector<16xi32>
      %gather3A_366 = tpu.vector_load_idx %arg13[%iota3A_195, %broadcast_in_dim3A_365] : memref<16x17xf32, #tpu.memory_space<vmem>>[vector<16xi32>, vector<16xi32>], vector<16xf32>,
      %add3A_367 = arith.addf %add3A_363, %gather3A_366 : vector<16xf32>
      %broadcast_in_dim3A_368 = arith.constant 12 : i32
      %broadcast_in_dim3A_369 = vector.broadcast %broadcast_in_dim3A_368 : i32 to vector<16xi32>
      %gather3A_370 = tpu.vector_load_idx %arg13[%iota3A_195, %broadcast_in_dim3A_369] : memref<16x17xf32, #tpu.memory_space<vmem>>[vector<16xi32>, vector<16xi32>], vector<16xf32>,
      %add3A_371 = arith.addf %add3A_367, %gather3A_370 : vector<16xf32>
      %broadcast_in_dim3A_372 = arith.constant 13 : i32
      %broadcast_in_dim3A_373 = vector.broadcast %broadcast_in_dim3A_372 : i32 to vector<16xi32>
      %gather3A_374 = tpu.vector_load_idx %arg13[%iota3A_195, %broadcast_in_dim3A_373] : memref<16x17xf32, #tpu.memory_space<vmem>>[vector<16xi32>, vector<16xi32>], vector<16xf32>,
      %add3A_375 = arith.addf %add3A_371, %gather3A_374 : vector<16xf32>
      %broadcast_in_dim3A_376 = arith.constant 14 : i32
      %broadcast_in_dim3A_377 = vector.broadcast %broadcast_in_dim3A_376 : i32 to vector<16xi32>
      %gather3A_378 = tpu.vector_load_idx %arg13[%iota3A_195, %broadcast_in_dim3A_377] : memref<16x17xf32, #tpu.memory_space<vmem>>[vector<16xi32>, vector<16xi32>], vector<16xf32>,
      %add3A_379 = arith.addf %add3A_375, %gather3A_378 : vector<16xf32>
      %broadcast_in_dim3A_380 = arith.constant 15 : i32
      %broadcast_in_dim3A_381 = vector.broadcast %broadcast_in_dim3A_380 : i32 to vector<16xi32>
      %gather3A_382 = tpu.vector_load_idx %arg13[%iota3A_195, %broadcast_in_dim3A_381] : memref<16x17xf32, #tpu.memory_space<vmem>>[vector<16xi32>, vector<16xi32>], vector<16xf32>,
      %add3A_383 = arith.addf %add3A_379, %gather3A_382 : vector<16xf32>
      %sub3A = arith.subf %add3A_383, %gather3A : vector<16xf32>
      %mul3A_384 = arith.constant 5.000000e-01 : f32
      %mul3A_385 = vector.broadcast %mul3A_384 : f32 to vector<16xf32>
      %mul3A_386 = arith.mulf %sub3A, %mul3A_385 : vector<16xf32>
      %mul3A_387 = arith.constant 16 : i32
      %mul3A_388 = arith.muli %add3A_307, %mul3A_387 : i32
      %swap3A = arith.index_cast %mul3A_388 : i32 to index
      %swap3A_389 = tpu.vector_load %arg11[%swap3A] {strides = array<i32>} : memref<80xf32, #tpu.memory_space<vmem>>, vector<16xf32>,
      tpu.vector_store %arg11[%swap3A], %mul3A_386 {strides = array<i32>} : memref<80xf32, #tpu.memory_space<vmem>>, vector<16xf32>,
    }
    %scan3A_200 = arith.constant 5 : i32
    %mul3A_201 = arith.constant 160000 : i32
    %mul3A_202 = arith.muli %arg0, %mul3A_201 : i32
    %add3A_203 = arith.addi %mul3A_202, %mul3A_0 : i32
    %add3A_204 = arith.constant 9680 : i32
    %add3A_205 = arith.addi %add3A_203, %add3A_204 : i32
    %dma_start3A_206 = tpu.memref_slice %arg4[%add3A_205] : memref<320000xf32, #tpu.memory_space<hbm>> -> memref<80xf32, #tpu.memory_space<hbm>>
    %dma_start3A_207 = tpu.memref_slice %arg4[%add3A_205] : memref<320000xf32, #tpu.memory_space<hbm>> -> memref<80xf32, #tpu.memory_space<hbm>>
    tpu.enqueue_dma source(%arg11 : memref<80xf32, #tpu.memory_space<vmem>>) target(%dma_start3A_207 : memref<80xf32, #tpu.memory_space<hbm>>) target_semaphore(%arg21 : memref<!tpu.dma_semaphore, #tpu.memory_space<semaphore_mem>>)
    %dma_start3A_208 = arith.constant 9920 : i32
    %dma_start3A_209 = tpu.memref_slice %arg5[%dma_start3A_208] : memref<10000xi32, #tpu.memory_space<vmem>> -> memref<80xi32, #tpu.memory_space<vmem>>
    %dma_start3A_210 = arith.constant 0 : i32
    %dma_start3A_211 = arith.constant 0 : i32
    %dma_start3A_212 = tpu.memref_slice %arg2[%dma_start3A_210, %dma_start3A_211] : memref<10000x272xf32, #tpu.memory_space<hbm>> -> memref<10000x272xf32, #tpu.memory_space<hbm>>
    tpu.enqueue_indirect_dma source(%dma_start3A_212 : memref<10000x272xf32, #tpu.memory_space<hbm>>) target(%arg8 : memref<80x272xf32, #tpu.memory_space<vmem>>) offsets(%dma_start3A_209 : memref<80xi32, #tpu.memory_space<vmem>>) semaphore(%arg15 : memref<!tpu.dma_semaphore, #tpu.memory_space<semaphore_mem>>)
    %dma_wait3A_213 = arith.constant 0 : i32
    %dma_wait3A_214 = tpu.memref_slice %arg5[%dma_wait3A_213] : memref<10000xi32, #tpu.memory_space<vmem>> -> memref<80xi32, #tpu.memory_space<vmem>>
    %dma_wait3A_215 = arith.constant 0 : i32
    %dma_wait3A_216 = arith.constant 0 : i32
    %dma_wait3A_217 = tpu.memref_slice %arg2[%dma_wait3A_215, %dma_wait3A_216] : memref<10000x272xf32, #tpu.memory_space<hbm>> -> memref<10000x272xf32, #tpu.memory_space<hbm>>
    tpu.wait_indirect_dma semaphore(%arg14 : memref<!tpu.dma_semaphore, #tpu.memory_space<semaphore_mem>>) src(%dma_wait3A_217 : memref<10000x272xf32, #tpu.memory_space<hbm>>) dst(%arg7 : memref<80x272xf32, #tpu.memory_space<vmem>>)
    %dma_start3A_218 = arith.constant 9840 : i32
    %dma_start3A_219 = tpu.memref_slice %arg6[%dma_start3A_218] : memref<10000xi32, #tpu.memory_space<vmem>> -> memref<80xi32, #tpu.memory_space<vmem>>
    %dma_start3A_220 = arith.constant 0 : i32
    %dma_start3A_221 = arith.constant 0 : i32
    %dma_start3A_222 = tpu.memref_slice %arg2[%dma_start3A_220, %dma_start3A_221] : memref<10000x272xf32, #tpu.memory_space<hbm>> -> memref<10000x272xf32, #tpu.memory_space<hbm>>
    tpu.enqueue_indirect_dma source(%dma_start3A_222 : memref<10000x272xf32, #tpu.memory_space<hbm>>) target(%arg7 : memref<80x272xf32, #tpu.memory_space<vmem>>) offsets(%dma_start3A_219 : memref<80xi32, #tpu.memory_space<vmem>>) semaphore(%arg17 : memref<!tpu.dma_semaphore, #tpu.memory_space<semaphore_mem>>) {add = true}
    %dma_wait3A_223 = arith.constant 0 : i32
    %dma_wait3A_224 = tpu.memref_slice %arg6[%dma_wait3A_223] : memref<10000xi32, #tpu.memory_space<vmem>> -> memref<80xi32, #tpu.memory_space<vmem>>
    %dma_wait3A_225 = arith.constant 0 : i32
    %dma_wait3A_226 = arith.constant 0 : i32
    %dma_wait3A_227 = tpu.memref_slice %arg2[%dma_wait3A_225, %dma_wait3A_226] : memref<10000x272xf32, #tpu.memory_space<hbm>> -> memref<10000x272xf32, #tpu.memory_space<hbm>>
    tpu.wait_indirect_dma semaphore(%arg19 : memref<!tpu.dma_semaphore, #tpu.memory_space<semaphore_mem>>) src(%dma_wait3A_227 : memref<10000x272xf32, #tpu.memory_space<hbm>>) dst(%arg9 : memref<80x272xf32, #tpu.memory_space<vmem>>)
    %mul3A_228 = arith.constant 160000 : i32
    %mul3A_229 = arith.muli %arg0, %mul3A_228 : i32
    %add3A_230 = arith.addi %mul3A_229, %mul3A_0 : i32
    %dma_wait3A_231 = tpu.memref_slice %arg4[%add3A_230] : memref<320000xf32, #tpu.memory_space<hbm>> -> memref<80xf32, #tpu.memory_space<hbm>>
    %dma_wait3A_232 = tpu.memref_slice %arg4[%add3A_230] : memref<320000xf32, #tpu.memory_space<hbm>> -> memref<80xf32, #tpu.memory_space<hbm>>
    tpu.wait_dma2 semaphore(%arg22 : memref<!tpu.dma_semaphore, #tpu.memory_space<semaphore_mem>>) src(%arg12 : memref<80xf32, #tpu.memory_space<vmem>>) dst(%dma_wait3A_232 : memref<80xf32, #tpu.memory_space<hbm>>)
    %iota3A_233 = tpu.iota {dimensions = array<i32: 0>} : vector<16xi32>
    %scan3A_234 = arith.constant 0 : i32
    %scan3A_235 = arith.constant 5 : i32
    %scan3A_236 = arith.addi %scan3A_234, %scan3A_235 : i32
    %scan3A_237 = arith.constant 1 : i32
    scf.for %scan3A_303 = %scan3A_234 to %scan3A_236 step %scan3A_237  : i32 {
      %mul3A_304 = arith.constant 1 : i32
      %mul3A_305 = arith.muli %scan3A_303, %mul3A_304 : i32
      %add3A_306 = arith.constant 0 : i32
      %add3A_307 = arith.addi %add3A_306, %mul3A_305 : i32
      %scan3A_308 = arith.constant 0 : i32
      %scan3A_309 = arith.constant 16 : i32
      %scan3A_310 = arith.addi %scan3A_308, %scan3A_309 : i32
      %scan3A_311 = arith.constant 1 : i32
      scf.for %scan3A_390 = %scan3A_308 to %scan3A_310 step %scan3A_311  : i32 {
        %mul3A_391 = arith.constant 1 : i32
        %mul3A_392 = arith.muli %scan3A_390, %mul3A_391 : i32
        %add3A_393 = arith.constant 0 : i32
        %add3A_394 = arith.addi %add3A_393, %mul3A_392 : i32
        %mul3A_395 = arith.constant 16 : i32
        %mul3A_396 = arith.muli %add3A_307, %mul3A_395 : i32
        %add3A_397 = arith.addi %mul3A_396, %add3A_394 : i32
        %broadcast_in_dim3A_398 = arith.constant 0.000000e+00 : f32
        %broadcast_in_dim3A_399 = vector.broadcast %broadcast_in_dim3A_398 : f32 to vector<16xf32>
        %get3A = arith.index_cast %add3A_397 : i32 to index
        %get3A_400 = arith.constant 0 : index
        %get3A_401 = tpu.vector_load %arg9[%get3A, %get3A_400] {strides = array<i32>} : memref<80x272xf32, #tpu.memory_space<vmem>>, vector<16xf32>,
        %mul3A_402 = arith.mulf %get3A_401, %get3A_401 : vector<16xf32>
        %add3A_403 = arith.addf %broadcast_in_dim3A_399, %mul3A_402 : vector<16xf32>
        %get3A_404 = arith.index_cast %add3A_397 : i32 to index
        %get3A_405 = arith.constant 16 : index
        %get3A_406 = tpu.vector_load %arg9[%get3A_404, %get3A_405] {strides = array<i32>} : memref<80x272xf32, #tpu.memory_space<vmem>>, vector<16xf32>,
        %mul3A_407 = arith.mulf %get3A_406, %get3A_406 : vector<16xf32>
        %add3A_408 = arith.addf %add3A_403, %mul3A_407 : vector<16xf32>
        %get3A_409 = arith.index_cast %add3A_397 : i32 to index
        %get3A_410 = arith.constant 32 : index
        %get3A_411 = tpu.vector_load %arg9[%get3A_409, %get3A_410] {strides = array<i32>} : memref<80x272xf32, #tpu.memory_space<vmem>>, vector<16xf32>,
        %mul3A_412 = arith.mulf %get3A_411, %get3A_411 : vector<16xf32>
        %add3A_413 = arith.addf %add3A_408, %mul3A_412 : vector<16xf32>
        %get3A_414 = arith.index_cast %add3A_397 : i32 to index
        %get3A_415 = arith.constant 48 : index
        %get3A_416 = tpu.vector_load %arg9[%get3A_414, %get3A_415] {strides = array<i32>} : memref<80x272xf32, #tpu.memory_space<vmem>>, vector<16xf32>,
        %mul3A_417 = arith.mulf %get3A_416, %get3A_416 : vector<16xf32>
        %add3A_418 = arith.addf %add3A_413, %mul3A_417 : vector<16xf32>
        %get3A_419 = arith.index_cast %add3A_397 : i32 to index
        %get3A_420 = arith.constant 64 : index
        %get3A_421 = tpu.vector_load %arg9[%get3A_419, %get3A_420] {strides = array<i32>} : memref<80x272xf32, #tpu.memory_space<vmem>>, vector<16xf32>,
        %mul3A_422 = arith.mulf %get3A_421, %get3A_421 : vector<16xf32>
        %add3A_423 = arith.addf %add3A_418, %mul3A_422 : vector<16xf32>
        %get3A_424 = arith.index_cast %add3A_397 : i32 to index
        %get3A_425 = arith.constant 80 : index
        %get3A_426 = tpu.vector_load %arg9[%get3A_424, %get3A_425] {strides = array<i32>} : memref<80x272xf32, #tpu.memory_space<vmem>>, vector<16xf32>,
        %mul3A_427 = arith.mulf %get3A_426, %get3A_426 : vector<16xf32>
        %add3A_428 = arith.addf %add3A_423, %mul3A_427 : vector<16xf32>
        %get3A_429 = arith.index_cast %add3A_397 : i32 to index
        %get3A_430 = arith.constant 96 : index
        %get3A_431 = tpu.vector_load %arg9[%get3A_429, %get3A_430] {strides = array<i32>} : memref<80x272xf32, #tpu.memory_space<vmem>>, vector<16xf32>,
        %mul3A_432 = arith.mulf %get3A_431, %get3A_431 : vector<16xf32>
        %add3A_433 = arith.addf %add3A_428, %mul3A_432 : vector<16xf32>
        %get3A_434 = arith.index_cast %add3A_397 : i32 to index
        %get3A_435 = arith.constant 112 : index
        %get3A_436 = tpu.vector_load %arg9[%get3A_434, %get3A_435] {strides = array<i32>} : memref<80x272xf32, #tpu.memory_space<vmem>>, vector<16xf32>,
        %mul3A_437 = arith.mulf %get3A_436, %get3A_436 : vector<16xf32>
        %add3A_438 = arith.addf %add3A_433, %mul3A_437 : vector<16xf32>
        %get3A_439 = arith.index_cast %add3A_397 : i32 to index
        %get3A_440 = arith.constant 128 : index
        %get3A_441 = tpu.vector_load %arg9[%get3A_439, %get3A_440] {strides = array<i32>} : memref<80x272xf32, #tpu.memory_space<vmem>>, vector<16xf32>,
        %mul3A_442 = arith.mulf %get3A_441, %get3A_441 : vector<16xf32>
        %add3A_443 = arith.addf %add3A_438, %mul3A_442 : vector<16xf32>
        %get3A_444 = arith.index_cast %add3A_397 : i32 to index
        %get3A_445 = arith.constant 144 : index
        %get3A_446 = tpu.vector_load %arg9[%get3A_444, %get3A_445] {strides = array<i32>} : memref<80x272xf32, #tpu.memory_space<vmem>>, vector<16xf32>,
        %mul3A_447 = arith.mulf %get3A_446, %get3A_446 : vector<16xf32>
        %add3A_448 = arith.addf %add3A_443, %mul3A_447 : vector<16xf32>
        %get3A_449 = arith.index_cast %add3A_397 : i32 to index
        %get3A_450 = arith.constant 160 : index
        %get3A_451 = tpu.vector_load %arg9[%get3A_449, %get3A_450] {strides = array<i32>} : memref<80x272xf32, #tpu.memory_space<vmem>>, vector<16xf32>,
        %mul3A_452 = arith.mulf %get3A_451, %get3A_451 : vector<16xf32>
        %add3A_453 = arith.addf %add3A_448, %mul3A_452 : vector<16xf32>
        %get3A_454 = arith.index_cast %add3A_397 : i32 to index
        %get3A_455 = arith.constant 176 : index
        %get3A_456 = tpu.vector_load %arg9[%get3A_454, %get3A_455] {strides = array<i32>} : memref<80x272xf32, #tpu.memory_space<vmem>>, vector<16xf32>,
        %mul3A_457 = arith.mulf %get3A_456, %get3A_456 : vector<16xf32>
        %add3A_458 = arith.addf %add3A_453, %mul3A_457 : vector<16xf32>
        %get3A_459 = arith.index_cast %add3A_397 : i32 to index
        %get3A_460 = arith.constant 192 : index
        %get3A_461 = tpu.vector_load %arg9[%get3A_459, %get3A_460] {strides = array<i32>} : memref<80x272xf32, #tpu.memory_space<vmem>>, vector<16xf32>,
        %mul3A_462 = arith.mulf %get3A_461, %get3A_461 : vector<16xf32>
        %add3A_463 = arith.addf %add3A_458, %mul3A_462 : vector<16xf32>
        %get3A_464 = arith.index_cast %add3A_397 : i32 to index
        %get3A_465 = arith.constant 208 : index
        %get3A_466 = tpu.vector_load %arg9[%get3A_464, %get3A_465] {strides = array<i32>} : memref<80x272xf32, #tpu.memory_space<vmem>>, vector<16xf32>,
        %mul3A_467 = arith.mulf %get3A_466, %get3A_466 : vector<16xf32>
        %add3A_468 = arith.addf %add3A_463, %mul3A_467 : vector<16xf32>
        %get3A_469 = arith.index_cast %add3A_397 : i32 to index
        %get3A_470 = arith.constant 224 : index
        %get3A_471 = tpu.vector_load %arg9[%get3A_469, %get3A_470] {strides = array<i32>} : memref<80x272xf32, #tpu.memory_space<vmem>>, vector<16xf32>,
        %mul3A_472 = arith.mulf %get3A_471, %get3A_471 : vector<16xf32>
        %add3A_473 = arith.addf %add3A_468, %mul3A_472 : vector<16xf32>
        %get3A_474 = arith.index_cast %add3A_397 : i32 to index
        %get3A_475 = arith.constant 240 : index
        %get3A_476 = tpu.vector_load %arg9[%get3A_474, %get3A_475] {strides = array<i32>} : memref<80x272xf32, #tpu.memory_space<vmem>>, vector<16xf32>,
        %mul3A_477 = arith.mulf %get3A_476, %get3A_476 : vector<16xf32>
        %add3A_478 = arith.addf %add3A_473, %mul3A_477 : vector<16xf32>
        %swap3A_479 = arith.index_cast %add3A_394 : i32 to index
        %swap3A_480 = arith.constant 0 : index
        %swap3A_481 = tpu.vector_load %arg13[%swap3A_479, %swap3A_480] {strides = array<i32>} : memref<16x17xf32, #tpu.memory_space<vmem>>, vector<16xf32>,
        tpu.vector_store %arg13[%swap3A_479, %swap3A_480], %add3A_478 {strides = array<i32>} : memref<16x17xf32, #tpu.memory_space<vmem>>, vector<16xf32>,
      }
      %scan3A_312 = arith.constant 16 : i32
      %mul3A_313 = arith.constant 16 : i32
      %mul3A_314 = arith.muli %add3A_307, %mul3A_313 : i32
      %add3A_315 = vector.broadcast %mul3A_314 : i32 to vector<16xi32>
      %add3A_316 = arith.addi %iota3A_233, %add3A_315 : vector<16xi32>
      %broadcast_in_dim3A = arith.constant 256 : i32
      %broadcast_in_dim3A_317 = vector.broadcast %broadcast_in_dim3A : i32 to vector<16xi32>
      %gather3A = tpu.vector_load_idx %arg9[%add3A_316, %broadcast_in_dim3A_317] : memref<80x272xf32, #tpu.memory_space<vmem>>[vector<16xi32>, vector<16xi32>], vector<16xf32>,
      %broadcast_in_dim3A_318 = arith.constant 0.000000e+00 : f32
      %broadcast_in_dim3A_319 = vector.broadcast %broadcast_in_dim3A_318 : f32 to vector<16xf32>
      %broadcast_in_dim3A_320 = arith.constant 0 : i32
      %broadcast_in_dim3A_321 = vector.broadcast %broadcast_in_dim3A_320 : i32 to vector<16xi32>
      %gather3A_322 = tpu.vector_load_idx %arg13[%iota3A_233, %broadcast_in_dim3A_321] : memref<16x17xf32, #tpu.memory_space<vmem>>[vector<16xi32>, vector<16xi32>], vector<16xf32>,
      %add3A_323 = arith.addf %broadcast_in_dim3A_319, %gather3A_322 : vector<16xf32>
      %broadcast_in_dim3A_324 = arith.constant 1 : i32
      %broadcast_in_dim3A_325 = vector.broadcast %broadcast_in_dim3A_324 : i32 to vector<16xi32>
      %gather3A_326 = tpu.vector_load_idx %arg13[%iota3A_233, %broadcast_in_dim3A_325] : memref<16x17xf32, #tpu.memory_space<vmem>>[vector<16xi32>, vector<16xi32>], vector<16xf32>,
      %add3A_327 = arith.addf %add3A_323, %gather3A_326 : vector<16xf32>
      %broadcast_in_dim3A_328 = arith.constant 2 : i32
      %broadcast_in_dim3A_329 = vector.broadcast %broadcast_in_dim3A_328 : i32 to vector<16xi32>
      %gather3A_330 = tpu.vector_load_idx %arg13[%iota3A_233, %broadcast_in_dim3A_329] : memref<16x17xf32, #tpu.memory_space<vmem>>[vector<16xi32>, vector<16xi32>], vector<16xf32>,
      %add3A_331 = arith.addf %add3A_327, %gather3A_330 : vector<16xf32>
      %broadcast_in_dim3A_332 = arith.constant 3 : i32
      %broadcast_in_dim3A_333 = vector.broadcast %broadcast_in_dim3A_332 : i32 to vector<16xi32>
      %gather3A_334 = tpu.vector_load_idx %arg13[%iota3A_233, %broadcast_in_dim3A_333] : memref<16x17xf32, #tpu.memory_space<vmem>>[vector<16xi32>, vector<16xi32>], vector<16xf32>,
      %add3A_335 = arith.addf %add3A_331, %gather3A_334 : vector<16xf32>
      %broadcast_in_dim3A_336 = arith.constant 4 : i32
      %broadcast_in_dim3A_337 = vector.broadcast %broadcast_in_dim3A_336 : i32 to vector<16xi32>
      %gather3A_338 = tpu.vector_load_idx %arg13[%iota3A_233, %broadcast_in_dim3A_337] : memref<16x17xf32, #tpu.memory_space<vmem>>[vector<16xi32>, vector<16xi32>], vector<16xf32>,
      %add3A_339 = arith.addf %add3A_335, %gather3A_338 : vector<16xf32>
      %broadcast_in_dim3A_340 = arith.constant 5 : i32
      %broadcast_in_dim3A_341 = vector.broadcast %broadcast_in_dim3A_340 : i32 to vector<16xi32>
      %gather3A_342 = tpu.vector_load_idx %arg13[%iota3A_233, %broadcast_in_dim3A_341] : memref<16x17xf32, #tpu.memory_space<vmem>>[vector<16xi32>, vector<16xi32>], vector<16xf32>,
      %add3A_343 = arith.addf %add3A_339, %gather3A_342 : vector<16xf32>
      %broadcast_in_dim3A_344 = arith.constant 6 : i32
      %broadcast_in_dim3A_345 = vector.broadcast %broadcast_in_dim3A_344 : i32 to vector<16xi32>
      %gather3A_346 = tpu.vector_load_idx %arg13[%iota3A_233, %broadcast_in_dim3A_345] : memref<16x17xf32, #tpu.memory_space<vmem>>[vector<16xi32>, vector<16xi32>], vector<16xf32>,
      %add3A_347 = arith.addf %add3A_343, %gather3A_346 : vector<16xf32>
      %broadcast_in_dim3A_348 = arith.constant 7 : i32
      %broadcast_in_dim3A_349 = vector.broadcast %broadcast_in_dim3A_348 : i32 to vector<16xi32>
      %gather3A_350 = tpu.vector_load_idx %arg13[%iota3A_233, %broadcast_in_dim3A_349] : memref<16x17xf32, #tpu.memory_space<vmem>>[vector<16xi32>, vector<16xi32>], vector<16xf32>,
      %add3A_351 = arith.addf %add3A_347, %gather3A_350 : vector<16xf32>
      %broadcast_in_dim3A_352 = arith.constant 8 : i32
      %broadcast_in_dim3A_353 = vector.broadcast %broadcast_in_dim3A_352 : i32 to vector<16xi32>
      %gather3A_354 = tpu.vector_load_idx %arg13[%iota3A_233, %broadcast_in_dim3A_353] : memref<16x17xf32, #tpu.memory_space<vmem>>[vector<16xi32>, vector<16xi32>], vector<16xf32>,
      %add3A_355 = arith.addf %add3A_351, %gather3A_354 : vector<16xf32>
      %broadcast_in_dim3A_356 = arith.constant 9 : i32
      %broadcast_in_dim3A_357 = vector.broadcast %broadcast_in_dim3A_356 : i32 to vector<16xi32>
      %gather3A_358 = tpu.vector_load_idx %arg13[%iota3A_233, %broadcast_in_dim3A_357] : memref<16x17xf32, #tpu.memory_space<vmem>>[vector<16xi32>, vector<16xi32>], vector<16xf32>,
      %add3A_359 = arith.addf %add3A_355, %gather3A_358 : vector<16xf32>
      %broadcast_in_dim3A_360 = arith.constant 10 : i32
      %broadcast_in_dim3A_361 = vector.broadcast %broadcast_in_dim3A_360 : i32 to vector<16xi32>
      %gather3A_362 = tpu.vector_load_idx %arg13[%iota3A_233, %broadcast_in_dim3A_361] : memref<16x17xf32, #tpu.memory_space<vmem>>[vector<16xi32>, vector<16xi32>], vector<16xf32>,
      %add3A_363 = arith.addf %add3A_359, %gather3A_362 : vector<16xf32>
      %broadcast_in_dim3A_364 = arith.constant 11 : i32
      %broadcast_in_dim3A_365 = vector.broadcast %broadcast_in_dim3A_364 : i32 to vector<16xi32>
      %gather3A_366 = tpu.vector_load_idx %arg13[%iota3A_233, %broadcast_in_dim3A_365] : memref<16x17xf32, #tpu.memory_space<vmem>>[vector<16xi32>, vector<16xi32>], vector<16xf32>,
      %add3A_367 = arith.addf %add3A_363, %gather3A_366 : vector<16xf32>
      %broadcast_in_dim3A_368 = arith.constant 12 : i32
      %broadcast_in_dim3A_369 = vector.broadcast %broadcast_in_dim3A_368 : i32 to vector<16xi32>
      %gather3A_370 = tpu.vector_load_idx %arg13[%iota3A_233, %broadcast_in_dim3A_369] : memref<16x17xf32, #tpu.memory_space<vmem>>[vector<16xi32>, vector<16xi32>], vector<16xf32>,
      %add3A_371 = arith.addf %add3A_367, %gather3A_370 : vector<16xf32>
      %broadcast_in_dim3A_372 = arith.constant 13 : i32
      %broadcast_in_dim3A_373 = vector.broadcast %broadcast_in_dim3A_372 : i32 to vector<16xi32>
      %gather3A_374 = tpu.vector_load_idx %arg13[%iota3A_233, %broadcast_in_dim3A_373] : memref<16x17xf32, #tpu.memory_space<vmem>>[vector<16xi32>, vector<16xi32>], vector<16xf32>,
      %add3A_375 = arith.addf %add3A_371, %gather3A_374 : vector<16xf32>
      %broadcast_in_dim3A_376 = arith.constant 14 : i32
      %broadcast_in_dim3A_377 = vector.broadcast %broadcast_in_dim3A_376 : i32 to vector<16xi32>
      %gather3A_378 = tpu.vector_load_idx %arg13[%iota3A_233, %broadcast_in_dim3A_377] : memref<16x17xf32, #tpu.memory_space<vmem>>[vector<16xi32>, vector<16xi32>], vector<16xf32>,
      %add3A_379 = arith.addf %add3A_375, %gather3A_378 : vector<16xf32>
      %broadcast_in_dim3A_380 = arith.constant 15 : i32
      %broadcast_in_dim3A_381 = vector.broadcast %broadcast_in_dim3A_380 : i32 to vector<16xi32>
      %gather3A_382 = tpu.vector_load_idx %arg13[%iota3A_233, %broadcast_in_dim3A_381] : memref<16x17xf32, #tpu.memory_space<vmem>>[vector<16xi32>, vector<16xi32>], vector<16xf32>,
      %add3A_383 = arith.addf %add3A_379, %gather3A_382 : vector<16xf32>
      %sub3A = arith.subf %add3A_383, %gather3A : vector<16xf32>
      %mul3A_384 = arith.constant 5.000000e-01 : f32
      %mul3A_385 = vector.broadcast %mul3A_384 : f32 to vector<16xf32>
      %mul3A_386 = arith.mulf %sub3A, %mul3A_385 : vector<16xf32>
      %mul3A_387 = arith.constant 16 : i32
      %mul3A_388 = arith.muli %add3A_307, %mul3A_387 : i32
      %swap3A = arith.index_cast %mul3A_388 : i32 to index
      %swap3A_389 = tpu.vector_load %arg12[%swap3A] {strides = array<i32>} : memref<80xf32, #tpu.memory_space<vmem>>, vector<16xf32>,
      tpu.vector_store %arg12[%swap3A], %mul3A_386 {strides = array<i32>} : memref<80xf32, #tpu.memory_space<vmem>>, vector<16xf32>,
    }
    %scan3A_238 = arith.constant 5 : i32
    %mul3A_239 = arith.constant 160000 : i32
    %mul3A_240 = arith.muli %arg0, %mul3A_239 : i32
    %add3A_241 = arith.addi %mul3A_240, %mul3A_0 : i32
    %add3A_242 = arith.constant 9760 : i32
    %add3A_243 = arith.addi %add3A_241, %add3A_242 : i32
    %dma_start3A_244 = tpu.memref_slice %arg4[%add3A_243] : memref<320000xf32, #tpu.memory_space<hbm>> -> memref<80xf32, #tpu.memory_space<hbm>>
    %dma_start3A_245 = tpu.memref_slice %arg4[%add3A_243] : memref<320000xf32, #tpu.memory_space<hbm>> -> memref<80xf32, #tpu.memory_space<hbm>>
    tpu.enqueue_dma source(%arg12 : memref<80xf32, #tpu.memory_space<vmem>>) target(%dma_start3A_245 : memref<80xf32, #tpu.memory_space<hbm>>) target_semaphore(%arg22 : memref<!tpu.dma_semaphore, #tpu.memory_space<semaphore_mem>>)
    %dma_wait3A_246 = arith.constant 0 : i32
    %dma_wait3A_247 = tpu.memref_slice %arg5[%dma_wait3A_246] : memref<10000xi32, #tpu.memory_space<vmem>> -> memref<80xi32, #tpu.memory_space<vmem>>
    %dma_wait3A_248 = arith.constant 0 : i32
    %dma_wait3A_249 = arith.constant 0 : i32
    %dma_wait3A_250 = tpu.memref_slice %arg2[%dma_wait3A_248, %dma_wait3A_249] : memref<10000x272xf32, #tpu.memory_space<hbm>> -> memref<10000x272xf32, #tpu.memory_space<hbm>>
    tpu.wait_indirect_dma semaphore(%arg15 : memref<!tpu.dma_semaphore, #tpu.memory_space<semaphore_mem>>) src(%dma_wait3A_250 : memref<10000x272xf32, #tpu.memory_space<hbm>>) dst(%arg8 : memref<80x272xf32, #tpu.memory_space<vmem>>)
    %dma_start3A_251 = arith.constant 9920 : i32
    %dma_start3A_252 = tpu.memref_slice %arg6[%dma_start3A_251] : memref<10000xi32, #tpu.memory_space<vmem>> -> memref<80xi32, #tpu.memory_space<vmem>>
    %dma_start3A_253 = arith.constant 0 : i32
    %dma_start3A_254 = arith.constant 0 : i32
    %dma_start3A_255 = tpu.memref_slice %arg2[%dma_start3A_253, %dma_start3A_254] : memref<10000x272xf32, #tpu.memory_space<hbm>> -> memref<10000x272xf32, #tpu.memory_space<hbm>>
    tpu.enqueue_indirect_dma source(%dma_start3A_255 : memref<10000x272xf32, #tpu.memory_space<hbm>>) target(%arg8 : memref<80x272xf32, #tpu.memory_space<vmem>>) offsets(%dma_start3A_252 : memref<80xi32, #tpu.memory_space<vmem>>) semaphore(%arg18 : memref<!tpu.dma_semaphore, #tpu.memory_space<semaphore_mem>>) {add = true}
    %dma_wait3A_256 = arith.constant 0 : i32
    %dma_wait3A_257 = tpu.memref_slice %arg6[%dma_wait3A_256] : memref<10000xi32, #tpu.memory_space<vmem>> -> memref<80xi32, #tpu.memory_space<vmem>>
    %dma_wait3A_258 = arith.constant 0 : i32
    %dma_wait3A_259 = arith.constant 0 : i32
    %dma_wait3A_260 = tpu.memref_slice %arg2[%dma_wait3A_258, %dma_wait3A_259] : memref<10000x272xf32, #tpu.memory_space<hbm>> -> memref<10000x272xf32, #tpu.memory_space<hbm>>
    tpu.wait_indirect_dma semaphore(%arg17 : memref<!tpu.dma_semaphore, #tpu.memory_space<semaphore_mem>>) src(%dma_wait3A_260 : memref<10000x272xf32, #tpu.memory_space<hbm>>) dst(%arg7 : memref<80x272xf32, #tpu.memory_space<vmem>>)
    %mul3A_261 = arith.constant 160000 : i32
    %mul3A_262 = arith.muli %arg0, %mul3A_261 : i32
    %add3A_263 = arith.addi %mul3A_262, %mul3A_0 : i32
    %dma_wait3A_264 = tpu.memref_slice %arg4[%add3A_263] : memref<320000xf32, #tpu.memory_space<hbm>> -> memref<80xf32, #tpu.memory_space<hbm>>
    %dma_wait3A_265 = tpu.memref_slice %arg4[%add3A_263] : memref<320000xf32, #tpu.memory_space<hbm>> -> memref<80xf32, #tpu.memory_space<hbm>>
    tpu.wait_dma2 semaphore(%arg20 : memref<!tpu.dma_semaphore, #tpu.memory_space<semaphore_mem>>) src(%arg10 : memref<80xf32, #tpu.memory_space<vmem>>) dst(%dma_wait3A_265 : memref<80xf32, #tpu.memory_space<hbm>>)
    %iota3A_266 = tpu.iota {dimensions = array<i32: 0>} : vector<16xi32>
    %scan3A_267 = arith.constant 0 : i32
    %scan3A_268 = arith.constant 5 : i32
    %scan3A_269 = arith.addi %scan3A_267, %scan3A_268 : i32
    %scan3A_270 = arith.constant 1 : i32
    scf.for %scan3A_303 = %scan3A_267 to %scan3A_269 step %scan3A_270  : i32 {
      %mul3A_304 = arith.constant 1 : i32
      %mul3A_305 = arith.muli %scan3A_303, %mul3A_304 : i32
      %add3A_306 = arith.constant 0 : i32
      %add3A_307 = arith.addi %add3A_306, %mul3A_305 : i32
      %scan3A_308 = arith.constant 0 : i32
      %scan3A_309 = arith.constant 16 : i32
      %scan3A_310 = arith.addi %scan3A_308, %scan3A_309 : i32
      %scan3A_311 = arith.constant 1 : i32
      scf.for %scan3A_390 = %scan3A_308 to %scan3A_310 step %scan3A_311  : i32 {
        %mul3A_391 = arith.constant 1 : i32
        %mul3A_392 = arith.muli %scan3A_390, %mul3A_391 : i32
        %add3A_393 = arith.constant 0 : i32
        %add3A_394 = arith.addi %add3A_393, %mul3A_392 : i32
        %mul3A_395 = arith.constant 16 : i32
        %mul3A_396 = arith.muli %add3A_307, %mul3A_395 : i32
        %add3A_397 = arith.addi %mul3A_396, %add3A_394 : i32
        %broadcast_in_dim3A_398 = arith.constant 0.000000e+00 : f32
        %broadcast_in_dim3A_399 = vector.broadcast %broadcast_in_dim3A_398 : f32 to vector<16xf32>
        %get3A = arith.index_cast %add3A_397 : i32 to index
        %get3A_400 = arith.constant 0 : index
        %get3A_401 = tpu.vector_load %arg7[%get3A, %get3A_400] {strides = array<i32>} : memref<80x272xf32, #tpu.memory_space<vmem>>, vector<16xf32>,
        %mul3A_402 = arith.mulf %get3A_401, %get3A_401 : vector<16xf32>
        %add3A_403 = arith.addf %broadcast_in_dim3A_399, %mul3A_402 : vector<16xf32>
        %get3A_404 = arith.index_cast %add3A_397 : i32 to index
        %get3A_405 = arith.constant 16 : index
        %get3A_406 = tpu.vector_load %arg7[%get3A_404, %get3A_405] {strides = array<i32>} : memref<80x272xf32, #tpu.memory_space<vmem>>, vector<16xf32>,
        %mul3A_407 = arith.mulf %get3A_406, %get3A_406 : vector<16xf32>
        %add3A_408 = arith.addf %add3A_403, %mul3A_407 : vector<16xf32>
        %get3A_409 = arith.index_cast %add3A_397 : i32 to index
        %get3A_410 = arith.constant 32 : index
        %get3A_411 = tpu.vector_load %arg7[%get3A_409, %get3A_410] {strides = array<i32>} : memref<80x272xf32, #tpu.memory_space<vmem>>, vector<16xf32>,
        %mul3A_412 = arith.mulf %get3A_411, %get3A_411 : vector<16xf32>
        %add3A_413 = arith.addf %add3A_408, %mul3A_412 : vector<16xf32>
        %get3A_414 = arith.index_cast %add3A_397 : i32 to index
        %get3A_415 = arith.constant 48 : index
        %get3A_416 = tpu.vector_load %arg7[%get3A_414, %get3A_415] {strides = array<i32>} : memref<80x272xf32, #tpu.memory_space<vmem>>, vector<16xf32>,
        %mul3A_417 = arith.mulf %get3A_416, %get3A_416 : vector<16xf32>
        %add3A_418 = arith.addf %add3A_413, %mul3A_417 : vector<16xf32>
        %get3A_419 = arith.index_cast %add3A_397 : i32 to index
        %get3A_420 = arith.constant 64 : index
        %get3A_421 = tpu.vector_load %arg7[%get3A_419, %get3A_420] {strides = array<i32>} : memref<80x272xf32, #tpu.memory_space<vmem>>, vector<16xf32>,
        %mul3A_422 = arith.mulf %get3A_421, %get3A_421 : vector<16xf32>
        %add3A_423 = arith.addf %add3A_418, %mul3A_422 : vector<16xf32>
        %get3A_424 = arith.index_cast %add3A_397 : i32 to index
        %get3A_425 = arith.constant 80 : index
        %get3A_426 = tpu.vector_load %arg7[%get3A_424, %get3A_425] {strides = array<i32>} : memref<80x272xf32, #tpu.memory_space<vmem>>, vector<16xf32>,
        %mul3A_427 = arith.mulf %get3A_426, %get3A_426 : vector<16xf32>
        %add3A_428 = arith.addf %add3A_423, %mul3A_427 : vector<16xf32>
        %get3A_429 = arith.index_cast %add3A_397 : i32 to index
        %get3A_430 = arith.constant 96 : index
        %get3A_431 = tpu.vector_load %arg7[%get3A_429, %get3A_430] {strides = array<i32>} : memref<80x272xf32, #tpu.memory_space<vmem>>, vector<16xf32>,
        %mul3A_432 = arith.mulf %get3A_431, %get3A_431 : vector<16xf32>
        %add3A_433 = arith.addf %add3A_428, %mul3A_432 : vector<16xf32>
        %get3A_434 = arith.index_cast %add3A_397 : i32 to index
        %get3A_435 = arith.constant 112 : index
        %get3A_436 = tpu.vector_load %arg7[%get3A_434, %get3A_435] {strides = array<i32>} : memref<80x272xf32, #tpu.memory_space<vmem>>, vector<16xf32>,
        %mul3A_437 = arith.mulf %get3A_436, %get3A_436 : vector<16xf32>
        %add3A_438 = arith.addf %add3A_433, %mul3A_437 : vector<16xf32>
        %get3A_439 = arith.index_cast %add3A_397 : i32 to index
        %get3A_440 = arith.constant 128 : index
        %get3A_441 = tpu.vector_load %arg7[%get3A_439, %get3A_440] {strides = array<i32>} : memref<80x272xf32, #tpu.memory_space<vmem>>, vector<16xf32>,
        %mul3A_442 = arith.mulf %get3A_441, %get3A_441 : vector<16xf32>
        %add3A_443 = arith.addf %add3A_438, %mul3A_442 : vector<16xf32>
        %get3A_444 = arith.index_cast %add3A_397 : i32 to index
        %get3A_445 = arith.constant 144 : index
        %get3A_446 = tpu.vector_load %arg7[%get3A_444, %get3A_445] {strides = array<i32>} : memref<80x272xf32, #tpu.memory_space<vmem>>, vector<16xf32>,
        %mul3A_447 = arith.mulf %get3A_446, %get3A_446 : vector<16xf32>
        %add3A_448 = arith.addf %add3A_443, %mul3A_447 : vector<16xf32>
        %get3A_449 = arith.index_cast %add3A_397 : i32 to index
        %get3A_450 = arith.constant 160 : index
        %get3A_451 = tpu.vector_load %arg7[%get3A_449, %get3A_450] {strides = array<i32>} : memref<80x272xf32, #tpu.memory_space<vmem>>, vector<16xf32>,
        %mul3A_452 = arith.mulf %get3A_451, %get3A_451 : vector<16xf32>
        %add3A_453 = arith.addf %add3A_448, %mul3A_452 : vector<16xf32>
        %get3A_454 = arith.index_cast %add3A_397 : i32 to index
        %get3A_455 = arith.constant 176 : index
        %get3A_456 = tpu.vector_load %arg7[%get3A_454, %get3A_455] {strides = array<i32>} : memref<80x272xf32, #tpu.memory_space<vmem>>, vector<16xf32>,
        %mul3A_457 = arith.mulf %get3A_456, %get3A_456 : vector<16xf32>
        %add3A_458 = arith.addf %add3A_453, %mul3A_457 : vector<16xf32>
        %get3A_459 = arith.index_cast %add3A_397 : i32 to index
        %get3A_460 = arith.constant 192 : index
        %get3A_461 = tpu.vector_load %arg7[%get3A_459, %get3A_460] {strides = array<i32>} : memref<80x272xf32, #tpu.memory_space<vmem>>, vector<16xf32>,
        %mul3A_462 = arith.mulf %get3A_461, %get3A_461 : vector<16xf32>
        %add3A_463 = arith.addf %add3A_458, %mul3A_462 : vector<16xf32>
        %get3A_464 = arith.index_cast %add3A_397 : i32 to index
        %get3A_465 = arith.constant 208 : index
        %get3A_466 = tpu.vector_load %arg7[%get3A_464, %get3A_465] {strides = array<i32>} : memref<80x272xf32, #tpu.memory_space<vmem>>, vector<16xf32>,
        %mul3A_467 = arith.mulf %get3A_466, %get3A_466 : vector<16xf32>
        %add3A_468 = arith.addf %add3A_463, %mul3A_467 : vector<16xf32>
        %get3A_469 = arith.index_cast %add3A_397 : i32 to index
        %get3A_470 = arith.constant 224 : index
        %get3A_471 = tpu.vector_load %arg7[%get3A_469, %get3A_470] {strides = array<i32>} : memref<80x272xf32, #tpu.memory_space<vmem>>, vector<16xf32>,
        %mul3A_472 = arith.mulf %get3A_471, %get3A_471 : vector<16xf32>
        %add3A_473 = arith.addf %add3A_468, %mul3A_472 : vector<16xf32>
        %get3A_474 = arith.index_cast %add3A_397 : i32 to index
        %get3A_475 = arith.constant 240 : index
        %get3A_476 = tpu.vector_load %arg7[%get3A_474, %get3A_475] {strides = array<i32>} : memref<80x272xf32, #tpu.memory_space<vmem>>, vector<16xf32>,
        %mul3A_477 = arith.mulf %get3A_476, %get3A_476 : vector<16xf32>
        %add3A_478 = arith.addf %add3A_473, %mul3A_477 : vector<16xf32>
        %swap3A_479 = arith.index_cast %add3A_394 : i32 to index
        %swap3A_480 = arith.constant 0 : index
        %swap3A_481 = tpu.vector_load %arg13[%swap3A_479, %swap3A_480] {strides = array<i32>} : memref<16x17xf32, #tpu.memory_space<vmem>>, vector<16xf32>,
        tpu.vector_store %arg13[%swap3A_479, %swap3A_480], %add3A_478 {strides = array<i32>} : memref<16x17xf32, #tpu.memory_space<vmem>>, vector<16xf32>,
      }
      %scan3A_312 = arith.constant 16 : i32
      %mul3A_313 = arith.constant 16 : i32
      %mul3A_314 = arith.muli %add3A_307, %mul3A_313 : i32
      %add3A_315 = vector.broadcast %mul3A_314 : i32 to vector<16xi32>
      %add3A_316 = arith.addi %iota3A_266, %add3A_315 : vector<16xi32>
      %broadcast_in_dim3A = arith.constant 256 : i32
      %broadcast_in_dim3A_317 = vector.broadcast %broadcast_in_dim3A : i32 to vector<16xi32>
      %gather3A = tpu.vector_load_idx %arg7[%add3A_316, %broadcast_in_dim3A_317] : memref<80x272xf32, #tpu.memory_space<vmem>>[vector<16xi32>, vector<16xi32>], vector<16xf32>,
      %broadcast_in_dim3A_318 = arith.constant 0.000000e+00 : f32
      %broadcast_in_dim3A_319 = vector.broadcast %broadcast_in_dim3A_318 : f32 to vector<16xf32>
      %broadcast_in_dim3A_320 = arith.constant 0 : i32
      %broadcast_in_dim3A_321 = vector.broadcast %broadcast_in_dim3A_320 : i32 to vector<16xi32>
      %gather3A_322 = tpu.vector_load_idx %arg13[%iota3A_266, %broadcast_in_dim3A_321] : memref<16x17xf32, #tpu.memory_space<vmem>>[vector<16xi32>, vector<16xi32>], vector<16xf32>,
      %add3A_323 = arith.addf %broadcast_in_dim3A_319, %gather3A_322 : vector<16xf32>
      %broadcast_in_dim3A_324 = arith.constant 1 : i32
      %broadcast_in_dim3A_325 = vector.broadcast %broadcast_in_dim3A_324 : i32 to vector<16xi32>
      %gather3A_326 = tpu.vector_load_idx %arg13[%iota3A_266, %broadcast_in_dim3A_325] : memref<16x17xf32, #tpu.memory_space<vmem>>[vector<16xi32>, vector<16xi32>], vector<16xf32>,
      %add3A_327 = arith.addf %add3A_323, %gather3A_326 : vector<16xf32>
      %broadcast_in_dim3A_328 = arith.constant 2 : i32
      %broadcast_in_dim3A_329 = vector.broadcast %broadcast_in_dim3A_328 : i32 to vector<16xi32>
      %gather3A_330 = tpu.vector_load_idx %arg13[%iota3A_266, %broadcast_in_dim3A_329] : memref<16x17xf32, #tpu.memory_space<vmem>>[vector<16xi32>, vector<16xi32>], vector<16xf32>,
      %add3A_331 = arith.addf %add3A_327, %gather3A_330 : vector<16xf32>
      %broadcast_in_dim3A_332 = arith.constant 3 : i32
      %broadcast_in_dim3A_333 = vector.broadcast %broadcast_in_dim3A_332 : i32 to vector<16xi32>
      %gather3A_334 = tpu.vector_load_idx %arg13[%iota3A_266, %broadcast_in_dim3A_333] : memref<16x17xf32, #tpu.memory_space<vmem>>[vector<16xi32>, vector<16xi32>], vector<16xf32>,
      %add3A_335 = arith.addf %add3A_331, %gather3A_334 : vector<16xf32>
      %broadcast_in_dim3A_336 = arith.constant 4 : i32
      %broadcast_in_dim3A_337 = vector.broadcast %broadcast_in_dim3A_336 : i32 to vector<16xi32>
      %gather3A_338 = tpu.vector_load_idx %arg13[%iota3A_266, %broadcast_in_dim3A_337] : memref<16x17xf32, #tpu.memory_space<vmem>>[vector<16xi32>, vector<16xi32>], vector<16xf32>,
      %add3A_339 = arith.addf %add3A_335, %gather3A_338 : vector<16xf32>
      %broadcast_in_dim3A_340 = arith.constant 5 : i32
      %broadcast_in_dim3A_341 = vector.broadcast %broadcast_in_dim3A_340 : i32 to vector<16xi32>
      %gather3A_342 = tpu.vector_load_idx %arg13[%iota3A_266, %broadcast_in_dim3A_341] : memref<16x17xf32, #tpu.memory_space<vmem>>[vector<16xi32>, vector<16xi32>], vector<16xf32>,
      %add3A_343 = arith.addf %add3A_339, %gather3A_342 : vector<16xf32>
      %broadcast_in_dim3A_344 = arith.constant 6 : i32
      %broadcast_in_dim3A_345 = vector.broadcast %broadcast_in_dim3A_344 : i32 to vector<16xi32>
      %gather3A_346 = tpu.vector_load_idx %arg13[%iota3A_266, %broadcast_in_dim3A_345] : memref<16x17xf32, #tpu.memory_space<vmem>>[vector<16xi32>, vector<16xi32>], vector<16xf32>,
      %add3A_347 = arith.addf %add3A_343, %gather3A_346 : vector<16xf32>
      %broadcast_in_dim3A_348 = arith.constant 7 : i32
      %broadcast_in_dim3A_349 = vector.broadcast %broadcast_in_dim3A_348 : i32 to vector<16xi32>
      %gather3A_350 = tpu.vector_load_idx %arg13[%iota3A_266, %broadcast_in_dim3A_349] : memref<16x17xf32, #tpu.memory_space<vmem>>[vector<16xi32>, vector<16xi32>], vector<16xf32>,
      %add3A_351 = arith.addf %add3A_347, %gather3A_350 : vector<16xf32>
      %broadcast_in_dim3A_352 = arith.constant 8 : i32
      %broadcast_in_dim3A_353 = vector.broadcast %broadcast_in_dim3A_352 : i32 to vector<16xi32>
      %gather3A_354 = tpu.vector_load_idx %arg13[%iota3A_266, %broadcast_in_dim3A_353] : memref<16x17xf32, #tpu.memory_space<vmem>>[vector<16xi32>, vector<16xi32>], vector<16xf32>,
      %add3A_355 = arith.addf %add3A_351, %gather3A_354 : vector<16xf32>
      %broadcast_in_dim3A_356 = arith.constant 9 : i32
      %broadcast_in_dim3A_357 = vector.broadcast %broadcast_in_dim3A_356 : i32 to vector<16xi32>
      %gather3A_358 = tpu.vector_load_idx %arg13[%iota3A_266, %broadcast_in_dim3A_357] : memref<16x17xf32, #tpu.memory_space<vmem>>[vector<16xi32>, vector<16xi32>], vector<16xf32>,
      %add3A_359 = arith.addf %add3A_355, %gather3A_358 : vector<16xf32>
      %broadcast_in_dim3A_360 = arith.constant 10 : i32
      %broadcast_in_dim3A_361 = vector.broadcast %broadcast_in_dim3A_360 : i32 to vector<16xi32>
      %gather3A_362 = tpu.vector_load_idx %arg13[%iota3A_266, %broadcast_in_dim3A_361] : memref<16x17xf32, #tpu.memory_space<vmem>>[vector<16xi32>, vector<16xi32>], vector<16xf32>,
      %add3A_363 = arith.addf %add3A_359, %gather3A_362 : vector<16xf32>
      %broadcast_in_dim3A_364 = arith.constant 11 : i32
      %broadcast_in_dim3A_365 = vector.broadcast %broadcast_in_dim3A_364 : i32 to vector<16xi32>
      %gather3A_366 = tpu.vector_load_idx %arg13[%iota3A_266, %broadcast_in_dim3A_365] : memref<16x17xf32, #tpu.memory_space<vmem>>[vector<16xi32>, vector<16xi32>], vector<16xf32>,
      %add3A_367 = arith.addf %add3A_363, %gather3A_366 : vector<16xf32>
      %broadcast_in_dim3A_368 = arith.constant 12 : i32
      %broadcast_in_dim3A_369 = vector.broadcast %broadcast_in_dim3A_368 : i32 to vector<16xi32>
      %gather3A_370 = tpu.vector_load_idx %arg13[%iota3A_266, %broadcast_in_dim3A_369] : memref<16x17xf32, #tpu.memory_space<vmem>>[vector<16xi32>, vector<16xi32>], vector<16xf32>,
      %add3A_371 = arith.addf %add3A_367, %gather3A_370 : vector<16xf32>
      %broadcast_in_dim3A_372 = arith.constant 13 : i32
      %broadcast_in_dim3A_373 = vector.broadcast %broadcast_in_dim3A_372 : i32 to vector<16xi32>
      %gather3A_374 = tpu.vector_load_idx %arg13[%iota3A_266, %broadcast_in_dim3A_373] : memref<16x17xf32, #tpu.memory_space<vmem>>[vector<16xi32>, vector<16xi32>], vector<16xf32>,
      %add3A_375 = arith.addf %add3A_371, %gather3A_374 : vector<16xf32>
      %broadcast_in_dim3A_376 = arith.constant 14 : i32
      %broadcast_in_dim3A_377 = vector.broadcast %broadcast_in_dim3A_376 : i32 to vector<16xi32>
      %gather3A_378 = tpu.vector_load_idx %arg13[%iota3A_266, %broadcast_in_dim3A_377] : memref<16x17xf32, #tpu.memory_space<vmem>>[vector<16xi32>, vector<16xi32>], vector<16xf32>,
      %add3A_379 = arith.addf %add3A_375, %gather3A_378 : vector<16xf32>
      %broadcast_in_dim3A_380 = arith.constant 15 : i32
      %broadcast_in_dim3A_381 = vector.broadcast %broadcast_in_dim3A_380 : i32 to vector<16xi32>
      %gather3A_382 = tpu.vector_load_idx %arg13[%iota3A_266, %broadcast_in_dim3A_381] : memref<16x17xf32, #tpu.memory_space<vmem>>[vector<16xi32>, vector<16xi32>], vector<16xf32>,
      %add3A_383 = arith.addf %add3A_379, %gather3A_382 : vector<16xf32>
      %sub3A = arith.subf %add3A_383, %gather3A : vector<16xf32>
      %mul3A_384 = arith.constant 5.000000e-01 : f32
      %mul3A_385 = vector.broadcast %mul3A_384 : f32 to vector<16xf32>
      %mul3A_386 = arith.mulf %sub3A, %mul3A_385 : vector<16xf32>
      %mul3A_387 = arith.constant 16 : i32
      %mul3A_388 = arith.muli %add3A_307, %mul3A_387 : i32
      %swap3A = arith.index_cast %mul3A_388 : i32 to index
      %swap3A_389 = tpu.vector_load %arg10[%swap3A] {strides = array<i32>} : memref<80xf32, #tpu.memory_space<vmem>>, vector<16xf32>,
      tpu.vector_store %arg10[%swap3A], %mul3A_386 {strides = array<i32>} : memref<80xf32, #tpu.memory_space<vmem>>, vector<16xf32>,
    }
    %scan3A_271 = arith.constant 5 : i32
    %mul3A_272 = arith.constant 160000 : i32
    %mul3A_273 = arith.muli %arg0, %mul3A_272 : i32
    %add3A_274 = arith.addi %mul3A_273, %mul3A_0 : i32
    %add3A_275 = arith.constant 9840 : i32
    %add3A_276 = arith.addi %add3A_274, %add3A_275 : i32
    "tpu.region"() ({
      %run_scoped3A = tpu.sem_alloc : memref<!tpu.dma_semaphore, #tpu.memory_space<semaphore_mem>>
      %dma_start3A_303 = tpu.memref_slice %arg4[%add3A_276] : memref<320000xf32, #tpu.memory_space<hbm>> -> memref<80xf32, #tpu.memory_space<hbm>>
      %dma_start3A_304 = tpu.memref_slice %arg4[%add3A_276] : memref<320000xf32, #tpu.memory_space<hbm>> -> memref<80xf32, #tpu.memory_space<hbm>>
      tpu.enqueue_dma source(%arg10 : memref<80xf32, #tpu.memory_space<vmem>>) target(%dma_start3A_304 : memref<80xf32, #tpu.memory_space<hbm>>) target_semaphore(%run_scoped3A : memref<!tpu.dma_semaphore, #tpu.memory_space<semaphore_mem>>)
      %dma_wait3A_305 = tpu.memref_slice %arg4[%add3A_276] : memref<320000xf32, #tpu.memory_space<hbm>> -> memref<80xf32, #tpu.memory_space<hbm>>
      %dma_wait3A_306 = tpu.memref_slice %arg4[%add3A_276] : memref<320000xf32, #tpu.memory_space<hbm>> -> memref<80xf32, #tpu.memory_space<hbm>>
      tpu.wait_dma2 semaphore(%run_scoped3A : memref<!tpu.dma_semaphore, #tpu.memory_space<semaphore_mem>>) src(%arg10 : memref<80xf32, #tpu.memory_space<vmem>>) dst(%dma_wait3A_306 : memref<80xf32, #tpu.memory_space<hbm>>)
      tpu.yield
    }) : () -> ()
    %dma_wait3A_277 = arith.constant 0 : i32
    %dma_wait3A_278 = tpu.memref_slice %arg6[%dma_wait3A_277] : memref<10000xi32, #tpu.memory_space<vmem>> -> memref<80xi32, #tpu.memory_space<vmem>>
    %dma_wait3A_279 = arith.constant 0 : i32
    %dma_wait3A_280 = arith.constant 0 : i32
    %dma_wait3A_281 = tpu.memref_slice %arg2[%dma_wait3A_279, %dma_wait3A_280] : memref<10000x272xf32, #tpu.memory_space<hbm>> -> memref<10000x272xf32, #tpu.memory_space<hbm>>
    tpu.wait_indirect_dma semaphore(%arg18 : memref<!tpu.dma_semaphore, #tpu.memory_space<semaphore_mem>>) src(%dma_wait3A_281 : memref<10000x272xf32, #tpu.memory_space<hbm>>) dst(%arg8 : memref<80x272xf32, #tpu.memory_space<vmem>>)
    %mul3A_282 = arith.constant 160000 : i32
    %mul3A_283 = arith.muli %arg0, %mul3A_282 : i32
    %add3A_284 = arith.addi %mul3A_283, %mul3A_0 : i32
    %dma_wait3A_285 = tpu.memref_slice %arg4[%add3A_284] : memref<320000xf32, #tpu.memory_space<hbm>> -> memref<80xf32, #tpu.memory_space<hbm>>
    %dma_wait3A_286 = tpu.memref_slice %arg4[%add3A_284] : memref<320000xf32, #tpu.memory_space<hbm>> -> memref<80xf32, #tpu.memory_space<hbm>>
    tpu.wait_dma2 semaphore(%arg21 : memref<!tpu.dma_semaphore, #tpu.memory_space<semaphore_mem>>) src(%arg11 : memref<80xf32, #tpu.memory_space<vmem>>) dst(%dma_wait3A_286 : memref<80xf32, #tpu.memory_space<hbm>>)
    %iota3A_287 = tpu.iota {dimensions = array<i32: 0>} : vector<16xi32>
    %scan3A_288 = arith.constant 0 : i32
    %scan3A_289 = arith.constant 5 : i32
    %scan3A_290 = arith.addi %scan3A_288, %scan3A_289 : i32
    %scan3A_291 = arith.constant 1 : i32
    scf.for %scan3A_303 = %scan3A_288 to %scan3A_290 step %scan3A_291  : i32 {
      %mul3A_304 = arith.constant 1 : i32
      %mul3A_305 = arith.muli %scan3A_303, %mul3A_304 : i32
      %add3A_306 = arith.constant 0 : i32
      %add3A_307 = arith.addi %add3A_306, %mul3A_305 : i32
      %scan3A_308 = arith.constant 0 : i32
      %scan3A_309 = arith.constant 16 : i32
      %scan3A_310 = arith.addi %scan3A_308, %scan3A_309 : i32
      %scan3A_311 = arith.constant 1 : i32
      scf.for %scan3A_390 = %scan3A_308 to %scan3A_310 step %scan3A_311  : i32 {
        %mul3A_391 = arith.constant 1 : i32
        %mul3A_392 = arith.muli %scan3A_390, %mul3A_391 : i32
        %add3A_393 = arith.constant 0 : i32
        %add3A_394 = arith.addi %add3A_393, %mul3A_392 : i32
        %mul3A_395 = arith.constant 16 : i32
        %mul3A_396 = arith.muli %add3A_307, %mul3A_395 : i32
        %add3A_397 = arith.addi %mul3A_396, %add3A_394 : i32
        %broadcast_in_dim3A_398 = arith.constant 0.000000e+00 : f32
        %broadcast_in_dim3A_399 = vector.broadcast %broadcast_in_dim3A_398 : f32 to vector<16xf32>
        %get3A = arith.index_cast %add3A_397 : i32 to index
        %get3A_400 = arith.constant 0 : index
        %get3A_401 = tpu.vector_load %arg8[%get3A, %get3A_400] {strides = array<i32>} : memref<80x272xf32, #tpu.memory_space<vmem>>, vector<16xf32>,
        %mul3A_402 = arith.mulf %get3A_401, %get3A_401 : vector<16xf32>
        %add3A_403 = arith.addf %broadcast_in_dim3A_399, %mul3A_402 : vector<16xf32>
        %get3A_404 = arith.index_cast %add3A_397 : i32 to index
        %get3A_405 = arith.constant 16 : index
        %get3A_406 = tpu.vector_load %arg8[%get3A_404, %get3A_405] {strides = array<i32>} : memref<80x272xf32, #tpu.memory_space<vmem>>, vector<16xf32>,
        %mul3A_407 = arith.mulf %get3A_406, %get3A_406 : vector<16xf32>
        %add3A_408 = arith.addf %add3A_403, %mul3A_407 : vector<16xf32>
        %get3A_409 = arith.index_cast %add3A_397 : i32 to index
        %get3A_410 = arith.constant 32 : index
        %get3A_411 = tpu.vector_load %arg8[%get3A_409, %get3A_410] {strides = array<i32>} : memref<80x272xf32, #tpu.memory_space<vmem>>, vector<16xf32>,
        %mul3A_412 = arith.mulf %get3A_411, %get3A_411 : vector<16xf32>
        %add3A_413 = arith.addf %add3A_408, %mul3A_412 : vector<16xf32>
        %get3A_414 = arith.index_cast %add3A_397 : i32 to index
        %get3A_415 = arith.constant 48 : index
        %get3A_416 = tpu.vector_load %arg8[%get3A_414, %get3A_415] {strides = array<i32>} : memref<80x272xf32, #tpu.memory_space<vmem>>, vector<16xf32>,
        %mul3A_417 = arith.mulf %get3A_416, %get3A_416 : vector<16xf32>
        %add3A_418 = arith.addf %add3A_413, %mul3A_417 : vector<16xf32>
        %get3A_419 = arith.index_cast %add3A_397 : i32 to index
        %get3A_420 = arith.constant 64 : index
        %get3A_421 = tpu.vector_load %arg8[%get3A_419, %get3A_420] {strides = array<i32>} : memref<80x272xf32, #tpu.memory_space<vmem>>, vector<16xf32>,
        %mul3A_422 = arith.mulf %get3A_421, %get3A_421 : vector<16xf32>
        %add3A_423 = arith.addf %add3A_418, %mul3A_422 : vector<16xf32>
        %get3A_424 = arith.index_cast %add3A_397 : i32 to index
        %get3A_425 = arith.constant 80 : index
        %get3A_426 = tpu.vector_load %arg8[%get3A_424, %get3A_425] {strides = array<i32>} : memref<80x272xf32, #tpu.memory_space<vmem>>, vector<16xf32>,
        %mul3A_427 = arith.mulf %get3A_426, %get3A_426 : vector<16xf32>
        %add3A_428 = arith.addf %add3A_423, %mul3A_427 : vector<16xf32>
        %get3A_429 = arith.index_cast %add3A_397 : i32 to index
        %get3A_430 = arith.constant 96 : index
        %get3A_431 = tpu.vector_load %arg8[%get3A_429, %get3A_430] {strides = array<i32>} : memref<80x272xf32, #tpu.memory_space<vmem>>, vector<16xf32>,
        %mul3A_432 = arith.mulf %get3A_431, %get3A_431 : vector<16xf32>
        %add3A_433 = arith.addf %add3A_428, %mul3A_432 : vector<16xf32>
        %get3A_434 = arith.index_cast %add3A_397 : i32 to index
        %get3A_435 = arith.constant 112 : index
        %get3A_436 = tpu.vector_load %arg8[%get3A_434, %get3A_435] {strides = array<i32>} : memref<80x272xf32, #tpu.memory_space<vmem>>, vector<16xf32>,
        %mul3A_437 = arith.mulf %get3A_436, %get3A_436 : vector<16xf32>
        %add3A_438 = arith.addf %add3A_433, %mul3A_437 : vector<16xf32>
        %get3A_439 = arith.index_cast %add3A_397 : i32 to index
        %get3A_440 = arith.constant 128 : index
        %get3A_441 = tpu.vector_load %arg8[%get3A_439, %get3A_440] {strides = array<i32>} : memref<80x272xf32, #tpu.memory_space<vmem>>, vector<16xf32>,
        %mul3A_442 = arith.mulf %get3A_441, %get3A_441 : vector<16xf32>
        %add3A_443 = arith.addf %add3A_438, %mul3A_442 : vector<16xf32>
        %get3A_444 = arith.index_cast %add3A_397 : i32 to index
        %get3A_445 = arith.constant 144 : index
        %get3A_446 = tpu.vector_load %arg8[%get3A_444, %get3A_445] {strides = array<i32>} : memref<80x272xf32, #tpu.memory_space<vmem>>, vector<16xf32>,
        %mul3A_447 = arith.mulf %get3A_446, %get3A_446 : vector<16xf32>
        %add3A_448 = arith.addf %add3A_443, %mul3A_447 : vector<16xf32>
        %get3A_449 = arith.index_cast %add3A_397 : i32 to index
        %get3A_450 = arith.constant 160 : index
        %get3A_451 = tpu.vector_load %arg8[%get3A_449, %get3A_450] {strides = array<i32>} : memref<80x272xf32, #tpu.memory_space<vmem>>, vector<16xf32>,
        %mul3A_452 = arith.mulf %get3A_451, %get3A_451 : vector<16xf32>
        %add3A_453 = arith.addf %add3A_448, %mul3A_452 : vector<16xf32>
        %get3A_454 = arith.index_cast %add3A_397 : i32 to index
        %get3A_455 = arith.constant 176 : index
        %get3A_456 = tpu.vector_load %arg8[%get3A_454, %get3A_455] {strides = array<i32>} : memref<80x272xf32, #tpu.memory_space<vmem>>, vector<16xf32>,
        %mul3A_457 = arith.mulf %get3A_456, %get3A_456 : vector<16xf32>
        %add3A_458 = arith.addf %add3A_453, %mul3A_457 : vector<16xf32>
        %get3A_459 = arith.index_cast %add3A_397 : i32 to index
        %get3A_460 = arith.constant 192 : index
        %get3A_461 = tpu.vector_load %arg8[%get3A_459, %get3A_460] {strides = array<i32>} : memref<80x272xf32, #tpu.memory_space<vmem>>, vector<16xf32>,
        %mul3A_462 = arith.mulf %get3A_461, %get3A_461 : vector<16xf32>
        %add3A_463 = arith.addf %add3A_458, %mul3A_462 : vector<16xf32>
        %get3A_464 = arith.index_cast %add3A_397 : i32 to index
        %get3A_465 = arith.constant 208 : index
        %get3A_466 = tpu.vector_load %arg8[%get3A_464, %get3A_465] {strides = array<i32>} : memref<80x272xf32, #tpu.memory_space<vmem>>, vector<16xf32>,
        %mul3A_467 = arith.mulf %get3A_466, %get3A_466 : vector<16xf32>
        %add3A_468 = arith.addf %add3A_463, %mul3A_467 : vector<16xf32>
        %get3A_469 = arith.index_cast %add3A_397 : i32 to index
        %get3A_470 = arith.constant 224 : index
        %get3A_471 = tpu.vector_load %arg8[%get3A_469, %get3A_470] {strides = array<i32>} : memref<80x272xf32, #tpu.memory_space<vmem>>, vector<16xf32>,
        %mul3A_472 = arith.mulf %get3A_471, %get3A_471 : vector<16xf32>
        %add3A_473 = arith.addf %add3A_468, %mul3A_472 : vector<16xf32>
        %get3A_474 = arith.index_cast %add3A_397 : i32 to index
        %get3A_475 = arith.constant 240 : index
        %get3A_476 = tpu.vector_load %arg8[%get3A_474, %get3A_475] {strides = array<i32>} : memref<80x272xf32, #tpu.memory_space<vmem>>, vector<16xf32>,
        %mul3A_477 = arith.mulf %get3A_476, %get3A_476 : vector<16xf32>
        %add3A_478 = arith.addf %add3A_473, %mul3A_477 : vector<16xf32>
        %swap3A_479 = arith.index_cast %add3A_394 : i32 to index
        %swap3A_480 = arith.constant 0 : index
        %swap3A_481 = tpu.vector_load %arg13[%swap3A_479, %swap3A_480] {strides = array<i32>} : memref<16x17xf32, #tpu.memory_space<vmem>>, vector<16xf32>,
        tpu.vector_store %arg13[%swap3A_479, %swap3A_480], %add3A_478 {strides = array<i32>} : memref<16x17xf32, #tpu.memory_space<vmem>>, vector<16xf32>,
      }
      %scan3A_312 = arith.constant 16 : i32
      %mul3A_313 = arith.constant 16 : i32
      %mul3A_314 = arith.muli %add3A_307, %mul3A_313 : i32
      %add3A_315 = vector.broadcast %mul3A_314 : i32 to vector<16xi32>
      %add3A_316 = arith.addi %iota3A_287, %add3A_315 : vector<16xi32>
      %broadcast_in_dim3A = arith.constant 256 : i32
      %broadcast_in_dim3A_317 = vector.broadcast %broadcast_in_dim3A : i32 to vector<16xi32>
      %gather3A = tpu.vector_load_idx %arg8[%add3A_316, %broadcast_in_dim3A_317] : memref<80x272xf32, #tpu.memory_space<vmem>>[vector<16xi32>, vector<16xi32>], vector<16xf32>,
      %broadcast_in_dim3A_318 = arith.constant 0.000000e+00 : f32
      %broadcast_in_dim3A_319 = vector.broadcast %broadcast_in_dim3A_318 : f32 to vector<16xf32>
      %broadcast_in_dim3A_320 = arith.constant 0 : i32
      %broadcast_in_dim3A_321 = vector.broadcast %broadcast_in_dim3A_320 : i32 to vector<16xi32>
      %gather3A_322 = tpu.vector_load_idx %arg13[%iota3A_287, %broadcast_in_dim3A_321] : memref<16x17xf32, #tpu.memory_space<vmem>>[vector<16xi32>, vector<16xi32>], vector<16xf32>,
      %add3A_323 = arith.addf %broadcast_in_dim3A_319, %gather3A_322 : vector<16xf32>
      %broadcast_in_dim3A_324 = arith.constant 1 : i32
      %broadcast_in_dim3A_325 = vector.broadcast %broadcast_in_dim3A_324 : i32 to vector<16xi32>
      %gather3A_326 = tpu.vector_load_idx %arg13[%iota3A_287, %broadcast_in_dim3A_325] : memref<16x17xf32, #tpu.memory_space<vmem>>[vector<16xi32>, vector<16xi32>], vector<16xf32>,
      %add3A_327 = arith.addf %add3A_323, %gather3A_326 : vector<16xf32>
      %broadcast_in_dim3A_328 = arith.constant 2 : i32
      %broadcast_in_dim3A_329 = vector.broadcast %broadcast_in_dim3A_328 : i32 to vector<16xi32>
      %gather3A_330 = tpu.vector_load_idx %arg13[%iota3A_287, %broadcast_in_dim3A_329] : memref<16x17xf32, #tpu.memory_space<vmem>>[vector<16xi32>, vector<16xi32>], vector<16xf32>,
      %add3A_331 = arith.addf %add3A_327, %gather3A_330 : vector<16xf32>
      %broadcast_in_dim3A_332 = arith.constant 3 : i32
      %broadcast_in_dim3A_333 = vector.broadcast %broadcast_in_dim3A_332 : i32 to vector<16xi32>
      %gather3A_334 = tpu.vector_load_idx %arg13[%iota3A_287, %broadcast_in_dim3A_333] : memref<16x17xf32, #tpu.memory_space<vmem>>[vector<16xi32>, vector<16xi32>], vector<16xf32>,
      %add3A_335 = arith.addf %add3A_331, %gather3A_334 : vector<16xf32>
      %broadcast_in_dim3A_336 = arith.constant 4 : i32
      %broadcast_in_dim3A_337 = vector.broadcast %broadcast_in_dim3A_336 : i32 to vector<16xi32>
      %gather3A_338 = tpu.vector_load_idx %arg13[%iota3A_287, %broadcast_in_dim3A_337] : memref<16x17xf32, #tpu.memory_space<vmem>>[vector<16xi32>, vector<16xi32>], vector<16xf32>,
      %add3A_339 = arith.addf %add3A_335, %gather3A_338 : vector<16xf32>
      %broadcast_in_dim3A_340 = arith.constant 5 : i32
      %broadcast_in_dim3A_341 = vector.broadcast %broadcast_in_dim3A_340 : i32 to vector<16xi32>
      %gather3A_342 = tpu.vector_load_idx %arg13[%iota3A_287, %broadcast_in_dim3A_341] : memref<16x17xf32, #tpu.memory_space<vmem>>[vector<16xi32>, vector<16xi32>], vector<16xf32>,
      %add3A_343 = arith.addf %add3A_339, %gather3A_342 : vector<16xf32>
      %broadcast_in_dim3A_344 = arith.constant 6 : i32
      %broadcast_in_dim3A_345 = vector.broadcast %broadcast_in_dim3A_344 : i32 to vector<16xi32>
      %gather3A_346 = tpu.vector_load_idx %arg13[%iota3A_287, %broadcast_in_dim3A_345] : memref<16x17xf32, #tpu.memory_space<vmem>>[vector<16xi32>, vector<16xi32>], vector<16xf32>,
      %add3A_347 = arith.addf %add3A_343, %gather3A_346 : vector<16xf32>
      %broadcast_in_dim3A_348 = arith.constant 7 : i32
      %broadcast_in_dim3A_349 = vector.broadcast %broadcast_in_dim3A_348 : i32 to vector<16xi32>
      %gather3A_350 = tpu.vector_load_idx %arg13[%iota3A_287, %broadcast_in_dim3A_349] : memref<16x17xf32, #tpu.memory_space<vmem>>[vector<16xi32>, vector<16xi32>], vector<16xf32>,
      %add3A_351 = arith.addf %add3A_347, %gather3A_350 : vector<16xf32>
      %broadcast_in_dim3A_352 = arith.constant 8 : i32
      %broadcast_in_dim3A_353 = vector.broadcast %broadcast_in_dim3A_352 : i32 to vector<16xi32>
      %gather3A_354 = tpu.vector_load_idx %arg13[%iota3A_287, %broadcast_in_dim3A_353] : memref<16x17xf32, #tpu.memory_space<vmem>>[vector<16xi32>, vector<16xi32>], vector<16xf32>,
      %add3A_355 = arith.addf %add3A_351, %gather3A_354 : vector<16xf32>
      %broadcast_in_dim3A_356 = arith.constant 9 : i32
      %broadcast_in_dim3A_357 = vector.broadcast %broadcast_in_dim3A_356 : i32 to vector<16xi32>
      %gather3A_358 = tpu.vector_load_idx %arg13[%iota3A_287, %broadcast_in_dim3A_357] : memref<16x17xf32, #tpu.memory_space<vmem>>[vector<16xi32>, vector<16xi32>], vector<16xf32>,
      %add3A_359 = arith.addf %add3A_355, %gather3A_358 : vector<16xf32>
      %broadcast_in_dim3A_360 = arith.constant 10 : i32
      %broadcast_in_dim3A_361 = vector.broadcast %broadcast_in_dim3A_360 : i32 to vector<16xi32>
      %gather3A_362 = tpu.vector_load_idx %arg13[%iota3A_287, %broadcast_in_dim3A_361] : memref<16x17xf32, #tpu.memory_space<vmem>>[vector<16xi32>, vector<16xi32>], vector<16xf32>,
      %add3A_363 = arith.addf %add3A_359, %gather3A_362 : vector<16xf32>
      %broadcast_in_dim3A_364 = arith.constant 11 : i32
      %broadcast_in_dim3A_365 = vector.broadcast %broadcast_in_dim3A_364 : i32 to vector<16xi32>
      %gather3A_366 = tpu.vector_load_idx %arg13[%iota3A_287, %broadcast_in_dim3A_365] : memref<16x17xf32, #tpu.memory_space<vmem>>[vector<16xi32>, vector<16xi32>], vector<16xf32>,
      %add3A_367 = arith.addf %add3A_363, %gather3A_366 : vector<16xf32>
      %broadcast_in_dim3A_368 = arith.constant 12 : i32
      %broadcast_in_dim3A_369 = vector.broadcast %broadcast_in_dim3A_368 : i32 to vector<16xi32>
      %gather3A_370 = tpu.vector_load_idx %arg13[%iota3A_287, %broadcast_in_dim3A_369] : memref<16x17xf32, #tpu.memory_space<vmem>>[vector<16xi32>, vector<16xi32>], vector<16xf32>,
      %add3A_371 = arith.addf %add3A_367, %gather3A_370 : vector<16xf32>
      %broadcast_in_dim3A_372 = arith.constant 13 : i32
      %broadcast_in_dim3A_373 = vector.broadcast %broadcast_in_dim3A_372 : i32 to vector<16xi32>
      %gather3A_374 = tpu.vector_load_idx %arg13[%iota3A_287, %broadcast_in_dim3A_373] : memref<16x17xf32, #tpu.memory_space<vmem>>[vector<16xi32>, vector<16xi32>], vector<16xf32>,
      %add3A_375 = arith.addf %add3A_371, %gather3A_374 : vector<16xf32>
      %broadcast_in_dim3A_376 = arith.constant 14 : i32
      %broadcast_in_dim3A_377 = vector.broadcast %broadcast_in_dim3A_376 : i32 to vector<16xi32>
      %gather3A_378 = tpu.vector_load_idx %arg13[%iota3A_287, %broadcast_in_dim3A_377] : memref<16x17xf32, #tpu.memory_space<vmem>>[vector<16xi32>, vector<16xi32>], vector<16xf32>,
      %add3A_379 = arith.addf %add3A_375, %gather3A_378 : vector<16xf32>
      %broadcast_in_dim3A_380 = arith.constant 15 : i32
      %broadcast_in_dim3A_381 = vector.broadcast %broadcast_in_dim3A_380 : i32 to vector<16xi32>
      %gather3A_382 = tpu.vector_load_idx %arg13[%iota3A_287, %broadcast_in_dim3A_381] : memref<16x17xf32, #tpu.memory_space<vmem>>[vector<16xi32>, vector<16xi32>], vector<16xf32>,
      %add3A_383 = arith.addf %add3A_379, %gather3A_382 : vector<16xf32>
      %sub3A = arith.subf %add3A_383, %gather3A : vector<16xf32>
      %mul3A_384 = arith.constant 5.000000e-01 : f32
      %mul3A_385 = vector.broadcast %mul3A_384 : f32 to vector<16xf32>
      %mul3A_386 = arith.mulf %sub3A, %mul3A_385 : vector<16xf32>
      %mul3A_387 = arith.constant 16 : i32
      %mul3A_388 = arith.muli %add3A_307, %mul3A_387 : i32
      %swap3A = arith.index_cast %mul3A_388 : i32 to index
      %swap3A_389 = tpu.vector_load %arg11[%swap3A] {strides = array<i32>} : memref<80xf32, #tpu.memory_space<vmem>>, vector<16xf32>,
      tpu.vector_store %arg11[%swap3A], %mul3A_386 {strides = array<i32>} : memref<80xf32, #tpu.memory_space<vmem>>, vector<16xf32>,
    }
    %scan3A_292 = arith.constant 5 : i32
    %mul3A_293 = arith.constant 160000 : i32
    %mul3A_294 = arith.muli %arg0, %mul3A_293 : i32
    %add3A_295 = arith.addi %mul3A_294, %mul3A_0 : i32
    %add3A_296 = arith.constant 9920 : i32
    %add3A_297 = arith.addi %add3A_295, %add3A_296 : i32
    "tpu.region"() ({
      %run_scoped3A = tpu.sem_alloc : memref<!tpu.dma_semaphore, #tpu.memory_space<semaphore_mem>>
      %dma_start3A_303 = tpu.memref_slice %arg4[%add3A_297] : memref<320000xf32, #tpu.memory_space<hbm>> -> memref<80xf32, #tpu.memory_space<hbm>>
      %dma_start3A_304 = tpu.memref_slice %arg4[%add3A_297] : memref<320000xf32, #tpu.memory_space<hbm>> -> memref<80xf32, #tpu.memory_space<hbm>>
      tpu.enqueue_dma source(%arg11 : memref<80xf32, #tpu.memory_space<vmem>>) target(%dma_start3A_304 : memref<80xf32, #tpu.memory_space<hbm>>) target_semaphore(%run_scoped3A : memref<!tpu.dma_semaphore, #tpu.memory_space<semaphore_mem>>)
      %dma_wait3A_305 = tpu.memref_slice %arg4[%add3A_297] : memref<320000xf32, #tpu.memory_space<hbm>> -> memref<80xf32, #tpu.memory_space<hbm>>
      %dma_wait3A_306 = tpu.memref_slice %arg4[%add3A_297] : memref<320000xf32, #tpu.memory_space<hbm>> -> memref<80xf32, #tpu.memory_space<hbm>>
      tpu.wait_dma2 semaphore(%run_scoped3A : memref<!tpu.dma_semaphore, #tpu.memory_space<semaphore_mem>>) src(%arg11 : memref<80xf32, #tpu.memory_space<vmem>>) dst(%dma_wait3A_306 : memref<80xf32, #tpu.memory_space<hbm>>)
      tpu.yield
    }) : () -> ()
    %mul3A_298 = arith.constant 160000 : i32
    %mul3A_299 = arith.muli %arg0, %mul3A_298 : i32
    %add3A_300 = arith.addi %mul3A_299, %mul3A_0 : i32
    %dma_wait3A_301 = tpu.memref_slice %arg4[%add3A_300] : memref<320000xf32, #tpu.memory_space<hbm>> -> memref<80xf32, #tpu.memory_space<hbm>>
    %dma_wait3A_302 = tpu.memref_slice %arg4[%add3A_300] : memref<320000xf32, #tpu.memory_space<hbm>> -> memref<80xf32, #tpu.memory_space<hbm>>
    tpu.wait_dma2 semaphore(%arg22 : memref<!tpu.dma_semaphore, #tpu.memory_space<semaphore_mem>>) src(%arg12 : memref<80xf32, #tpu.memory_space<vmem>>) dst(%dma_wait3A_302 : memref<80xf32, #tpu.memory_space<hbm>>)
    return
  }
}

module attributes {stable_mosaic.version = 14 : i64} {
  func.func @_mm1_body(%arg0: i32, %arg1: memref<1000x256xf32, #tpu.memory_space<vmem>>, %arg2: memref<256x512xf32, #tpu.memory_space<vmem>>, %arg3: memref<1000x256xf32, #tpu.memory_space<vmem>>, %arg4: memref<1000x288xbf16, #tpu.memory_space<vmem>>) attributes {dimension_semantics = [#tpu.dimension_semantics<arbitrary>], iteration_bounds = array<i64: 10>, scalar_prefetch = 0 : i64, scratch_operands = 0 : i64, tpu.core_type = #tpu.core_type<tc>, window_params = [{transform_indices = @transform_0, window_bounds = array<i64: 1000, 256>}, {pipeline_mode = #tpu.pipeline_mode<synchronous>, transform_indices = @transform_1, window_bounds = array<i64: 256, 512>}, {transform_indices = @transform_2, window_bounds = array<i64: 1000, 256>}, {transform_indices = @transform_3, window_bounds = array<i64: 1000, 288>}]} {
    %get3A = arith.constant 0 : index
    %get3A_0 = arith.constant 0 : index
    %get3A_1 = vector.load %arg1[%get3A, %get3A_0] : memref<1000x256xf32, #tpu.memory_space<vmem>>, vector<1000x256xf32>
    %get3A_2 = arith.constant 0 : index
    %get3A_3 = arith.constant 0 : index
    %get3A_4 = vector.load %arg2[%get3A_2, %get3A_3] : memref<256x512xf32, #tpu.memory_space<vmem>>, vector<256x512xf32>
    %dot_general3A = arith.constant dense<0.000000e+00> : vector<1000x512xf32>
    %dot_general3A_5 = tpu.matmul %get3A_1, %get3A_4, %dot_general3A {dimension_numbers = #tpu.dot_dimension_numbers<[1], [0], [0], [1], [0, 0, 1, 1], [], []>, transpose_lhs_hint = false} : vector<1000x256xf32>, vector<256x512xf32>, vector<1000x512xf32> -> vector<1000x512xf32>
    %slice3A = vector.extract_strided_slice %dot_general3A_5 {offsets = [0, 0], sizes = [1000, 256], strides = [1, 1]} : vector<1000x512xf32> to vector<1000x256xf32>
    %swap3A = arith.constant 0 : index
    %swap3A_6 = arith.constant 0 : index
    %swap3A_7 = vector.load %arg3[%swap3A, %swap3A_6] : memref<1000x256xf32, #tpu.memory_space<vmem>>, vector<1000x256xf32>
    tpu.vector_store %arg3[%swap3A, %swap3A_6], %slice3A {strides = array<i32>} : memref<1000x256xf32, #tpu.memory_space<vmem>>, vector<1000x256xf32>,
    %broadcast_in_dim3A = arith.constant 1.000000e+00 : f32
    %broadcast_in_dim3A_8 = vector.broadcast %broadcast_in_dim3A : f32 to vector<1000x1xf32>
    %broadcast_in_dim3A_9 = arith.constant 0.000000e+00 : f32
    %broadcast_in_dim3A_10 = vector.broadcast %broadcast_in_dim3A_9 : f32 to vector<1000x31xf32>
    %slice3A_11 = vector.extract_strided_slice %dot_general3A_5 {offsets = [0, 256], sizes = [1000, 256], strides = [1, 1]} : vector<1000x512xf32> to vector<1000x256xf32>
    %concatenate3A = tpu.concatenate %slice3A_11, %broadcast_in_dim3A_8, %broadcast_in_dim3A_10 in 1 : vector<1000x256xf32>, vector<1000x1xf32>, vector<1000x31xf32> -> vector<1000x288xf32>
    %convert_element_type3A = arith.truncf %concatenate3A : vector<1000x288xf32> to vector<1000x288xbf16>
    %swap3A_12 = arith.constant 0 : index
    %swap3A_13 = arith.constant 0 : index
    %swap3A_14 = vector.load %arg4[%swap3A_12, %swap3A_13] : memref<1000x288xbf16, #tpu.memory_space<vmem>>, vector<1000x288xbf16>
    tpu.vector_store %arg4[%swap3A_12, %swap3A_13], %convert_element_type3A {strides = array<i32>} : memref<1000x288xbf16, #tpu.memory_space<vmem>>, vector<1000x288xbf16>,
    return
  }
  func.func @transform_0(%arg0: i32) -> (i32, i32) {
    %c0_i32 = arith.constant 0 : i32
    %c0_i32_0 = arith.constant 0 : i32
    return %arg0, %c0_i32 : i32, i32
  }
  func.func @transform_1(%arg0: i32) -> (i32, i32) {
    %c0_i32 = arith.constant 0 : i32
    %c0_i32_0 = arith.constant 0 : i32
    %c0_i32_1 = arith.constant 0 : i32
    return %c0_i32, %c0_i32_0 : i32, i32
  }
  func.func @transform_2(%arg0: i32) -> (i32, i32) {
    %c0_i32 = arith.constant 0 : i32
    %c0_i32_0 = arith.constant 0 : i32
    return %arg0, %c0_i32 : i32, i32
  }
  func.func @transform_3(%arg0: i32) -> (i32, i32) {
    %c0_i32 = arith.constant 0 : i32
    %c0_i32_0 = arith.constant 0 : i32
    return %arg0, %c0_i32 : i32, i32
  }
}

module attributes {stable_mosaic.version = 14 : i64} {
  func.func @_mm2_body(%arg0: i32, %arg1: memref<1000x256xf32, #tpu.memory_space<vmem>>, %arg2: memref<2x1000x288xbf16, #tpu.memory_space<vmem>>, %arg3: memref<1x256xf32, #tpu.memory_space<vmem>>, %arg4: memref<256x512xf32, #tpu.memory_space<vmem>>, %arg5: memref<1000x256xf32, #tpu.memory_space<vmem>>, %arg6: memref<1000x288xbf16, #tpu.memory_space<vmem>>) attributes {dimension_semantics = [#tpu.dimension_semantics<arbitrary>], iteration_bounds = array<i64: 10>, scalar_prefetch = 0 : i64, scratch_operands = 0 : i64, tpu.core_type = #tpu.core_type<tc>, window_params = [{transform_indices = @transform_0, window_bounds = array<i64: 1000, 256>}, {transform_indices = @transform_1, window_bounds = array<i64: 2, 1000, 288>}, {pipeline_mode = #tpu.pipeline_mode<synchronous>, transform_indices = @transform_2, window_bounds = array<i64: 1, 256>}, {pipeline_mode = #tpu.pipeline_mode<synchronous>, transform_indices = @transform_3, window_bounds = array<i64: 256, 512>}, {transform_indices = @transform_4, window_bounds = array<i64: 1000, 256>}, {transform_indices = @transform_5, window_bounds = array<i64: 1000, 288>}]} {
    %get3A = arith.constant 0 : index
    %get3A_0 = arith.constant 0 : index
    %get3A_1 = vector.load %arg1[%get3A, %get3A_0] : memref<1000x256xf32, #tpu.memory_space<vmem>>, vector<1000x256xf32>
    %get3A_2 = arith.constant 0 : index
    %get3A_3 = arith.constant 0 : index
    %get3A_4 = arith.constant 0 : index
    %get3A_5 = vector.load %arg2[%get3A_2, %get3A_3, %get3A_4] : memref<2x1000x288xbf16, #tpu.memory_space<vmem>>, vector<1x1000x288xbf16>
    %get3A_6 = vector.shape_cast %get3A_5 : vector<1x1000x288xbf16> to vector<1000x288xbf16>
    %convert_element_type3A = arith.extf %get3A_6 : vector<1000x288xbf16> to vector<1000x288xf32>
    %get3A_7 = arith.constant 1 : index
    %get3A_8 = arith.constant 0 : index
    %get3A_9 = arith.constant 0 : index
    %get3A_10 = vector.load %arg2[%get3A_7, %get3A_8, %get3A_9] : memref<2x1000x288xbf16, #tpu.memory_space<vmem>>, vector<1x1000x288xbf16>
    %get3A_11 = vector.shape_cast %get3A_10 : vector<1x1000x288xbf16> to vector<1000x288xbf16>
    %convert_element_type3A_12 = arith.extf %get3A_11 : vector<1000x288xbf16> to vector<1000x288xf32>
    %add3A = arith.addf %convert_element_type3A, %convert_element_type3A_12 : vector<1000x288xf32>
    %slice3A = vector.extract_strided_slice %add3A {offsets = [0, 256], sizes = [1000, 1], strides = [1, 1]} : vector<1000x288xf32> to vector<1000x1xf32>
    %max3A = arith.constant 1.000000e+00 : f32
    %max3A_13 = vector.broadcast %max3A : f32 to vector<1000x1xf32>
    %max3A_14 = arith.maximumf %slice3A, %max3A_13 : vector<1000x1xf32>
    %div3A = arith.constant 1.000000e+00 : f32
    %div3A_15 = vector.broadcast %div3A : f32 to vector<1000x1xf32>
    %div3A_16 = arith.divf %div3A_15, %max3A_14 : vector<1000x1xf32>
    %slice3A_17 = vector.extract_strided_slice %add3A {offsets = [0, 0], sizes = [1000, 256], strides = [1, 1]} : vector<1000x288xf32> to vector<1000x256xf32>
    %mul3A = vector.broadcast %div3A_16 : vector<1000x1xf32> to vector<1000x256xf32>
    %mul3A_18 = arith.mulf %slice3A_17, %mul3A : vector<1000x256xf32>
    %add3A_19 = arith.addf %get3A_1, %mul3A_18 : vector<1000x256xf32>
    %get3A_20 = arith.constant 0 : index
    %get3A_21 = arith.constant 0 : index
    %get3A_22 = vector.load %arg3[%get3A_20, %get3A_21] : memref<1x256xf32, #tpu.memory_space<vmem>>, vector<1x256xf32>
    %add3A_23 = vector.broadcast %get3A_22 : vector<1x256xf32> to vector<1000x256xf32>
    %add3A_24 = arith.addf %add3A_19, %add3A_23 : vector<1000x256xf32>
    %max3A_25 = arith.constant 0.000000e+00 : f32
    %max3A_26 = vector.broadcast %max3A_25 : f32 to vector<1000x256xf32>
    %max3A_27 = arith.maximumf %add3A_24, %max3A_26 : vector<1000x256xf32>
    %get3A_28 = arith.constant 0 : index
    %get3A_29 = arith.constant 0 : index
    %get3A_30 = vector.load %arg4[%get3A_28, %get3A_29] : memref<256x512xf32, #tpu.memory_space<vmem>>, vector<256x512xf32>
    %dot_general3A = arith.constant dense<0.000000e+00> : vector<1000x512xf32>
    %dot_general3A_31 = tpu.matmul %max3A_27, %get3A_30, %dot_general3A {dimension_numbers = #tpu.dot_dimension_numbers<[1], [0], [0], [1], [0, 0, 1, 1], [], []>, transpose_lhs_hint = false} : vector<1000x256xf32>, vector<256x512xf32>, vector<1000x512xf32> -> vector<1000x512xf32>
    %slice3A_32 = vector.extract_strided_slice %dot_general3A_31 {offsets = [0, 0], sizes = [1000, 256], strides = [1, 1]} : vector<1000x512xf32> to vector<1000x256xf32>
    %swap3A = arith.constant 0 : index
    %swap3A_33 = arith.constant 0 : index
    %swap3A_34 = vector.load %arg5[%swap3A, %swap3A_33] : memref<1000x256xf32, #tpu.memory_space<vmem>>, vector<1000x256xf32>
    tpu.vector_store %arg5[%swap3A, %swap3A_33], %slice3A_32 {strides = array<i32>} : memref<1000x256xf32, #tpu.memory_space<vmem>>, vector<1000x256xf32>,
    %broadcast_in_dim3A = arith.constant 1.000000e+00 : f32
    %broadcast_in_dim3A_35 = vector.broadcast %broadcast_in_dim3A : f32 to vector<1000x1xf32>
    %broadcast_in_dim3A_36 = arith.constant 0.000000e+00 : f32
    %broadcast_in_dim3A_37 = vector.broadcast %broadcast_in_dim3A_36 : f32 to vector<1000x31xf32>
    %slice3A_38 = vector.extract_strided_slice %dot_general3A_31 {offsets = [0, 256], sizes = [1000, 256], strides = [1, 1]} : vector<1000x512xf32> to vector<1000x256xf32>
    %concatenate3A = tpu.concatenate %slice3A_38, %broadcast_in_dim3A_35, %broadcast_in_dim3A_37 in 1 : vector<1000x256xf32>, vector<1000x1xf32>, vector<1000x31xf32> -> vector<1000x288xf32>
    %convert_element_type3A_39 = arith.truncf %concatenate3A : vector<1000x288xf32> to vector<1000x288xbf16>
    %swap3A_40 = arith.constant 0 : index
    %swap3A_41 = arith.constant 0 : index
    %swap3A_42 = vector.load %arg6[%swap3A_40, %swap3A_41] : memref<1000x288xbf16, #tpu.memory_space<vmem>>, vector<1000x288xbf16>
    tpu.vector_store %arg6[%swap3A_40, %swap3A_41], %convert_element_type3A_39 {strides = array<i32>} : memref<1000x288xbf16, #tpu.memory_space<vmem>>, vector<1000x288xbf16>,
    return
  }
  func.func @transform_0(%arg0: i32) -> (i32, i32) {
    %c0_i32 = arith.constant 0 : i32
    %c0_i32_0 = arith.constant 0 : i32
    return %arg0, %c0_i32 : i32, i32
  }
  func.func @transform_1(%arg0: i32) -> (i32, i32, i32) {
    %c0_i32 = arith.constant 0 : i32
    %c0_i32_0 = arith.constant 0 : i32
    %c0_i32_1 = arith.constant 0 : i32
    return %c0_i32, %arg0, %c0_i32_0 : i32, i32, i32
  }
  func.func @transform_2(%arg0: i32) -> (i32, i32) {
    %c0_i32 = arith.constant 0 : i32
    %c0_i32_0 = arith.constant 0 : i32
    %c0_i32_1 = arith.constant 0 : i32
    return %c0_i32, %c0_i32_0 : i32, i32
  }
  func.func @transform_3(%arg0: i32) -> (i32, i32) {
    %c0_i32 = arith.constant 0 : i32
    %c0_i32_0 = arith.constant 0 : i32
    %c0_i32_1 = arith.constant 0 : i32
    return %c0_i32, %c0_i32_0 : i32, i32
  }
  func.func @transform_4(%arg0: i32) -> (i32, i32) {
    %c0_i32 = arith.constant 0 : i32
    %c0_i32_0 = arith.constant 0 : i32
    return %arg0, %c0_i32 : i32, i32
  }
  func.func @transform_5(%arg0: i32) -> (i32, i32) {
    %c0_i32 = arith.constant 0 : i32
    %c0_i32_0 = arith.constant 0 : i32
    return %arg0, %c0_i32 : i32, i32
  }
}

module attributes {stable_mosaic.version = 14 : i64} {
  func.func @_comb_body(%arg0: i32, %arg1: memref<1000x256xf32, #tpu.memory_space<vmem>>, %arg2: memref<2x1000x288xbf16, #tpu.memory_space<vmem>>, %arg3: memref<1x256xf32, #tpu.memory_space<vmem>>, %arg4: memref<1000x272xf32, #tpu.memory_space<vmem>>) attributes {dimension_semantics = [#tpu.dimension_semantics<arbitrary>], iteration_bounds = array<i64: 10>, scalar_prefetch = 0 : i64, scratch_operands = 0 : i64, tpu.core_type = #tpu.core_type<tc>, window_params = [{transform_indices = @transform_0, window_bounds = array<i64: 1000, 256>}, {transform_indices = @transform_1, window_bounds = array<i64: 2, 1000, 288>}, {pipeline_mode = #tpu.pipeline_mode<synchronous>, transform_indices = @transform_2, window_bounds = array<i64: 1, 256>}, {transform_indices = @transform_3, window_bounds = array<i64: 1000, 272>}]} {
    %get3A = arith.constant 0 : index
    %get3A_0 = arith.constant 0 : index
    %get3A_1 = vector.load %arg1[%get3A, %get3A_0] : memref<1000x256xf32, #tpu.memory_space<vmem>>, vector<1000x256xf32>
    %get3A_2 = arith.constant 0 : index
    %get3A_3 = arith.constant 0 : index
    %get3A_4 = arith.constant 0 : index
    %get3A_5 = vector.load %arg2[%get3A_2, %get3A_3, %get3A_4] : memref<2x1000x288xbf16, #tpu.memory_space<vmem>>, vector<1x1000x288xbf16>
    %get3A_6 = vector.shape_cast %get3A_5 : vector<1x1000x288xbf16> to vector<1000x288xbf16>
    %convert_element_type3A = arith.extf %get3A_6 : vector<1000x288xbf16> to vector<1000x288xf32>
    %get3A_7 = arith.constant 1 : index
    %get3A_8 = arith.constant 0 : index
    %get3A_9 = arith.constant 0 : index
    %get3A_10 = vector.load %arg2[%get3A_7, %get3A_8, %get3A_9] : memref<2x1000x288xbf16, #tpu.memory_space<vmem>>, vector<1x1000x288xbf16>
    %get3A_11 = vector.shape_cast %get3A_10 : vector<1x1000x288xbf16> to vector<1000x288xbf16>
    %convert_element_type3A_12 = arith.extf %get3A_11 : vector<1000x288xbf16> to vector<1000x288xf32>
    %add3A = arith.addf %convert_element_type3A, %convert_element_type3A_12 : vector<1000x288xf32>
    %slice3A = vector.extract_strided_slice %add3A {offsets = [0, 256], sizes = [1000, 1], strides = [1, 1]} : vector<1000x288xf32> to vector<1000x1xf32>
    %max3A = arith.constant 1.000000e+00 : f32
    %max3A_13 = vector.broadcast %max3A : f32 to vector<1000x1xf32>
    %max3A_14 = arith.maximumf %slice3A, %max3A_13 : vector<1000x1xf32>
    %div3A = arith.constant 1.000000e+00 : f32
    %div3A_15 = vector.broadcast %div3A : f32 to vector<1000x1xf32>
    %div3A_16 = arith.divf %div3A_15, %max3A_14 : vector<1000x1xf32>
    %slice3A_17 = vector.extract_strided_slice %add3A {offsets = [0, 0], sizes = [1000, 256], strides = [1, 1]} : vector<1000x288xf32> to vector<1000x256xf32>
    %mul3A = vector.broadcast %div3A_16 : vector<1000x1xf32> to vector<1000x256xf32>
    %mul3A_18 = arith.mulf %slice3A_17, %mul3A : vector<1000x256xf32>
    %add3A_19 = arith.addf %get3A_1, %mul3A_18 : vector<1000x256xf32>
    %get3A_20 = arith.constant 0 : index
    %get3A_21 = arith.constant 0 : index
    %get3A_22 = vector.load %arg3[%get3A_20, %get3A_21] : memref<1x256xf32, #tpu.memory_space<vmem>>, vector<1x256xf32>
    %add3A_23 = vector.broadcast %get3A_22 : vector<1x256xf32> to vector<1000x256xf32>
    %add3A_24 = arith.addf %add3A_19, %add3A_23 : vector<1000x256xf32>
    %mul3A_25 = arith.mulf %add3A_24, %add3A_24 : vector<1000x256xf32>
    %reduce_sum3A = arith.constant dense<0.000000e+00> : vector<1000xf32>
    %reduce_sum3A_26 = vector.multi_reduction <add>, %mul3A_25, %reduce_sum3A [1] : vector<1000x256xf32> to vector<1000xf32>
    %broadcast_in_dim3A = vector.shape_cast %reduce_sum3A_26 : vector<1000xf32> to vector<1000x1xf32>
    %broadcast_in_dim3A_27 = arith.constant 0.000000e+00 : f32
    %broadcast_in_dim3A_28 = vector.broadcast %broadcast_in_dim3A_27 : f32 to vector<1000x15xf32>
    %concatenate3A = tpu.concatenate %add3A_24, %broadcast_in_dim3A, %broadcast_in_dim3A_28 in 1 : vector<1000x256xf32>, vector<1000x1xf32>, vector<1000x15xf32> -> vector<1000x272xf32>
    %swap3A = arith.constant 0 : index
    %swap3A_29 = arith.constant 0 : index
    %swap3A_30 = vector.load %arg4[%swap3A, %swap3A_29] : memref<1000x272xf32, #tpu.memory_space<vmem>>, vector<1000x272xf32>
    tpu.vector_store %arg4[%swap3A, %swap3A_29], %concatenate3A {strides = array<i32>} : memref<1000x272xf32, #tpu.memory_space<vmem>>, vector<1000x272xf32>,
    return
  }
  func.func @transform_0(%arg0: i32) -> (i32, i32) {
    %c0_i32 = arith.constant 0 : i32
    %c0_i32_0 = arith.constant 0 : i32
    return %arg0, %c0_i32 : i32, i32
  }
  func.func @transform_1(%arg0: i32) -> (i32, i32, i32) {
    %c0_i32 = arith.constant 0 : i32
    %c0_i32_0 = arith.constant 0 : i32
    %c0_i32_1 = arith.constant 0 : i32
    return %c0_i32, %arg0, %c0_i32_0 : i32, i32, i32
  }
  func.func @transform_2(%arg0: i32) -> (i32, i32) {
    %c0_i32 = arith.constant 0 : i32
    %c0_i32_0 = arith.constant 0 : i32
    %c0_i32_1 = arith.constant 0 : i32
    return %c0_i32, %c0_i32_0 : i32, i32
  }
  func.func @transform_3(%arg0: i32) -> (i32, i32) {
    %c0_i32 = arith.constant 0 : i32
    %c0_i32_0 = arith.constant 0 : i32
    return %arg0, %c0_i32 : i32, i32
  }
}

</mosaic_0001>

<sc_bundles>
// kernel: kernel.11.cloned.1.call-start
scs
__scs_entry_jumppad:
0x0: {  	(pc) =	sbr.rel $0x88, $3  }
0x1: {  	(tag) =	ssettag $0x0;
	lr =	simm.s32 $0x1  }
0x2: {  	[smem:$0x3F9B] =	sst lr;
	_ =	strace $0xD0000000  }
0x3: {  	_ = 	snop  }
0x4: {  	_ = 	snop  }
0x5: {  	_ = 	snop  }
0x6: {  	_ = 	snop  }
0x7: {  	_ = 	snop  }
__scs_overlays_trampoline_lowered:
0x8: {  	[smem:$0x3FAA] =	sst s0  }
0x9: {  	[smem:$0x3FAB] =	sst s1  }
0xa: {  	[smem:$0x3FAC] =	sst s2  }
0xb: {  	[smem:$0x3FAD] =	sst s3  }
0xc: {  	[smem:$0x3FAE] =	sst s4  }
0xd: {  	[smem:$0x3FAF] =	sst s5  }
0xe: {  	[smem:$0x3FB0] =	sst s6  }
0xf: {  	[smem:$0x3FB1] =	sst s7  }
0x10: {  	[smem:$0x3FB2] =	sst s8  }
0x11: {  	[smem:$0x3FB3] =	sst s9;
	s0 =	simm.s32 @!p0 $0x0  }
0x12: {  	s1 =	sld [smem:$0x3F99];
	s0 =	simm.s32 @p0 $0x1  }
0x13: {  	[smem:$0x3FB4] =	sst s0;
	s0 =	simm.s32 @!p1 $0x0  }
0x14: {  	s2 =	sld [smem:$0x3F98];
	s0 =	simm.s32 @p1 $0x1  }
0x15: {  	[smem:$0x3FB5] =	sst s0;
	s0 =	simm.s32 @!p2 $0x0  }
0x16: {  	s3 =	sld [smem:$0x3FDB];
	s0 =	simm.s32 @p2 $0x1  }
0x17: {  	s4 =	simm.s32 $0x1BF5;
	[smem:$0x3FB7] =	sst s0  }
0x18: {  	s0 =	sld [smem:$0x3F9A];
	_ =	swait.ge [sflag:s4], $0x0  }
0x19: {  	s7 =	sld [smem:$0x3F9B]  }
0x1a: {  	s8 =	sadd.s32 $0xFFFFE003, lr  }
0x1b: {  	s9 =	sadd.s32 $0xFFFFFEF7, lr;
	s5 =	simm.s32 $0xFFFFFFFF;
	p2 =	slt.u32 s8, $0xFFFFF086  }
0x1c: {  	p1 =	slt.u32 s9, $0xF7A;
	s5 =	simm.s32 @!p2 $0x0  }
0x1d: {  	s5 =	simm.s32 @p1 $0x1;
	p0 =	seq.s32 s7, s2  }
0x1e: {  	s7 =	smul.u32 @!p0 $0xF7A, s2;
	p2 =	seq.s32 @!p0 s5, $0x0  }
0x1f: {  	s9 =	smul.u32 $0xF7A, s1;
	s8 =	simm.s32 @!p0 $0x1BF5;
	p2 =	por !p2, p0  }
0x20: {  	[sflag:s8] =	ssyncset.s32 @!p0 $0xFFFFF086;
	s6 =	sadd.s32 @!p0 s3, s7;
	s7 =	simm.s32 @!p0 $0x108  }
0x21: {  	s3 =	sadd.s32 s3, s9;
	s6 =	sadd.s32 @!p0 $0x88, s6;
	s7 =	simm.s32 @p2 $0x1082  }
0x22: {  	[simem:s7], [sflag:s8] =	dma.local @!p0 [hbm:s6], $0xF7A  }
0x23: {  	s9 =	sor.u32 $0xD0000000, s2;
	s6 =	simm.s32 $0x108;
	_ =	swait.ge @!p0 [sflag:s8], $0x0  }
0x24: {  	s3 =	sadd.s32 $0x88, s3;
	s6 =	simm.s32 @!p1 $0x1082;
	[sflag:s4] =	ssyncset.s32 $0xFFFFF086  }
0x25: {  	[simem:s6], [sflag:s4] =	dma.local [hbm:s3], $0xF7A  }
0x26: {  	[smem:$0x3F9B] =	sst s1;
	(tag) =	ssettag s2;
	_ =	strace s9  }
0x27: {  	s1 =	sld [smem:$0x3FAB]  }
0x28: {  	s2 =	sld [smem:$0x3FAC]  }
0x29: {  	s4 =	sld [smem:$0x3FAE]  }
0x2a: {  	p0 =	seq.s32 s5, $0x0;
	s5 =	sld [smem:$0x3FAF]  }
0x2b: {  	s6 =	sld [smem:$0x3FB0]  }
0x2c: {  	s7 =	sld [smem:$0x3FB1]  }
0x2d: {  	s3 =	simm.s32 $0x108;
	s8 =	sld [smem:$0x3FB2]  }
0x2e: {  	s3 =	simm.s32 @!p0 $0x1082;
	s9 =	sld [smem:$0x3FB3]  }
0x2f: {  	lr =	sadd.s32 s0, s3;
	s0 =	sld [smem:$0x3FAA]  }
0x30: {  	s3 =	sld [smem:$0x3FAD]  }
0x31: {  	[smem:$0x3FB6] =	sst s10  }
0x32: {  	s10 =	sld [smem:$0x3FB4];
	_ =	sdelay $0x3  }
0x33: {  	p0 =	seq.s32 s10, $0x1;
	s10 =	sld [smem:$0x3FB6];
	_ =	sdelay $0x3  }
0x34: {  	[smem:$0x3FB6] =	sst s10  }
0x35: {  	s10 =	sld [smem:$0x3FB5];
	_ =	sdelay $0x3  }
0x36: {  	p1 =	seq.s32 s10, $0x1;
	s10 =	sld [smem:$0x3FB6];
	_ =	sdelay $0x3  }
0x37: {  	[smem:$0x3FB6] =	sst s10  }
0x38: {  	s10 =	sld [smem:$0x3FB7]  }
0x39: {  	_ = 	snop;
	(pc) =	sbr.ind lr, $3  }
0x3a: {  	_ = 	snop  }
0x3b: {  	_ = 	snop  }
0x3c: {  	p2 =	seq.s32 s10, $0x1;
	s10 =	sld [smem:$0x3FB6]  }
0x3d: {  	_ =	shalt  }
0x3e: {  	_ =	shalt  }
0x3f: {  	_ =	shalt  }
0x40: {  	_ =	shalt  }
0x41: {  	_ =	shalt  }
0x42: {  	_ =	shalt  }
0x43: {  	_ =	shalt  }
0x44: {  	_ =	shalt  }
0x45: {  	_ =	shalt  }
0x46: {  	_ =	shalt  }
0x47: {  	_ =	shalt  }
0x48: {  	_ =	shalt  }
0x49: {  	_ =	shalt  }
0x4a: {  	_ =	shalt  }
0x4b: {  	_ =	shalt  }
0x4c: {  	_ =	shalt  }
0x4d: {  	_ =	shalt  }
0x4e: {  	_ =	shalt  }
0x4f: {  	_ =	shalt  }
0x50: {  	_ =	shalt  }
0x51: {  	_ =	shalt  }
0x52: {  	_ =	shalt  }
0x53: {  	_ =	shalt  }
0x54: {  	_ =	shalt  }
0x55: {  	_ =	shalt  }
0x56: {  	_ =	shalt  }
0x57: {  	_ =	shalt  }
0x58: {  	_ =	shalt  }
0x59: {  	_ =	shalt  }
0x5a: {  	_ =	shalt  }
0x5b: {  	_ =	shalt  }
0x5c: {  	_ =	shalt  }
0x5d: {  	_ =	shalt  }
0x5e: {  	_ =	shalt  }
0x5f: {  	_ =	shalt  }
0x60: {  	_ =	shalt  }
0x61: {  	_ =	shalt  }
0x62: {  	_ =	shalt  }
0x63: {  	_ =	shalt  }
0x64: {  	_ =	shalt  }
0x65: {  	_ =	shalt  }
0x66: {  	_ =	shalt  }
0x67: {  	_ =	shalt  }
0x68: {  	_ =	shalt  }
0x69: {  	_ =	shalt  }
0x6a: {  	_ =	shalt  }
0x6b: {  	_ =	shalt  }
0x6c: {  	_ =	shalt  }
0x6d: {  	_ =	shalt  }
0x6e: {  	_ =	shalt  }
0x6f: {  	_ =	shalt  }
0x70: {  	_ =	shalt  }
0x71: {  	_ =	shalt  }
0x72: {  	_ =	shalt  }
0x73: {  	_ =	shalt  }
0x74: {  	_ =	shalt  }
0x75: {  	_ =	shalt  }
0x76: {  	_ =	shalt  }
0x77: {  	_ =	shalt  }
0x78: {  	_ =	shalt  }
0x79: {  	_ =	shalt  }
0x7a: {  	_ =	shalt  }
0x7b: {  	_ =	shalt  }
0x7c: {  	_ =	shalt  }
0x7d: {  	_ =	shalt  }
0x7e: {  	_ =	shalt  }
0x7f: {  	_ =	shalt  }
0x80: {  	_ =	shalt  }
0x81: {  	_ =	shalt  }
0x82: {  	_ =	shalt  }
0x83: {  	_ =	shalt  }
0x84: {  	_ =	shalt  }
0x85: {  	_ =	shalt  }
0x86: {  	_ =	shalt  }
0x87: {  	_ =	shalt  }
.Lfunc_end0:
.L_simem_size_0:
called_computation.1_lowered:
.L_overlay_start_0:
0x88: {  	s2 =	sld [smem:$0x3FD9]  }
0x89: {  	s3 =	sld [smem:$0x3FFE];
	_ =	sdelay $0x1  }
0x8a: {  	s1 =	srdreg.scid  }
0x8b: {  	s0 =	sand.u32 $0x1, s1  }
0x8c: {  	s14 =	sshll.u32 s0, $0xA;
	s2 =	sadd.s32 s3, s2  }
0x8d: {  	s2 =	sadd.s32 s2, s14  }
0x8e: {  	[smem:$0x3FC2] =	sst s2  }
0x8f: {  	_ = 	snop  }
0x90: {  	s2 =	sld [smem:$0x3FD0];
	_ =	sdelay $0x2  }
0x91: {  	s15 =	simm.s32 $0xA;
	s4 =	simm.s32 $0x10  }
0x92: {  	[smem:s4], [sflag:s15] =	dma.local [hbm:s2], $0x1  }
0x93: {  	_ =	swait.eq [sflag:s15], $0x1  }
0x94: {  	[sflag:s15] =	ssyncset.done $0x0  }
0x95: {  	[sflag:s15] =	ssyncadd.s32 $0xFFFFFFFF  }
0x96: {  	s16 =	sld [smem:$0x11];
	(tm) =	ssettm $0x1  }
0x97: {  	s17 =	sld [smem:$0x3FFB];
	_ =	sdelay $0x3  }
0x98: {  	_ =	strace s17  }
0x99: {  	s3 =	sld [smem:$0x3FFC];
	_ =	sdelay $0x3  }
0x9a: {  	_ =	strace s3  }
0x9b: {  	s3 =	sld [smem:$0x3FFD];
	_ =	sdelay $0x3  }
0x9c: {  	_ =	strace s3  }
0x9d: {  	_ =	strace $0x8FFFFFFF  }
0x9e: {  	s18 =	sld [smem:$0x3FDB];
	_ =	sdelay $0x1  }
0x9f: {  	s19 =	simm.s32 $_scs_section_size  }
0xa0: {  	s5 =	simm.s32 $_size__tile_overlayer_lowered;
	s6 =	simm.s32 $_tile_overlayer_lowered  }
0xa1: {  	s22 =	simm.s32 $0x1BFF;
	s21 =	sshll.u32 s6, $0x1;
	s3 =	sadd.s32 s19, s18  }
0xa2: {  	s7 =	simm.s32 $0x0;
	s20 =	sshll.u32 s5, $0x1;
	s5 =	sadd.s32 s21, s3  }
0xa3: {  	[timem:s7], [sflag:s22] =	dma.local [hbm:s5], s20  }
0xa4: {  	_ =	swait.ge [sflag:s22], s20  }
0xa5: {  	s4 =	ssub.s32 $0x0, s20;
	[sflag:s22] =	ssyncset.done $0x0  }
0xa6: {  	[sflag:s22] =	ssyncadd.s32 s4;
	_ =	sdelay $0x1  }
0xa7: {  	s23 =	simm.s32 $0x1B8B  }
0xa8: {  	_ =	swait.ge [sflag:s23], $0x1  }
0xa9: {  	[sflag:s23] =	ssyncset.done $0x0  }
0xaa: {  	s25 =	simm.s32 $0x1B8E;
	s24 =	sld [smem:$0x3FFE];
	[sflag:s23] =	ssyncadd.s32 $0xFFFFFFFF  }
0xab: {  	s26 =	simm.s32 $execute0_lowered;
	[smem:$0x3FD2] =	sst s25  }
0xac: {  	s5 =	sshll.u32 s26, $0x1;
	_ =	strace $0x80000049;
	[dreg:$0x1] =	wrdreg $0xFFFFFFFF  }
0xad: {  	s28 =	simm.s32 $_size_execute0_lowered;
	s3 =	sadd.s32 s3, s5;
	[dreg:$0x0] =	wrdreg $0x0  }
0xae: {  	s5 =	sshll.u32 s28, $0x1;
	[dreg:$0x2] =	wrdreg s3  }
0xaf: {  	[dreg:$0x3] =	wrdreg s5  }
0xb0: {  	[dreg:$0x4] =	wrdreg $0xC0  }
0xb1: {  	_ =	task [dreg:s7], $0x5FFFF  }
0xb2: {  	[dreg:$0x1] =	wrdreg $0xFFFFFFFF  }
0xb3: {  	[dreg:$0x0] =	wrdreg $0x60  }
0xb4: {  	[dreg:$0x2] =	wrdreg s24  }
0xb5: {  	[dreg:$0x3] =	wrdreg s16  }
0xb6: {  	[dreg:$0x4] =	wrdreg $0x96900  }
0xb7: {  	[dreg:$0x5] =	wrdreg $0x9  }
0xb8: {  	_ =	task.clear_ibuf [dreg:s7], $0x6FFFF;
	_ =	strace $0x90000049  }
0xb9: {  	s29 =	simm.s32 $0x9;
	_ =	strace $0x8000004B  }
0xba: {  	_ =	swait.ge [sflag:s29], $0x1  }
0xbb: {  	[sflag:s29] =	ssyncadd.s32 $0xFFFFFFFF  }
0xbc: {  	_ =	strace $0x9000004B  }
0xbd: {  	_ =	sfence  }
0xbe: {  	s30 =	sld [smem:$0x0];
	_ =	sdelay $0x2  }
0xbf: {  	s31 =	sshll.u32 s1, $0xD;
	s1 =	sshrl.u32 s1, $0x2  }
0xc0: {  	s3 =	sand.u32 $0x4000, s31;
	s1 =	sadd.s32 s1, s30  }
0xc1: {  	s0 =	sor.u32 s3, s0;
	s1 =	sshll.u32 s1, $0x11  }
0xc2: {  	s0 =	sor.u32 s1, s0  }
0xc3: {  	s0 =	sadd.s32 $0x8F2B, s0  }
0xc4: {  	[sflag:s0] =	ssyncadd.remote.s32 $0x1  }
0xc5: {  	_ =	sfence.sel $0xFFFF  }
0xc6: {  	[dreg:$0x0] =	wrdreg $0xFFFFFFFF;
	(pc) =	sbr.abs _section_cstart, $3  }
0xc7: {  	[dreg:$0x1] =	wrdreg $0xFFFFFFFF  }
0xc8: {  	_ =	task.clear_ibuf [dreg:s7], $0x2FFFF;
	_ =	strace $0x9FFFFFFF  }
0xc9: {  	(tm) =	ssettm $0x7FFFFFFF  }
tec
execute0_lowered:
.L_overlay_start_1:
0x0: {  	(tag) =	ssettag $0x1  }
0x1: {  	s0 =	rddreg [dreg:$0x0]  }
0x2: {  	s3 =	rddreg [dreg:$0x2]  }
0x3: {  	s1 =	srdreg.scid;
	s11 =	stileid.u32;
	s4 =	simm.s32 $0x0  }
0x4: {  	s28 =	simm.s32 $0x100;
	s29 =	simm.s32 $0x3;
	s2 =	smul.u32 $0x2C700, s11  }
0x5: {  	s30 =	simm.s32 $0x5;
	s1 =	sand.u32 $0x1, s1;
	s9 =	smul.u32 $0x1388, s11  }
0x6: {  	s31 =	simm.s32 $0x80;
	[smem:$0x7FF] =	sst s4;
	s6 =	smul.u32 $0x2C7000, s1  }
0x7: {  	s5 =	sadd.s32 $0x1200, s0;
	s8 =	sadd.s32 $0x80400, s0;
	s7 =	smul.u32 $0x13880, s1  }
0x8: {  	s10 =	sadd.s32 $0x7B400, s0;
	_ =	strace $0x8000004A;
	s1 =	ssub.s32 $0x2, s1  }
0x9: {  	s22 =	sshrl.u32 s1, $0x1;
	s6 =	sadd.s32 s2, s6;
	s7 =	sadd.s32 s9, s7  }
0xa: {  	s1 =	ssub.s32 s1, s22;
	s2 =	sshrl.u32 s2, $0x1;
	s6 =	sshrl.u32 s6, $0x4  }
0xb: {  	s23 =	sshrl.u32 s7, $0x3;
	s2 =	sadd.s32 s2, s3;
	s22 =	sadd.s32 $0x200, s7  }
0xc: {  	s0 =	sadd.s32 s6, s0;
	[dreg:$0x4] =	wrdreg s2;
	s24 =	sadd.s32 s8, s23  }
0xd: {  	s25 =	sadd.s32 $0x10, s23;
	s26 =	sadd.s32 s10, s23;
	s13 =	sadd.s32 $0x20, s23  }
0xe: {  	s15 =	sadd.s32 $0x250, s23;
	s17 =	sadd.s32 $0x260, s23;
	[dreg:$0x5] =	wrdreg s24  }
0xf: {  	s19 =	sadd.s32 $0x270, s23;
	[dreg:$0x6] =	wrdreg s26;
	s12 =	sadd.s32 s8, s25  }
0x10: {  	s23 =	sshrl.u32 s22, $0x3;
	s2 =	sadd.s32 s10, s25;
	[dreg:$0x7] =	wrdreg s12  }
0x11: {  	s6 =	simm.s32 $0x4;
	s14 =	sadd.s32 s8, s13;
	[dreg:$0x8] =	wrdreg s2  }
0x12: {  	s9 =	sadd.s32 s10, s13;
	s16 =	sadd.s32 s8, s15;
	[dreg:$0x9] =	wrdreg s14  }
0x13: {  	s18 =	sadd.s32 s8, s17;
	s20 =	sadd.s32 s10, s17;
	[dreg:$0xa] =	wrdreg s9  }
0x14: {  	s21 =	sadd.s32 s8, s19;
	s24 =	sadd.s32 $0x180, s7;
	[dreg:$0xb] =	wrdreg s16  }
0x15: {  	s26 =	sshll.u32 s11, $0x6;
	s0 =	sadd.s32 $0x85400, s0;
	[dreg:$0xd] =	wrdreg s18  }
0x16: {  	s7 =	simm.s32 $0x6;
	s11 =	simm.s32 $0x8;
	[dreg:$0xe] =	wrdreg s20  }
0x17: {  	s13 =	simm.s32 $0x9208;
	s2 =	sadd.s32 s10, s15;
	[dreg:$0xf] =	wrdreg s21  }
0x18: {  	s20 =	sadd.s32 s23, s8;
	s25 =	sshrl.u32 s24, $0x3;
	[dreg:$0x11] =	wrdreg s0  }
0x19: {  	s0 =	simm.s32 $0x200;
	s9 =	simm.s32 $0x2;
	s12 =	simm.s32 $0x9200  }
0x1a: {  	s14 =	simm.s32 $0x9210;
	s15 =	simm.s32 $0x0;
	[dreg:$0xc] =	wrdreg s2  }
0x1b: {  	s2 =	sadd.s32 s10, s19;
	s19 =	sadd.s32 s23, s10;
	s21 =	sadd.s32 s25, s10  }
0x1c: {  	s22 =	sadd.s32 s25, s8;
	s23 =	sor.u32 $0x1C09, s26;
	s25 =	smax.u32 s1, $0x1  }
0x1d: {  	s26 =	simm.s32 $0x9;
	s1 =	simm.s32 $0x180;
	s8 =	simm.s32 $0x4A00  }
0x1e: {  	s10 =	simm.s32 $0x7;
	[dreg:$0x10] =	wrdreg s2;
	s2 =	simm.s32 $0x1  }
.LBB2_1:
0x1f: {  	s16 =	rddreg [dreg:$0x4]  }
0x20: {  	s17 =	rddreg [dreg:$0x1];
	s16 =	sshrl.u32 s16, $0x3  }
0x21: {  	[spmem:s16], [sflag:s23] =	dma.local [hbm:s17], $0x2C70  }
0x22: {  	_ =	swait.ge [sflag:s26], $0x2C70  }
0x23: {  	[sflag:s26] =	ssyncset.done $0x0  }
0x24: {  	[sflag:s26] =	ssyncadd.s32 $0xFFFFD390  }
0x25: {  	[bflag:$0x0] =	sbarrier.arrive $0xFFFF  }
0x26: {  	s24 =	rddreg [dreg:$0x5]  }
0x27: {  	[tilespmem:s4], [sflag:$0x3] =	stream.linear.gather [hbm4b:s24+s4], $0x80, $0x38;
	[tilespmem:$0x1FA10] =	vst v63  }
0x28: {  	s18 =	rddreg [dreg:$0x6]  }
0x29: {  	[tilespmem:s28], [sflag:$0x5] =	stream.linear.gather [hbm4b:s18+s4], $0x80, $0x38;
	[tilespmem:$0x1FA10] =	vst v63  }
0x2a: {  	_ =	swait.ge [sflag:s29], $0x80  }
0x2b: {  	[sflag:s29] =	ssyncset.done $0x0  }
0x2c: {  	[sflag:s29] =	ssyncadd.s32 $0xFFFFFF80  }
0x2d: {  	_ =	swait.ge [sflag:s30], $0x80  }
0x2e: {  	[sflag:s30] =	ssyncset.done $0x0  }
0x2f: {  	[sflag:s30] =	ssyncadd.s32 $0xFFFFFF80  }
0x30: {  	[tilespmem:s0], [sflag:$0x1] =	stream.indirect.gather [hbm4b:s5+s31], $0x90, s4, s31, $0xb8;
	[tilespmem:$0x1FA10] =	vst v63  }
0x31: {  	s24 =	rddreg [dreg:$0x7]  }
0x32: {  	[tilespmem:s31], [sflag:$0x4] =	stream.linear.gather [hbm4b:s24+s4], $0x80, $0x38;
	[tilespmem:$0x1FA10] =	vst v63  }
0x33: {  	s18 =	rddreg [dreg:$0x8]  }
0x34: {  	[tilespmem:s1], [sflag:$0x6] =	stream.linear.gather [hbm4b:s18+s4], $0x80, $0x38;
	[tilespmem:$0x1FA10] =	vst v63  }
0x35: {  	_ =	swait.ge [sflag:s2], $0x4800  }
0x36: {  	[sflag:s2] =	ssyncset.done $0x0  }
0x37: {  	[sflag:s2] =	ssyncadd.s32 $0xFFFFB800  }
0x38: {  	[spmem:s3] =	stream.indirect.scatter.add.bf16 [tilespmem:s0], [sflag:$0x7], $0x90, s28, s31, $0xb8;
	[tilespmem:$0x1FA10] =	vst v63  }
0x39: {  	_ =	swait.ge [sflag:s6], $0x80  }
0x3a: {  	[sflag:s6] =	ssyncset.done $0x0  }
0x3b: {  	[sflag:s6] =	ssyncadd.s32 $0xFFFFFF80  }
0x3c: {  	_ =	swait.ge [sflag:s7], $0x80  }
0x3d: {  	[sflag:s7] =	ssyncset.done $0x0  }
0x3e: {  	[sflag:s7] =	ssyncadd.s32 $0xFFFFFF80  }
0x3f: {  	[tilespmem:s8], [sflag:$0x2] =	stream.indirect.gather [hbm4b:s5+s31], $0x90, s31, s31, $0xb8;
	[tilespmem:$0x1FA10] =	vst v63  }
0x40: {  	s24 =	rddreg [dreg:$0x9]  }
0x41: {  	[tilespmem:s4], [sflag:$0x3] =	stream.linear.gather [hbm4b:s24+s4], $0x80, $0x38;
	[tilespmem:$0x1FA10] =	vst v63  }
0x42: {  	s18 =	rddreg [dreg:$0xa]  }
0x43: {  	[tilespmem:s28], [sflag:$0x5] =	stream.linear.gather [hbm4b:s18+s4], $0x80, $0x38;
	[tilespmem:$0x1FA10] =	vst v63  }
0x44: {  	_ =	swait.ge [sflag:s9], $0x4800  }
0x45: {  	[sflag:s9] =	ssyncset.done $0x0  }
0x46: {  	[sflag:s9] =	ssyncadd.s32 $0xFFFFB800  }
0x47: {  	[spmem:s3] =	stream.indirect.scatter.add.bf16 [tilespmem:s8], [sflag:$0x8], $0x90, s1, s31, $0xb8;
	[tilespmem:$0x1FA10] =	vst v63  }
0x48: {  	_ =	swait.ge [sflag:s10], $0x4800  }
0x49: {  	[sflag:s10] =	ssyncset.done $0x0  }
0x4a: {  	[sflag:s10] =	ssyncadd.s32 $0xFFFFB800  }
0x4b: {  	_ =	swait.ge [sflag:s29], $0x80  }
0x4c: {  	[sflag:s29] =	ssyncset.done $0x0  }
0x4d: {  	[sflag:s29] =	ssyncadd.s32 $0xFFFFFF80  }
0x4e: {  	_ =	swait.ge [sflag:s30], $0x80  }
0x4f: {  	[sflag:s30] =	ssyncset.done $0x0  }
0x50: {  	[sflag:s30] =	ssyncadd.s32 $0xFFFFFF80  }
0x51: {  	[tilespmem:s0], [sflag:$0x1] =	stream.indirect.gather [hbm4b:s5+s31], $0x90, s4, s31, $0xb8;
	[tilespmem:$0x1FA10] =	vst v63  }
0x52: {  	s24 =	sadd.s32 $0x0, s22  }
0x53: {  	[tilespmem:s31], [sflag:$0x4] =	stream.linear.gather [hbm4b:s24+s4], $0x80, $0x38;
	[tilespmem:$0x1FA10] =	vst v63  }
0x54: {  	s18 =	sadd.s32 $0x0, s21  }
0x55: {  	[tilespmem:s1], [sflag:$0x6] =	stream.linear.gather [hbm4b:s18+s4], $0x80, $0x38;
	[tilespmem:$0x1FA10] =	vst v63  }
0x56: {  	_ =	swait.ge [sflag:s2], $0x4800  }
0x57: {  	[sflag:s2] =	ssyncset.done $0x0  }
0x58: {  	[sflag:s2] =	ssyncadd.s32 $0xFFFFB800  }
0x59: {  	[spmem:s3] =	stream.indirect.scatter.add.bf16 [tilespmem:s0], [sflag:$0x7], $0x90, s28, s31, $0xb8;
	[tilespmem:$0x1FA10] =	vst v63  }
0x5a: {  	_ =	swait.ge [sflag:s11], $0x4800  }
0x5b: {  	[sflag:s11] =	ssyncset.done $0x0  }
0x5c: {  	[sflag:s11] =	ssyncadd.s32 $0xFFFFB800  }
0x5d: {  	_ =	swait.ge [sflag:s6], $0x80  }
0x5e: {  	[sflag:s6] =	ssyncset.done $0x0  }
0x5f: {  	[sflag:s6] =	ssyncadd.s32 $0xFFFFFF80  }
0x60: {  	_ =	swait.ge [sflag:s7], $0x80  }
0x61: {  	[sflag:s7] =	ssyncset.done $0x0  }
0x62: {  	[sflag:s7] =	ssyncadd.s32 $0xFFFFFF80  }
0x63: {  	[tilespmem:s8], [sflag:$0x2] =	stream.indirect.gather [hbm4b:s5+s31], $0x90, s31, s31, $0xb8;
	[tilespmem:$0x1FA10] =	vst v63  }
0x64: {  	s17 =	simm.s32 $0x20;
	s24 =	sadd.s32 $0x0, s20;
	s18 =	sadd.s32 $0x0, s19  }
0x65: {  	[tilespmem:s4], [sflag:$0x3] =	stream.linear.gather [hbm4b:s24+s4], $0x80, $0x38;
	[tilespmem:$0x1FA10] =	vst v63  }
.LBB2_2:
0x66: {  	[tilespmem:s28], [sflag:$0x5] =	stream.linear.gather [hbm4b:s18+s4], $0x80, $0x38;
	[tilespmem:$0x1FA10] =	vst v63  }
0x67: {  	s18 =	smov.u32 s17  }
0x68: {  	p0 =	sne.s32 s17, $0x200;
	s17 =	sadd.s32 $0x20, s17;
	_ =	swait.ge [sflag:s9], $0x4800  }
0x69: {  	[sflag:s9] =	ssyncset.done $0x0  }
0x6a: {  	[sflag:s9] =	ssyncadd.s32 $0xFFFFB800  }
0x6b: {  	[spmem:s3] =	stream.indirect.scatter.add.bf16 [tilespmem:s8], [sflag:$0x8], $0x90, s1, s31, $0xb8;
	[tilespmem:$0x1FA10] =	vst v63  }
0x6c: {  	_ =	swait.ge [sflag:s10], $0x4800  }
0x6d: {  	[sflag:s10] =	ssyncset.done $0x0  }
0x6e: {  	[sflag:s10] =	ssyncadd.s32 $0xFFFFB800  }
0x6f: {  	_ =	swait.ge [sflag:s29], $0x80  }
0x70: {  	[sflag:s29] =	ssyncset.done $0x0  }
0x71: {  	[sflag:s29] =	ssyncadd.s32 $0xFFFFFF80  }
0x72: {  	_ =	swait.ge [sflag:s30], $0x80  }
0x73: {  	[sflag:s30] =	ssyncset.done $0x0  }
0x74: {  	[sflag:s30] =	ssyncadd.s32 $0xFFFFFF80  }
0x75: {  	[tilespmem:s0], [sflag:$0x1] =	stream.indirect.gather [hbm4b:s5+s31], $0x90, s4, s31, $0xb8;
	[tilespmem:$0x1FA10] =	vst v63  }
0x76: {  	s24 =	sadd.s32 s18, s22  }
0x77: {  	[tilespmem:s31], [sflag:$0x4] =	stream.linear.gather [hbm4b:s24+s4], $0x80, $0x38;
	[tilespmem:$0x1FA10] =	vst v63  }
0x78: {  	s24 =	sadd.s32 s18, s21  }
0x79: {  	[tilespmem:s1], [sflag:$0x6] =	stream.linear.gather [hbm4b:s24+s4], $0x80, $0x38;
	[tilespmem:$0x1FA10] =	vst v63  }
0x7a: {  	_ =	swait.ge [sflag:s2], $0x4800  }
0x7b: {  	[sflag:s2] =	ssyncset.done $0x0  }
0x7c: {  	[sflag:s2] =	ssyncadd.s32 $0xFFFFB800  }
0x7d: {  	[spmem:s3] =	stream.indirect.scatter.add.bf16 [tilespmem:s0], [sflag:$0x7], $0x90, s28, s31, $0xb8;
	[tilespmem:$0x1FA10] =	vst v63  }
0x7e: {  	_ =	swait.ge [sflag:s11], $0x4800  }
0x7f: {  	[sflag:s11] =	ssyncset.done $0x0  }
0x80: {  	[sflag:s11] =	ssyncadd.s32 $0xFFFFB800  }
0x81: {  	_ =	swait.ge [sflag:s6], $0x80  }
0x82: {  	[sflag:s6] =	ssyncset.done $0x0  }
0x83: {  	[sflag:s6] =	ssyncadd.s32 $0xFFFFFF80  }
0x84: {  	_ =	swait.ge [sflag:s7], $0x80  }
0x85: {  	[sflag:s7] =	ssyncset.done $0x0  }
.Ltmp0:
0x86: {  	[sflag:s7] =	ssyncadd.s32 $0xFFFFFF80;
	(pc) =	sbr.rel @p0 .LBB2_2-.Ltmp0, $4  }
0x87: {  	[tilespmem:s8], [sflag:$0x2] =	stream.indirect.gather [hbm4b:s5+s31], $0x90, s31, s31, $0xb8;
	[tilespmem:$0x1FA10] =	vst v63  }
0x88: {  	s24 =	sadd.s32 s18, s20  }
0x89: {  	[tilespmem:s4], [sflag:$0x3] =	stream.linear.gather [hbm4b:s24+s4], $0x80, $0x38;
	[tilespmem:$0x1FA10] =	vst v63  }
0x8a: {  	s18 =	sadd.s32 s18, s19  }
0x8b: {  	[tilespmem:s28], [sflag:$0x5] =	stream.linear.gather [hbm4b:s18+s4], $0x80, $0x38;
	[tilespmem:$0x1FA10] =	vst v63  }
0x8c: {  	_ =	swait.ge [sflag:s9], $0x4800  }
0x8d: {  	[sflag:s9] =	ssyncset.done $0x0  }
0x8e: {  	[sflag:s9] =	ssyncadd.s32 $0xFFFFB800  }
0x8f: {  	[spmem:s3] =	stream.indirect.scatter.add.bf16 [tilespmem:s8], [sflag:$0x8], $0x90, s1, s31, $0xb8;
	[tilespmem:$0x1FA10] =	vst v63  }
0x90: {  	_ =	swait.ge [sflag:s10], $0x4800  }
0x91: {  	[sflag:s10] =	ssyncset.done $0x0  }
0x92: {  	[sflag:s10] =	ssyncadd.s32 $0xFFFFB800  }
0x93: {  	_ =	swait.ge [sflag:s29], $0x80  }
0x94: {  	[sflag:s29] =	ssyncset.done $0x0  }
0x95: {  	[sflag:s29] =	ssyncadd.s32 $0xFFFFFF80  }
0x96: {  	_ =	swait.ge [sflag:s30], $0x80  }
0x97: {  	[sflag:s30] =	ssyncset.done $0x0  }
0x98: {  	[sflag:s30] =	ssyncadd.s32 $0xFFFFFF80  }
0x99: {  	[tilespmem:s0], [sflag:$0x1] =	stream.indirect.gather [hbm4b:s5+s31], $0x90, s4, s31, $0xb8;
	[tilespmem:$0x1FA10] =	vst v63  }
0x9a: {  	s17 =	rddreg [dreg:$0xb]  }
0x9b: {  	[tilespmem:s31], [sflag:$0x4] =	stream.linear.gather [hbm4b:s17+s4], $0x80, $0x38;
	[tilespmem:$0x1FA10] =	vst v63  }
0x9c: {  	s18 =	rddreg [dreg:$0xc]  }
0x9d: {  	[tilespmem:s1], [sflag:$0x6] =	stream.linear.gather [hbm4b:s18+s4], $0x80, $0x38;
	[tilespmem:$0x1FA10] =	vst v63  }
0x9e: {  	_ =	swait.ge [sflag:s2], $0x4800  }
0x9f: {  	[sflag:s2] =	ssyncset.done $0x0  }
0xa0: {  	[sflag:s2] =	ssyncadd.s32 $0xFFFFB800  }
0xa1: {  	[spmem:s3] =	stream.indirect.scatter.add.bf16 [tilespmem:s0], [sflag:$0x7], $0x90, s28, s31, $0xb8;
	[tilespmem:$0x1FA10] =	vst v63  }
0xa2: {  	_ =	swait.ge [sflag:s11], $0x4800  }
0xa3: {  	[sflag:s11] =	ssyncset.done $0x0  }
0xa4: {  	[sflag:s11] =	ssyncadd.s32 $0xFFFFB800  }
0xa5: {  	_ =	swait.ge [sflag:s6], $0x80  }
0xa6: {  	[sflag:s6] =	ssyncset.done $0x0  }
0xa7: {  	[sflag:s6] =	ssyncadd.s32 $0xFFFFFF80  }
0xa8: {  	_ =	swait.ge [sflag:s7], $0x80  }
0xa9: {  	[sflag:s7] =	ssyncset.done $0x0  }
0xaa: {  	[sflag:s7] =	ssyncadd.s32 $0xFFFFFF80  }
0xab: {  	[tilespmem:s8], [sflag:$0x2] =	stream.indirect.gather [hbm4b:s5+s31], $0x90, s31, s31, $0xb8;
	[tilespmem:$0x1FA10] =	vst v63  }
0xac: {  	_ =	swait.ge [sflag:s9], $0x4800  }
0xad: {  	[sflag:s9] =	ssyncset.done $0x0  }
0xae: {  	[sflag:s9] =	ssyncadd.s32 $0xFFFFB800  }
0xaf: {  	[spmem:s3] =	stream.indirect.scatter.add.bf16 [tilespmem:s8], [sflag:$0x8], $0x90, s1, s31, $0xb8;
	[tilespmem:$0x1FA10] =	vst v63  }
0xb0: {  	_ =	swait.ge [sflag:s10], $0x4800  }
0xb1: {  	[sflag:s10] =	ssyncset.done $0x0  }
0xb2: {  	[sflag:s10] =	ssyncadd.s32 $0xFFFFB800  }
0xb3: {  	_ =	swait.ge [sflag:s11], $0x4800  }
0xb4: {  	[sflag:s11] =	ssyncset.done $0x0  }
0xb5: {  	s24 =	rddreg [dreg:$0xd];
	[sflag:s11] =	ssyncadd.s32 $0xFFFFB800  }
0xb6: {  	[tilespmem:s4], [sflag:$0x9] =	stream.linear.gather [hbm4b:s24+s4], $0x80, $0x38;
	[tilespmem:$0x1FA10] =	vst v63  }
0xb7: {  	_ =	swait.ge [sflag:s26], $0x80  }
0xb8: {  	[sflag:s26] =	ssyncset.done $0x0  }
0xb9: {  	s18 =	rddreg [dreg:$0xe];
	[sflag:s26] =	ssyncadd.s32 $0xFFFFFF80  }
0xba: {  	[tilespmem:s28], [sflag:$0x9] =	stream.linear.gather [hbm4b:s18+s4], $0x80, $0x38;
	[tilespmem:$0x1FA10] =	vst v63  }
0xbb: {  	_ =	swait.ge [sflag:s26], $0x80  }
0xbc: {  	[sflag:s26] =	ssyncset.done $0x0  }
0xbd: {  	[sflag:s26] =	ssyncadd.s32 $0xFFFFFF80  }
0xbe: {  	[tilespmem:s0], [sflag:$0x1] =	stream.indirect.gather [hbm4b:s5+s31], $0x90, s4, s31, $0xb8;
	[tilespmem:$0x1FA10] =	vst v63  }
0xbf: {  	_ =	swait.ge [sflag:s2], $0x4800  }
0xc0: {  	[sflag:s2] =	ssyncset.done $0x0  }
0xc1: {  	[sflag:s2] =	ssyncadd.s32 $0xFFFFB800  }
0xc2: {  	[spmem:s3] =	stream.indirect.scatter.add.bf16 [tilespmem:s0], [sflag:$0x9], $0x90, s28, s31, $0xb8;
	[tilespmem:$0x1FA10] =	vst v63  }
0xc3: {  	_ =	swait.ge [sflag:s26], $0x4800  }
0xc4: {  	[sflag:s26] =	ssyncset.done $0x0  }
0xc5: {  	s24 =	rddreg [dreg:$0xf];
	[sflag:s26] =	ssyncadd.s32 $0xFFFFB800  }
0xc6: {  	[tilespmem:s12], [sflag:$0x9] =	stream.linear.gather [hbm4b:s24+s4], $0x8, $0x38;
	[tilespmem:$0x1FA10] =	vst v63  }
0xc7: {  	_ =	swait.ge [sflag:s26], $0x8  }
0xc8: {  	[sflag:s26] =	ssyncset.done $0x0  }
0xc9: {  	s18 =	rddreg [dreg:$0x10];
	[sflag:s26] =	ssyncadd.s32 $0xFFFFFFF8  }
0xca: {  	[tilespmem:s13], [sflag:$0x9] =	stream.linear.gather [hbm4b:s18+s4], $0x8, $0x38;
	[tilespmem:$0x1FA10] =	vst v63  }
0xcb: {  	_ =	swait.ge [sflag:s26], $0x8  }
0xcc: {  	[sflag:s26] =	ssyncset.done $0x0  }
0xcd: {  	[sflag:s26] =	ssyncadd.s32 $0xFFFFFFF8  }
0xce: {  	[tilespmem:s14], [sflag:$0x1] =	stream.indirect.gather [hbm4b:s5+s11], $0x90, s12, s11, $0xb8;
	[tilespmem:$0x1FA10] =	vst v63  }
0xcf: {  	_ =	swait.ge [sflag:s2], $0x480  }
0xd0: {  	[sflag:s2] =	ssyncset.done $0x0  }
0xd1: {  	[sflag:s2] =	ssyncadd.s32 $0xFFFFFB80  }
0xd2: {  	[spmem:s3] =	stream.indirect.scatter.add.bf16 [tilespmem:s14], [sflag:$0x9], $0x90, s13, s11, $0xb8;
	[tilespmem:$0x1FA10] =	vst v63  }
0xd3: {  	_ =	swait.ge [sflag:s26], $0x480  }
0xd4: {  	[sflag:s26] =	ssyncset.done $0x0  }
0xd5: {  	s15 =	sadd.s32 $0x1, s15;
	[sflag:s26] =	ssyncadd.s32 $0xFFFFFB80  }
0xd6: {  	p0 =	sne.s32 s15, s25;
	[bflag:$0x0] =	sbarrier.arrive $0xFFFF  }
.Ltmp1:
0xd7: {  	s24 =	rddreg [dreg:$0x11];
	(pc) =	sbr.rel @p0 .LBB2_1-.Ltmp1, $4  }
0xd8: {  	[hbm:s24], [sflag:s23] =	dma.local [spmem:s16], $0x2C70  }
0xd9: {  	_ =	swait.ge [sflag:s26], $0x2C70  }
0xda: {  	[sflag:s26] =	ssyncset.done $0x0  }
0xdb: {  	[sflag:s26] =	ssyncadd.s32 $0xFFFFD390  }
0xdc: {  	_ =	sfence.sel $0x180000  }
0xdd: {  	[bflag:$0x0] =	sbarrier.arrive $0xFFFF  }
0xde: {  	_ =	strace $0x9000004A  }
0xdf: {  	s0 =	stileid.u32;
	[bflag:$0x2] =	sbarrier.arrive $0xFFFF  }
0xe0: {  	p0 =	sne.s32 s0, $0x0;
	s0 =	rddreg [dreg:$0x3]  }
0xe1: {  	s0 =	sadd.s32 @!p0 $0x100000, s0  }
0xe2: {  	[sflag:s0] =	ssyncadd.tile.s32 @!p0 $0x1;
	_ =	shalt  }
.Lfunc_end2:
_tile_overlayer_lowered:
.L_overlay_start_2:
0xe3: {  	(tag) =	ssettag $0x2  }
0xe4: {  	s0 =	rddreg [dreg:$0x0];
	s2 =	stileid.u32  }
0xe5: {  	s1 =	rddreg [dreg:$0x1];
	p0 =	sne.s32 s2, $0x0  }
0xe6: {  	s3 =	rddreg [dreg:$0x2];
	[bflag:$0x3] =	sbarrier.arrive $0xFFFF;
	s2 =	simm.s32 @!p0 $0x1C09  }
0xe7: {  	[timem:s3], [sflag:s2] =	dma.local @!p0 [hbm:s0], s1  }
0xe8: {  	s0 =	simm.s32 @!p0 $0x9  }
0xe9: {  	_ =	swait.ge @!p0 [sflag:s0], s1  }
0xea: {  	s1 =	ssub.s32 @!p0 $0x0, s1;
	[sflag:s0] =	ssyncset.done @!p0 $0x0  }
0xeb: {  	[sflag:s0] =	ssyncadd.s32 @!p0 s1  }
0xec: {  	[bflag:$0x3] =	sbarrier.arrive $0xFFFF  }
0xed: {  	_ =	shalt  }

// kernel: kernel.14.cloned.1.call-start
scs
__scs_entry_jumppad:
0x0: {  	(pc) =	sbr.rel $0x88, $3  }
0x1: {  	(tag) =	ssettag $0x0;
	lr =	simm.s32 $0x1  }
0x2: {  	[smem:$0x3F9B] =	sst lr;
	_ =	strace $0xD0000000  }
0x3: {  	_ = 	snop  }
0x4: {  	_ = 	snop  }
0x5: {  	_ = 	snop  }
0x6: {  	_ = 	snop  }
0x7: {  	_ = 	snop  }
__scs_overlays_trampoline_lowered:
0x8: {  	[smem:$0x3FAA] =	sst s0  }
0x9: {  	[smem:$0x3FAB] =	sst s1  }
0xa: {  	[smem:$0x3FAC] =	sst s2  }
0xb: {  	[smem:$0x3FAD] =	sst s3  }
0xc: {  	[smem:$0x3FAE] =	sst s4  }
0xd: {  	[smem:$0x3FAF] =	sst s5  }
0xe: {  	[smem:$0x3FB0] =	sst s6  }
0xf: {  	[smem:$0x3FB1] =	sst s7  }
0x10: {  	[smem:$0x3FB2] =	sst s8  }
0x11: {  	[smem:$0x3FB3] =	sst s9;
	s0 =	simm.s32 @!p0 $0x0  }
0x12: {  	s1 =	sld [smem:$0x3F99];
	s0 =	simm.s32 @p0 $0x1  }
0x13: {  	[smem:$0x3FB4] =	sst s0;
	s0 =	simm.s32 @!p1 $0x0  }
0x14: {  	s2 =	sld [smem:$0x3F98];
	s0 =	simm.s32 @p1 $0x1  }
0x15: {  	[smem:$0x3FB5] =	sst s0;
	s0 =	simm.s32 @!p2 $0x0  }
0x16: {  	s3 =	sld [smem:$0x3FDB];
	s0 =	simm.s32 @p2 $0x1  }
0x17: {  	s4 =	simm.s32 $0x1BF5;
	[smem:$0x3FB7] =	sst s0  }
0x18: {  	s0 =	sld [smem:$0x3F9A];
	_ =	swait.ge [sflag:s4], $0x0  }
0x19: {  	s7 =	sld [smem:$0x3F9B]  }
0x1a: {  	s8 =	sadd.s32 $0xFFFFE003, lr  }
0x1b: {  	s9 =	sadd.s32 $0xFFFFFEF7, lr;
	s5 =	simm.s32 $0xFFFFFFFF;
	p2 =	slt.u32 s8, $0xFFFFF086  }
0x1c: {  	p1 =	slt.u32 s9, $0xF7A;
	s5 =	simm.s32 @!p2 $0x0  }
0x1d: {  	s5 =	simm.s32 @p1 $0x1;
	p0 =	seq.s32 s7, s2  }
0x1e: {  	s7 =	smul.u32 @!p0 $0xF7A, s2;
	p2 =	seq.s32 @!p0 s5, $0x0  }
0x1f: {  	s9 =	smul.u32 $0xF7A, s1;
	s8 =	simm.s32 @!p0 $0x1BF5;
	p2 =	por !p2, p0  }
0x20: {  	[sflag:s8] =	ssyncset.s32 @!p0 $0xFFFFF086;
	s6 =	sadd.s32 @!p0 s3, s7;
	s7 =	simm.s32 @!p0 $0x108  }
0x21: {  	s3 =	sadd.s32 s3, s9;
	s6 =	sadd.s32 @!p0 $0x88, s6;
	s7 =	simm.s32 @p2 $0x1082  }
0x22: {  	[simem:s7], [sflag:s8] =	dma.local @!p0 [hbm:s6], $0xF7A  }
0x23: {  	s9 =	sor.u32 $0xD0000000, s2;
	s6 =	simm.s32 $0x108;
	_ =	swait.ge @!p0 [sflag:s8], $0x0  }
0x24: {  	s3 =	sadd.s32 $0x88, s3;
	s6 =	simm.s32 @!p1 $0x1082;
	[sflag:s4] =	ssyncset.s32 $0xFFFFF086  }
0x25: {  	[simem:s6], [sflag:s4] =	dma.local [hbm:s3], $0xF7A  }
0x26: {  	[smem:$0x3F9B] =	sst s1;
	(tag) =	ssettag s2;
	_ =	strace s9  }
0x27: {  	s1 =	sld [smem:$0x3FAB]  }
0x28: {  	s2 =	sld [smem:$0x3FAC]  }
0x29: {  	s4 =	sld [smem:$0x3FAE]  }
0x2a: {  	p0 =	seq.s32 s5, $0x0;
	s5 =	sld [smem:$0x3FAF]  }
0x2b: {  	s6 =	sld [smem:$0x3FB0]  }
0x2c: {  	s7 =	sld [smem:$0x3FB1]  }
0x2d: {  	s3 =	simm.s32 $0x108;
	s8 =	sld [smem:$0x3FB2]  }
0x2e: {  	s3 =	simm.s32 @!p0 $0x1082;
	s9 =	sld [smem:$0x3FB3]  }
0x2f: {  	lr =	sadd.s32 s0, s3;
	s0 =	sld [smem:$0x3FAA]  }
0x30: {  	s3 =	sld [smem:$0x3FAD]  }
0x31: {  	[smem:$0x3FB6] =	sst s10  }
0x32: {  	s10 =	sld [smem:$0x3FB4];
	_ =	sdelay $0x3  }
0x33: {  	p0 =	seq.s32 s10, $0x1;
	s10 =	sld [smem:$0x3FB6];
	_ =	sdelay $0x3  }
0x34: {  	[smem:$0x3FB6] =	sst s10  }
0x35: {  	s10 =	sld [smem:$0x3FB5];
	_ =	sdelay $0x3  }
0x36: {  	p1 =	seq.s32 s10, $0x1;
	s10 =	sld [smem:$0x3FB6];
	_ =	sdelay $0x3  }
0x37: {  	[smem:$0x3FB6] =	sst s10  }
0x38: {  	s10 =	sld [smem:$0x3FB7]  }
0x39: {  	_ = 	snop;
	(pc) =	sbr.ind lr, $3  }
0x3a: {  	_ = 	snop  }
0x3b: {  	_ = 	snop  }
0x3c: {  	p2 =	seq.s32 s10, $0x1;
	s10 =	sld [smem:$0x3FB6]  }
0x3d: {  	_ =	shalt  }
0x3e: {  	_ =	shalt  }
0x3f: {  	_ =	shalt  }
0x40: {  	_ =	shalt  }
0x41: {  	_ =	shalt  }
0x42: {  	_ =	shalt  }
0x43: {  	_ =	shalt  }
0x44: {  	_ =	shalt  }
0x45: {  	_ =	shalt  }
0x46: {  	_ =	shalt  }
0x47: {  	_ =	shalt  }
0x48: {  	_ =	shalt  }
0x49: {  	_ =	shalt  }
0x4a: {  	_ =	shalt  }
0x4b: {  	_ =	shalt  }
0x4c: {  	_ =	shalt  }
0x4d: {  	_ =	shalt  }
0x4e: {  	_ =	shalt  }
0x4f: {  	_ =	shalt  }
0x50: {  	_ =	shalt  }
0x51: {  	_ =	shalt  }
0x52: {  	_ =	shalt  }
0x53: {  	_ =	shalt  }
0x54: {  	_ =	shalt  }
0x55: {  	_ =	shalt  }
0x56: {  	_ =	shalt  }
0x57: {  	_ =	shalt  }
0x58: {  	_ =	shalt  }
0x59: {  	_ =	shalt  }
0x5a: {  	_ =	shalt  }
0x5b: {  	_ =	shalt  }
0x5c: {  	_ =	shalt  }
0x5d: {  	_ =	shalt  }
0x5e: {  	_ =	shalt  }
0x5f: {  	_ =	shalt  }
0x60: {  	_ =	shalt  }
0x61: {  	_ =	shalt  }
0x62: {  	_ =	shalt  }
0x63: {  	_ =	shalt  }
0x64: {  	_ =	shalt  }
0x65: {  	_ =	shalt  }
0x66: {  	_ =	shalt  }
0x67: {  	_ =	shalt  }
0x68: {  	_ =	shalt  }
0x69: {  	_ =	shalt  }
0x6a: {  	_ =	shalt  }
0x6b: {  	_ =	shalt  }
0x6c: {  	_ =	shalt  }
0x6d: {  	_ =	shalt  }
0x6e: {  	_ =	shalt  }
0x6f: {  	_ =	shalt  }
0x70: {  	_ =	shalt  }
0x71: {  	_ =	shalt  }
0x72: {  	_ =	shalt  }
0x73: {  	_ =	shalt  }
0x74: {  	_ =	shalt  }
0x75: {  	_ =	shalt  }
0x76: {  	_ =	shalt  }
0x77: {  	_ =	shalt  }
0x78: {  	_ =	shalt  }
0x79: {  	_ =	shalt  }
0x7a: {  	_ =	shalt  }
0x7b: {  	_ =	shalt  }
0x7c: {  	_ =	shalt  }
0x7d: {  	_ =	shalt  }
0x7e: {  	_ =	shalt  }
0x7f: {  	_ =	shalt  }
0x80: {  	_ =	shalt  }
0x81: {  	_ =	shalt  }
0x82: {  	_ =	shalt  }
0x83: {  	_ =	shalt  }
0x84: {  	_ =	shalt  }
0x85: {  	_ =	shalt  }
0x86: {  	_ =	shalt  }
0x87: {  	_ =	shalt  }
.Lfunc_end0:
.L_simem_size_0:
called_computation.2_lowered:
.L_overlay_start_0:
0x88: {  	s2 =	sld [smem:$0x3FD9]  }
0x89: {  	s3 =	sld [smem:$0x3FFE];
	_ =	sdelay $0x1  }
0x8a: {  	s1 =	srdreg.scid  }
0x8b: {  	s0 =	sand.u32 $0x1, s1  }
0x8c: {  	s16 =	sshll.u32 s0, $0xA;
	s2 =	sadd.s32 s3, s2  }
0x8d: {  	s2 =	sadd.s32 s2, s16  }
0x8e: {  	[smem:$0x3FC2] =	sst s2  }
0x8f: {  	_ = 	snop  }
0x90: {  	(tm) =	ssettm $0x1  }
0x91: {  	s17 =	sld [smem:$0x3FFB];
	_ =	sdelay $0x3  }
0x92: {  	_ =	strace s17  }
0x93: {  	s2 =	sld [smem:$0x3FFC];
	_ =	sdelay $0x3  }
0x94: {  	_ =	strace s2  }
0x95: {  	s2 =	sld [smem:$0x3FFD];
	_ =	sdelay $0x3  }
0x96: {  	_ =	strace s2  }
0x97: {  	_ =	strace $0x8FFFFFFF  }
0x98: {  	s18 =	sld [smem:$0x3FDB];
	_ =	sdelay $0x1  }
0x99: {  	s19 =	simm.s32 $_scs_section_size  }
0x9a: {  	s4 =	simm.s32 $_size__tile_overlayer_lowered;
	s5 =	simm.s32 $_tile_overlayer_lowered  }
0x9b: {  	s22 =	simm.s32 $0x1BFF;
	s21 =	sshll.u32 s5, $0x1;
	s2 =	sadd.s32 s19, s18  }
0x9c: {  	s6 =	simm.s32 $0x0;
	s20 =	sshll.u32 s4, $0x1;
	s4 =	sadd.s32 s21, s2  }
0x9d: {  	[timem:s6], [sflag:s22] =	dma.local [hbm:s4], s20  }
0x9e: {  	_ =	swait.ge [sflag:s22], s20  }
0x9f: {  	s3 =	ssub.s32 $0x0, s20;
	[sflag:s22] =	ssyncset.done $0x0  }
0xa0: {  	[sflag:s22] =	ssyncadd.s32 s3;
	_ =	sdelay $0x1  }
0xa1: {  	s23 =	simm.s32 $0x1B8B  }
0xa2: {  	_ =	swait.ge [sflag:s23], $0x1  }
0xa3: {  	[sflag:s23] =	ssyncset.done $0x0  }
0xa4: {  	s25 =	simm.s32 $0x1B8E;
	s24 =	sld [smem:$0x3FFE];
	[sflag:s23] =	ssyncadd.s32 $0xFFFFFFFF  }
0xa5: {  	s26 =	simm.s32 $execute0_lowered;
	[smem:$0x3FD2] =	sst s25  }
0xa6: {  	s4 =	sshll.u32 s26, $0x1;
	_ =	strace $0x8000004C;
	[dreg:$0x1] =	wrdreg $0xFFFFFFFF  }
0xa7: {  	s28 =	simm.s32 $_size_execute0_lowered;
	s2 =	sadd.s32 s2, s4;
	[dreg:$0x0] =	wrdreg $0x0  }
0xa8: {  	s4 =	sshll.u32 s28, $0x1;
	[dreg:$0x2] =	wrdreg s2  }
0xa9: {  	[dreg:$0x3] =	wrdreg s4  }
0xaa: {  	[dreg:$0x4] =	wrdreg $0xC0  }
0xab: {  	_ =	task [dreg:s6], $0x5FFFF  }
0xac: {  	[dreg:$0x1] =	wrdreg $0xFFFFFFFF  }
0xad: {  	[dreg:$0x0] =	wrdreg $0x60  }
0xae: {  	[dreg:$0x2] =	wrdreg s24  }
0xaf: {  	[dreg:$0x3] =	wrdreg $0x9  }
0xb0: {  	_ =	task.clear_ibuf [dreg:s6], $0x4FFFF;
	_ =	strace $0x9000004C  }
0xb1: {  	s29 =	simm.s32 $0x9;
	_ =	strace $0x8000004E  }
0xb2: {  	_ =	swait.ge [sflag:s29], $0x1  }
0xb3: {  	[sflag:s29] =	ssyncadd.s32 $0xFFFFFFFF  }
0xb4: {  	_ =	strace $0x9000004E  }
0xb5: {  	_ =	sfence  }
0xb6: {  	s30 =	sld [smem:$0x0];
	_ =	sdelay $0x2  }
0xb7: {  	s31 =	sshll.u32 s1, $0xD;
	s1 =	sshrl.u32 s1, $0x2  }
0xb8: {  	s3 =	sand.u32 $0x4000, s31;
	s1 =	sadd.s32 s1, s30  }
0xb9: {  	s0 =	sor.u32 s3, s0;
	s1 =	sshll.u32 s1, $0x11  }
0xba: {  	s0 =	sor.u32 s1, s0  }
0xbb: {  	s0 =	sadd.s32 $0x8F2B, s0  }
0xbc: {  	[sflag:s0] =	ssyncadd.remote.s32 $0x1  }
0xbd: {  	_ =	sfence.sel $0xFFFF  }
0xbe: {  	[dreg:$0x0] =	wrdreg $0xFFFFFFFF;
	(pc) =	sbr.abs _section_cstart, $3  }
0xbf: {  	[dreg:$0x1] =	wrdreg $0xFFFFFFFF  }
0xc0: {  	_ =	task.clear_ibuf [dreg:s6], $0x2FFFF;
	_ =	strace $0x9FFFFFFF  }
0xc1: {  	(tm) =	ssettm $0x7FFFFFFF  }
tec
execute0_lowered:
.L_overlay_start_1:
0x0: {  	(tag) =	ssettag $0x1  }
0x1: {  	s0 =	srdreg.scid  }
0x2: {  	s2 =	stileid.u32;
	s1 =	rddreg [dreg:$0x0]  }
0x3: {  	s17 =	simm.s32 $0xA;
	s0 =	sand.u32 $0x1, s0;
	s4 =	smul.u32 $0x2710, s2  }
0x4: {  	s2 =	simm.s32 $0x0;
	s3 =	sadd.s32 $0x40C00, s1;
	s5 =	smul.u32 $0x4E200, s0  }
0x5: {  	[smem:$0x7FF] =	sst s2;
	s6 =	smul.u32 $0x27100, s0;
	s0 =	ssub.s32 $0x2, s0  }
0x6: {  	_ =	strace $0x8000004D;
	s19 =	sshrl.u32 s0, $0x1;
	s5 =	sadd.s32 s4, s5  }
0x7: {  	s4 =	sadd.s32 s4, s6;
	s0 =	ssub.s32 s0, s19;
	s7 =	sshrl.u32 s5, $0x3  }
0x8: {  	s5 =	sadd.s32 $0x1200, s1;
	s8 =	sshrl.u32 s4, $0x3;
	s0 =	smax.u32 s0, $0x1  }
0x9: {  	s1 =	sadd.s32 s7, s1;
	s20 =	sadd.s32 s5, s8;
	[dreg:$0xc] =	wrdreg s0  }
0xa: {  	s28 =	simm.s32 $0x2;
	s7 =	sadd.s32 $0x2D200, s1;
	[dreg:$0x2] =	wrdreg s20  }
0xb: {  	s30 =	simm.s32 $0x4;
	s1 =	sadd.s32 $0x32020, s1;
	[dreg:$0x3] =	wrdreg s7  }
0xc: {  	s31 =	simm.s32 $0x14E10;
	s21 =	sadd.s32 $0xA, s20;
	[dreg:$0x4] =	wrdreg s1  }
0xd: {  	v0 =	vlaneseq.u32;
	s9 =	simm.s32 $0x8;
	s22 =	sadd.s32 $0x14, s20;
	[dreg:$0x5] =	wrdreg s21  }
0xe: {  	s10 =	simm.s32 $0x9;
	v1 =	vmul.u32 $0x110, v0;
	s23 =	sadd.s32 $0x4B0, s20;
	[dreg:$0x6] =	wrdreg s22  }
0xf: {  	v0 =	vmul.u32 $0x18, v0;
	s6 =	simm.s32 $0x0;
	s24 =	sadd.s32 $0x4BA, s20;
	[dreg:$0x7] =	wrdreg s23  }
0x10: {  	v1 =	vadd.s32 $0x100, v1;
	s11 =	sadd.s32 $0xF0, s4;
	s25 =	sadd.s32 $0x4C4, s20;
	[dreg:$0x8] =	wrdreg s24  }
0x11: {  	v2 =	vor.u32 $0x1, v0;
	v3 =	vor.u32 $0x2, v0;
	v4 =	vor.u32 $0x3, v0;
	s12 =	sadd.s32 $0x140, s4;
	s26 =	sadd.s32 $0x4CE, s20;
	[dreg:$0x9] =	wrdreg s25  }
0x12: {  	v5 =	vor.u32 $0x4, v0;
	v6 =	vor.u32 $0x5, v0;
	v7 =	vor.u32 $0x6, v0;
	s0 =	simm.s32 $0x5;
	s29 =	sadd.s32 $0x4D8, s20;
	[dreg:$0xa] =	wrdreg s26  }
0x13: {  	v8 =	vor.u32 $0x7, v0;
	v9 =	vadd.s32 $0x8, v0;
	v10 =	vadd.s32 $0x9, v0;
	s8 =	simm.s32 $0x7;
	s20 =	simm.s32 $0x6;
	[dreg:$0xb] =	wrdreg s29  }
0x14: {  	v11 =	vadd.s32 $0xA, v0;
	v12 =	vadd.s32 $0xB, v0;
	v13 =	vadd.s32 $0xC, v0;
	s21 =	simm.s32 $0x50;
	s22 =	simm.s32 $0x4E20;
	s23 =	simm.s32 $0xA320  }
0x15: {  	v14 =	vadd.s32 $0xD, v0;
	v15 =	vadd.s32 $0xE, v0;
	v16 =	vadd.s32 $0xF, v0;
	s25 =	simm.s32 $0xF820;
	s26 =	simm.s32 $0x1;
	s24 =	simm.s32 $0x3  }
.LBB2_1:
0x16: {  	[dreg:$0xd] =	wrdreg s6  }
0x17: {  	s1 =	rddreg [dreg:$0x3]  }
0x18: {  	[tilespmem:s2], [sflag:$0xA] =	stream.linear.gather [hbm4b:s1+s2], $0x2710, $0x38;
	[tilespmem:$0x14F90] =	vst v63  }
0x19: {  	_ =	swait.ge [sflag:s17], $0x2710  }
0x1a: {  	[sflag:s17] =	ssyncset.done $0x0  }
0x1b: {  	s18 =	simm.s32 $0x2710;
	s16 =	rddreg [dreg:$0x4];
	[sflag:s17] =	ssyncadd.s32 $0xFFFFD8F0  }
0x1c: {  	[tilespmem:s18], [sflag:$0xA] =	stream.linear.gather [hbm4b:s16+s2], $0x2710, $0x38;
	[tilespmem:$0x14F90] =	vst v63  }
0x1d: {  	_ =	swait.ge [sflag:s17], $0x2710  }
0x1e: {  	[sflag:s17] =	ssyncset.done $0x0  }
0x1f: {  	[sflag:s17] =	ssyncadd.s32 $0xFFFFD8F0  }
0x20: {  	[tilespmem:s22], [sflag:$0x1] =	stream.indirect.gather [hbm4b:s3+s21], $0x110, s2, s21, $0xb8;
	[tilespmem:$0x14F90] =	vst v63  }
0x21: {  	_ = 	snop  }
0x22: {  	[tilespmem:s23], [sflag:$0x2] =	stream.indirect.gather [hbm4b:s3+s21], $0x110, s21, s21, $0xb8;
	[tilespmem:$0x14F90] =	vst v63  }
0x23: {  	s19 =	simm.s32 $0xA0  }
0x24: {  	[tilespmem:s25], [sflag:$0x3] =	stream.indirect.gather [hbm4b:s3+s21], $0x110, s19, s21, $0xb8;
	[tilespmem:$0x14F90] =	vst v63  }
0x25: {  	_ =	swait.ge [sflag:s26], $0x5500  }
0x26: {  	[sflag:s26] =	ssyncset.done $0x0  }
0x27: {  	[sflag:s26] =	ssyncadd.s32 $0xFFFFAB00  }
0x28: {  	[tilespmem:s22], [sflag:$0x4] =	stream.indirect.gather.add.f32 [hbm:s3], $0x110, s18, s21, $0xb8;
	[tilespmem:$0x14F90] =	vst v63  }
0x29: {  	_ =	swait.ge [sflag:s28], $0x5500  }
0x2a: {  	[sflag:s28] =	ssyncset.done $0x0  }
0x2b: {  	s29 =	simm.s32 $0x2760;
	[sflag:s28] =	ssyncadd.s32 $0xFFFFAB00  }
0x2c: {  	[tilespmem:s23], [sflag:$0x5] =	stream.indirect.gather.add.f32 [hbm:s3], $0x110, s29, s21, $0xb8;
	[tilespmem:$0x14F90] =	vst v63  }
0x2d: {  	_ =	swait.ge [sflag:s30], $0x5500  }
0x2e: {  	[sflag:s30] =	ssyncset.done $0x0  }
0x2f: {  	s14 =	simm.s32 $0x4EA0;
	s15 =	simm.s32 $0x0;
	[sflag:s30] =	ssyncadd.s32 $0xFFFFAB00  }
.LBB2_2:
0x30: {  	v17 =	vld [tilespmem:s14+$0xFFFFFF80];
	s6 =	sshll.u32 s15, $0x4  }
0x31: {  	s16 =	simm.s32 $0x0;
	v18 =	vld [tilespmem:s14+$0xFFFFFF90];
	s1 =	simm.s32 $0x60;
	s7 =	smov.u32 s14  }
.LBB2_3:
0x32: {  	p0 =	sne.s32 s1, $0x5A0  }
0x33: {  	v19 =	vld [tilespmem:s7+$0xFFFFFFA0];
	_ =	sdelay $0x1  }
0x34: {  	v20 =	vld [tilespmem:s7+$0xFFFFFFB0]  }
0x35: {  	v17 =	vmul.f32 v17, v17;
	v18 =	vmul.f32 v18, v18  }
0x36: {  	v21 =	vld [tilespmem:s7+$0xFFFFFFC0]  }
0x37: {  	v17 =	vadd.f32 v18, v17;
	v18 =	vmul.f32 v19, v19  }
0x38: {  	v19 =	vld [tilespmem:s7+$0xFFFFFFD0]  }
0x39: {  	v17 =	vadd.f32 v18, v17;
	v18 =	vmul.f32 v20, v20  }
0x3a: {  	v20 =	vld [tilespmem:s7+$0xFFFFFFE0]  }
0x3b: {  	v17 =	vadd.f32 v18, v17;
	v18 =	vmul.f32 v21, v21  }
0x3c: {  	v21 =	vld [tilespmem:s7+$0xFFFFFFF0]  }
0x3d: {  	v17 =	vadd.f32 v18, v17;
	v18 =	vmul.f32 v19, v19  }
0x3e: {  	v19 =	vld [tilespmem:s7+$0x0]  }
0x3f: {  	v17 =	vadd.f32 v18, v17;
	v18 =	vmul.f32 v20, v20  }
0x40: {  	v20 =	vld [tilespmem:s7+$0x10]  }
0x41: {  	v17 =	vadd.f32 v18, v17;
	v18 =	vmul.f32 v21, v21  }
0x42: {  	v21 =	vld [tilespmem:s7+$0x20]  }
0x43: {  	v17 =	vadd.f32 v18, v17;
	v18 =	vmul.f32 v19, v19  }
0x44: {  	v19 =	vld [tilespmem:s7+$0x30]  }
0x45: {  	v17 =	vadd.f32 v18, v17;
	v18 =	vmul.f32 v20, v20  }
0x46: {  	v20 =	vld [tilespmem:s7+$0x40]  }
0x47: {  	v17 =	vadd.f32 v18, v17;
	v18 =	vmul.f32 v21, v21  }
0x48: {  	v21 =	vld [tilespmem:s7+$0x50]  }
0x49: {  	v17 =	vadd.f32 v18, v17;
	v18 =	vmul.f32 v19, v19  }
0x4a: {  	v19 =	vld [tilespmem:s7+$0x60]  }
0x4b: {  	v17 =	vadd.f32 v18, v17;
	v18 =	vmul.f32 v20, v20  }
0x4c: {  	v20 =	vld [tilespmem:s7+$0x70]  }
0x4d: {  	v17 =	vadd.f32 v18, v17;
	v18 =	vmul.f32 v21, v21;
	_ =	sdelay $0x1  }
0x4e: {  	v17 =	vadd.f32 v18, v17;
	v18 =	vmul.f32 v19, v19;
	_ =	sdelay $0x1  }
0x4f: {  	v17 =	vadd.f32 v18, v17;
	v18 =	vmul.f32 v20, v20;
	_ =	sdelay $0x1  }
.Ltmp0:
0x50: {  	v17 =	vadd.f32 v18, v17;
	(pc) =	sbr.rel @p0 .LBB2_3-.Ltmp0, $4  }
0x51: {  	s13 =	sshra.s32 s16, $0x2;
	s16 =	smov.u32 s1  }
0x52: {  	s7 =	sadd.s32 $0x110, s7;
	[tilespmem:s13+$0x14E10] =	vst v17  }
0x53: {  	v17 =	vld [tilespmem:s7+$0xFFFFFF80]  }
0x54: {  	s1 =	sadd.s32 $0x60, s1;
	v18 =	vld [tilespmem:s7+$0xFFFFFF90]  }
0x55: {  	_ = 	snop  }
0x56: {  	v19 =	vld [tilespmem:s7+$0xFFFFFFA0];
	_ =	sdelay $0x1  }
0x57: {  	v20 =	vld [tilespmem:s7+$0xFFFFFFB0]  }
0x58: {  	v17 =	vmul.f32 v17, v17;
	v18 =	vmul.f32 v18, v18  }
0x59: {  	v21 =	vld [tilespmem:s7+$0xFFFFFFC0]  }
0x5a: {  	v17 =	vadd.f32 v18, v17;
	v18 =	vmul.f32 v19, v19  }
0x5b: {  	v19 =	vld [tilespmem:s7+$0xFFFFFFD0]  }
0x5c: {  	v17 =	vadd.f32 v18, v17;
	v18 =	vmul.f32 v20, v20  }
0x5d: {  	v50 =	vld [tilespmem:s7+$0xFFFFFFE0]  }
0x5e: {  	v17 =	vadd.f32 v18, v17;
	v18 =	vmul.f32 v21, v21  }
0x5f: {  	v51 =	vld [tilespmem:s7+$0xFFFFFFF0]  }
0x60: {  	v17 =	vadd.f32 v18, v17;
	v18 =	vmul.f32 v19, v19  }
0x61: {  	v19 =	vld [tilespmem:s7+$0x0]  }
0x62: {  	v17 =	vadd.f32 v18, v17;
	v18 =	vmul.f32 v50, v50  }
0x63: {  	v52 =	vld [tilespmem:s7+$0x10]  }
0x64: {  	v17 =	vadd.f32 v18, v17;
	v18 =	vmul.f32 v51, v51  }
0x65: {  	v53 =	vld [tilespmem:s7+$0x20]  }
0x66: {  	v17 =	vadd.f32 v18, v17;
	v18 =	vmul.f32 v19, v19  }
0x67: {  	v19 =	vld [tilespmem:s7+$0x30]  }
0x68: {  	v17 =	vadd.f32 v18, v17;
	v18 =	vmul.f32 v52, v52  }
0x69: {  	v54 =	vld [tilespmem:s7+$0x40]  }
0x6a: {  	v17 =	vadd.f32 v18, v17;
	v18 =	vmul.f32 v53, v53  }
0x6b: {  	v55 =	vld [tilespmem:s7+$0x50]  }
0x6c: {  	v17 =	vadd.f32 v18, v17;
	v18 =	vmul.f32 v19, v19  }
0x6d: {  	v19 =	vld [tilespmem:s7+$0x60]  }
0x6e: {  	v17 =	vadd.f32 v18, v17;
	v18 =	vmul.f32 v54, v54  }
0x6f: {  	v56 =	vld [tilespmem:s7+$0x70]  }
0x70: {  	v17 =	vadd.f32 v18, v17;
	v18 =	vmul.f32 v55, v55;
	_ =	sdelay $0x1  }
0x71: {  	v17 =	vadd.f32 v18, v17;
	v18 =	vmul.f32 v19, v19;
	_ =	sdelay $0x1  }
0x72: {  	v17 =	vadd.f32 v18, v17;
	v18 =	vmul.f32 v56, v56;
	_ =	sdelay $0x1  }
0x73: {  	v17 =	vadd.f32 v18, v17  }
0x74: {  	s1 =	sshra.s32 s16, $0x2  }
0x75: {  	[tilespmem:s1+$0x14E10] =	vst v17  }
0x76: {  	v17 =	vld.idx.msk [tilespmem:v0+s31+$0x0], $0xffff;
	_ =	sdelay $0x1  }
0x77: {  	v18 =	vld.idx.msk [tilespmem:v2+s31+$0x0], $0xffff;
	_ =	sdelay $0x1  }
0x78: {  	v19 =	vld.idx.msk [tilespmem:v3+s31+$0x0], $0xffff  }
0x79: {  	v17 =	vadd.f32 $0.0e+00, v17  }
0x7a: {  	v57 =	vld.idx.msk [tilespmem:v4+s31+$0x0], $0xffff  }
0x7b: {  	v17 =	vadd.f32 v18, v17  }
0x7c: {  	v18 =	vld.idx.msk [tilespmem:v5+s31+$0x0], $0xffff  }
0x7d: {  	v17 =	vadd.f32 v19, v17  }
0x7e: {  	v19 =	vld.idx.msk [tilespmem:v6+s31+$0x0], $0xffff  }
0x7f: {  	v17 =	vadd.f32 v57, v17  }
0x80: {  	v58 =	vld.idx.msk [tilespmem:v7+s31+$0x0], $0xffff  }
0x81: {  	v17 =	vadd.f32 v18, v17  }
0x82: {  	v18 =	vld.idx.msk [tilespmem:v8+s31+$0x0], $0xffff  }
0x83: {  	v17 =	vadd.f32 v19, v17  }
0x84: {  	v19 =	vld.idx.msk [tilespmem:v9+s31+$0x0], $0xffff  }
0x85: {  	v17 =	vadd.f32 v58, v17  }
0x86: {  	v59 =	vld.idx.msk [tilespmem:v10+s31+$0x0], $0xffff  }
0x87: {  	v17 =	vadd.f32 v18, v17  }
0x88: {  	v18 =	vld.idx.msk [tilespmem:v11+s31+$0x0], $0xffff  }
0x89: {  	v17 =	vadd.f32 v19, v17  }
0x8a: {  	v60 =	vld.idx.msk [tilespmem:v12+s31+$0x0], $0xffff;
	v19 =	vmov s6  }
0x8b: {  	v19 =	vmul.u32 $0x110, v19;
	v17 =	vadd.f32 v59, v17  }
0x8c: {  	v61 =	vld.idx.msk [tilespmem:v13+s31+$0x0], $0xffff  }
0x8d: {  	v19 =	vbroadcast v19, $0x0;
	v17 =	vadd.f32 v18, v17  }
0x8e: {  	v18 =	vld.idx.msk [tilespmem:v14+s31+$0x0], $0xffff  }
0x8f: {  	v19 =	vadd.s32 v1, v19;
	v17 =	vadd.f32 v60, v17  }
0x90: {  	v62 =	vld.idx.msk [tilespmem:v15+s31+$0x0], $0xffff  }
0x91: {  	v17 =	vadd.f32 v61, v17  }
0x92: {  	v63 =	vld.idx.msk [tilespmem:v16+s31+$0x0], $0xffff  }
0x93: {  	v17 =	vadd.f32 v18, v17  }
0x94: {  	v18 =	vld.idx.msk [tilespmem:v19+s22+$0x0], $0xffff  }
0x95: {  	v17 =	vadd.f32 v62, v17;
	_ =	sdelay $0x1  }
0x96: {  	s15 =	sadd.s32 $0x1, s15;
	v17 =	vadd.f32 v63, v17  }
0x97: {  	p0 =	sne.s32 s15, $0x5  }
.Ltmp1:
0x98: {  	v17 =	vsub.f32 v17, v18;
	(pc) =	sbr.rel @p0 .LBB2_2-.Ltmp1, $3  }
0x99: {  	_ = 	snop  }
0x9a: {  	v17 =	vmul.f32 $5.000000000e-01, v17;
	_ =	sdelay $0x1  }
0x9b: {  	s14 =	sadd.s32 $0x1100, s14;
	[tilespmem:s6+$0x14D20] =	vst v17  }
0x9c: {  	s14 =	simm.s32 $0x0;
	s1 =	rddreg [dreg:$0x2];
	s6 =	simm.s32 $0x14D20  }
0x9d: {  	[hbm4b:s1+s14] =	stream.linear.scatter [tilespmem:s6], [sflag:$0x7], $0x50, $0x38;
	[tilespmem:$0x14F90] =	vst v63  }
0x9e: {  	s19 =	simm.s32 $0xF0  }
0x9f: {  	[tilespmem:s22], [sflag:$0x1] =	stream.indirect.gather [hbm4b:s3+s21], $0x110, s19, s21, $0xb8;
	[tilespmem:$0x14F90] =	vst v63  }
0xa0: {  	_ =	swait.ge [sflag:s24], $0x5500  }
0xa1: {  	[sflag:s24] =	ssyncset.done $0x0  }
0xa2: {  	s29 =	simm.s32 $0x27B0;
	[sflag:s24] =	ssyncadd.s32 $0xFFFFAB00  }
0xa3: {  	[tilespmem:s25], [sflag:$0x6] =	stream.indirect.gather.add.f32 [hbm:s3], $0x110, s29, s21, $0xb8;
	[tilespmem:$0x14F90] =	vst v63  }
0xa4: {  	_ =	swait.ge [sflag:s0], $0x5500  }
0xa5: {  	[sflag:s0] =	ssyncset.done $0x0  }
0xa6: {  	s15 =	simm.s32 $0xA3A0;
	[sflag:s0] =	ssyncadd.s32 $0xFFFFAB00  }
.LBB2_6:
0xa7: {  	v17 =	vld [tilespmem:s15+$0xFFFFFF80];
	s6 =	sshll.u32 s14, $0x4  }
0xa8: {  	v18 =	vld [tilespmem:s15+$0xFFFFFF90];
	s7 =	simm.s32 $0x60;
	s13 =	smov.u32 s15;
	s16 =	simm.s32 $0x0  }
.LBB2_7:
0xa9: {  	p0 =	sne.s32 s7, $0x5A0  }
0xaa: {  	v19 =	vld [tilespmem:s13+$0xFFFFFFA0];
	_ =	sdelay $0x1  }
0xab: {  	v20 =	vld [tilespmem:s13+$0xFFFFFFB0]  }
0xac: {  	v17 =	vmul.f32 v17, v17;
	v18 =	vmul.f32 v18, v18  }
0xad: {  	v21 =	vld [tilespmem:s13+$0xFFFFFFC0]  }
0xae: {  	v17 =	vadd.f32 v18, v17;
	v18 =	vmul.f32 v19, v19  }
0xaf: {  	v19 =	vld [tilespmem:s13+$0xFFFFFFD0]  }
0xb0: {  	v17 =	vadd.f32 v18, v17;
	v18 =	vmul.f32 v20, v20  }
0xb1: {  	v20 =	vld [tilespmem:s13+$0xFFFFFFE0]  }
0xb2: {  	v17 =	vadd.f32 v18, v17;
	v18 =	vmul.f32 v21, v21  }
0xb3: {  	v21 =	vld [tilespmem:s13+$0xFFFFFFF0]  }
0xb4: {  	v17 =	vadd.f32 v18, v17;
	v18 =	vmul.f32 v19, v19  }
0xb5: {  	v19 =	vld [tilespmem:s13+$0x0]  }
0xb6: {  	v17 =	vadd.f32 v18, v17;
	v18 =	vmul.f32 v20, v20  }
0xb7: {  	v20 =	vld [tilespmem:s13+$0x10]  }
0xb8: {  	v17 =	vadd.f32 v18, v17;
	v18 =	vmul.f32 v21, v21  }
0xb9: {  	v21 =	vld [tilespmem:s13+$0x20]  }
0xba: {  	v17 =	vadd.f32 v18, v17;
	v18 =	vmul.f32 v19, v19  }
0xbb: {  	v19 =	vld [tilespmem:s13+$0x30]  }
0xbc: {  	v17 =	vadd.f32 v18, v17;
	v18 =	vmul.f32 v20, v20  }
0xbd: {  	v20 =	vld [tilespmem:s13+$0x40]  }
0xbe: {  	v17 =	vadd.f32 v18, v17;
	v18 =	vmul.f32 v21, v21  }
0xbf: {  	v21 =	vld [tilespmem:s13+$0x50]  }
0xc0: {  	v17 =	vadd.f32 v18, v17;
	v18 =	vmul.f32 v19, v19  }
0xc1: {  	v19 =	vld [tilespmem:s13+$0x60]  }
0xc2: {  	v17 =	vadd.f32 v18, v17;
	v18 =	vmul.f32 v20, v20  }
0xc3: {  	v20 =	vld [tilespmem:s13+$0x70]  }
0xc4: {  	v17 =	vadd.f32 v18, v17;
	v18 =	vmul.f32 v21, v21;
	_ =	sdelay $0x1  }
0xc5: {  	v17 =	vadd.f32 v18, v17;
	v18 =	vmul.f32 v19, v19;
	_ =	sdelay $0x1  }
0xc6: {  	v17 =	vadd.f32 v18, v17;
	v18 =	vmul.f32 v20, v20;
	_ =	sdelay $0x1  }
.Ltmp2:
0xc7: {  	v17 =	vadd.f32 v18, v17;
	(pc) =	sbr.rel @p0 .LBB2_7-.Ltmp2, $4  }
0xc8: {  	s1 =	sshra.s32 s16, $0x2;
	s16 =	smov.u32 s7  }
0xc9: {  	s13 =	sadd.s32 $0x110, s13;
	[tilespmem:s1+$0x14E10] =	vst v17  }
0xca: {  	v17 =	vld [tilespmem:s13+$0xFFFFFF80]  }
0xcb: {  	s7 =	sadd.s32 $0x60, s7;
	v18 =	vld [tilespmem:s13+$0xFFFFFF90]  }
0xcc: {  	_ = 	snop  }
0xcd: {  	v19 =	vld [tilespmem:s13+$0xFFFFFFA0];
	_ =	sdelay $0x1  }
0xce: {  	v20 =	vld [tilespmem:s13+$0xFFFFFFB0]  }
0xcf: {  	v17 =	vmul.f32 v17, v17;
	v18 =	vmul.f32 v18, v18  }
0xd0: {  	v21 =	vld [tilespmem:s13+$0xFFFFFFC0]  }
0xd1: {  	v17 =	vadd.f32 v18, v17;
	v18 =	vmul.f32 v19, v19  }
0xd2: {  	v19 =	vld [tilespmem:s13+$0xFFFFFFD0]  }
0xd3: {  	v17 =	vadd.f32 v18, v17;
	v18 =	vmul.f32 v20, v20  }
0xd4: {  	v50 =	vld [tilespmem:s13+$0xFFFFFFE0]  }
0xd5: {  	v17 =	vadd.f32 v18, v17;
	v18 =	vmul.f32 v21, v21  }
0xd6: {  	v51 =	vld [tilespmem:s13+$0xFFFFFFF0]  }
0xd7: {  	v17 =	vadd.f32 v18, v17;
	v18 =	vmul.f32 v19, v19  }
0xd8: {  	v19 =	vld [tilespmem:s13+$0x0]  }
0xd9: {  	v17 =	vadd.f32 v18, v17;
	v18 =	vmul.f32 v50, v50  }
0xda: {  	v52 =	vld [tilespmem:s13+$0x10]  }
0xdb: {  	v17 =	vadd.f32 v18, v17;
	v18 =	vmul.f32 v51, v51  }
0xdc: {  	v53 =	vld [tilespmem:s13+$0x20]  }
0xdd: {  	v17 =	vadd.f32 v18, v17;
	v18 =	vmul.f32 v19, v19  }
0xde: {  	v19 =	vld [tilespmem:s13+$0x30]  }
0xdf: {  	v17 =	vadd.f32 v18, v17;
	v18 =	vmul.f32 v52, v52  }
0xe0: {  	v54 =	vld [tilespmem:s13+$0x40]  }
0xe1: {  	v17 =	vadd.f32 v18, v17;
	v18 =	vmul.f32 v53, v53  }
0xe2: {  	v55 =	vld [tilespmem:s13+$0x50]  }
0xe3: {  	v17 =	vadd.f32 v18, v17;
	v18 =	vmul.f32 v19, v19  }
0xe4: {  	v19 =	vld [tilespmem:s13+$0x60]  }
0xe5: {  	v17 =	vadd.f32 v18, v17;
	v18 =	vmul.f32 v54, v54  }
0xe6: {  	v56 =	vld [tilespmem:s13+$0x70]  }
0xe7: {  	v17 =	vadd.f32 v18, v17;
	v18 =	vmul.f32 v55, v55;
	_ =	sdelay $0x1  }
0xe8: {  	v17 =	vadd.f32 v18, v17;
	v18 =	vmul.f32 v19, v19;
	_ =	sdelay $0x1  }
0xe9: {  	v17 =	vadd.f32 v18, v17;
	v18 =	vmul.f32 v56, v56;
	_ =	sdelay $0x1  }
0xea: {  	v17 =	vadd.f32 v18, v17  }
0xeb: {  	s1 =	sshra.s32 s16, $0x2  }
0xec: {  	[tilespmem:s1+$0x14E10] =	vst v17  }
0xed: {  	v17 =	vld.idx.msk [tilespmem:v0+s31+$0x0], $0xffff;
	_ =	sdelay $0x1  }
0xee: {  	v18 =	vld.idx.msk [tilespmem:v2+s31+$0x0], $0xffff;
	_ =	sdelay $0x1  }
0xef: {  	v19 =	vld.idx.msk [tilespmem:v3+s31+$0x0], $0xffff  }
0xf0: {  	v17 =	vadd.f32 $0.0e+00, v17  }
0xf1: {  	v57 =	vld.idx.msk [tilespmem:v4+s31+$0x0], $0xffff  }
0xf2: {  	v17 =	vadd.f32 v18, v17  }
0xf3: {  	v18 =	vld.idx.msk [tilespmem:v5+s31+$0x0], $0xffff  }
0xf4: {  	v17 =	vadd.f32 v19, v17  }
0xf5: {  	v19 =	vld.idx.msk [tilespmem:v6+s31+$0x0], $0xffff  }
0xf6: {  	v17 =	vadd.f32 v57, v17  }
0xf7: {  	v58 =	vld.idx.msk [tilespmem:v7+s31+$0x0], $0xffff  }
0xf8: {  	v17 =	vadd.f32 v18, v17  }
0xf9: {  	v18 =	vld.idx.msk [tilespmem:v8+s31+$0x0], $0xffff  }
0xfa: {  	v17 =	vadd.f32 v19, v17  }
0xfb: {  	v19 =	vld.idx.msk [tilespmem:v9+s31+$0x0], $0xffff  }
0xfc: {  	v17 =	vadd.f32 v58, v17  }
0xfd: {  	v59 =	vld.idx.msk [tilespmem:v10+s31+$0x0], $0xffff  }
0xfe: {  	v17 =	vadd.f32 v18, v17  }
0xff: {  	v18 =	vld.idx.msk [tilespmem:v11+s31+$0x0], $0xffff  }
0x100: {  	v17 =	vadd.f32 v19, v17  }
0x101: {  	v60 =	vld.idx.msk [tilespmem:v12+s31+$0x0], $0xffff;
	v19 =	vmov s6  }
0x102: {  	v19 =	vmul.u32 $0x110, v19;
	v17 =	vadd.f32 v59, v17  }
0x103: {  	v61 =	vld.idx.msk [tilespmem:v13+s31+$0x0], $0xffff  }
0x104: {  	v19 =	vbroadcast v19, $0x0;
	v17 =	vadd.f32 v18, v17  }
0x105: {  	v18 =	vld.idx.msk [tilespmem:v14+s31+$0x0], $0xffff  }
0x106: {  	v19 =	vadd.s32 v1, v19;
	v17 =	vadd.f32 v60, v17  }
0x107: {  	v62 =	vld.idx.msk [tilespmem:v15+s31+$0x0], $0xffff  }
0x108: {  	v17 =	vadd.f32 v61, v17  }
0x109: {  	v63 =	vld.idx.msk [tilespmem:v16+s31+$0x0], $0xffff  }
0x10a: {  	v17 =	vadd.f32 v18, v17  }
0x10b: {  	v18 =	vld.idx.msk [tilespmem:v19+s23+$0x0], $0xffff  }
0x10c: {  	v17 =	vadd.f32 v62, v17;
	_ =	sdelay $0x1  }
0x10d: {  	s14 =	sadd.s32 $0x1, s14;
	v17 =	vadd.f32 v63, v17  }
0x10e: {  	p0 =	sne.s32 s14, $0x5  }
.Ltmp3:
0x10f: {  	v17 =	vsub.f32 v17, v18;
	(pc) =	sbr.rel @p0 .LBB2_6-.Ltmp3, $3  }
0x110: {  	_ = 	snop  }
0x111: {  	v17 =	vmul.f32 $5.000000000e-01, v17;
	_ =	sdelay $0x1  }
0x112: {  	s15 =	sadd.s32 $0x1100, s15;
	[tilespmem:s6+$0x14D70] =	vst v17  }
0x113: {  	s14 =	simm.s32 $0x0;
	s1 =	rddreg [dreg:$0x5];
	s6 =	simm.s32 $0x14D70  }
0x114: {  	[hbm4b:s1+s14] =	stream.linear.scatter [tilespmem:s6], [sflag:$0x8], $0x50, $0x38;
	[tilespmem:$0x14F90] =	vst v63  }
0x115: {  	s19 =	simm.s32 $0x140  }
0x116: {  	[tilespmem:s23], [sflag:$0x2] =	stream.indirect.gather [hbm4b:s3+s21], $0x110, s19, s21, $0xb8;
	[tilespmem:$0x14F90] =	vst v63  }
0x117: {  	_ =	swait.ge [sflag:s26], $0x5500  }
0x118: {  	[sflag:s26] =	ssyncset.done $0x0  }
0x119: {  	s29 =	simm.s32 $0x2800;
	[sflag:s26] =	ssyncadd.s32 $0xFFFFAB00  }
0x11a: {  	[tilespmem:s22], [sflag:$0x4] =	stream.indirect.gather.add.f32 [hbm:s3], $0x110, s29, s21, $0xb8;
	[tilespmem:$0x14F90] =	vst v63  }
0x11b: {  	_ =	swait.ge [sflag:s20], $0x5500  }
0x11c: {  	[sflag:s20] =	ssyncset.done $0x0  }
0x11d: {  	s15 =	simm.s32 $0xF8A0;
	[sflag:s20] =	ssyncadd.s32 $0xFFFFAB00  }
.LBB2_10:
0x11e: {  	v17 =	vld [tilespmem:s15+$0xFFFFFF80];
	s6 =	sshll.u32 s14, $0x4  }
0x11f: {  	v18 =	vld [tilespmem:s15+$0xFFFFFF90];
	s7 =	simm.s32 $0x60;
	s13 =	smov.u32 s15;
	s16 =	simm.s32 $0x0  }
.LBB2_11:
0x120: {  	p0 =	sne.s32 s7, $0x5A0  }
0x121: {  	v19 =	vld [tilespmem:s13+$0xFFFFFFA0];
	_ =	sdelay $0x1  }
0x122: {  	v20 =	vld [tilespmem:s13+$0xFFFFFFB0]  }
0x123: {  	v17 =	vmul.f32 v17, v17;
	v18 =	vmul.f32 v18, v18  }
0x124: {  	v21 =	vld [tilespmem:s13+$0xFFFFFFC0]  }
0x125: {  	v17 =	vadd.f32 v18, v17;
	v18 =	vmul.f32 v19, v19  }
0x126: {  	v19 =	vld [tilespmem:s13+$0xFFFFFFD0]  }
0x127: {  	v17 =	vadd.f32 v18, v17;
	v18 =	vmul.f32 v20, v20  }
0x128: {  	v20 =	vld [tilespmem:s13+$0xFFFFFFE0]  }
0x129: {  	v17 =	vadd.f32 v18, v17;
	v18 =	vmul.f32 v21, v21  }
0x12a: {  	v21 =	vld [tilespmem:s13+$0xFFFFFFF0]  }
0x12b: {  	v17 =	vadd.f32 v18, v17;
	v18 =	vmul.f32 v19, v19  }
0x12c: {  	v19 =	vld [tilespmem:s13+$0x0]  }
0x12d: {  	v17 =	vadd.f32 v18, v17;
	v18 =	vmul.f32 v20, v20  }
0x12e: {  	v20 =	vld [tilespmem:s13+$0x10]  }
0x12f: {  	v17 =	vadd.f32 v18, v17;
	v18 =	vmul.f32 v21, v21  }
0x130: {  	v21 =	vld [tilespmem:s13+$0x20]  }
0x131: {  	v17 =	vadd.f32 v18, v17;
	v18 =	vmul.f32 v19, v19  }
0x132: {  	v19 =	vld [tilespmem:s13+$0x30]  }
0x133: {  	v17 =	vadd.f32 v18, v17;
	v18 =	vmul.f32 v20, v20  }
0x134: {  	v20 =	vld [tilespmem:s13+$0x40]  }
0x135: {  	v17 =	vadd.f32 v18, v17;
	v18 =	vmul.f32 v21, v21  }
0x136: {  	v21 =	vld [tilespmem:s13+$0x50]  }
0x137: {  	v17 =	vadd.f32 v18, v17;
	v18 =	vmul.f32 v19, v19  }
0x138: {  	v19 =	vld [tilespmem:s13+$0x60]  }
0x139: {  	v17 =	vadd.f32 v18, v17;
	v18 =	vmul.f32 v20, v20  }
0x13a: {  	v20 =	vld [tilespmem:s13+$0x70]  }
0x13b: {  	v17 =	vadd.f32 v18, v17;
	v18 =	vmul.f32 v21, v21;
	_ =	sdelay $0x1  }
0x13c: {  	v17 =	vadd.f32 v18, v17;
	v18 =	vmul.f32 v19, v19;
	_ =	sdelay $0x1  }
0x13d: {  	v17 =	vadd.f32 v18, v17;
	v18 =	vmul.f32 v20, v20;
	_ =	sdelay $0x1  }
.Ltmp4:
0x13e: {  	v17 =	vadd.f32 v18, v17;
	(pc) =	sbr.rel @p0 .LBB2_11-.Ltmp4, $4  }
0x13f: {  	s1 =	sshra.s32 s16, $0x2;
	s16 =	smov.u32 s7  }
0x140: {  	s13 =	sadd.s32 $0x110, s13;
	[tilespmem:s1+$0x14E10] =	vst v17  }
0x141: {  	v17 =	vld [tilespmem:s13+$0xFFFFFF80]  }
0x142: {  	s7 =	sadd.s32 $0x60, s7;
	v18 =	vld [tilespmem:s13+$0xFFFFFF90]  }
0x143: {  	_ = 	snop  }
0x144: {  	v19 =	vld [tilespmem:s13+$0xFFFFFFA0];
	_ =	sdelay $0x1  }
0x145: {  	v20 =	vld [tilespmem:s13+$0xFFFFFFB0]  }
0x146: {  	v17 =	vmul.f32 v17, v17;
	v18 =	vmul.f32 v18, v18  }
0x147: {  	v21 =	vld [tilespmem:s13+$0xFFFFFFC0]  }
0x148: {  	v17 =	vadd.f32 v18, v17;
	v18 =	vmul.f32 v19, v19  }
0x149: {  	v19 =	vld [tilespmem:s13+$0xFFFFFFD0]  }
0x14a: {  	v17 =	vadd.f32 v18, v17;
	v18 =	vmul.f32 v20, v20  }
0x14b: {  	v50 =	vld [tilespmem:s13+$0xFFFFFFE0]  }
0x14c: {  	v17 =	vadd.f32 v18, v17;
	v18 =	vmul.f32 v21, v21  }
0x14d: {  	v51 =	vld [tilespmem:s13+$0xFFFFFFF0]  }
0x14e: {  	v17 =	vadd.f32 v18, v17;
	v18 =	vmul.f32 v19, v19  }
0x14f: {  	v19 =	vld [tilespmem:s13+$0x0]  }
0x150: {  	v17 =	vadd.f32 v18, v17;
	v18 =	vmul.f32 v50, v50  }
0x151: {  	v52 =	vld [tilespmem:s13+$0x10]  }
0x152: {  	v17 =	vadd.f32 v18, v17;
	v18 =	vmul.f32 v51, v51  }
0x153: {  	v53 =	vld [tilespmem:s13+$0x20]  }
0x154: {  	v17 =	vadd.f32 v18, v17;
	v18 =	vmul.f32 v19, v19  }
0x155: {  	v19 =	vld [tilespmem:s13+$0x30]  }
0x156: {  	v17 =	vadd.f32 v18, v17;
	v18 =	vmul.f32 v52, v52  }
0x157: {  	v54 =	vld [tilespmem:s13+$0x40]  }
0x158: {  	v17 =	vadd.f32 v18, v17;
	v18 =	vmul.f32 v53, v53  }
0x159: {  	v55 =	vld [tilespmem:s13+$0x50]  }
0x15a: {  	v17 =	vadd.f32 v18, v17;
	v18 =	vmul.f32 v19, v19  }
0x15b: {  	v19 =	vld [tilespmem:s13+$0x60]  }
0x15c: {  	v17 =	vadd.f32 v18, v17;
	v18 =	vmul.f32 v54, v54  }
0x15d: {  	v56 =	vld [tilespmem:s13+$0x70]  }
0x15e: {  	v17 =	vadd.f32 v18, v17;
	v18 =	vmul.f32 v55, v55;
	_ =	sdelay $0x1  }
0x15f: {  	v17 =	vadd.f32 v18, v17;
	v18 =	vmul.f32 v19, v19;
	_ =	sdelay $0x1  }
0x160: {  	v17 =	vadd.f32 v18, v17;
	v18 =	vmul.f32 v56, v56;
	_ =	sdelay $0x1  }
0x161: {  	v17 =	vadd.f32 v18, v17  }
0x162: {  	s1 =	sshra.s32 s16, $0x2  }
0x163: {  	[tilespmem:s1+$0x14E10] =	vst v17  }
0x164: {  	v17 =	vld.idx.msk [tilespmem:v0+s31+$0x0], $0xffff;
	_ =	sdelay $0x1  }
0x165: {  	v18 =	vld.idx.msk [tilespmem:v2+s31+$0x0], $0xffff;
	_ =	sdelay $0x1  }
0x166: {  	v19 =	vld.idx.msk [tilespmem:v3+s31+$0x0], $0xffff  }
0x167: {  	v17 =	vadd.f32 $0.0e+00, v17  }
0x168: {  	v57 =	vld.idx.msk [tilespmem:v4+s31+$0x0], $0xffff  }
0x169: {  	v17 =	vadd.f32 v18, v17  }
0x16a: {  	v18 =	vld.idx.msk [tilespmem:v5+s31+$0x0], $0xffff  }
0x16b: {  	v17 =	vadd.f32 v19, v17  }
0x16c: {  	v19 =	vld.idx.msk [tilespmem:v6+s31+$0x0], $0xffff  }
0x16d: {  	v17 =	vadd.f32 v57, v17  }
0x16e: {  	v58 =	vld.idx.msk [tilespmem:v7+s31+$0x0], $0xffff  }
0x16f: {  	v17 =	vadd.f32 v18, v17  }
0x170: {  	v18 =	vld.idx.msk [tilespmem:v8+s31+$0x0], $0xffff  }
0x171: {  	v17 =	vadd.f32 v19, v17  }
0x172: {  	v19 =	vld.idx.msk [tilespmem:v9+s31+$0x0], $0xffff  }
0x173: {  	v17 =	vadd.f32 v58, v17  }
0x174: {  	v59 =	vld.idx.msk [tilespmem:v10+s31+$0x0], $0xffff  }
0x175: {  	v17 =	vadd.f32 v18, v17  }
0x176: {  	v18 =	vld.idx.msk [tilespmem:v11+s31+$0x0], $0xffff  }
0x177: {  	v17 =	vadd.f32 v19, v17  }
0x178: {  	v60 =	vld.idx.msk [tilespmem:v12+s31+$0x0], $0xffff;
	v19 =	vmov s6  }
0x179: {  	v19 =	vmul.u32 $0x110, v19;
	v17 =	vadd.f32 v59, v17  }
0x17a: {  	v61 =	vld.idx.msk [tilespmem:v13+s31+$0x0], $0xffff  }
0x17b: {  	v19 =	vbroadcast v19, $0x0;
	v17 =	vadd.f32 v18, v17  }
0x17c: {  	v18 =	vld.idx.msk [tilespmem:v14+s31+$0x0], $0xffff  }
0x17d: {  	v19 =	vadd.s32 v1, v19;
	v17 =	vadd.f32 v60, v17  }
0x17e: {  	v62 =	vld.idx.msk [tilespmem:v15+s31+$0x0], $0xffff  }
0x17f: {  	v17 =	vadd.f32 v61, v17  }
0x180: {  	v63 =	vld.idx.msk [tilespmem:v16+s31+$0x0], $0xffff  }
0x181: {  	v17 =	vadd.f32 v18, v17  }
0x182: {  	v18 =	vld.idx.msk [tilespmem:v19+s25+$0x0], $0xffff  }
0x183: {  	v17 =	vadd.f32 v62, v17;
	_ =	sdelay $0x1  }
0x184: {  	s14 =	sadd.s32 $0x1, s14;
	v17 =	vadd.f32 v63, v17  }
0x185: {  	p0 =	sne.s32 s14, $0x5  }
.Ltmp5:
0x186: {  	v17 =	vsub.f32 v17, v18;
	(pc) =	sbr.rel @p0 .LBB2_10-.Ltmp5, $3  }
0x187: {  	_ = 	snop  }
0x188: {  	v17 =	vmul.f32 $5.000000000e-01, v17;
	_ =	sdelay $0x1  }
0x189: {  	s15 =	sadd.s32 $0x1100, s15;
	[tilespmem:s6+$0x14DC0] =	vst v17  }
0x18a: {  	s14 =	simm.s32 $0x0;
	s1 =	rddreg [dreg:$0x6];
	s6 =	simm.s32 $0x14DC0  }
0x18b: {  	[hbm4b:s1+s14] =	stream.linear.scatter [tilespmem:s6], [sflag:$0x9], $0x50, $0x38;
	[tilespmem:$0x14F90] =	vst v63  }
0x18c: {  	s19 =	simm.s32 $0x190  }
0x18d: {  	[tilespmem:s25], [sflag:$0x3] =	stream.indirect.gather [hbm4b:s3+s21], $0x110, s19, s21, $0xb8;
	[tilespmem:$0x14F90] =	vst v63  }
0x18e: {  	_ =	swait.ge [sflag:s28], $0x5500  }
0x18f: {  	[sflag:s28] =	ssyncset.done $0x0  }
0x190: {  	s29 =	simm.s32 $0x2850;
	[sflag:s28] =	ssyncadd.s32 $0xFFFFAB00  }
0x191: {  	[tilespmem:s23], [sflag:$0x5] =	stream.indirect.gather.add.f32 [hbm:s3], $0x110, s29, s21, $0xb8;
	[tilespmem:$0x14F90] =	vst v63  }
.LBB2_14:
0x192: {  	_ =	swait.ge [sflag:s30], $0x5500  }
0x193: {  	[sflag:s30] =	ssyncset.done $0x0  }
0x194: {  	[sflag:s30] =	ssyncadd.s32 $0xFFFFAB00  }
0x195: {  	_ =	swait.ge [sflag:s8], $0x50  }
0x196: {  	[sflag:s8] =	ssyncset.done $0x0  }
0x197: {  	s15 =	simm.s32 $0x4EA0;
	s16 =	simm.s32 $0x0;
	[sflag:s8] =	ssyncadd.s32 $0xFFFFFFB0  }
.LBB2_15:
0x198: {  	v17 =	vld [tilespmem:s15+$0xFFFFFF80];
	s6 =	sshll.u32 s16, $0x4  }
0x199: {  	s17 =	simm.s32 $0x0;
	v18 =	vld [tilespmem:s15+$0xFFFFFF90];
	s1 =	simm.s32 $0x60;
	s7 =	smov.u32 s15  }
.LBB2_16:
0x19a: {  	p0 =	sne.s32 s1, $0x5A0  }
0x19b: {  	v19 =	vld [tilespmem:s7+$0xFFFFFFA0];
	_ =	sdelay $0x1  }
0x19c: {  	v20 =	vld [tilespmem:s7+$0xFFFFFFB0]  }
0x19d: {  	v17 =	vmul.f32 v17, v17;
	v18 =	vmul.f32 v18, v18  }
0x19e: {  	v21 =	vld [tilespmem:s7+$0xFFFFFFC0]  }
0x19f: {  	v17 =	vadd.f32 v18, v17;
	v18 =	vmul.f32 v19, v19  }
0x1a0: {  	v19 =	vld [tilespmem:s7+$0xFFFFFFD0]  }
0x1a1: {  	v17 =	vadd.f32 v18, v17;
	v18 =	vmul.f32 v20, v20  }
0x1a2: {  	v20 =	vld [tilespmem:s7+$0xFFFFFFE0]  }
0x1a3: {  	v17 =	vadd.f32 v18, v17;
	v18 =	vmul.f32 v21, v21  }
0x1a4: {  	v21 =	vld [tilespmem:s7+$0xFFFFFFF0]  }
0x1a5: {  	v17 =	vadd.f32 v18, v17;
	v18 =	vmul.f32 v19, v19  }
0x1a6: {  	v19 =	vld [tilespmem:s7+$0x0]  }
0x1a7: {  	v17 =	vadd.f32 v18, v17;
	v18 =	vmul.f32 v20, v20  }
0x1a8: {  	v20 =	vld [tilespmem:s7+$0x10]  }
0x1a9: {  	v17 =	vadd.f32 v18, v17;
	v18 =	vmul.f32 v21, v21  }
0x1aa: {  	v21 =	vld [tilespmem:s7+$0x20]  }
0x1ab: {  	v17 =	vadd.f32 v18, v17;
	v18 =	vmul.f32 v19, v19  }
0x1ac: {  	v19 =	vld [tilespmem:s7+$0x30]  }
0x1ad: {  	v17 =	vadd.f32 v18, v17;
	v18 =	vmul.f32 v20, v20  }
0x1ae: {  	v20 =	vld [tilespmem:s7+$0x40]  }
0x1af: {  	v17 =	vadd.f32 v18, v17;
	v18 =	vmul.f32 v21, v21  }
0x1b0: {  	v21 =	vld [tilespmem:s7+$0x50]  }
0x1b1: {  	v17 =	vadd.f32 v18, v17;
	v18 =	vmul.f32 v19, v19  }
0x1b2: {  	v19 =	vld [tilespmem:s7+$0x60]  }
0x1b3: {  	v17 =	vadd.f32 v18, v17;
	v18 =	vmul.f32 v20, v20  }
0x1b4: {  	v20 =	vld [tilespmem:s7+$0x70]  }
0x1b5: {  	v17 =	vadd.f32 v18, v17;
	v18 =	vmul.f32 v21, v21;
	_ =	sdelay $0x1  }
0x1b6: {  	v17 =	vadd.f32 v18, v17;
	v18 =	vmul.f32 v19, v19;
	_ =	sdelay $0x1  }
0x1b7: {  	v17 =	vadd.f32 v18, v17;
	v18 =	vmul.f32 v20, v20;
	_ =	sdelay $0x1  }
.Ltmp6:
0x1b8: {  	v17 =	vadd.f32 v18, v17;
	(pc) =	sbr.rel @p0 .LBB2_16-.Ltmp6, $4  }
0x1b9: {  	s13 =	sshra.s32 s17, $0x2;
	s17 =	smov.u32 s1  }
0x1ba: {  	s7 =	sadd.s32 $0x110, s7;
	[tilespmem:s13+$0x14E10] =	vst v17  }
0x1bb: {  	v17 =	vld [tilespmem:s7+$0xFFFFFF80]  }
0x1bc: {  	s1 =	sadd.s32 $0x60, s1;
	v18 =	vld [tilespmem:s7+$0xFFFFFF90]  }
0x1bd: {  	_ = 	snop  }
0x1be: {  	v19 =	vld [tilespmem:s7+$0xFFFFFFA0];
	_ =	sdelay $0x1  }
0x1bf: {  	v20 =	vld [tilespmem:s7+$0xFFFFFFB0]  }
0x1c0: {  	v17 =	vmul.f32 v17, v17;
	v18 =	vmul.f32 v18, v18  }
0x1c1: {  	v21 =	vld [tilespmem:s7+$0xFFFFFFC0]  }
0x1c2: {  	v17 =	vadd.f32 v18, v17;
	v18 =	vmul.f32 v19, v19  }
0x1c3: {  	v19 =	vld [tilespmem:s7+$0xFFFFFFD0]  }
0x1c4: {  	v17 =	vadd.f32 v18, v17;
	v18 =	vmul.f32 v20, v20  }
0x1c5: {  	v50 =	vld [tilespmem:s7+$0xFFFFFFE0]  }
0x1c6: {  	v17 =	vadd.f32 v18, v17;
	v18 =	vmul.f32 v21, v21  }
0x1c7: {  	v51 =	vld [tilespmem:s7+$0xFFFFFFF0]  }
0x1c8: {  	v17 =	vadd.f32 v18, v17;
	v18 =	vmul.f32 v19, v19  }
0x1c9: {  	v19 =	vld [tilespmem:s7+$0x0]  }
0x1ca: {  	v17 =	vadd.f32 v18, v17;
	v18 =	vmul.f32 v50, v50  }
0x1cb: {  	v52 =	vld [tilespmem:s7+$0x10]  }
0x1cc: {  	v17 =	vadd.f32 v18, v17;
	v18 =	vmul.f32 v51, v51  }
0x1cd: {  	v53 =	vld [tilespmem:s7+$0x20]  }
0x1ce: {  	v17 =	vadd.f32 v18, v17;
	v18 =	vmul.f32 v19, v19  }
0x1cf: {  	v19 =	vld [tilespmem:s7+$0x30]  }
0x1d0: {  	v17 =	vadd.f32 v18, v17;
	v18 =	vmul.f32 v52, v52  }
0x1d1: {  	v54 =	vld [tilespmem:s7+$0x40]  }
0x1d2: {  	v17 =	vadd.f32 v18, v17;
	v18 =	vmul.f32 v53, v53  }
0x1d3: {  	v55 =	vld [tilespmem:s7+$0x50]  }
0x1d4: {  	v17 =	vadd.f32 v18, v17;
	v18 =	vmul.f32 v19, v19  }
0x1d5: {  	v19 =	vld [tilespmem:s7+$0x60]  }
0x1d6: {  	v17 =	vadd.f32 v18, v17;
	v18 =	vmul.f32 v54, v54  }
0x1d7: {  	v56 =	vld [tilespmem:s7+$0x70]  }
0x1d8: {  	v17 =	vadd.f32 v18, v17;
	v18 =	vmul.f32 v55, v55;
	_ =	sdelay $0x1  }
0x1d9: {  	v17 =	vadd.f32 v18, v17;
	v18 =	vmul.f32 v19, v19;
	_ =	sdelay $0x1  }
0x1da: {  	v17 =	vadd.f32 v18, v17;
	v18 =	vmul.f32 v56, v56;
	_ =	sdelay $0x1  }
0x1db: {  	v17 =	vadd.f32 v18, v17  }
0x1dc: {  	s1 =	sshra.s32 s17, $0x2  }
0x1dd: {  	[tilespmem:s1+$0x14E10] =	vst v17  }
0x1de: {  	v17 =	vld.idx.msk [tilespmem:v0+s31+$0x0], $0xffff;
	_ =	sdelay $0x1  }
0x1df: {  	v18 =	vld.idx.msk [tilespmem:v2+s31+$0x0], $0xffff;
	_ =	sdelay $0x1  }
0x1e0: {  	v19 =	vld.idx.msk [tilespmem:v3+s31+$0x0], $0xffff  }
0x1e1: {  	v17 =	vadd.f32 $0.0e+00, v17  }
0x1e2: {  	v57 =	vld.idx.msk [tilespmem:v4+s31+$0x0], $0xffff  }
0x1e3: {  	v17 =	vadd.f32 v18, v17  }
0x1e4: {  	v18 =	vld.idx.msk [tilespmem:v5+s31+$0x0], $0xffff  }
0x1e5: {  	v17 =	vadd.f32 v19, v17  }
0x1e6: {  	v19 =	vld.idx.msk [tilespmem:v6+s31+$0x0], $0xffff  }
0x1e7: {  	v17 =	vadd.f32 v57, v17  }
0x1e8: {  	v58 =	vld.idx.msk [tilespmem:v7+s31+$0x0], $0xffff  }
0x1e9: {  	v17 =	vadd.f32 v18, v17  }
0x1ea: {  	v18 =	vld.idx.msk [tilespmem:v8+s31+$0x0], $0xffff  }
0x1eb: {  	v17 =	vadd.f32 v19, v17  }
0x1ec: {  	v19 =	vld.idx.msk [tilespmem:v9+s31+$0x0], $0xffff  }
0x1ed: {  	v17 =	vadd.f32 v58, v17  }
0x1ee: {  	v59 =	vld.idx.msk [tilespmem:v10+s31+$0x0], $0xffff  }
0x1ef: {  	v17 =	vadd.f32 v18, v17  }
0x1f0: {  	v18 =	vld.idx.msk [tilespmem:v11+s31+$0x0], $0xffff  }
0x1f1: {  	v17 =	vadd.f32 v19, v17  }
0x1f2: {  	v60 =	vld.idx.msk [tilespmem:v12+s31+$0x0], $0xffff;
	v19 =	vmov s6  }
0x1f3: {  	v19 =	vmul.u32 $0x110, v19;
	v17 =	vadd.f32 v59, v17  }
0x1f4: {  	v61 =	vld.idx.msk [tilespmem:v13+s31+$0x0], $0xffff  }
0x1f5: {  	v19 =	vbroadcast v19, $0x0;
	v17 =	vadd.f32 v18, v17  }
0x1f6: {  	v18 =	vld.idx.msk [tilespmem:v14+s31+$0x0], $0xffff  }
0x1f7: {  	v19 =	vadd.s32 v1, v19;
	v17 =	vadd.f32 v60, v17  }
0x1f8: {  	v62 =	vld.idx.msk [tilespmem:v15+s31+$0x0], $0xffff  }
0x1f9: {  	v17 =	vadd.f32 v61, v17  }
0x1fa: {  	v63 =	vld.idx.msk [tilespmem:v16+s31+$0x0], $0xffff  }
0x1fb: {  	v17 =	vadd.f32 v18, v17  }
0x1fc: {  	v18 =	vld.idx.msk [tilespmem:v19+s22+$0x0], $0xffff  }
0x1fd: {  	v17 =	vadd.f32 v62, v17;
	_ =	sdelay $0x1  }
0x1fe: {  	s16 =	sadd.s32 $0x1, s16;
	v17 =	vadd.f32 v63, v17  }
0x1ff: {  	p0 =	sne.s32 s16, $0x5  }
.Ltmp7:
0x200: {  	v17 =	vsub.f32 v17, v18;
	(pc) =	sbr.rel @p0 .LBB2_15-.Ltmp7, $3  }
0x201: {  	_ = 	snop  }
0x202: {  	v17 =	vmul.f32 $5.000000000e-01, v17;
	_ =	sdelay $0x1  }
0x203: {  	s15 =	sadd.s32 $0x1100, s15;
	[tilespmem:s6+$0x14D20] =	vst v17  }
0x204: {  	s16 =	smul.u32 $0xF0, s14;
	_ =	sdelay $0x1  }
0x205: {  	s1 =	sadd.s32 s16, s11  }
0x206: {  	s1 =	sshrl.u32 s1, $0x3  }
0x207: {  	s18 =	simm.s32 $0x0;
	s6 =	simm.s32 $0x14D20;
	s1 =	sadd.s32 s5, s1  }
0x208: {  	[hbm4b:s1+s18] =	stream.linear.scatter [tilespmem:s6], [sflag:$0x7], $0x50, $0x38;
	[tilespmem:$0x14F90] =	vst v63  }
0x209: {  	s17 =	sadd.s32 $0x1E0, s16  }
0x20a: {  	[tilespmem:s22], [sflag:$0x1] =	stream.indirect.gather [hbm4b:s3+s21], $0x110, s17, s21, $0xb8;
	[tilespmem:$0x14F90] =	vst v63  }
0x20b: {  	_ =	swait.ge [sflag:s24], $0x5500  }
0x20c: {  	[sflag:s24] =	ssyncset.done $0x0  }
0x20d: {  	s29 =	sadd.s32 $0x28A0, s16;
	[sflag:s24] =	ssyncadd.s32 $0xFFFFAB00  }
0x20e: {  	[tilespmem:s25], [sflag:$0x6] =	stream.indirect.gather.add.f32 [hbm:s3], $0x110, s29, s21, $0xb8;
	[tilespmem:$0x14F90] =	vst v63  }
0x20f: {  	_ =	swait.ge [sflag:s0], $0x5500  }
0x210: {  	[sflag:s0] =	ssyncset.done $0x0  }
0x211: {  	[sflag:s0] =	ssyncadd.s32 $0xFFFFAB00  }
0x212: {  	_ =	swait.ge [sflag:s9], $0x50  }
0x213: {  	[sflag:s9] =	ssyncset.done $0x0  }
0x214: {  	s7 =	simm.s32 $0xA3A0;
	s15 =	sadd.s32 $0x190, s16;
	[sflag:s9] =	ssyncadd.s32 $0xFFFFFFB0  }
.LBB2_19:
0x215: {  	v17 =	vld [tilespmem:s7+$0xFFFFFF80];
	s19 =	sshll.u32 s18, $0x4  }
0x216: {  	v18 =	vld [tilespmem:s7+$0xFFFFFF90];
	s1 =	simm.s32 $0x60;
	s6 =	smov.u32 s7;
	s13 =	simm.s32 $0x0  }
.LBB2_20:
0x217: {  	p0 =	sne.s32 s1, $0x5A0  }
0x218: {  	v19 =	vld [tilespmem:s6+$0xFFFFFFA0];
	_ =	sdelay $0x1  }
0x219: {  	v20 =	vld [tilespmem:s6+$0xFFFFFFB0]  }
0x21a: {  	v17 =	vmul.f32 v17, v17;
	v18 =	vmul.f32 v18, v18  }
0x21b: {  	v21 =	vld [tilespmem:s6+$0xFFFFFFC0]  }
0x21c: {  	v17 =	vadd.f32 v18, v17;
	v18 =	vmul.f32 v19, v19  }
0x21d: {  	v19 =	vld [tilespmem:s6+$0xFFFFFFD0]  }
0x21e: {  	v17 =	vadd.f32 v18, v17;
	v18 =	vmul.f32 v20, v20  }
0x21f: {  	v20 =	vld [tilespmem:s6+$0xFFFFFFE0]  }
0x220: {  	v17 =	vadd.f32 v18, v17;
	v18 =	vmul.f32 v21, v21  }
0x221: {  	v21 =	vld [tilespmem:s6+$0xFFFFFFF0]  }
0x222: {  	v17 =	vadd.f32 v18, v17;
	v18 =	vmul.f32 v19, v19  }
0x223: {  	v19 =	vld [tilespmem:s6+$0x0]  }
0x224: {  	v17 =	vadd.f32 v18, v17;
	v18 =	vmul.f32 v20, v20  }
0x225: {  	v20 =	vld [tilespmem:s6+$0x10]  }
0x226: {  	v17 =	vadd.f32 v18, v17;
	v18 =	vmul.f32 v21, v21  }
0x227: {  	v21 =	vld [tilespmem:s6+$0x20]  }
0x228: {  	v17 =	vadd.f32 v18, v17;
	v18 =	vmul.f32 v19, v19  }
0x229: {  	v19 =	vld [tilespmem:s6+$0x30]  }
0x22a: {  	v17 =	vadd.f32 v18, v17;
	v18 =	vmul.f32 v20, v20  }
0x22b: {  	v20 =	vld [tilespmem:s6+$0x40]  }
0x22c: {  	v17 =	vadd.f32 v18, v17;
	v18 =	vmul.f32 v21, v21  }
0x22d: {  	v21 =	vld [tilespmem:s6+$0x50]  }
0x22e: {  	v17 =	vadd.f32 v18, v17;
	v18 =	vmul.f32 v19, v19  }
0x22f: {  	v19 =	vld [tilespmem:s6+$0x60]  }
0x230: {  	v17 =	vadd.f32 v18, v17;
	v18 =	vmul.f32 v20, v20  }
0x231: {  	v20 =	vld [tilespmem:s6+$0x70]  }
0x232: {  	v17 =	vadd.f32 v18, v17;
	v18 =	vmul.f32 v21, v21;
	_ =	sdelay $0x1  }
0x233: {  	v17 =	vadd.f32 v18, v17;
	v18 =	vmul.f32 v19, v19;
	_ =	sdelay $0x1  }
0x234: {  	v17 =	vadd.f32 v18, v17;
	v18 =	vmul.f32 v20, v20;
	_ =	sdelay $0x1  }
.Ltmp8:
0x235: {  	v17 =	vadd.f32 v18, v17;
	(pc) =	sbr.rel @p0 .LBB2_20-.Ltmp8, $4  }
0x236: {  	s29 =	sshra.s32 s13, $0x2;
	s13 =	smov.u32 s1  }
0x237: {  	s6 =	sadd.s32 $0x110, s6;
	[tilespmem:s29+$0x14E10] =	vst v17  }
0x238: {  	v17 =	vld [tilespmem:s6+$0xFFFFFF80]  }
0x239: {  	s1 =	sadd.s32 $0x60, s1;
	v18 =	vld [tilespmem:s6+$0xFFFFFF90]  }
0x23a: {  	_ = 	snop  }
0x23b: {  	v19 =	vld [tilespmem:s6+$0xFFFFFFA0];
	_ =	sdelay $0x1  }
0x23c: {  	v20 =	vld [tilespmem:s6+$0xFFFFFFB0]  }
0x23d: {  	v17 =	vmul.f32 v17, v17;
	v18 =	vmul.f32 v18, v18  }
0x23e: {  	v21 =	vld [tilespmem:s6+$0xFFFFFFC0]  }
0x23f: {  	v17 =	vadd.f32 v18, v17;
	v18 =	vmul.f32 v19, v19  }
0x240: {  	v19 =	vld [tilespmem:s6+$0xFFFFFFD0]  }
0x241: {  	v17 =	vadd.f32 v18, v17;
	v18 =	vmul.f32 v20, v20  }
0x242: {  	v50 =	vld [tilespmem:s6+$0xFFFFFFE0]  }
0x243: {  	v17 =	vadd.f32 v18, v17;
	v18 =	vmul.f32 v21, v21  }
0x244: {  	v51 =	vld [tilespmem:s6+$0xFFFFFFF0]  }
0x245: {  	v17 =	vadd.f32 v18, v17;
	v18 =	vmul.f32 v19, v19  }
0x246: {  	v19 =	vld [tilespmem:s6+$0x0]  }
0x247: {  	v17 =	vadd.f32 v18, v17;
	v18 =	vmul.f32 v50, v50  }
0x248: {  	v52 =	vld [tilespmem:s6+$0x10]  }
0x249: {  	v17 =	vadd.f32 v18, v17;
	v18 =	vmul.f32 v51, v51  }
0x24a: {  	v53 =	vld [tilespmem:s6+$0x20]  }
0x24b: {  	v17 =	vadd.f32 v18, v17;
	v18 =	vmul.f32 v19, v19  }
0x24c: {  	v19 =	vld [tilespmem:s6+$0x30]  }
0x24d: {  	v17 =	vadd.f32 v18, v17;
	v18 =	vmul.f32 v52, v52  }
0x24e: {  	v54 =	vld [tilespmem:s6+$0x40]  }
0x24f: {  	v17 =	vadd.f32 v18, v17;
	v18 =	vmul.f32 v53, v53  }
0x250: {  	v55 =	vld [tilespmem:s6+$0x50]  }
0x251: {  	v17 =	vadd.f32 v18, v17;
	v18 =	vmul.f32 v19, v19  }
0x252: {  	v19 =	vld [tilespmem:s6+$0x60]  }
0x253: {  	v17 =	vadd.f32 v18, v17;
	v18 =	vmul.f32 v54, v54  }
0x254: {  	v56 =	vld [tilespmem:s6+$0x70]  }
0x255: {  	v17 =	vadd.f32 v18, v17;
	v18 =	vmul.f32 v55, v55;
	_ =	sdelay $0x1  }
0x256: {  	v17 =	vadd.f32 v18, v17;
	v18 =	vmul.f32 v19, v19;
	_ =	sdelay $0x1  }
0x257: {  	v17 =	vadd.f32 v18, v17;
	v18 =	vmul.f32 v56, v56;
	_ =	sdelay $0x1  }
0x258: {  	v17 =	vadd.f32 v18, v17  }
0x259: {  	s1 =	sshra.s32 s13, $0x2  }
0x25a: {  	[tilespmem:s1+$0x14E10] =	vst v17  }
0x25b: {  	v17 =	vld.idx.msk [tilespmem:v0+s31+$0x0], $0xffff;
	_ =	sdelay $0x1  }
0x25c: {  	v18 =	vld.idx.msk [tilespmem:v2+s31+$0x0], $0xffff;
	_ =	sdelay $0x1  }
0x25d: {  	v19 =	vld.idx.msk [tilespmem:v3+s31+$0x0], $0xffff  }
0x25e: {  	v17 =	vadd.f32 $0.0e+00, v17  }
0x25f: {  	v57 =	vld.idx.msk [tilespmem:v4+s31+$0x0], $0xffff  }
0x260: {  	v17 =	vadd.f32 v18, v17  }
0x261: {  	v18 =	vld.idx.msk [tilespmem:v5+s31+$0x0], $0xffff  }
0x262: {  	v17 =	vadd.f32 v19, v17  }
0x263: {  	v19 =	vld.idx.msk [tilespmem:v6+s31+$0x0], $0xffff  }
0x264: {  	v17 =	vadd.f32 v57, v17  }
0x265: {  	v58 =	vld.idx.msk [tilespmem:v7+s31+$0x0], $0xffff  }
0x266: {  	v17 =	vadd.f32 v18, v17  }
0x267: {  	v18 =	vld.idx.msk [tilespmem:v8+s31+$0x0], $0xffff  }
0x268: {  	v17 =	vadd.f32 v19, v17  }
0x269: {  	v19 =	vld.idx.msk [tilespmem:v9+s31+$0x0], $0xffff  }
0x26a: {  	v17 =	vadd.f32 v58, v17  }
0x26b: {  	v59 =	vld.idx.msk [tilespmem:v10+s31+$0x0], $0xffff  }
0x26c: {  	v17 =	vadd.f32 v18, v17  }
0x26d: {  	v18 =	vld.idx.msk [tilespmem:v11+s31+$0x0], $0xffff  }
0x26e: {  	v17 =	vadd.f32 v19, v17  }
0x26f: {  	v60 =	vld.idx.msk [tilespmem:v12+s31+$0x0], $0xffff;
	v19 =	vmov s19  }
0x270: {  	v19 =	vmul.u32 $0x110, v19;
	v17 =	vadd.f32 v59, v17  }
0x271: {  	v61 =	vld.idx.msk [tilespmem:v13+s31+$0x0], $0xffff  }
0x272: {  	v19 =	vbroadcast v19, $0x0;
	v17 =	vadd.f32 v18, v17  }
0x273: {  	v18 =	vld.idx.msk [tilespmem:v14+s31+$0x0], $0xffff  }
0x274: {  	v19 =	vadd.s32 v1, v19;
	v17 =	vadd.f32 v60, v17  }
0x275: {  	v62 =	vld.idx.msk [tilespmem:v15+s31+$0x0], $0xffff  }
0x276: {  	v17 =	vadd.f32 v61, v17  }
0x277: {  	v63 =	vld.idx.msk [tilespmem:v16+s31+$0x0], $0xffff  }
0x278: {  	v17 =	vadd.f32 v18, v17  }
0x279: {  	v18 =	vld.idx.msk [tilespmem:v19+s23+$0x0], $0xffff  }
0x27a: {  	v17 =	vadd.f32 v62, v17;
	_ =	sdelay $0x1  }
0x27b: {  	s18 =	sadd.s32 $0x1, s18;
	v17 =	vadd.f32 v63, v17  }
0x27c: {  	p0 =	sne.s32 s18, $0x5  }
.Ltmp9:
0x27d: {  	v17 =	vsub.f32 v17, v18;
	(pc) =	sbr.rel @p0 .LBB2_19-.Ltmp9, $3  }
0x27e: {  	_ = 	snop  }
0x27f: {  	v17 =	vmul.f32 $5.000000000e-01, v17;
	_ =	sdelay $0x1  }
0x280: {  	s7 =	sadd.s32 $0x1100, s7;
	[tilespmem:s19+$0x14D70] =	vst v17  }
0x281: {  	s1 =	sadd.s32 s16, s12  }
0x282: {  	s1 =	sshrl.u32 s1, $0x3  }
0x283: {  	s18 =	simm.s32 $0x0;
	s6 =	simm.s32 $0x14D70;
	s1 =	sadd.s32 s5, s1  }
0x284: {  	[hbm4b:s1+s18] =	stream.linear.scatter [tilespmem:s6], [sflag:$0x8], $0x50, $0x38;
	[tilespmem:$0x14F90] =	vst v63  }
0x285: {  	s16 =	sadd.s32 $0x230, s16  }
0x286: {  	[tilespmem:s23], [sflag:$0x2] =	stream.indirect.gather [hbm4b:s3+s21], $0x110, s16, s21, $0xb8;
	[tilespmem:$0x14F90] =	vst v63  }
0x287: {  	_ =	swait.ge [sflag:s26], $0x5500  }
0x288: {  	[sflag:s26] =	ssyncset.done $0x0  }
0x289: {  	s29 =	sadd.s32 $0x2710, s17;
	[sflag:s26] =	ssyncadd.s32 $0xFFFFAB00  }
0x28a: {  	[tilespmem:s22], [sflag:$0x4] =	stream.indirect.gather.add.f32 [hbm:s3], $0x110, s29, s21, $0xb8;
	[tilespmem:$0x14F90] =	vst v63  }
0x28b: {  	_ =	swait.ge [sflag:s20], $0x5500  }
0x28c: {  	[sflag:s20] =	ssyncset.done $0x0  }
0x28d: {  	[sflag:s20] =	ssyncadd.s32 $0xFFFFAB00  }
0x28e: {  	_ =	swait.ge [sflag:s10], $0x50  }
0x28f: {  	[sflag:s10] =	ssyncset.done $0x0  }
0x290: {  	s6 =	simm.s32 $0xF8A0;
	[sflag:s10] =	ssyncadd.s32 $0xFFFFFFB0  }
.LBB2_23:
0x291: {  	v17 =	vld [tilespmem:s6+$0xFFFFFF80];
	s17 =	sshll.u32 s18, $0x4  }
0x292: {  	v18 =	vld [tilespmem:s6+$0xFFFFFF90];
	s1 =	simm.s32 $0x60;
	s7 =	smov.u32 s6;
	s13 =	simm.s32 $0x0  }
.LBB2_24:
0x293: {  	p0 =	sne.s32 s1, $0x5A0  }
0x294: {  	v19 =	vld [tilespmem:s7+$0xFFFFFFA0];
	_ =	sdelay $0x1  }
0x295: {  	v20 =	vld [tilespmem:s7+$0xFFFFFFB0]  }
0x296: {  	v17 =	vmul.f32 v17, v17;
	v18 =	vmul.f32 v18, v18  }
0x297: {  	v21 =	vld [tilespmem:s7+$0xFFFFFFC0]  }
0x298: {  	v17 =	vadd.f32 v18, v17;
	v18 =	vmul.f32 v19, v19  }
0x299: {  	v19 =	vld [tilespmem:s7+$0xFFFFFFD0]  }
0x29a: {  	v17 =	vadd.f32 v18, v17;
	v18 =	vmul.f32 v20, v20  }
0x29b: {  	v20 =	vld [tilespmem:s7+$0xFFFFFFE0]  }
0x29c: {  	v17 =	vadd.f32 v18, v17;
	v18 =	vmul.f32 v21, v21  }
0x29d: {  	v21 =	vld [tilespmem:s7+$0xFFFFFFF0]  }
0x29e: {  	v17 =	vadd.f32 v18, v17;
	v18 =	vmul.f32 v19, v19  }
0x29f: {  	v19 =	vld [tilespmem:s7+$0x0]  }
0x2a0: {  	v17 =	vadd.f32 v18, v17;
	v18 =	vmul.f32 v20, v20  }
0x2a1: {  	v20 =	vld [tilespmem:s7+$0x10]  }
0x2a2: {  	v17 =	vadd.f32 v18, v17;
	v18 =	vmul.f32 v21, v21  }
0x2a3: {  	v21 =	vld [tilespmem:s7+$0x20]  }
0x2a4: {  	v17 =	vadd.f32 v18, v17;
	v18 =	vmul.f32 v19, v19  }
0x2a5: {  	v19 =	vld [tilespmem:s7+$0x30]  }
0x2a6: {  	v17 =	vadd.f32 v18, v17;
	v18 =	vmul.f32 v20, v20  }
0x2a7: {  	v20 =	vld [tilespmem:s7+$0x40]  }
0x2a8: {  	v17 =	vadd.f32 v18, v17;
	v18 =	vmul.f32 v21, v21  }
0x2a9: {  	v21 =	vld [tilespmem:s7+$0x50]  }
0x2aa: {  	v17 =	vadd.f32 v18, v17;
	v18 =	vmul.f32 v19, v19  }
0x2ab: {  	v19 =	vld [tilespmem:s7+$0x60]  }
0x2ac: {  	v17 =	vadd.f32 v18, v17;
	v18 =	vmul.f32 v20, v20  }
0x2ad: {  	v20 =	vld [tilespmem:s7+$0x70]  }
0x2ae: {  	v17 =	vadd.f32 v18, v17;
	v18 =	vmul.f32 v21, v21;
	_ =	sdelay $0x1  }
0x2af: {  	v17 =	vadd.f32 v18, v17;
	v18 =	vmul.f32 v19, v19;
	_ =	sdelay $0x1  }
0x2b0: {  	v17 =	vadd.f32 v18, v17;
	v18 =	vmul.f32 v20, v20;
	_ =	sdelay $0x1  }
.Ltmp10:
0x2b1: {  	v17 =	vadd.f32 v18, v17;
	(pc) =	sbr.rel @p0 .LBB2_24-.Ltmp10, $4  }
0x2b2: {  	s19 =	sshra.s32 s13, $0x2;
	s13 =	smov.u32 s1  }
0x2b3: {  	s7 =	sadd.s32 $0x110, s7;
	[tilespmem:s19+$0x14E10] =	vst v17  }
0x2b4: {  	v17 =	vld [tilespmem:s7+$0xFFFFFF80]  }
0x2b5: {  	s1 =	sadd.s32 $0x60, s1;
	v18 =	vld [tilespmem:s7+$0xFFFFFF90]  }
0x2b6: {  	_ = 	snop  }
0x2b7: {  	v19 =	vld [tilespmem:s7+$0xFFFFFFA0];
	_ =	sdelay $0x1  }
0x2b8: {  	v20 =	vld [tilespmem:s7+$0xFFFFFFB0]  }
0x2b9: {  	v17 =	vmul.f32 v17, v17;
	v18 =	vmul.f32 v18, v18  }
0x2ba: {  	v21 =	vld [tilespmem:s7+$0xFFFFFFC0]  }
0x2bb: {  	v17 =	vadd.f32 v18, v17;
	v18 =	vmul.f32 v19, v19  }
0x2bc: {  	v19 =	vld [tilespmem:s7+$0xFFFFFFD0]  }
0x2bd: {  	v17 =	vadd.f32 v18, v17;
	v18 =	vmul.f32 v20, v20  }
0x2be: {  	v50 =	vld [tilespmem:s7+$0xFFFFFFE0]  }
0x2bf: {  	v17 =	vadd.f32 v18, v17;
	v18 =	vmul.f32 v21, v21  }
0x2c0: {  	v51 =	vld [tilespmem:s7+$0xFFFFFFF0]  }
0x2c1: {  	v17 =	vadd.f32 v18, v17;
	v18 =	vmul.f32 v19, v19  }
0x2c2: {  	v19 =	vld [tilespmem:s7+$0x0]  }
0x2c3: {  	v17 =	vadd.f32 v18, v17;
	v18 =	vmul.f32 v50, v50  }
0x2c4: {  	v52 =	vld [tilespmem:s7+$0x10]  }
0x2c5: {  	v17 =	vadd.f32 v18, v17;
	v18 =	vmul.f32 v51, v51  }
0x2c6: {  	v53 =	vld [tilespmem:s7+$0x20]  }
0x2c7: {  	v17 =	vadd.f32 v18, v17;
	v18 =	vmul.f32 v19, v19  }
0x2c8: {  	v19 =	vld [tilespmem:s7+$0x30]  }
0x2c9: {  	v17 =	vadd.f32 v18, v17;
	v18 =	vmul.f32 v52, v52  }
0x2ca: {  	v54 =	vld [tilespmem:s7+$0x40]  }
0x2cb: {  	v17 =	vadd.f32 v18, v17;
	v18 =	vmul.f32 v53, v53  }
0x2cc: {  	v55 =	vld [tilespmem:s7+$0x50]  }
0x2cd: {  	v17 =	vadd.f32 v18, v17;
	v18 =	vmul.f32 v19, v19  }
0x2ce: {  	v19 =	vld [tilespmem:s7+$0x60]  }
0x2cf: {  	v17 =	vadd.f32 v18, v17;
	v18 =	vmul.f32 v54, v54  }
0x2d0: {  	v56 =	vld [tilespmem:s7+$0x70]  }
0x2d1: {  	v17 =	vadd.f32 v18, v17;
	v18 =	vmul.f32 v55, v55;
	_ =	sdelay $0x1  }
0x2d2: {  	v17 =	vadd.f32 v18, v17;
	v18 =	vmul.f32 v19, v19;
	_ =	sdelay $0x1  }
0x2d3: {  	v17 =	vadd.f32 v18, v17;
	v18 =	vmul.f32 v56, v56;
	_ =	sdelay $0x1  }
0x2d4: {  	v17 =	vadd.f32 v18, v17  }
0x2d5: {  	s1 =	sshra.s32 s13, $0x2  }
0x2d6: {  	[tilespmem:s1+$0x14E10] =	vst v17  }
0x2d7: {  	v17 =	vld.idx.msk [tilespmem:v0+s31+$0x0], $0xffff;
	_ =	sdelay $0x1  }
0x2d8: {  	v18 =	vld.idx.msk [tilespmem:v2+s31+$0x0], $0xffff;
	_ =	sdelay $0x1  }
0x2d9: {  	v19 =	vld.idx.msk [tilespmem:v3+s31+$0x0], $0xffff  }
0x2da: {  	v17 =	vadd.f32 $0.0e+00, v17  }
0x2db: {  	v57 =	vld.idx.msk [tilespmem:v4+s31+$0x0], $0xffff  }
0x2dc: {  	v17 =	vadd.f32 v18, v17  }
0x2dd: {  	v18 =	vld.idx.msk [tilespmem:v5+s31+$0x0], $0xffff  }
0x2de: {  	v17 =	vadd.f32 v19, v17  }
0x2df: {  	v19 =	vld.idx.msk [tilespmem:v6+s31+$0x0], $0xffff  }
0x2e0: {  	v17 =	vadd.f32 v57, v17  }
0x2e1: {  	v58 =	vld.idx.msk [tilespmem:v7+s31+$0x0], $0xffff  }
0x2e2: {  	v17 =	vadd.f32 v18, v17  }
0x2e3: {  	v18 =	vld.idx.msk [tilespmem:v8+s31+$0x0], $0xffff  }
0x2e4: {  	v17 =	vadd.f32 v19, v17  }
0x2e5: {  	v19 =	vld.idx.msk [tilespmem:v9+s31+$0x0], $0xffff  }
0x2e6: {  	v17 =	vadd.f32 v58, v17  }
0x2e7: {  	v59 =	vld.idx.msk [tilespmem:v10+s31+$0x0], $0xffff  }
0x2e8: {  	v17 =	vadd.f32 v18, v17  }
0x2e9: {  	v18 =	vld.idx.msk [tilespmem:v11+s31+$0x0], $0xffff  }
0x2ea: {  	v17 =	vadd.f32 v19, v17  }
0x2eb: {  	v60 =	vld.idx.msk [tilespmem:v12+s31+$0x0], $0xffff;
	v19 =	vmov s17  }
0x2ec: {  	v19 =	vmul.u32 $0x110, v19;
	v17 =	vadd.f32 v59, v17  }
0x2ed: {  	v61 =	vld.idx.msk [tilespmem:v13+s31+$0x0], $0xffff  }
0x2ee: {  	v19 =	vbroadcast v19, $0x0;
	v17 =	vadd.f32 v18, v17  }
0x2ef: {  	v18 =	vld.idx.msk [tilespmem:v14+s31+$0x0], $0xffff  }
0x2f0: {  	v19 =	vadd.s32 v1, v19;
	v17 =	vadd.f32 v60, v17  }
0x2f1: {  	v62 =	vld.idx.msk [tilespmem:v15+s31+$0x0], $0xffff  }
0x2f2: {  	v17 =	vadd.f32 v61, v17  }
0x2f3: {  	v63 =	vld.idx.msk [tilespmem:v16+s31+$0x0], $0xffff  }
0x2f4: {  	v17 =	vadd.f32 v18, v17  }
0x2f5: {  	v18 =	vld.idx.msk [tilespmem:v19+s25+$0x0], $0xffff  }
0x2f6: {  	v17 =	vadd.f32 v62, v17;
	_ =	sdelay $0x1  }
0x2f7: {  	s18 =	sadd.s32 $0x1, s18;
	v17 =	vadd.f32 v63, v17  }
0x2f8: {  	p0 =	sne.s32 s18, $0x5  }
.Ltmp11:
0x2f9: {  	v17 =	vsub.f32 v17, v18;
	(pc) =	sbr.rel @p0 .LBB2_23-.Ltmp11, $3  }
0x2fa: {  	_ = 	snop  }
0x2fb: {  	v17 =	vmul.f32 $5.000000000e-01, v17;
	_ =	sdelay $0x1  }
0x2fc: {  	s6 =	sadd.s32 $0x1100, s6;
	[tilespmem:s17+$0x14DC0] =	vst v17  }
0x2fd: {  	s1 =	sadd.s32 s4, s15;
	s6 =	smul.u32 $0x3C0, s14  }
0x2fe: {  	s7 =	simm.s32 $0x14DC0;
	s1 =	sshrl.u32 s1, $0x3  }
0x2ff: {  	s14 =	sadd.s32 $0x1, s14;
	s1 =	sadd.s32 s5, s1;
	s19 =	sshra.s32 s6, $0x2  }
0x300: {  	[hbm4b:s1+s2] =	stream.linear.scatter [tilespmem:s7], [sflag:$0x9], $0x50, $0x38;
	[tilespmem:$0x14F90] =	vst v63  }
0x301: {  	p0 =	sne.s32 s14, $0x27;
	s1 =	sadd.s32 $0x280, s19  }
0x302: {  	[tilespmem:s25], [sflag:$0x3] =	stream.indirect.gather [hbm4b:s3+s21], $0x110, s1, s21, $0xb8;
	[tilespmem:$0x14F90] =	vst v63  }
.Ltmp12:
0x303: {  	_ = 	snop;
	(pc) =	sbr.rel @p0 .LBB2_14-.Ltmp12, $4  }
0x304: {  	_ =	swait.ge [sflag:s28], $0x5500  }
0x305: {  	[sflag:s28] =	ssyncset.done $0x0  }
0x306: {  	s29 =	sadd.s32 $0x2710, s16;
	[sflag:s28] =	ssyncadd.s32 $0xFFFFAB00  }
0x307: {  	[tilespmem:s23], [sflag:$0x5] =	stream.indirect.gather.add.f32 [hbm:s3], $0x110, s29, s21, $0xb8;
	[tilespmem:$0x14F90] =	vst v63  }
0x308: {  	_ =	swait.ge [sflag:s30], $0x5500  }
0x309: {  	[sflag:s30] =	ssyncset.done $0x0  }
0x30a: {  	[sflag:s30] =	ssyncadd.s32 $0xFFFFAB00  }
0x30b: {  	_ =	swait.ge [sflag:s8], $0x50  }
0x30c: {  	s14 =	simm.s32 $0x0;
	[sflag:s8] =	ssyncset.done $0x0  }
0x30d: {  	s6 =	simm.s32 $0x4EA0;
	s17 =	simm.s32 $0xA;
	[sflag:s8] =	ssyncadd.s32 $0xFFFFFFB0  }
.LBB2_28:
0x30e: {  	v17 =	vld [tilespmem:s6+$0xFFFFFF80];
	s15 =	sshll.u32 s14, $0x4  }
0x30f: {  	v18 =	vld [tilespmem:s6+$0xFFFFFF90];
	s1 =	simm.s32 $0x60;
	s7 =	smov.u32 s6;
	s13 =	simm.s32 $0x0  }
.LBB2_29:
0x310: {  	p0 =	sne.s32 s1, $0x5A0  }
0x311: {  	v19 =	vld [tilespmem:s7+$0xFFFFFFA0];
	_ =	sdelay $0x1  }
0x312: {  	v20 =	vld [tilespmem:s7+$0xFFFFFFB0]  }
0x313: {  	v17 =	vmul.f32 v17, v17;
	v18 =	vmul.f32 v18, v18  }
0x314: {  	v21 =	vld [tilespmem:s7+$0xFFFFFFC0]  }
0x315: {  	v17 =	vadd.f32 v18, v17;
	v18 =	vmul.f32 v19, v19  }
0x316: {  	v19 =	vld [tilespmem:s7+$0xFFFFFFD0]  }
0x317: {  	v17 =	vadd.f32 v18, v17;
	v18 =	vmul.f32 v20, v20  }
0x318: {  	v20 =	vld [tilespmem:s7+$0xFFFFFFE0]  }
0x319: {  	v17 =	vadd.f32 v18, v17;
	v18 =	vmul.f32 v21, v21  }
0x31a: {  	v21 =	vld [tilespmem:s7+$0xFFFFFFF0]  }
0x31b: {  	v17 =	vadd.f32 v18, v17;
	v18 =	vmul.f32 v19, v19  }
0x31c: {  	v19 =	vld [tilespmem:s7+$0x0]  }
0x31d: {  	v17 =	vadd.f32 v18, v17;
	v18 =	vmul.f32 v20, v20  }
0x31e: {  	v20 =	vld [tilespmem:s7+$0x10]  }
0x31f: {  	v17 =	vadd.f32 v18, v17;
	v18 =	vmul.f32 v21, v21  }
0x320: {  	v21 =	vld [tilespmem:s7+$0x20]  }
0x321: {  	v17 =	vadd.f32 v18, v17;
	v18 =	vmul.f32 v19, v19  }
0x322: {  	v19 =	vld [tilespmem:s7+$0x30]  }
0x323: {  	v17 =	vadd.f32 v18, v17;
	v18 =	vmul.f32 v20, v20  }
0x324: {  	v20 =	vld [tilespmem:s7+$0x40]  }
0x325: {  	v17 =	vadd.f32 v18, v17;
	v18 =	vmul.f32 v21, v21  }
0x326: {  	v21 =	vld [tilespmem:s7+$0x50]  }
0x327: {  	v17 =	vadd.f32 v18, v17;
	v18 =	vmul.f32 v19, v19  }
0x328: {  	v19 =	vld [tilespmem:s7+$0x60]  }
0x329: {  	v17 =	vadd.f32 v18, v17;
	v18 =	vmul.f32 v20, v20  }
0x32a: {  	v20 =	vld [tilespmem:s7+$0x70]  }
0x32b: {  	v17 =	vadd.f32 v18, v17;
	v18 =	vmul.f32 v21, v21;
	_ =	sdelay $0x1  }
0x32c: {  	v17 =	vadd.f32 v18, v17;
	v18 =	vmul.f32 v19, v19;
	_ =	sdelay $0x1  }
0x32d: {  	v17 =	vadd.f32 v18, v17;
	v18 =	vmul.f32 v20, v20;
	_ =	sdelay $0x1  }
.Ltmp13:
0x32e: {  	v17 =	vadd.f32 v18, v17;
	(pc) =	sbr.rel @p0 .LBB2_29-.Ltmp13, $4  }
0x32f: {  	s16 =	sshra.s32 s13, $0x2;
	s13 =	smov.u32 s1  }
0x330: {  	s7 =	sadd.s32 $0x110, s7;
	[tilespmem:s16+$0x14E10] =	vst v17  }
0x331: {  	v17 =	vld [tilespmem:s7+$0xFFFFFF80]  }
0x332: {  	s1 =	sadd.s32 $0x60, s1;
	v18 =	vld [tilespmem:s7+$0xFFFFFF90]  }
0x333: {  	_ = 	snop  }
0x334: {  	v19 =	vld [tilespmem:s7+$0xFFFFFFA0];
	_ =	sdelay $0x1  }
0x335: {  	v20 =	vld [tilespmem:s7+$0xFFFFFFB0]  }
0x336: {  	v17 =	vmul.f32 v17, v17;
	v18 =	vmul.f32 v18, v18  }
0x337: {  	v21 =	vld [tilespmem:s7+$0xFFFFFFC0]  }
0x338: {  	v17 =	vadd.f32 v18, v17;
	v18 =	vmul.f32 v19, v19  }
0x339: {  	v19 =	vld [tilespmem:s7+$0xFFFFFFD0]  }
0x33a: {  	v17 =	vadd.f32 v18, v17;
	v18 =	vmul.f32 v20, v20  }
0x33b: {  	v50 =	vld [tilespmem:s7+$0xFFFFFFE0]  }
0x33c: {  	v17 =	vadd.f32 v18, v17;
	v18 =	vmul.f32 v21, v21  }
0x33d: {  	v51 =	vld [tilespmem:s7+$0xFFFFFFF0]  }
0x33e: {  	v17 =	vadd.f32 v18, v17;
	v18 =	vmul.f32 v19, v19  }
0x33f: {  	v19 =	vld [tilespmem:s7+$0x0]  }
0x340: {  	v17 =	vadd.f32 v18, v17;
	v18 =	vmul.f32 v50, v50  }
0x341: {  	v52 =	vld [tilespmem:s7+$0x10]  }
0x342: {  	v17 =	vadd.f32 v18, v17;
	v18 =	vmul.f32 v51, v51  }
0x343: {  	v53 =	vld [tilespmem:s7+$0x20]  }
0x344: {  	v17 =	vadd.f32 v18, v17;
	v18 =	vmul.f32 v19, v19  }
0x345: {  	v19 =	vld [tilespmem:s7+$0x30]  }
0x346: {  	v17 =	vadd.f32 v18, v17;
	v18 =	vmul.f32 v52, v52  }
0x347: {  	v54 =	vld [tilespmem:s7+$0x40]  }
0x348: {  	v17 =	vadd.f32 v18, v17;
	v18 =	vmul.f32 v53, v53  }
0x349: {  	v55 =	vld [tilespmem:s7+$0x50]  }
0x34a: {  	v17 =	vadd.f32 v18, v17;
	v18 =	vmul.f32 v19, v19  }
0x34b: {  	v19 =	vld [tilespmem:s7+$0x60]  }
0x34c: {  	v17 =	vadd.f32 v18, v17;
	v18 =	vmul.f32 v54, v54  }
0x34d: {  	v56 =	vld [tilespmem:s7+$0x70]  }
0x34e: {  	v17 =	vadd.f32 v18, v17;
	v18 =	vmul.f32 v55, v55;
	_ =	sdelay $0x1  }
0x34f: {  	v17 =	vadd.f32 v18, v17;
	v18 =	vmul.f32 v19, v19;
	_ =	sdelay $0x1  }
0x350: {  	v17 =	vadd.f32 v18, v17;
	v18 =	vmul.f32 v56, v56;
	_ =	sdelay $0x1  }
0x351: {  	v17 =	vadd.f32 v18, v17  }
0x352: {  	s1 =	sshra.s32 s13, $0x2  }
0x353: {  	[tilespmem:s1+$0x14E10] =	vst v17  }
0x354: {  	v17 =	vld.idx.msk [tilespmem:v0+s31+$0x0], $0xffff;
	_ =	sdelay $0x1  }
0x355: {  	v18 =	vld.idx.msk [tilespmem:v2+s31+$0x0], $0xffff;
	_ =	sdelay $0x1  }
0x356: {  	v19 =	vld.idx.msk [tilespmem:v3+s31+$0x0], $0xffff  }
0x357: {  	v17 =	vadd.f32 $0.0e+00, v17  }
0x358: {  	v57 =	vld.idx.msk [tilespmem:v4+s31+$0x0], $0xffff  }
0x359: {  	v17 =	vadd.f32 v18, v17  }
0x35a: {  	v18 =	vld.idx.msk [tilespmem:v5+s31+$0x0], $0xffff  }
0x35b: {  	v17 =	vadd.f32 v19, v17  }
0x35c: {  	v19 =	vld.idx.msk [tilespmem:v6+s31+$0x0], $0xffff  }
0x35d: {  	v17 =	vadd.f32 v57, v17  }
0x35e: {  	v58 =	vld.idx.msk [tilespmem:v7+s31+$0x0], $0xffff  }
0x35f: {  	v17 =	vadd.f32 v18, v17  }
0x360: {  	v18 =	vld.idx.msk [tilespmem:v8+s31+$0x0], $0xffff  }
0x361: {  	v17 =	vadd.f32 v19, v17  }
0x362: {  	v19 =	vld.idx.msk [tilespmem:v9+s31+$0x0], $0xffff  }
0x363: {  	v17 =	vadd.f32 v58, v17  }
0x364: {  	v59 =	vld.idx.msk [tilespmem:v10+s31+$0x0], $0xffff  }
0x365: {  	v17 =	vadd.f32 v18, v17  }
0x366: {  	v18 =	vld.idx.msk [tilespmem:v11+s31+$0x0], $0xffff  }
0x367: {  	v17 =	vadd.f32 v19, v17  }
0x368: {  	v60 =	vld.idx.msk [tilespmem:v12+s31+$0x0], $0xffff;
	v19 =	vmov s15  }
0x369: {  	v19 =	vmul.u32 $0x110, v19;
	v17 =	vadd.f32 v59, v17  }
0x36a: {  	v61 =	vld.idx.msk [tilespmem:v13+s31+$0x0], $0xffff  }
0x36b: {  	v19 =	vbroadcast v19, $0x0;
	v17 =	vadd.f32 v18, v17  }
0x36c: {  	v18 =	vld.idx.msk [tilespmem:v14+s31+$0x0], $0xffff  }
0x36d: {  	v19 =	vadd.s32 v1, v19;
	v17 =	vadd.f32 v60, v17  }
0x36e: {  	v62 =	vld.idx.msk [tilespmem:v15+s31+$0x0], $0xffff  }
0x36f: {  	v17 =	vadd.f32 v61, v17  }
0x370: {  	v63 =	vld.idx.msk [tilespmem:v16+s31+$0x0], $0xffff  }
0x371: {  	v17 =	vadd.f32 v18, v17  }
0x372: {  	v18 =	vld.idx.msk [tilespmem:v19+s22+$0x0], $0xffff  }
0x373: {  	v17 =	vadd.f32 v62, v17;
	_ =	sdelay $0x1  }
0x374: {  	s14 =	sadd.s32 $0x1, s14;
	v17 =	vadd.f32 v63, v17  }
0x375: {  	p0 =	sne.s32 s14, $0x5  }
.Ltmp14:
0x376: {  	v17 =	vsub.f32 v17, v18;
	(pc) =	sbr.rel @p0 .LBB2_28-.Ltmp14, $3  }
0x377: {  	_ = 	snop  }
0x378: {  	v17 =	vmul.f32 $5.000000000e-01, v17;
	_ =	sdelay $0x1  }
0x379: {  	s6 =	sadd.s32 $0x1100, s6;
	[tilespmem:s15+$0x14D20] =	vst v17  }
0x37a: {  	s14 =	simm.s32 $0x0;
	s1 =	rddreg [dreg:$0x7];
	s6 =	simm.s32 $0x14D20  }
0x37b: {  	[hbm4b:s1+s14] =	stream.linear.scatter [tilespmem:s6], [sflag:$0x7], $0x50, $0x38;
	[tilespmem:$0x14F90] =	vst v63  }
0x37c: {  	s19 =	simm.s32 $0x2670  }
0x37d: {  	[tilespmem:s22], [sflag:$0x1] =	stream.indirect.gather [hbm4b:s3+s21], $0x110, s19, s21, $0xb8;
	[tilespmem:$0x14F90] =	vst v63  }
0x37e: {  	_ =	swait.ge [sflag:s24], $0x5500  }
0x37f: {  	[sflag:s24] =	ssyncset.done $0x0  }
0x380: {  	s29 =	simm.s32 $0x4D30;
	[sflag:s24] =	ssyncadd.s32 $0xFFFFAB00  }
0x381: {  	[tilespmem:s25], [sflag:$0x6] =	stream.indirect.gather.add.f32 [hbm:s3], $0x110, s29, s21, $0xb8;
	[tilespmem:$0x14F90] =	vst v63  }
0x382: {  	_ =	swait.ge [sflag:s0], $0x5500  }
0x383: {  	[sflag:s0] =	ssyncset.done $0x0  }
0x384: {  	[sflag:s0] =	ssyncadd.s32 $0xFFFFAB00  }
0x385: {  	_ =	swait.ge [sflag:s9], $0x50  }
0x386: {  	[sflag:s9] =	ssyncset.done $0x0  }
0x387: {  	s6 =	simm.s32 $0xA3A0;
	[sflag:s9] =	ssyncadd.s32 $0xFFFFFFB0  }
.LBB2_32:
0x388: {  	v17 =	vld [tilespmem:s6+$0xFFFFFF80];
	s15 =	sshll.u32 s14, $0x4  }
0x389: {  	v18 =	vld [tilespmem:s6+$0xFFFFFF90];
	s1 =	simm.s32 $0x60;
	s7 =	smov.u32 s6;
	s13 =	simm.s32 $0x0  }
.LBB2_33:
0x38a: {  	p0 =	sne.s32 s1, $0x5A0  }
0x38b: {  	v19 =	vld [tilespmem:s7+$0xFFFFFFA0];
	_ =	sdelay $0x1  }
0x38c: {  	v20 =	vld [tilespmem:s7+$0xFFFFFFB0]  }
0x38d: {  	v17 =	vmul.f32 v17, v17;
	v18 =	vmul.f32 v18, v18  }
0x38e: {  	v21 =	vld [tilespmem:s7+$0xFFFFFFC0]  }
0x38f: {  	v17 =	vadd.f32 v18, v17;
	v18 =	vmul.f32 v19, v19  }
0x390: {  	v19 =	vld [tilespmem:s7+$0xFFFFFFD0]  }
0x391: {  	v17 =	vadd.f32 v18, v17;
	v18 =	vmul.f32 v20, v20  }
0x392: {  	v20 =	vld [tilespmem:s7+$0xFFFFFFE0]  }
0x393: {  	v17 =	vadd.f32 v18, v17;
	v18 =	vmul.f32 v21, v21  }
0x394: {  	v21 =	vld [tilespmem:s7+$0xFFFFFFF0]  }
0x395: {  	v17 =	vadd.f32 v18, v17;
	v18 =	vmul.f32 v19, v19  }
0x396: {  	v19 =	vld [tilespmem:s7+$0x0]  }
0x397: {  	v17 =	vadd.f32 v18, v17;
	v18 =	vmul.f32 v20, v20  }
0x398: {  	v20 =	vld [tilespmem:s7+$0x10]  }
0x399: {  	v17 =	vadd.f32 v18, v17;
	v18 =	vmul.f32 v21, v21  }
0x39a: {  	v21 =	vld [tilespmem:s7+$0x20]  }
0x39b: {  	v17 =	vadd.f32 v18, v17;
	v18 =	vmul.f32 v19, v19  }
0x39c: {  	v19 =	vld [tilespmem:s7+$0x30]  }
0x39d: {  	v17 =	vadd.f32 v18, v17;
	v18 =	vmul.f32 v20, v20  }
0x39e: {  	v20 =	vld [tilespmem:s7+$0x40]  }
0x39f: {  	v17 =	vadd.f32 v18, v17;
	v18 =	vmul.f32 v21, v21  }
0x3a0: {  	v21 =	vld [tilespmem:s7+$0x50]  }
0x3a1: {  	v17 =	vadd.f32 v18, v17;
	v18 =	vmul.f32 v19, v19  }
0x3a2: {  	v19 =	vld [tilespmem:s7+$0x60]  }
0x3a3: {  	v17 =	vadd.f32 v18, v17;
	v18 =	vmul.f32 v20, v20  }
0x3a4: {  	v20 =	vld [tilespmem:s7+$0x70]  }
0x3a5: {  	v17 =	vadd.f32 v18, v17;
	v18 =	vmul.f32 v21, v21;
	_ =	sdelay $0x1  }
0x3a6: {  	v17 =	vadd.f32 v18, v17;
	v18 =	vmul.f32 v19, v19;
	_ =	sdelay $0x1  }
0x3a7: {  	v17 =	vadd.f32 v18, v17;
	v18 =	vmul.f32 v20, v20;
	_ =	sdelay $0x1  }
.Ltmp15:
0x3a8: {  	v17 =	vadd.f32 v18, v17;
	(pc) =	sbr.rel @p0 .LBB2_33-.Ltmp15, $4  }
0x3a9: {  	s16 =	sshra.s32 s13, $0x2;
	s13 =	smov.u32 s1  }
0x3aa: {  	s7 =	sadd.s32 $0x110, s7;
	[tilespmem:s16+$0x14E10] =	vst v17  }
0x3ab: {  	v17 =	vld [tilespmem:s7+$0xFFFFFF80]  }
0x3ac: {  	s1 =	sadd.s32 $0x60, s1;
	v18 =	vld [tilespmem:s7+$0xFFFFFF90]  }
0x3ad: {  	_ = 	snop  }
0x3ae: {  	v19 =	vld [tilespmem:s7+$0xFFFFFFA0];
	_ =	sdelay $0x1  }
0x3af: {  	v20 =	vld [tilespmem:s7+$0xFFFFFFB0]  }
0x3b0: {  	v17 =	vmul.f32 v17, v17;
	v18 =	vmul.f32 v18, v18  }
0x3b1: {  	v21 =	vld [tilespmem:s7+$0xFFFFFFC0]  }
0x3b2: {  	v17 =	vadd.f32 v18, v17;
	v18 =	vmul.f32 v19, v19  }
0x3b3: {  	v19 =	vld [tilespmem:s7+$0xFFFFFFD0]  }
0x3b4: {  	v17 =	vadd.f32 v18, v17;
	v18 =	vmul.f32 v20, v20  }
0x3b5: {  	v50 =	vld [tilespmem:s7+$0xFFFFFFE0]  }
0x3b6: {  	v17 =	vadd.f32 v18, v17;
	v18 =	vmul.f32 v21, v21  }
0x3b7: {  	v51 =	vld [tilespmem:s7+$0xFFFFFFF0]  }
0x3b8: {  	v17 =	vadd.f32 v18, v17;
	v18 =	vmul.f32 v19, v19  }
0x3b9: {  	v19 =	vld [tilespmem:s7+$0x0]  }
0x3ba: {  	v17 =	vadd.f32 v18, v17;
	v18 =	vmul.f32 v50, v50  }
0x3bb: {  	v52 =	vld [tilespmem:s7+$0x10]  }
0x3bc: {  	v17 =	vadd.f32 v18, v17;
	v18 =	vmul.f32 v51, v51  }
0x3bd: {  	v53 =	vld [tilespmem:s7+$0x20]  }
0x3be: {  	v17 =	vadd.f32 v18, v17;
	v18 =	vmul.f32 v19, v19  }
0x3bf: {  	v19 =	vld [tilespmem:s7+$0x30]  }
0x3c0: {  	v17 =	vadd.f32 v18, v17;
	v18 =	vmul.f32 v52, v52  }
0x3c1: {  	v54 =	vld [tilespmem:s7+$0x40]  }
0x3c2: {  	v17 =	vadd.f32 v18, v17;
	v18 =	vmul.f32 v53, v53  }
0x3c3: {  	v55 =	vld [tilespmem:s7+$0x50]  }
0x3c4: {  	v17 =	vadd.f32 v18, v17;
	v18 =	vmul.f32 v19, v19  }
0x3c5: {  	v19 =	vld [tilespmem:s7+$0x60]  }
0x3c6: {  	v17 =	vadd.f32 v18, v17;
	v18 =	vmul.f32 v54, v54  }
0x3c7: {  	v56 =	vld [tilespmem:s7+$0x70]  }
0x3c8: {  	v17 =	vadd.f32 v18, v17;
	v18 =	vmul.f32 v55, v55;
	_ =	sdelay $0x1  }
0x3c9: {  	v17 =	vadd.f32 v18, v17;
	v18 =	vmul.f32 v19, v19;
	_ =	sdelay $0x1  }
0x3ca: {  	v17 =	vadd.f32 v18, v17;
	v18 =	vmul.f32 v56, v56;
	_ =	sdelay $0x1  }
0x3cb: {  	v17 =	vadd.f32 v18, v17  }
0x3cc: {  	s1 =	sshra.s32 s13, $0x2  }
0x3cd: {  	[tilespmem:s1+$0x14E10] =	vst v17  }
0x3ce: {  	v17 =	vld.idx.msk [tilespmem:v0+s31+$0x0], $0xffff;
	_ =	sdelay $0x1  }
0x3cf: {  	v18 =	vld.idx.msk [tilespmem:v2+s31+$0x0], $0xffff;
	_ =	sdelay $0x1  }
0x3d0: {  	v19 =	vld.idx.msk [tilespmem:v3+s31+$0x0], $0xffff  }
0x3d1: {  	v17 =	vadd.f32 $0.0e+00, v17  }
0x3d2: {  	v57 =	vld.idx.msk [tilespmem:v4+s31+$0x0], $0xffff  }
0x3d3: {  	v17 =	vadd.f32 v18, v17  }
0x3d4: {  	v18 =	vld.idx.msk [tilespmem:v5+s31+$0x0], $0xffff  }
0x3d5: {  	v17 =	vadd.f32 v19, v17  }
0x3d6: {  	v19 =	vld.idx.msk [tilespmem:v6+s31+$0x0], $0xffff  }
0x3d7: {  	v17 =	vadd.f32 v57, v17  }
0x3d8: {  	v58 =	vld.idx.msk [tilespmem:v7+s31+$0x0], $0xffff  }
0x3d9: {  	v17 =	vadd.f32 v18, v17  }
0x3da: {  	v18 =	vld.idx.msk [tilespmem:v8+s31+$0x0], $0xffff  }
0x3db: {  	v17 =	vadd.f32 v19, v17  }
0x3dc: {  	v19 =	vld.idx.msk [tilespmem:v9+s31+$0x0], $0xffff  }
0x3dd: {  	v17 =	vadd.f32 v58, v17  }
0x3de: {  	v59 =	vld.idx.msk [tilespmem:v10+s31+$0x0], $0xffff  }
0x3df: {  	v17 =	vadd.f32 v18, v17  }
0x3e0: {  	v18 =	vld.idx.msk [tilespmem:v11+s31+$0x0], $0xffff  }
0x3e1: {  	v17 =	vadd.f32 v19, v17  }
0x3e2: {  	v60 =	vld.idx.msk [tilespmem:v12+s31+$0x0], $0xffff;
	v19 =	vmov s15  }
0x3e3: {  	v19 =	vmul.u32 $0x110, v19;
	v17 =	vadd.f32 v59, v17  }
0x3e4: {  	v61 =	vld.idx.msk [tilespmem:v13+s31+$0x0], $0xffff  }
0x3e5: {  	v19 =	vbroadcast v19, $0x0;
	v17 =	vadd.f32 v18, v17  }
0x3e6: {  	v18 =	vld.idx.msk [tilespmem:v14+s31+$0x0], $0xffff  }
0x3e7: {  	v19 =	vadd.s32 v1, v19;
	v17 =	vadd.f32 v60, v17  }
0x3e8: {  	v62 =	vld.idx.msk [tilespmem:v15+s31+$0x0], $0xffff  }
0x3e9: {  	v17 =	vadd.f32 v61, v17  }
0x3ea: {  	v63 =	vld.idx.msk [tilespmem:v16+s31+$0x0], $0xffff  }
0x3eb: {  	v17 =	vadd.f32 v18, v17  }
0x3ec: {  	v18 =	vld.idx.msk [tilespmem:v19+s23+$0x0], $0xffff  }
0x3ed: {  	v17 =	vadd.f32 v62, v17;
	_ =	sdelay $0x1  }
0x3ee: {  	s14 =	sadd.s32 $0x1, s14;
	v17 =	vadd.f32 v63, v17  }
0x3ef: {  	p0 =	sne.s32 s14, $0x5  }
.Ltmp16:
0x3f0: {  	v17 =	vsub.f32 v17, v18;
	(pc) =	sbr.rel @p0 .LBB2_32-.Ltmp16, $3  }
0x3f1: {  	_ = 	snop  }
0x3f2: {  	v17 =	vmul.f32 $5.000000000e-01, v17;
	_ =	sdelay $0x1  }
0x3f3: {  	s6 =	sadd.s32 $0x1100, s6;
	[tilespmem:s15+$0x14D70] =	vst v17  }
0x3f4: {  	s14 =	simm.s32 $0x0;
	s1 =	rddreg [dreg:$0x8];
	s6 =	simm.s32 $0x14D70  }
0x3f5: {  	[hbm4b:s1+s14] =	stream.linear.scatter [tilespmem:s6], [sflag:$0x8], $0x50, $0x38;
	[tilespmem:$0x14F90] =	vst v63  }
0x3f6: {  	s19 =	simm.s32 $0x26C0  }
0x3f7: {  	[tilespmem:s23], [sflag:$0x2] =	stream.indirect.gather [hbm4b:s3+s21], $0x110, s19, s21, $0xb8;
	[tilespmem:$0x14F90] =	vst v63  }
0x3f8: {  	_ =	swait.ge [sflag:s26], $0x5500  }
0x3f9: {  	[sflag:s26] =	ssyncset.done $0x0  }
0x3fa: {  	s29 =	simm.s32 $0x4D80;
	[sflag:s26] =	ssyncadd.s32 $0xFFFFAB00  }
0x3fb: {  	[tilespmem:s22], [sflag:$0x4] =	stream.indirect.gather.add.f32 [hbm:s3], $0x110, s29, s21, $0xb8;
	[tilespmem:$0x14F90] =	vst v63  }
0x3fc: {  	_ =	swait.ge [sflag:s20], $0x5500  }
0x3fd: {  	[sflag:s20] =	ssyncset.done $0x0  }
0x3fe: {  	[sflag:s20] =	ssyncadd.s32 $0xFFFFAB00  }
0x3ff: {  	_ =	swait.ge [sflag:s10], $0x50  }
0x400: {  	[sflag:s10] =	ssyncset.done $0x0  }
0x401: {  	s6 =	simm.s32 $0xF8A0;
	[sflag:s10] =	ssyncadd.s32 $0xFFFFFFB0  }
.LBB2_36:
0x402: {  	v17 =	vld [tilespmem:s6+$0xFFFFFF80];
	s15 =	sshll.u32 s14, $0x4  }
0x403: {  	v18 =	vld [tilespmem:s6+$0xFFFFFF90];
	s1 =	simm.s32 $0x60;
	s7 =	smov.u32 s6;
	s13 =	simm.s32 $0x0  }
.LBB2_37:
0x404: {  	p0 =	sne.s32 s1, $0x5A0  }
0x405: {  	v19 =	vld [tilespmem:s7+$0xFFFFFFA0];
	_ =	sdelay $0x1  }
0x406: {  	v20 =	vld [tilespmem:s7+$0xFFFFFFB0]  }
0x407: {  	v17 =	vmul.f32 v17, v17;
	v18 =	vmul.f32 v18, v18  }
0x408: {  	v21 =	vld [tilespmem:s7+$0xFFFFFFC0]  }
0x409: {  	v17 =	vadd.f32 v18, v17;
	v18 =	vmul.f32 v19, v19  }
0x40a: {  	v19 =	vld [tilespmem:s7+$0xFFFFFFD0]  }
0x40b: {  	v17 =	vadd.f32 v18, v17;
	v18 =	vmul.f32 v20, v20  }
0x40c: {  	v20 =	vld [tilespmem:s7+$0xFFFFFFE0]  }
0x40d: {  	v17 =	vadd.f32 v18, v17;
	v18 =	vmul.f32 v21, v21  }
0x40e: {  	v21 =	vld [tilespmem:s7+$0xFFFFFFF0]  }
0x40f: {  	v17 =	vadd.f32 v18, v17;
	v18 =	vmul.f32 v19, v19  }
0x410: {  	v19 =	vld [tilespmem:s7+$0x0]  }
0x411: {  	v17 =	vadd.f32 v18, v17;
	v18 =	vmul.f32 v20, v20  }
0x412: {  	v20 =	vld [tilespmem:s7+$0x10]  }
0x413: {  	v17 =	vadd.f32 v18, v17;
	v18 =	vmul.f32 v21, v21  }
0x414: {  	v21 =	vld [tilespmem:s7+$0x20]  }
0x415: {  	v17 =	vadd.f32 v18, v17;
	v18 =	vmul.f32 v19, v19  }
0x416: {  	v19 =	vld [tilespmem:s7+$0x30]  }
0x417: {  	v17 =	vadd.f32 v18, v17;
	v18 =	vmul.f32 v20, v20  }
0x418: {  	v20 =	vld [tilespmem:s7+$0x40]  }
0x419: {  	v17 =	vadd.f32 v18, v17;
	v18 =	vmul.f32 v21, v21  }
0x41a: {  	v21 =	vld [tilespmem:s7+$0x50]  }
0x41b: {  	v17 =	vadd.f32 v18, v17;
	v18 =	vmul.f32 v19, v19  }
0x41c: {  	v19 =	vld [tilespmem:s7+$0x60]  }
0x41d: {  	v17 =	vadd.f32 v18, v17;
	v18 =	vmul.f32 v20, v20  }
0x41e: {  	v20 =	vld [tilespmem:s7+$0x70]  }
0x41f: {  	v17 =	vadd.f32 v18, v17;
	v18 =	vmul.f32 v21, v21;
	_ =	sdelay $0x1  }
0x420: {  	v17 =	vadd.f32 v18, v17;
	v18 =	vmul.f32 v19, v19;
	_ =	sdelay $0x1  }
0x421: {  	v17 =	vadd.f32 v18, v17;
	v18 =	vmul.f32 v20, v20;
	_ =	sdelay $0x1  }
.Ltmp17:
0x422: {  	v17 =	vadd.f32 v18, v17;
	(pc) =	sbr.rel @p0 .LBB2_37-.Ltmp17, $4  }
0x423: {  	s16 =	sshra.s32 s13, $0x2;
	s13 =	smov.u32 s1  }
0x424: {  	s7 =	sadd.s32 $0x110, s7;
	[tilespmem:s16+$0x14E10] =	vst v17  }
0x425: {  	v17 =	vld [tilespmem:s7+$0xFFFFFF80]  }
0x426: {  	s1 =	sadd.s32 $0x60, s1;
	v18 =	vld [tilespmem:s7+$0xFFFFFF90]  }
0x427: {  	_ = 	snop  }
0x428: {  	v19 =	vld [tilespmem:s7+$0xFFFFFFA0];
	_ =	sdelay $0x1  }
0x429: {  	v20 =	vld [tilespmem:s7+$0xFFFFFFB0]  }
0x42a: {  	v17 =	vmul.f32 v17, v17;
	v18 =	vmul.f32 v18, v18  }
0x42b: {  	v21 =	vld [tilespmem:s7+$0xFFFFFFC0]  }
0x42c: {  	v17 =	vadd.f32 v18, v17;
	v18 =	vmul.f32 v19, v19  }
0x42d: {  	v19 =	vld [tilespmem:s7+$0xFFFFFFD0]  }
0x42e: {  	v17 =	vadd.f32 v18, v17;
	v18 =	vmul.f32 v20, v20  }
0x42f: {  	v50 =	vld [tilespmem:s7+$0xFFFFFFE0]  }
0x430: {  	v17 =	vadd.f32 v18, v17;
	v18 =	vmul.f32 v21, v21  }
0x431: {  	v51 =	vld [tilespmem:s7+$0xFFFFFFF0]  }
0x432: {  	v17 =	vadd.f32 v18, v17;
	v18 =	vmul.f32 v19, v19  }
0x433: {  	v19 =	vld [tilespmem:s7+$0x0]  }
0x434: {  	v17 =	vadd.f32 v18, v17;
	v18 =	vmul.f32 v50, v50  }
0x435: {  	v52 =	vld [tilespmem:s7+$0x10]  }
0x436: {  	v17 =	vadd.f32 v18, v17;
	v18 =	vmul.f32 v51, v51  }
0x437: {  	v53 =	vld [tilespmem:s7+$0x20]  }
0x438: {  	v17 =	vadd.f32 v18, v17;
	v18 =	vmul.f32 v19, v19  }
0x439: {  	v19 =	vld [tilespmem:s7+$0x30]  }
0x43a: {  	v17 =	vadd.f32 v18, v17;
	v18 =	vmul.f32 v52, v52  }
0x43b: {  	v54 =	vld [tilespmem:s7+$0x40]  }
0x43c: {  	v17 =	vadd.f32 v18, v17;
	v18 =	vmul.f32 v53, v53  }
0x43d: {  	v55 =	vld [tilespmem:s7+$0x50]  }
0x43e: {  	v17 =	vadd.f32 v18, v17;
	v18 =	vmul.f32 v19, v19  }
0x43f: {  	v19 =	vld [tilespmem:s7+$0x60]  }
0x440: {  	v17 =	vadd.f32 v18, v17;
	v18 =	vmul.f32 v54, v54  }
0x441: {  	v56 =	vld [tilespmem:s7+$0x70]  }
0x442: {  	v17 =	vadd.f32 v18, v17;
	v18 =	vmul.f32 v55, v55;
	_ =	sdelay $0x1  }
0x443: {  	v17 =	vadd.f32 v18, v17;
	v18 =	vmul.f32 v19, v19;
	_ =	sdelay $0x1  }
0x444: {  	v17 =	vadd.f32 v18, v17;
	v18 =	vmul.f32 v56, v56;
	_ =	sdelay $0x1  }
0x445: {  	v17 =	vadd.f32 v18, v17  }
0x446: {  	s1 =	sshra.s32 s13, $0x2  }
0x447: {  	[tilespmem:s1+$0x14E10] =	vst v17  }
0x448: {  	v17 =	vld.idx.msk [tilespmem:v0+s31+$0x0], $0xffff;
	_ =	sdelay $0x1  }
0x449: {  	v18 =	vld.idx.msk [tilespmem:v2+s31+$0x0], $0xffff;
	_ =	sdelay $0x1  }
0x44a: {  	v19 =	vld.idx.msk [tilespmem:v3+s31+$0x0], $0xffff  }
0x44b: {  	v17 =	vadd.f32 $0.0e+00, v17  }
0x44c: {  	v57 =	vld.idx.msk [tilespmem:v4+s31+$0x0], $0xffff  }
0x44d: {  	v17 =	vadd.f32 v18, v17  }
0x44e: {  	v18 =	vld.idx.msk [tilespmem:v5+s31+$0x0], $0xffff  }
0x44f: {  	v17 =	vadd.f32 v19, v17  }
0x450: {  	v19 =	vld.idx.msk [tilespmem:v6+s31+$0x0], $0xffff  }
0x451: {  	v17 =	vadd.f32 v57, v17  }
0x452: {  	v58 =	vld.idx.msk [tilespmem:v7+s31+$0x0], $0xffff  }
0x453: {  	v17 =	vadd.f32 v18, v17  }
0x454: {  	v18 =	vld.idx.msk [tilespmem:v8+s31+$0x0], $0xffff  }
0x455: {  	v17 =	vadd.f32 v19, v17  }
0x456: {  	v19 =	vld.idx.msk [tilespmem:v9+s31+$0x0], $0xffff  }
0x457: {  	v17 =	vadd.f32 v58, v17  }
0x458: {  	v59 =	vld.idx.msk [tilespmem:v10+s31+$0x0], $0xffff  }
0x459: {  	v17 =	vadd.f32 v18, v17  }
0x45a: {  	v18 =	vld.idx.msk [tilespmem:v11+s31+$0x0], $0xffff  }
0x45b: {  	v17 =	vadd.f32 v19, v17  }
0x45c: {  	v60 =	vld.idx.msk [tilespmem:v12+s31+$0x0], $0xffff;
	v19 =	vmov s15  }
0x45d: {  	v19 =	vmul.u32 $0x110, v19;
	v17 =	vadd.f32 v59, v17  }
0x45e: {  	v61 =	vld.idx.msk [tilespmem:v13+s31+$0x0], $0xffff  }
0x45f: {  	v19 =	vbroadcast v19, $0x0;
	v17 =	vadd.f32 v18, v17  }
0x460: {  	v18 =	vld.idx.msk [tilespmem:v14+s31+$0x0], $0xffff  }
0x461: {  	v19 =	vadd.s32 v1, v19;
	v17 =	vadd.f32 v60, v17  }
0x462: {  	v62 =	vld.idx.msk [tilespmem:v15+s31+$0x0], $0xffff  }
0x463: {  	v17 =	vadd.f32 v61, v17  }
0x464: {  	v63 =	vld.idx.msk [tilespmem:v16+s31+$0x0], $0xffff  }
0x465: {  	v17 =	vadd.f32 v18, v17  }
0x466: {  	v18 =	vld.idx.msk [tilespmem:v19+s25+$0x0], $0xffff  }
0x467: {  	v17 =	vadd.f32 v62, v17;
	_ =	sdelay $0x1  }
0x468: {  	s14 =	sadd.s32 $0x1, s14;
	v17 =	vadd.f32 v63, v17  }
0x469: {  	p0 =	sne.s32 s14, $0x5  }
.Ltmp18:
0x46a: {  	v17 =	vsub.f32 v17, v18;
	(pc) =	sbr.rel @p0 .LBB2_36-.Ltmp18, $3  }
0x46b: {  	_ = 	snop  }
0x46c: {  	v17 =	vmul.f32 $5.000000000e-01, v17;
	_ =	sdelay $0x1  }
0x46d: {  	s6 =	sadd.s32 $0x1100, s6;
	[tilespmem:s15+$0x14DC0] =	vst v17  }
0x46e: {  	s14 =	simm.s32 $0x0;
	s1 =	rddreg [dreg:$0x9];
	s6 =	simm.s32 $0x14DC0  }
0x46f: {  	[hbm4b:s1+s14] =	stream.linear.scatter [tilespmem:s6], [sflag:$0x9], $0x50, $0x38;
	[tilespmem:$0x14F90] =	vst v63  }
0x470: {  	_ =	swait.ge [sflag:s28], $0x5500  }
0x471: {  	[sflag:s28] =	ssyncset.done $0x0  }
0x472: {  	s29 =	simm.s32 $0x4DD0;
	[sflag:s28] =	ssyncadd.s32 $0xFFFFAB00  }
0x473: {  	[tilespmem:s23], [sflag:$0x5] =	stream.indirect.gather.add.f32 [hbm:s3], $0x110, s29, s21, $0xb8;
	[tilespmem:$0x14F90] =	vst v63  }
0x474: {  	_ =	swait.ge [sflag:s30], $0x5500  }
0x475: {  	[sflag:s30] =	ssyncset.done $0x0  }
0x476: {  	[sflag:s30] =	ssyncadd.s32 $0xFFFFAB00  }
0x477: {  	_ =	swait.ge [sflag:s8], $0x50  }
0x478: {  	[sflag:s8] =	ssyncset.done $0x0  }
0x479: {  	s6 =	simm.s32 $0x4EA0;
	[sflag:s8] =	ssyncadd.s32 $0xFFFFFFB0  }
.LBB2_40:
0x47a: {  	v17 =	vld [tilespmem:s6+$0xFFFFFF80];
	s15 =	sshll.u32 s14, $0x4  }
0x47b: {  	v18 =	vld [tilespmem:s6+$0xFFFFFF90];
	s1 =	simm.s32 $0x60;
	s7 =	smov.u32 s6;
	s13 =	simm.s32 $0x0  }
.LBB2_41:
0x47c: {  	p0 =	sne.s32 s1, $0x5A0  }
0x47d: {  	v19 =	vld [tilespmem:s7+$0xFFFFFFA0];
	_ =	sdelay $0x1  }
0x47e: {  	v20 =	vld [tilespmem:s7+$0xFFFFFFB0]  }
0x47f: {  	v17 =	vmul.f32 v17, v17;
	v18 =	vmul.f32 v18, v18  }
0x480: {  	v21 =	vld [tilespmem:s7+$0xFFFFFFC0]  }
0x481: {  	v17 =	vadd.f32 v18, v17;
	v18 =	vmul.f32 v19, v19  }
0x482: {  	v19 =	vld [tilespmem:s7+$0xFFFFFFD0]  }
0x483: {  	v17 =	vadd.f32 v18, v17;
	v18 =	vmul.f32 v20, v20  }
0x484: {  	v20 =	vld [tilespmem:s7+$0xFFFFFFE0]  }
0x485: {  	v17 =	vadd.f32 v18, v17;
	v18 =	vmul.f32 v21, v21  }
0x486: {  	v21 =	vld [tilespmem:s7+$0xFFFFFFF0]  }
0x487: {  	v17 =	vadd.f32 v18, v17;
	v18 =	vmul.f32 v19, v19  }
0x488: {  	v19 =	vld [tilespmem:s7+$0x0]  }
0x489: {  	v17 =	vadd.f32 v18, v17;
	v18 =	vmul.f32 v20, v20  }
0x48a: {  	v20 =	vld [tilespmem:s7+$0x10]  }
0x48b: {  	v17 =	vadd.f32 v18, v17;
	v18 =	vmul.f32 v21, v21  }
0x48c: {  	v21 =	vld [tilespmem:s7+$0x20]  }
0x48d: {  	v17 =	vadd.f32 v18, v17;
	v18 =	vmul.f32 v19, v19  }
0x48e: {  	v19 =	vld [tilespmem:s7+$0x30]  }
0x48f: {  	v17 =	vadd.f32 v18, v17;
	v18 =	vmul.f32 v20, v20  }
0x490: {  	v20 =	vld [tilespmem:s7+$0x40]  }
0x491: {  	v17 =	vadd.f32 v18, v17;
	v18 =	vmul.f32 v21, v21  }
0x492: {  	v21 =	vld [tilespmem:s7+$0x50]  }
0x493: {  	v17 =	vadd.f32 v18, v17;
	v18 =	vmul.f32 v19, v19  }
0x494: {  	v19 =	vld [tilespmem:s7+$0x60]  }
0x495: {  	v17 =	vadd.f32 v18, v17;
	v18 =	vmul.f32 v20, v20  }
0x496: {  	v20 =	vld [tilespmem:s7+$0x70]  }
0x497: {  	v17 =	vadd.f32 v18, v17;
	v18 =	vmul.f32 v21, v21;
	_ =	sdelay $0x1  }
0x498: {  	v17 =	vadd.f32 v18, v17;
	v18 =	vmul.f32 v19, v19;
	_ =	sdelay $0x1  }
0x499: {  	v17 =	vadd.f32 v18, v17;
	v18 =	vmul.f32 v20, v20;
	_ =	sdelay $0x1  }
.Ltmp19:
0x49a: {  	v17 =	vadd.f32 v18, v17;
	(pc) =	sbr.rel @p0 .LBB2_41-.Ltmp19, $4  }
0x49b: {  	s16 =	sshra.s32 s13, $0x2;
	s13 =	smov.u32 s1  }
0x49c: {  	s7 =	sadd.s32 $0x110, s7;
	[tilespmem:s16+$0x14E10] =	vst v17  }
0x49d: {  	v17 =	vld [tilespmem:s7+$0xFFFFFF80]  }
0x49e: {  	s1 =	sadd.s32 $0x60, s1;
	v18 =	vld [tilespmem:s7+$0xFFFFFF90]  }
0x49f: {  	_ = 	snop  }
0x4a0: {  	v19 =	vld [tilespmem:s7+$0xFFFFFFA0];
	_ =	sdelay $0x1  }
0x4a1: {  	v20 =	vld [tilespmem:s7+$0xFFFFFFB0]  }
0x4a2: {  	v17 =	vmul.f32 v17, v17;
	v18 =	vmul.f32 v18, v18  }
0x4a3: {  	v21 =	vld [tilespmem:s7+$0xFFFFFFC0]  }
0x4a4: {  	v17 =	vadd.f32 v18, v17;
	v18 =	vmul.f32 v19, v19  }
0x4a5: {  	v19 =	vld [tilespmem:s7+$0xFFFFFFD0]  }
0x4a6: {  	v17 =	vadd.f32 v18, v17;
	v18 =	vmul.f32 v20, v20  }
0x4a7: {  	v50 =	vld [tilespmem:s7+$0xFFFFFFE0]  }
0x4a8: {  	v17 =	vadd.f32 v18, v17;
	v18 =	vmul.f32 v21, v21  }
0x4a9: {  	v51 =	vld [tilespmem:s7+$0xFFFFFFF0]  }
0x4aa: {  	v17 =	vadd.f32 v18, v17;
	v18 =	vmul.f32 v19, v19  }
0x4ab: {  	v19 =	vld [tilespmem:s7+$0x0]  }
0x4ac: {  	v17 =	vadd.f32 v18, v17;
	v18 =	vmul.f32 v50, v50  }
0x4ad: {  	v52 =	vld [tilespmem:s7+$0x10]  }
0x4ae: {  	v17 =	vadd.f32 v18, v17;
	v18 =	vmul.f32 v51, v51  }
0x4af: {  	v53 =	vld [tilespmem:s7+$0x20]  }
0x4b0: {  	v17 =	vadd.f32 v18, v17;
	v18 =	vmul.f32 v19, v19  }
0x4b1: {  	v19 =	vld [tilespmem:s7+$0x30]  }
0x4b2: {  	v17 =	vadd.f32 v18, v17;
	v18 =	vmul.f32 v52, v52  }
0x4b3: {  	v54 =	vld [tilespmem:s7+$0x40]  }
0x4b4: {  	v17 =	vadd.f32 v18, v17;
	v18 =	vmul.f32 v53, v53  }
0x4b5: {  	v55 =	vld [tilespmem:s7+$0x50]  }
0x4b6: {  	v17 =	vadd.f32 v18, v17;
	v18 =	vmul.f32 v19, v19  }
0x4b7: {  	v19 =	vld [tilespmem:s7+$0x60]  }
0x4b8: {  	v17 =	vadd.f32 v18, v17;
	v18 =	vmul.f32 v54, v54  }
0x4b9: {  	v56 =	vld [tilespmem:s7+$0x70]  }
0x4ba: {  	v17 =	vadd.f32 v18, v17;
	v18 =	vmul.f32 v55, v55;
	_ =	sdelay $0x1  }
0x4bb: {  	v17 =	vadd.f32 v18, v17;
	v18 =	vmul.f32 v19, v19;
	_ =	sdelay $0x1  }
0x4bc: {  	v17 =	vadd.f32 v18, v17;
	v18 =	vmul.f32 v56, v56;
	_ =	sdelay $0x1  }
0x4bd: {  	v17 =	vadd.f32 v18, v17  }
0x4be: {  	s1 =	sshra.s32 s13, $0x2  }
0x4bf: {  	[tilespmem:s1+$0x14E10] =	vst v17  }
0x4c0: {  	v17 =	vld.idx.msk [tilespmem:v0+s31+$0x0], $0xffff;
	_ =	sdelay $0x1  }
0x4c1: {  	v18 =	vld.idx.msk [tilespmem:v2+s31+$0x0], $0xffff;
	_ =	sdelay $0x1  }
0x4c2: {  	v19 =	vld.idx.msk [tilespmem:v3+s31+$0x0], $0xffff  }
0x4c3: {  	v17 =	vadd.f32 $0.0e+00, v17  }
0x4c4: {  	v57 =	vld.idx.msk [tilespmem:v4+s31+$0x0], $0xffff  }
0x4c5: {  	v17 =	vadd.f32 v18, v17  }
0x4c6: {  	v18 =	vld.idx.msk [tilespmem:v5+s31+$0x0], $0xffff  }
0x4c7: {  	v17 =	vadd.f32 v19, v17  }
0x4c8: {  	v19 =	vld.idx.msk [tilespmem:v6+s31+$0x0], $0xffff  }
0x4c9: {  	v17 =	vadd.f32 v57, v17  }
0x4ca: {  	v58 =	vld.idx.msk [tilespmem:v7+s31+$0x0], $0xffff  }
0x4cb: {  	v17 =	vadd.f32 v18, v17  }
0x4cc: {  	v18 =	vld.idx.msk [tilespmem:v8+s31+$0x0], $0xffff  }
0x4cd: {  	v17 =	vadd.f32 v19, v17  }
0x4ce: {  	v19 =	vld.idx.msk [tilespmem:v9+s31+$0x0], $0xffff  }
0x4cf: {  	v17 =	vadd.f32 v58, v17  }
0x4d0: {  	v59 =	vld.idx.msk [tilespmem:v10+s31+$0x0], $0xffff  }
0x4d1: {  	v17 =	vadd.f32 v18, v17  }
0x4d2: {  	v18 =	vld.idx.msk [tilespmem:v11+s31+$0x0], $0xffff  }
0x4d3: {  	v17 =	vadd.f32 v19, v17  }
0x4d4: {  	v60 =	vld.idx.msk [tilespmem:v12+s31+$0x0], $0xffff;
	v19 =	vmov s15  }
0x4d5: {  	v19 =	vmul.u32 $0x110, v19;
	v17 =	vadd.f32 v59, v17  }
0x4d6: {  	v61 =	vld.idx.msk [tilespmem:v13+s31+$0x0], $0xffff  }
0x4d7: {  	v19 =	vbroadcast v19, $0x0;
	v17 =	vadd.f32 v18, v17  }
0x4d8: {  	v18 =	vld.idx.msk [tilespmem:v14+s31+$0x0], $0xffff  }
0x4d9: {  	v19 =	vadd.s32 v1, v19;
	v17 =	vadd.f32 v60, v17  }
0x4da: {  	v62 =	vld.idx.msk [tilespmem:v15+s31+$0x0], $0xffff  }
0x4db: {  	v17 =	vadd.f32 v61, v17  }
0x4dc: {  	v63 =	vld.idx.msk [tilespmem:v16+s31+$0x0], $0xffff  }
0x4dd: {  	v17 =	vadd.f32 v18, v17  }
0x4de: {  	v18 =	vld.idx.msk [tilespmem:v19+s22+$0x0], $0xffff  }
0x4df: {  	v17 =	vadd.f32 v62, v17;
	_ =	sdelay $0x1  }
0x4e0: {  	s14 =	sadd.s32 $0x1, s14;
	v17 =	vadd.f32 v63, v17  }
0x4e1: {  	p0 =	sne.s32 s14, $0x5  }
.Ltmp20:
0x4e2: {  	v17 =	vsub.f32 v17, v18;
	(pc) =	sbr.rel @p0 .LBB2_40-.Ltmp20, $3  }
0x4e3: {  	_ = 	snop  }
0x4e4: {  	v17 =	vmul.f32 $5.000000000e-01, v17;
	_ =	sdelay $0x1  }
0x4e5: {  	s6 =	sadd.s32 $0x1100, s6;
	[tilespmem:s15+$0x14D20] =	vst v17  }
0x4e6: {  	s14 =	simm.s32 $0x0;
	s1 =	rddreg [dreg:$0xa];
	s6 =	simm.s32 $0x14D20  }
0x4e7: {  	[hbm4b:s1+s14] =	stream.linear.scatter [tilespmem:s6], [sflag:$0xA], $0x50, $0x38;
	[tilespmem:$0x14F90] =	vst v63  }
0x4e8: {  	_ =	swait.ge [sflag:s17], $0x50  }
0x4e9: {  	[sflag:s17] =	ssyncset.done $0x0  }
0x4ea: {  	[sflag:s17] =	ssyncadd.s32 $0xFFFFFFB0  }
0x4eb: {  	_ =	swait.ge [sflag:s0], $0x5500  }
0x4ec: {  	[sflag:s0] =	ssyncset.done $0x0  }
0x4ed: {  	[sflag:s0] =	ssyncadd.s32 $0xFFFFAB00  }
0x4ee: {  	_ =	swait.ge [sflag:s9], $0x50  }
0x4ef: {  	[sflag:s9] =	ssyncset.done $0x0  }
0x4f0: {  	s6 =	simm.s32 $0xA3A0;
	[sflag:s9] =	ssyncadd.s32 $0xFFFFFFB0  }
.LBB2_44:
0x4f1: {  	v17 =	vld [tilespmem:s6+$0xFFFFFF80];
	s15 =	sshll.u32 s14, $0x4  }
0x4f2: {  	v18 =	vld [tilespmem:s6+$0xFFFFFF90];
	s1 =	simm.s32 $0x60;
	s7 =	smov.u32 s6;
	s13 =	simm.s32 $0x0  }
.LBB2_45:
0x4f3: {  	p0 =	sne.s32 s1, $0x5A0  }
0x4f4: {  	v19 =	vld [tilespmem:s7+$0xFFFFFFA0];
	_ =	sdelay $0x1  }
0x4f5: {  	v20 =	vld [tilespmem:s7+$0xFFFFFFB0]  }
0x4f6: {  	v17 =	vmul.f32 v17, v17;
	v18 =	vmul.f32 v18, v18  }
0x4f7: {  	v21 =	vld [tilespmem:s7+$0xFFFFFFC0]  }
0x4f8: {  	v17 =	vadd.f32 v18, v17;
	v18 =	vmul.f32 v19, v19  }
0x4f9: {  	v19 =	vld [tilespmem:s7+$0xFFFFFFD0]  }
0x4fa: {  	v17 =	vadd.f32 v18, v17;
	v18 =	vmul.f32 v20, v20  }
0x4fb: {  	v20 =	vld [tilespmem:s7+$0xFFFFFFE0]  }
0x4fc: {  	v17 =	vadd.f32 v18, v17;
	v18 =	vmul.f32 v21, v21  }
0x4fd: {  	v21 =	vld [tilespmem:s7+$0xFFFFFFF0]  }
0x4fe: {  	v17 =	vadd.f32 v18, v17;
	v18 =	vmul.f32 v19, v19  }
0x4ff: {  	v19 =	vld [tilespmem:s7+$0x0]  }
0x500: {  	v17 =	vadd.f32 v18, v17;
	v18 =	vmul.f32 v20, v20  }
0x501: {  	v20 =	vld [tilespmem:s7+$0x10]  }
0x502: {  	v17 =	vadd.f32 v18, v17;
	v18 =	vmul.f32 v21, v21  }
0x503: {  	v21 =	vld [tilespmem:s7+$0x20]  }
0x504: {  	v17 =	vadd.f32 v18, v17;
	v18 =	vmul.f32 v19, v19  }
0x505: {  	v19 =	vld [tilespmem:s7+$0x30]  }
0x506: {  	v17 =	vadd.f32 v18, v17;
	v18 =	vmul.f32 v20, v20  }
0x507: {  	v20 =	vld [tilespmem:s7+$0x40]  }
0x508: {  	v17 =	vadd.f32 v18, v17;
	v18 =	vmul.f32 v21, v21  }
0x509: {  	v21 =	vld [tilespmem:s7+$0x50]  }
0x50a: {  	v17 =	vadd.f32 v18, v17;
	v18 =	vmul.f32 v19, v19  }
0x50b: {  	v19 =	vld [tilespmem:s7+$0x60]  }
0x50c: {  	v17 =	vadd.f32 v18, v17;
	v18 =	vmul.f32 v20, v20  }
0x50d: {  	v20 =	vld [tilespmem:s7+$0x70]  }
0x50e: {  	v17 =	vadd.f32 v18, v17;
	v18 =	vmul.f32 v21, v21;
	_ =	sdelay $0x1  }
0x50f: {  	v17 =	vadd.f32 v18, v17;
	v18 =	vmul.f32 v19, v19;
	_ =	sdelay $0x1  }
0x510: {  	v17 =	vadd.f32 v18, v17;
	v18 =	vmul.f32 v20, v20;
	_ =	sdelay $0x1  }
.Ltmp21:
0x511: {  	v17 =	vadd.f32 v18, v17;
	(pc) =	sbr.rel @p0 .LBB2_45-.Ltmp21, $4  }
0x512: {  	s16 =	sshra.s32 s13, $0x2;
	s13 =	smov.u32 s1  }
0x513: {  	s7 =	sadd.s32 $0x110, s7;
	[tilespmem:s16+$0x14E10] =	vst v17  }
0x514: {  	v17 =	vld [tilespmem:s7+$0xFFFFFF80]  }
0x515: {  	s1 =	sadd.s32 $0x60, s1;
	v18 =	vld [tilespmem:s7+$0xFFFFFF90]  }
0x516: {  	_ = 	snop  }
0x517: {  	v19 =	vld [tilespmem:s7+$0xFFFFFFA0];
	_ =	sdelay $0x1  }
0x518: {  	v20 =	vld [tilespmem:s7+$0xFFFFFFB0]  }
0x519: {  	v17 =	vmul.f32 v17, v17;
	v18 =	vmul.f32 v18, v18  }
0x51a: {  	v21 =	vld [tilespmem:s7+$0xFFFFFFC0]  }
0x51b: {  	v17 =	vadd.f32 v18, v17;
	v18 =	vmul.f32 v19, v19  }
0x51c: {  	v19 =	vld [tilespmem:s7+$0xFFFFFFD0]  }
0x51d: {  	v17 =	vadd.f32 v18, v17;
	v18 =	vmul.f32 v20, v20  }
0x51e: {  	v50 =	vld [tilespmem:s7+$0xFFFFFFE0]  }
0x51f: {  	v17 =	vadd.f32 v18, v17;
	v18 =	vmul.f32 v21, v21  }
0x520: {  	v51 =	vld [tilespmem:s7+$0xFFFFFFF0]  }
0x521: {  	v17 =	vadd.f32 v18, v17;
	v18 =	vmul.f32 v19, v19  }
0x522: {  	v19 =	vld [tilespmem:s7+$0x0]  }
0x523: {  	v17 =	vadd.f32 v18, v17;
	v18 =	vmul.f32 v50, v50  }
0x524: {  	v52 =	vld [tilespmem:s7+$0x10]  }
0x525: {  	v17 =	vadd.f32 v18, v17;
	v18 =	vmul.f32 v51, v51  }
0x526: {  	v53 =	vld [tilespmem:s7+$0x20]  }
0x527: {  	v17 =	vadd.f32 v18, v17;
	v18 =	vmul.f32 v19, v19  }
0x528: {  	v19 =	vld [tilespmem:s7+$0x30]  }
0x529: {  	v17 =	vadd.f32 v18, v17;
	v18 =	vmul.f32 v52, v52  }
0x52a: {  	v54 =	vld [tilespmem:s7+$0x40]  }
0x52b: {  	v17 =	vadd.f32 v18, v17;
	v18 =	vmul.f32 v53, v53  }
0x52c: {  	v55 =	vld [tilespmem:s7+$0x50]  }
0x52d: {  	v17 =	vadd.f32 v18, v17;
	v18 =	vmul.f32 v19, v19  }
0x52e: {  	v19 =	vld [tilespmem:s7+$0x60]  }
0x52f: {  	v17 =	vadd.f32 v18, v17;
	v18 =	vmul.f32 v54, v54  }
0x530: {  	v56 =	vld [tilespmem:s7+$0x70]  }
0x531: {  	v17 =	vadd.f32 v18, v17;
	v18 =	vmul.f32 v55, v55;
	_ =	sdelay $0x1  }
0x532: {  	v17 =	vadd.f32 v18, v17;
	v18 =	vmul.f32 v19, v19;
	_ =	sdelay $0x1  }
0x533: {  	v17 =	vadd.f32 v18, v17;
	v18 =	vmul.f32 v56, v56;
	_ =	sdelay $0x1  }
0x534: {  	v17 =	vadd.f32 v18, v17  }
0x535: {  	s1 =	sshra.s32 s13, $0x2  }
0x536: {  	[tilespmem:s1+$0x14E10] =	vst v17  }
0x537: {  	v17 =	vld.idx.msk [tilespmem:v0+s31+$0x0], $0xffff;
	_ =	sdelay $0x1  }
0x538: {  	v18 =	vld.idx.msk [tilespmem:v2+s31+$0x0], $0xffff;
	_ =	sdelay $0x1  }
0x539: {  	v19 =	vld.idx.msk [tilespmem:v3+s31+$0x0], $0xffff  }
0x53a: {  	v17 =	vadd.f32 $0.0e+00, v17  }
0x53b: {  	v57 =	vld.idx.msk [tilespmem:v4+s31+$0x0], $0xffff  }
0x53c: {  	v17 =	vadd.f32 v18, v17  }
0x53d: {  	v18 =	vld.idx.msk [tilespmem:v5+s31+$0x0], $0xffff  }
0x53e: {  	v17 =	vadd.f32 v19, v17  }
0x53f: {  	v19 =	vld.idx.msk [tilespmem:v6+s31+$0x0], $0xffff  }
0x540: {  	v17 =	vadd.f32 v57, v17  }
0x541: {  	v58 =	vld.idx.msk [tilespmem:v7+s31+$0x0], $0xffff  }
0x542: {  	v17 =	vadd.f32 v18, v17  }
0x543: {  	v18 =	vld.idx.msk [tilespmem:v8+s31+$0x0], $0xffff  }
0x544: {  	v17 =	vadd.f32 v19, v17  }
0x545: {  	v19 =	vld.idx.msk [tilespmem:v9+s31+$0x0], $0xffff  }
0x546: {  	v17 =	vadd.f32 v58, v17  }
0x547: {  	v59 =	vld.idx.msk [tilespmem:v10+s31+$0x0], $0xffff  }
0x548: {  	v17 =	vadd.f32 v18, v17  }
0x549: {  	v18 =	vld.idx.msk [tilespmem:v11+s31+$0x0], $0xffff  }
0x54a: {  	v17 =	vadd.f32 v19, v17  }
0x54b: {  	v60 =	vld.idx.msk [tilespmem:v12+s31+$0x0], $0xffff;
	v19 =	vmov s15  }
0x54c: {  	v19 =	vmul.u32 $0x110, v19;
	v17 =	vadd.f32 v59, v17  }
0x54d: {  	v61 =	vld.idx.msk [tilespmem:v13+s31+$0x0], $0xffff  }
0x54e: {  	v19 =	vbroadcast v19, $0x0;
	v17 =	vadd.f32 v18, v17  }
0x54f: {  	v18 =	vld.idx.msk [tilespmem:v14+s31+$0x0], $0xffff  }
0x550: {  	v19 =	vadd.s32 v1, v19;
	v17 =	vadd.f32 v60, v17  }
0x551: {  	v62 =	vld.idx.msk [tilespmem:v15+s31+$0x0], $0xffff  }
0x552: {  	v17 =	vadd.f32 v61, v17  }
0x553: {  	v63 =	vld.idx.msk [tilespmem:v16+s31+$0x0], $0xffff  }
0x554: {  	v17 =	vadd.f32 v18, v17  }
0x555: {  	v18 =	vld.idx.msk [tilespmem:v19+s23+$0x0], $0xffff  }
0x556: {  	v17 =	vadd.f32 v62, v17;
	_ =	sdelay $0x1  }
0x557: {  	s14 =	sadd.s32 $0x1, s14;
	v17 =	vadd.f32 v63, v17  }
0x558: {  	p0 =	sne.s32 s14, $0x5  }
.Ltmp22:
0x559: {  	v17 =	vsub.f32 v17, v18;
	(pc) =	sbr.rel @p0 .LBB2_44-.Ltmp22, $3  }
0x55a: {  	_ = 	snop  }
0x55b: {  	v17 =	vmul.f32 $5.000000000e-01, v17;
	_ =	sdelay $0x1  }
0x55c: {  	s6 =	sadd.s32 $0x1100, s6;
	[tilespmem:s15+$0x14D70] =	vst v17  }
0x55d: {  	s1 =	rddreg [dreg:$0xb];
	s6 =	simm.s32 $0x14D70  }
0x55e: {  	[hbm4b:s1+s2] =	stream.linear.scatter [tilespmem:s6], [sflag:$0xA], $0x50, $0x38;
	[tilespmem:$0x14F90] =	vst v63  }
0x55f: {  	_ =	swait.ge [sflag:s17], $0x50  }
0x560: {  	[sflag:s17] =	ssyncset.done $0x0  }
0x561: {  	[sflag:s17] =	ssyncadd.s32 $0xFFFFFFB0  }
0x562: {  	_ =	swait.ge [sflag:s10], $0x50  }
0x563: {  	s19 =	rddreg [dreg:$0xd]  }
0x564: {  	s29 =	rddreg [dreg:$0xc];
	s6 =	sadd.s32 $0x1, s19  }
0x565: {  	p0 =	sne.s32 s6, s29  }
.Ltmp23:
0x566: {  	_ = 	snop;
	(pc) =	sbr.rel @p0 .LBB2_1-.Ltmp23, $3  }
0x567: {  	_ =	sdelay $0x1  }
0x568: {  	[sflag:s10] =	ssyncset.done $0x0  }
0x569: {  	[sflag:s10] =	ssyncadd.s32 $0xFFFFFFB0  }
0x56a: {  	_ =	sfence.sel $0x180000  }
0x56b: {  	[bflag:$0x0] =	sbarrier.arrive $0xFFFF  }
0x56c: {  	_ =	strace $0x9000004D  }
0x56d: {  	s0 =	stileid.u32;
	[bflag:$0x2] =	sbarrier.arrive $0xFFFF  }
0x56e: {  	p0 =	sne.s32 s0, $0x0;
	s0 =	rddreg [dreg:$0x1]  }
0x56f: {  	s0 =	sadd.s32 @!p0 $0x100000, s0  }
0x570: {  	[sflag:s0] =	ssyncadd.tile.s32 @!p0 $0x1;
	_ =	shalt  }
.Lfunc_end2:
_tile_overlayer_lowered:
.L_overlay_start_2:
0x571: {  	(tag) =	ssettag $0x2  }
0x572: {  	s0 =	rddreg [dreg:$0x0];
	s2 =	stileid.u32  }
0x573: {  	s1 =	rddreg [dreg:$0x1];
	p0 =	sne.s32 s2, $0x0  }
0x574: {  	s3 =	rddreg [dreg:$0x2];
	[bflag:$0x3] =	sbarrier.arrive $0xFFFF;
	s2 =	simm.s32 @!p0 $0x1C0A  }
0x575: {  	[timem:s3], [sflag:s2] =	dma.local @!p0 [hbm:s0], s1  }
0x576: {  	s0 =	simm.s32 @!p0 $0xA  }
0x577: {  	_ =	swait.ge @!p0 [sflag:s0], s1  }
0x578: {  	s1 =	ssub.s32 @!p0 $0x0, s1;
	[sflag:s0] =	ssyncset.done @!p0 $0x0  }
0x579: {  	[sflag:s0] =	ssyncadd.s32 @!p0 s1  }
0x57a: {  	[bflag:$0x3] =	sbarrier.arrive $0xFFFF  }
0x57b: {  	_ =	shalt  }

// kernel: kernel.8.cloned.1.call-start
scs
__scs_entry_jumppad:
0x0: {  	(pc) =	sbr.rel $0x88, $3  }
0x1: {  	(tag) =	ssettag $0x0;
	lr =	simm.s32 $0x1  }
0x2: {  	[smem:$0x3F9B] =	sst lr;
	_ =	strace $0xD0000000  }
0x3: {  	_ = 	snop  }
0x4: {  	_ = 	snop  }
0x5: {  	_ = 	snop  }
0x6: {  	_ = 	snop  }
0x7: {  	_ = 	snop  }
__scs_overlays_trampoline_lowered:
0x8: {  	[smem:$0x3FAA] =	sst s0  }
0x9: {  	[smem:$0x3FAB] =	sst s1  }
0xa: {  	[smem:$0x3FAC] =	sst s2  }
0xb: {  	[smem:$0x3FAD] =	sst s3  }
0xc: {  	[smem:$0x3FAE] =	sst s4  }
0xd: {  	[smem:$0x3FAF] =	sst s5  }
0xe: {  	[smem:$0x3FB0] =	sst s6  }
0xf: {  	[smem:$0x3FB1] =	sst s7  }
0x10: {  	[smem:$0x3FB2] =	sst s8  }
0x11: {  	[smem:$0x3FB3] =	sst s9;
	s0 =	simm.s32 @!p0 $0x0  }
0x12: {  	s1 =	sld [smem:$0x3F99];
	s0 =	simm.s32 @p0 $0x1  }
0x13: {  	[smem:$0x3FB4] =	sst s0;
	s0 =	simm.s32 @!p1 $0x0  }
0x14: {  	s2 =	sld [smem:$0x3F98];
	s0 =	simm.s32 @p1 $0x1  }
0x15: {  	[smem:$0x3FB5] =	sst s0;
	s0 =	simm.s32 @!p2 $0x0  }
0x16: {  	s3 =	sld [smem:$0x3FDB];
	s0 =	simm.s32 @p2 $0x1  }
0x17: {  	s4 =	simm.s32 $0x1BF5;
	[smem:$0x3FB7] =	sst s0  }
0x18: {  	s0 =	sld [smem:$0x3F9A];
	_ =	swait.ge [sflag:s4], $0x0  }
0x19: {  	s7 =	sld [smem:$0x3F9B]  }
0x1a: {  	s8 =	sadd.s32 $0xFFFFE003, lr  }
0x1b: {  	s9 =	sadd.s32 $0xFFFFFEF7, lr;
	s5 =	simm.s32 $0xFFFFFFFF;
	p2 =	slt.u32 s8, $0xFFFFF086  }
0x1c: {  	p1 =	slt.u32 s9, $0xF7A;
	s5 =	simm.s32 @!p2 $0x0  }
0x1d: {  	s5 =	simm.s32 @p1 $0x1;
	p0 =	seq.s32 s7, s2  }
0x1e: {  	s7 =	smul.u32 @!p0 $0xF7A, s2;
	p2 =	seq.s32 @!p0 s5, $0x0  }
0x1f: {  	s9 =	smul.u32 $0xF7A, s1;
	s8 =	simm.s32 @!p0 $0x1BF5;
	p2 =	por !p2, p0  }
0x20: {  	[sflag:s8] =	ssyncset.s32 @!p0 $0xFFFFF086;
	s6 =	sadd.s32 @!p0 s3, s7;
	s7 =	simm.s32 @!p0 $0x108  }
0x21: {  	s3 =	sadd.s32 s3, s9;
	s6 =	sadd.s32 @!p0 $0x88, s6;
	s7 =	simm.s32 @p2 $0x1082  }
0x22: {  	[simem:s7], [sflag:s8] =	dma.local @!p0 [hbm:s6], $0xF7A  }
0x23: {  	s9 =	sor.u32 $0xD0000000, s2;
	s6 =	simm.s32 $0x108;
	_ =	swait.ge @!p0 [sflag:s8], $0x0  }
0x24: {  	s3 =	sadd.s32 $0x88, s3;
	s6 =	simm.s32 @!p1 $0x1082;
	[sflag:s4] =	ssyncset.s32 $0xFFFFF086  }
0x25: {  	[simem:s6], [sflag:s4] =	dma.local [hbm:s3], $0xF7A  }
0x26: {  	[smem:$0x3F9B] =	sst s1;
	(tag) =	ssettag s2;
	_ =	strace s9  }
0x27: {  	s1 =	sld [smem:$0x3FAB]  }
0x28: {  	s2 =	sld [smem:$0x3FAC]  }
0x29: {  	s4 =	sld [smem:$0x3FAE]  }
0x2a: {  	p0 =	seq.s32 s5, $0x0;
	s5 =	sld [smem:$0x3FAF]  }
0x2b: {  	s6 =	sld [smem:$0x3FB0]  }
0x2c: {  	s7 =	sld [smem:$0x3FB1]  }
0x2d: {  	s3 =	simm.s32 $0x108;
	s8 =	sld [smem:$0x3FB2]  }
0x2e: {  	s3 =	simm.s32 @!p0 $0x1082;
	s9 =	sld [smem:$0x3FB3]  }
0x2f: {  	lr =	sadd.s32 s0, s3;
	s0 =	sld [smem:$0x3FAA]  }
0x30: {  	s3 =	sld [smem:$0x3FAD]  }
0x31: {  	[smem:$0x3FB6] =	sst s10  }
0x32: {  	s10 =	sld [smem:$0x3FB4];
	_ =	sdelay $0x3  }
0x33: {  	p0 =	seq.s32 s10, $0x1;
	s10 =	sld [smem:$0x3FB6];
	_ =	sdelay $0x3  }
0x34: {  	[smem:$0x3FB6] =	sst s10  }
0x35: {  	s10 =	sld [smem:$0x3FB5];
	_ =	sdelay $0x3  }
0x36: {  	p1 =	seq.s32 s10, $0x1;
	s10 =	sld [smem:$0x3FB6];
	_ =	sdelay $0x3  }
0x37: {  	[smem:$0x3FB6] =	sst s10  }
0x38: {  	s10 =	sld [smem:$0x3FB7]  }
0x39: {  	_ = 	snop;
	(pc) =	sbr.ind lr, $3  }
0x3a: {  	_ = 	snop  }
0x3b: {  	_ = 	snop  }
0x3c: {  	p2 =	seq.s32 s10, $0x1;
	s10 =	sld [smem:$0x3FB6]  }
0x3d: {  	_ =	shalt  }
0x3e: {  	_ =	shalt  }
0x3f: {  	_ =	shalt  }
0x40: {  	_ =	shalt  }
0x41: {  	_ =	shalt  }
0x42: {  	_ =	shalt  }
0x43: {  	_ =	shalt  }
0x44: {  	_ =	shalt  }
0x45: {  	_ =	shalt  }
0x46: {  	_ =	shalt  }
0x47: {  	_ =	shalt  }
0x48: {  	_ =	shalt  }
0x49: {  	_ =	shalt  }
0x4a: {  	_ =	shalt  }
0x4b: {  	_ =	shalt  }
0x4c: {  	_ =	shalt  }
0x4d: {  	_ =	shalt  }
0x4e: {  	_ =	shalt  }
0x4f: {  	_ =	shalt  }
0x50: {  	_ =	shalt  }
0x51: {  	_ =	shalt  }
0x52: {  	_ =	shalt  }
0x53: {  	_ =	shalt  }
0x54: {  	_ =	shalt  }
0x55: {  	_ =	shalt  }
0x56: {  	_ =	shalt  }
0x57: {  	_ =	shalt  }
0x58: {  	_ =	shalt  }
0x59: {  	_ =	shalt  }
0x5a: {  	_ =	shalt  }
0x5b: {  	_ =	shalt  }
0x5c: {  	_ =	shalt  }
0x5d: {  	_ =	shalt  }
0x5e: {  	_ =	shalt  }
0x5f: {  	_ =	shalt  }
0x60: {  	_ =	shalt  }
0x61: {  	_ =	shalt  }
0x62: {  	_ =	shalt  }
0x63: {  	_ =	shalt  }
0x64: {  	_ =	shalt  }
0x65: {  	_ =	shalt  }
0x66: {  	_ =	shalt  }
0x67: {  	_ =	shalt  }
0x68: {  	_ =	shalt  }
0x69: {  	_ =	shalt  }
0x6a: {  	_ =	shalt  }
0x6b: {  	_ =	shalt  }
0x6c: {  	_ =	shalt  }
0x6d: {  	_ =	shalt  }
0x6e: {  	_ =	shalt  }
0x6f: {  	_ =	shalt  }
0x70: {  	_ =	shalt  }
0x71: {  	_ =	shalt  }
0x72: {  	_ =	shalt  }
0x73: {  	_ =	shalt  }
0x74: {  	_ =	shalt  }
0x75: {  	_ =	shalt  }
0x76: {  	_ =	shalt  }
0x77: {  	_ =	shalt  }
0x78: {  	_ =	shalt  }
0x79: {  	_ =	shalt  }
0x7a: {  	_ =	shalt  }
0x7b: {  	_ =	shalt  }
0x7c: {  	_ =	shalt  }
0x7d: {  	_ =	shalt  }
0x7e: {  	_ =	shalt  }
0x7f: {  	_ =	shalt  }
0x80: {  	_ =	shalt  }
0x81: {  	_ =	shalt  }
0x82: {  	_ =	shalt  }
0x83: {  	_ =	shalt  }
0x84: {  	_ =	shalt  }
0x85: {  	_ =	shalt  }
0x86: {  	_ =	shalt  }
0x87: {  	_ =	shalt  }
.Lfunc_end0:
.L_simem_size_0:
called_computation_lowered:
.L_overlay_start_0:
0x88: {  	s2 =	sld [smem:$0x3FD9]  }
0x89: {  	s3 =	sld [smem:$0x3FFE];
	_ =	sdelay $0x1  }
0x8a: {  	s1 =	srdreg.scid  }
0x8b: {  	s0 =	sand.u32 $0x1, s1  }
0x8c: {  	s14 =	sshll.u32 s0, $0xA;
	s2 =	sadd.s32 s3, s2  }
0x8d: {  	s2 =	sadd.s32 s2, s14  }
0x8e: {  	[smem:$0x3FC2] =	sst s2  }
0x8f: {  	_ = 	snop  }
0x90: {  	s2 =	sld [smem:$0x3FD0];
	_ =	sdelay $0x2  }
0x91: {  	s15 =	simm.s32 $0xA;
	s4 =	simm.s32 $0x10  }
0x92: {  	[smem:s4], [sflag:s15] =	dma.local [hbm:s2], $0x1  }
0x93: {  	_ =	swait.eq [sflag:s15], $0x1  }
0x94: {  	[sflag:s15] =	ssyncset.done $0x0  }
0x95: {  	[sflag:s15] =	ssyncadd.s32 $0xFFFFFFFF  }
0x96: {  	s16 =	sld [smem:$0x11];
	(tm) =	ssettm $0x1  }
0x97: {  	s17 =	sld [smem:$0x3FFB];
	_ =	sdelay $0x3  }
0x98: {  	_ =	strace s17  }
0x99: {  	s3 =	sld [smem:$0x3FFC];
	_ =	sdelay $0x3  }
0x9a: {  	_ =	strace s3  }
0x9b: {  	s3 =	sld [smem:$0x3FFD];
	_ =	sdelay $0x3  }
0x9c: {  	_ =	strace s3  }
0x9d: {  	_ =	strace $0x8FFFFFFF  }
0x9e: {  	s18 =	sld [smem:$0x3FDB];
	_ =	sdelay $0x1  }
0x9f: {  	s19 =	simm.s32 $_scs_section_size  }
0xa0: {  	s5 =	simm.s32 $_size__tile_overlayer_lowered;
	s6 =	simm.s32 $_tile_overlayer_lowered  }
0xa1: {  	s22 =	simm.s32 $0x1BFF;
	s21 =	sshll.u32 s6, $0x1;
	s3 =	sadd.s32 s19, s18  }
0xa2: {  	s7 =	simm.s32 $0x0;
	s20 =	sshll.u32 s5, $0x1;
	s5 =	sadd.s32 s21, s3  }
0xa3: {  	[timem:s7], [sflag:s22] =	dma.local [hbm:s5], s20  }
0xa4: {  	_ =	swait.ge [sflag:s22], s20  }
0xa5: {  	s4 =	ssub.s32 $0x0, s20;
	[sflag:s22] =	ssyncset.done $0x0  }
0xa6: {  	[sflag:s22] =	ssyncadd.s32 s4;
	_ =	sdelay $0x1  }
0xa7: {  	s23 =	simm.s32 $0x1B8B  }
0xa8: {  	_ =	swait.ge [sflag:s23], $0x1  }
0xa9: {  	[sflag:s23] =	ssyncset.done $0x0  }
0xaa: {  	s25 =	simm.s32 $0x1B8E;
	s24 =	sld [smem:$0x3FFE];
	[sflag:s23] =	ssyncadd.s32 $0xFFFFFFFF  }
0xab: {  	s26 =	simm.s32 $execute0_lowered;
	[smem:$0x3FD2] =	sst s25  }
0xac: {  	s5 =	sshll.u32 s26, $0x1;
	_ =	strace $0x80000046;
	[dreg:$0x1] =	wrdreg $0xFFFFFFFF  }
0xad: {  	s28 =	simm.s32 $_size_execute0_lowered;
	s3 =	sadd.s32 s3, s5;
	[dreg:$0x0] =	wrdreg $0x0  }
0xae: {  	s5 =	sshll.u32 s28, $0x1;
	[dreg:$0x2] =	wrdreg s3  }
0xaf: {  	[dreg:$0x3] =	wrdreg s5  }
0xb0: {  	[dreg:$0x4] =	wrdreg $0xC0  }
0xb1: {  	_ =	task [dreg:s7], $0x5FFFF  }
0xb2: {  	[dreg:$0x1] =	wrdreg $0xFFFFFFFF  }
0xb3: {  	[dreg:$0x0] =	wrdreg $0x60  }
0xb4: {  	[dreg:$0x2] =	wrdreg s24  }
0xb5: {  	[dreg:$0x3] =	wrdreg s16  }
0xb6: {  	[dreg:$0x4] =	wrdreg $0x96900  }
0xb7: {  	[dreg:$0x5] =	wrdreg $0x9  }
0xb8: {  	_ =	task.clear_ibuf [dreg:s7], $0x6FFFF;
	_ =	strace $0x90000046  }
0xb9: {  	s29 =	simm.s32 $0x9;
	_ =	strace $0x80000048  }
0xba: {  	_ =	swait.ge [sflag:s29], $0x1  }
0xbb: {  	[sflag:s29] =	ssyncadd.s32 $0xFFFFFFFF  }
0xbc: {  	_ =	strace $0x90000048  }
0xbd: {  	_ =	sfence  }
0xbe: {  	s30 =	sld [smem:$0x0];
	_ =	sdelay $0x2  }
0xbf: {  	s31 =	sshll.u32 s1, $0xD;
	s1 =	sshrl.u32 s1, $0x2  }
0xc0: {  	s3 =	sand.u32 $0x4000, s31;
	s1 =	sadd.s32 s1, s30  }
0xc1: {  	s0 =	sor.u32 s3, s0;
	s1 =	sshll.u32 s1, $0x11  }
0xc2: {  	s0 =	sor.u32 s1, s0  }
0xc3: {  	s0 =	sadd.s32 $0x8F2B, s0  }
0xc4: {  	[sflag:s0] =	ssyncadd.remote.s32 $0x1  }
0xc5: {  	_ =	sfence.sel $0xFFFF  }
0xc6: {  	[dreg:$0x0] =	wrdreg $0xFFFFFFFF;
	(pc) =	sbr.abs _section_cstart, $3  }
0xc7: {  	[dreg:$0x1] =	wrdreg $0xFFFFFFFF  }
0xc8: {  	_ =	task.clear_ibuf [dreg:s7], $0x2FFFF;
	_ =	strace $0x9FFFFFFF  }
0xc9: {  	(tm) =	ssettm $0x7FFFFFFF  }
tec
execute0_lowered:
.L_overlay_start_1:
0x0: {  	(tag) =	ssettag $0x1  }
0x1: {  	s0 =	rddreg [dreg:$0x0]  }
0x2: {  	s3 =	rddreg [dreg:$0x2]  }
0x3: {  	s1 =	srdreg.scid;
	s11 =	stileid.u32;
	s4 =	simm.s32 $0x0  }
0x4: {  	s28 =	simm.s32 $0x100;
	s29 =	simm.s32 $0x3;
	s2 =	smul.u32 $0x2C700, s11  }
0x5: {  	s30 =	simm.s32 $0x5;
	s1 =	sand.u32 $0x1, s1;
	s9 =	smul.u32 $0x1388, s11  }
0x6: {  	s31 =	simm.s32 $0x80;
	[smem:$0x7FF] =	sst s4;
	s6 =	smul.u32 $0x2C7000, s1  }
0x7: {  	s5 =	sadd.s32 $0x4F400, s0;
	s8 =	sadd.s32 $0x80400, s0;
	s7 =	smul.u32 $0x13880, s1  }
0x8: {  	s10 =	sadd.s32 $0x7B400, s0;
	_ =	strace $0x80000047;
	s1 =	ssub.s32 $0x2, s1  }
0x9: {  	s22 =	sshrl.u32 s1, $0x1;
	s6 =	sadd.s32 s2, s6;
	s7 =	sadd.s32 s9, s7  }
0xa: {  	s1 =	ssub.s32 s1, s22;
	s2 =	sshrl.u32 s2, $0x1;
	s6 =	sshrl.u32 s6, $0x4  }
0xb: {  	s23 =	sshrl.u32 s7, $0x3;
	s2 =	sadd.s32 s2, s3;
	s22 =	sadd.s32 $0x200, s7  }
0xc: {  	s0 =	sadd.s32 s6, s0;
	[dreg:$0x4] =	wrdreg s2;
	s24 =	sadd.s32 s8, s23  }
0xd: {  	s25 =	sadd.s32 $0x10, s23;
	s26 =	sadd.s32 s10, s23;
	s13 =	sadd.s32 $0x20, s23  }
0xe: {  	s15 =	sadd.s32 $0x250, s23;
	s17 =	sadd.s32 $0x260, s23;
	[dreg:$0x5] =	wrdreg s24  }
0xf: {  	s19 =	sadd.s32 $0x270, s23;
	[dreg:$0x6] =	wrdreg s26;
	s12 =	sadd.s32 s8, s25  }
0x10: {  	s23 =	sshrl.u32 s22, $0x3;
	s2 =	sadd.s32 s10, s25;
	[dreg:$0x7] =	wrdreg s12  }
0x11: {  	s6 =	simm.s32 $0x4;
	s14 =	sadd.s32 s8, s13;
	[dreg:$0x8] =	wrdreg s2  }
0x12: {  	s9 =	sadd.s32 s10, s13;
	s16 =	sadd.s32 s8, s15;
	[dreg:$0x9] =	wrdreg s14  }
0x13: {  	s18 =	sadd.s32 s8, s17;
	s20 =	sadd.s32 s10, s17;
	[dreg:$0xa] =	wrdreg s9  }
0x14: {  	s21 =	sadd.s32 s8, s19;
	s24 =	sadd.s32 $0x180, s7;
	[dreg:$0xb] =	wrdreg s16  }
0x15: {  	s26 =	sshll.u32 s11, $0x6;
	s0 =	sadd.s32 $0x85400, s0;
	[dreg:$0xd] =	wrdreg s18  }
0x16: {  	s7 =	simm.s32 $0x6;
	s11 =	simm.s32 $0x8;
	[dreg:$0xe] =	wrdreg s20  }
0x17: {  	s13 =	simm.s32 $0x9208;
	s2 =	sadd.s32 s10, s15;
	[dreg:$0xf] =	wrdreg s21  }
0x18: {  	s20 =	sadd.s32 s23, s8;
	s25 =	sshrl.u32 s24, $0x3;
	[dreg:$0x11] =	wrdreg s0  }
0x19: {  	s0 =	simm.s32 $0x200;
	s9 =	simm.s32 $0x2;
	s12 =	simm.s32 $0x9200  }
0x1a: {  	s14 =	simm.s32 $0x9210;
	s15 =	simm.s32 $0x0;
	[dreg:$0xc] =	wrdreg s2  }
0x1b: {  	s2 =	sadd.s32 s10, s19;
	s19 =	sadd.s32 s23, s10;
	s21 =	sadd.s32 s25, s10  }
0x1c: {  	s22 =	sadd.s32 s25, s8;
	s23 =	sor.u32 $0x1C09, s26;
	s25 =	smax.u32 s1, $0x1  }
0x1d: {  	s26 =	simm.s32 $0x9;
	s1 =	simm.s32 $0x180;
	s8 =	simm.s32 $0x4A00  }
0x1e: {  	s10 =	simm.s32 $0x7;
	[dreg:$0x10] =	wrdreg s2;
	s2 =	simm.s32 $0x1  }
.LBB2_1:
0x1f: {  	s16 =	rddreg [dreg:$0x4]  }
0x20: {  	s17 =	rddreg [dreg:$0x1];
	s16 =	sshrl.u32 s16, $0x3  }
0x21: {  	[spmem:s16], [sflag:s23] =	dma.local [hbm:s17], $0x2C70  }
0x22: {  	_ =	swait.ge [sflag:s26], $0x2C70  }
0x23: {  	[sflag:s26] =	ssyncset.done $0x0  }
0x24: {  	[sflag:s26] =	ssyncadd.s32 $0xFFFFD390  }
0x25: {  	[bflag:$0x0] =	sbarrier.arrive $0xFFFF  }
0x26: {  	s24 =	rddreg [dreg:$0x5]  }
0x27: {  	[tilespmem:s4], [sflag:$0x3] =	stream.linear.gather [hbm4b:s24+s4], $0x80, $0x38;
	[tilespmem:$0x1FA10] =	vst v63  }
0x28: {  	s18 =	rddreg [dreg:$0x6]  }
0x29: {  	[tilespmem:s28], [sflag:$0x5] =	stream.linear.gather [hbm4b:s18+s4], $0x80, $0x38;
	[tilespmem:$0x1FA10] =	vst v63  }
0x2a: {  	_ =	swait.ge [sflag:s29], $0x80  }
0x2b: {  	[sflag:s29] =	ssyncset.done $0x0  }
0x2c: {  	[sflag:s29] =	ssyncadd.s32 $0xFFFFFF80  }
0x2d: {  	_ =	swait.ge [sflag:s30], $0x80  }
0x2e: {  	[sflag:s30] =	ssyncset.done $0x0  }
0x2f: {  	[sflag:s30] =	ssyncadd.s32 $0xFFFFFF80  }
0x30: {  	[tilespmem:s0], [sflag:$0x1] =	stream.indirect.gather [hbm4b:s5+s31], $0x90, s4, s31, $0xb8;
	[tilespmem:$0x1FA10] =	vst v63  }
0x31: {  	s24 =	rddreg [dreg:$0x7]  }
0x32: {  	[tilespmem:s31], [sflag:$0x4] =	stream.linear.gather [hbm4b:s24+s4], $0x80, $0x38;
	[tilespmem:$0x1FA10] =	vst v63  }
0x33: {  	s18 =	rddreg [dreg:$0x8]  }
0x34: {  	[tilespmem:s1], [sflag:$0x6] =	stream.linear.gather [hbm4b:s18+s4], $0x80, $0x38;
	[tilespmem:$0x1FA10] =	vst v63  }
0x35: {  	_ =	swait.ge [sflag:s2], $0x4800  }
0x36: {  	[sflag:s2] =	ssyncset.done $0x0  }
0x37: {  	[sflag:s2] =	ssyncadd.s32 $0xFFFFB800  }
0x38: {  	[spmem:s3] =	stream.indirect.scatter.add.bf16 [tilespmem:s0], [sflag:$0x7], $0x90, s28, s31, $0xb8;
	[tilespmem:$0x1FA10] =	vst v63  }
0x39: {  	_ =	swait.ge [sflag:s6], $0x80  }
0x3a: {  	[sflag:s6] =	ssyncset.done $0x0  }
0x3b: {  	[sflag:s6] =	ssyncadd.s32 $0xFFFFFF80  }
0x3c: {  	_ =	swait.ge [sflag:s7], $0x80  }
0x3d: {  	[sflag:s7] =	ssyncset.done $0x0  }
0x3e: {  	[sflag:s7] =	ssyncadd.s32 $0xFFFFFF80  }
0x3f: {  	[tilespmem:s8], [sflag:$0x2] =	stream.indirect.gather [hbm4b:s5+s31], $0x90, s31, s31, $0xb8;
	[tilespmem:$0x1FA10] =	vst v63  }
0x40: {  	s24 =	rddreg [dreg:$0x9]  }
0x41: {  	[tilespmem:s4], [sflag:$0x3] =	stream.linear.gather [hbm4b:s24+s4], $0x80, $0x38;
	[tilespmem:$0x1FA10] =	vst v63  }
0x42: {  	s18 =	rddreg [dreg:$0xa]  }
0x43: {  	[tilespmem:s28], [sflag:$0x5] =	stream.linear.gather [hbm4b:s18+s4], $0x80, $0x38;
	[tilespmem:$0x1FA10] =	vst v63  }
0x44: {  	_ =	swait.ge [sflag:s9], $0x4800  }
0x45: {  	[sflag:s9] =	ssyncset.done $0x0  }
0x46: {  	[sflag:s9] =	ssyncadd.s32 $0xFFFFB800  }
0x47: {  	[spmem:s3] =	stream.indirect.scatter.add.bf16 [tilespmem:s8], [sflag:$0x8], $0x90, s1, s31, $0xb8;
	[tilespmem:$0x1FA10] =	vst v63  }
0x48: {  	_ =	swait.ge [sflag:s10], $0x4800  }
0x49: {  	[sflag:s10] =	ssyncset.done $0x0  }
0x4a: {  	[sflag:s10] =	ssyncadd.s32 $0xFFFFB800  }
0x4b: {  	_ =	swait.ge [sflag:s29], $0x80  }
0x4c: {  	[sflag:s29] =	ssyncset.done $0x0  }
0x4d: {  	[sflag:s29] =	ssyncadd.s32 $0xFFFFFF80  }
0x4e: {  	_ =	swait.ge [sflag:s30], $0x80  }
0x4f: {  	[sflag:s30] =	ssyncset.done $0x0  }
0x50: {  	[sflag:s30] =	ssyncadd.s32 $0xFFFFFF80  }
0x51: {  	[tilespmem:s0], [sflag:$0x1] =	stream.indirect.gather [hbm4b:s5+s31], $0x90, s4, s31, $0xb8;
	[tilespmem:$0x1FA10] =	vst v63  }
0x52: {  	s24 =	sadd.s32 $0x0, s22  }
0x53: {  	[tilespmem:s31], [sflag:$0x4] =	stream.linear.gather [hbm4b:s24+s4], $0x80, $0x38;
	[tilespmem:$0x1FA10] =	vst v63  }
0x54: {  	s18 =	sadd.s32 $0x0, s21  }
0x55: {  	[tilespmem:s1], [sflag:$0x6] =	stream.linear.gather [hbm4b:s18+s4], $0x80, $0x38;
	[tilespmem:$0x1FA10] =	vst v63  }
0x56: {  	_ =	swait.ge [sflag:s2], $0x4800  }
0x57: {  	[sflag:s2] =	ssyncset.done $0x0  }
0x58: {  	[sflag:s2] =	ssyncadd.s32 $0xFFFFB800  }
0x59: {  	[spmem:s3] =	stream.indirect.scatter.add.bf16 [tilespmem:s0], [sflag:$0x7], $0x90, s28, s31, $0xb8;
	[tilespmem:$0x1FA10] =	vst v63  }
0x5a: {  	_ =	swait.ge [sflag:s11], $0x4800  }
0x5b: {  	[sflag:s11] =	ssyncset.done $0x0  }
0x5c: {  	[sflag:s11] =	ssyncadd.s32 $0xFFFFB800  }
0x5d: {  	_ =	swait.ge [sflag:s6], $0x80  }
0x5e: {  	[sflag:s6] =	ssyncset.done $0x0  }
0x5f: {  	[sflag:s6] =	ssyncadd.s32 $0xFFFFFF80  }
0x60: {  	_ =	swait.ge [sflag:s7], $0x80  }
0x61: {  	[sflag:s7] =	ssyncset.done $0x0  }
0x62: {  	[sflag:s7] =	ssyncadd.s32 $0xFFFFFF80  }
0x63: {  	[tilespmem:s8], [sflag:$0x2] =	stream.indirect.gather [hbm4b:s5+s31], $0x90, s31, s31, $0xb8;
	[tilespmem:$0x1FA10] =	vst v63  }
0x64: {  	s17 =	simm.s32 $0x20;
	s24 =	sadd.s32 $0x0, s20;
	s18 =	sadd.s32 $0x0, s19  }
0x65: {  	[tilespmem:s4], [sflag:$0x3] =	stream.linear.gather [hbm4b:s24+s4], $0x80, $0x38;
	[tilespmem:$0x1FA10] =	vst v63  }
.LBB2_2:
0x66: {  	[tilespmem:s28], [sflag:$0x5] =	stream.linear.gather [hbm4b:s18+s4], $0x80, $0x38;
	[tilespmem:$0x1FA10] =	vst v63  }
0x67: {  	s18 =	smov.u32 s17  }
0x68: {  	p0 =	sne.s32 s17, $0x200;
	s17 =	sadd.s32 $0x20, s17;
	_ =	swait.ge [sflag:s9], $0x4800  }
0x69: {  	[sflag:s9] =	ssyncset.done $0x0  }
0x6a: {  	[sflag:s9] =	ssyncadd.s32 $0xFFFFB800  }
0x6b: {  	[spmem:s3] =	stream.indirect.scatter.add.bf16 [tilespmem:s8], [sflag:$0x8], $0x90, s1, s31, $0xb8;
	[tilespmem:$0x1FA10] =	vst v63  }
0x6c: {  	_ =	swait.ge [sflag:s10], $0x4800  }
0x6d: {  	[sflag:s10] =	ssyncset.done $0x0  }
0x6e: {  	[sflag:s10] =	ssyncadd.s32 $0xFFFFB800  }
0x6f: {  	_ =	swait.ge [sflag:s29], $0x80  }
0x70: {  	[sflag:s29] =	ssyncset.done $0x0  }
0x71: {  	[sflag:s29] =	ssyncadd.s32 $0xFFFFFF80  }
0x72: {  	_ =	swait.ge [sflag:s30], $0x80  }
0x73: {  	[sflag:s30] =	ssyncset.done $0x0  }
0x74: {  	[sflag:s30] =	ssyncadd.s32 $0xFFFFFF80  }
0x75: {  	[tilespmem:s0], [sflag:$0x1] =	stream.indirect.gather [hbm4b:s5+s31], $0x90, s4, s31, $0xb8;
	[tilespmem:$0x1FA10] =	vst v63  }
0x76: {  	s24 =	sadd.s32 s18, s22  }
0x77: {  	[tilespmem:s31], [sflag:$0x4] =	stream.linear.gather [hbm4b:s24+s4], $0x80, $0x38;
	[tilespmem:$0x1FA10] =	vst v63  }
0x78: {  	s24 =	sadd.s32 s18, s21  }
0x79: {  	[tilespmem:s1], [sflag:$0x6] =	stream.linear.gather [hbm4b:s24+s4], $0x80, $0x38;
	[tilespmem:$0x1FA10] =	vst v63  }
0x7a: {  	_ =	swait.ge [sflag:s2], $0x4800  }
0x7b: {  	[sflag:s2] =	ssyncset.done $0x0  }
0x7c: {  	[sflag:s2] =	ssyncadd.s32 $0xFFFFB800  }
0x7d: {  	[spmem:s3] =	stream.indirect.scatter.add.bf16 [tilespmem:s0], [sflag:$0x7], $0x90, s28, s31, $0xb8;
	[tilespmem:$0x1FA10] =	vst v63  }
0x7e: {  	_ =	swait.ge [sflag:s11], $0x4800  }
0x7f: {  	[sflag:s11] =	ssyncset.done $0x0  }
0x80: {  	[sflag:s11] =	ssyncadd.s32 $0xFFFFB800  }
0x81: {  	_ =	swait.ge [sflag:s6], $0x80  }
0x82: {  	[sflag:s6] =	ssyncset.done $0x0  }
0x83: {  	[sflag:s6] =	ssyncadd.s32 $0xFFFFFF80  }
0x84: {  	_ =	swait.ge [sflag:s7], $0x80  }
0x85: {  	[sflag:s7] =	ssyncset.done $0x0  }
.Ltmp0:
0x86: {  	[sflag:s7] =	ssyncadd.s32 $0xFFFFFF80;
	(pc) =	sbr.rel @p0 .LBB2_2-.Ltmp0, $4  }
0x87: {  	[tilespmem:s8], [sflag:$0x2] =	stream.indirect.gather [hbm4b:s5+s31], $0x90, s31, s31, $0xb8;
	[tilespmem:$0x1FA10] =	vst v63  }
0x88: {  	s24 =	sadd.s32 s18, s20  }
0x89: {  	[tilespmem:s4], [sflag:$0x3] =	stream.linear.gather [hbm4b:s24+s4], $0x80, $0x38;
	[tilespmem:$0x1FA10] =	vst v63  }
0x8a: {  	s18 =	sadd.s32 s18, s19  }
0x8b: {  	[tilespmem:s28], [sflag:$0x5] =	stream.linear.gather [hbm4b:s18+s4], $0x80, $0x38;
	[tilespmem:$0x1FA10] =	vst v63  }
0x8c: {  	_ =	swait.ge [sflag:s9], $0x4800  }
0x8d: {  	[sflag:s9] =	ssyncset.done $0x0  }
0x8e: {  	[sflag:s9] =	ssyncadd.s32 $0xFFFFB800  }
0x8f: {  	[spmem:s3] =	stream.indirect.scatter.add.bf16 [tilespmem:s8], [sflag:$0x8], $0x90, s1, s31, $0xb8;
	[tilespmem:$0x1FA10] =	vst v63  }
0x90: {  	_ =	swait.ge [sflag:s10], $0x4800  }
0x91: {  	[sflag:s10] =	ssyncset.done $0x0  }
0x92: {  	[sflag:s10] =	ssyncadd.s32 $0xFFFFB800  }
0x93: {  	_ =	swait.ge [sflag:s29], $0x80  }
0x94: {  	[sflag:s29] =	ssyncset.done $0x0  }
0x95: {  	[sflag:s29] =	ssyncadd.s32 $0xFFFFFF80  }
0x96: {  	_ =	swait.ge [sflag:s30], $0x80  }
0x97: {  	[sflag:s30] =	ssyncset.done $0x0  }
0x98: {  	[sflag:s30] =	ssyncadd.s32 $0xFFFFFF80  }
0x99: {  	[tilespmem:s0], [sflag:$0x1] =	stream.indirect.gather [hbm4b:s5+s31], $0x90, s4, s31, $0xb8;
	[tilespmem:$0x1FA10] =	vst v63  }
0x9a: {  	s17 =	rddreg [dreg:$0xb]  }
0x9b: {  	[tilespmem:s31], [sflag:$0x4] =	stream.linear.gather [hbm4b:s17+s4], $0x80, $0x38;
	[tilespmem:$0x1FA10] =	vst v63  }
0x9c: {  	s18 =	rddreg [dreg:$0xc]  }
0x9d: {  	[tilespmem:s1], [sflag:$0x6] =	stream.linear.gather [hbm4b:s18+s4], $0x80, $0x38;
	[tilespmem:$0x1FA10] =	vst v63  }
0x9e: {  	_ =	swait.ge [sflag:s2], $0x4800  }
0x9f: {  	[sflag:s2] =	ssyncset.done $0x0  }
0xa0: {  	[sflag:s2] =	ssyncadd.s32 $0xFFFFB800  }
0xa1: {  	[spmem:s3] =	stream.indirect.scatter.add.bf16 [tilespmem:s0], [sflag:$0x7], $0x90, s28, s31, $0xb8;
	[tilespmem:$0x1FA10] =	vst v63  }
0xa2: {  	_ =	swait.ge [sflag:s11], $0x4800  }
0xa3: {  	[sflag:s11] =	ssyncset.done $0x0  }
0xa4: {  	[sflag:s11] =	ssyncadd.s32 $0xFFFFB800  }
0xa5: {  	_ =	swait.ge [sflag:s6], $0x80  }
0xa6: {  	[sflag:s6] =	ssyncset.done $0x0  }
0xa7: {  	[sflag:s6] =	ssyncadd.s32 $0xFFFFFF80  }
0xa8: {  	_ =	swait.ge [sflag:s7], $0x80  }
0xa9: {  	[sflag:s7] =	ssyncset.done $0x0  }
0xaa: {  	[sflag:s7] =	ssyncadd.s32 $0xFFFFFF80  }
0xab: {  	[tilespmem:s8], [sflag:$0x2] =	stream.indirect.gather [hbm4b:s5+s31], $0x90, s31, s31, $0xb8;
	[tilespmem:$0x1FA10] =	vst v63  }
0xac: {  	_ =	swait.ge [sflag:s9], $0x4800  }
0xad: {  	[sflag:s9] =	ssyncset.done $0x0  }
0xae: {  	[sflag:s9] =	ssyncadd.s32 $0xFFFFB800  }
0xaf: {  	[spmem:s3] =	stream.indirect.scatter.add.bf16 [tilespmem:s8], [sflag:$0x8], $0x90, s1, s31, $0xb8;
	[tilespmem:$0x1FA10] =	vst v63  }
0xb0: {  	_ =	swait.ge [sflag:s10], $0x4800  }
0xb1: {  	[sflag:s10] =	ssyncset.done $0x0  }
0xb2: {  	[sflag:s10] =	ssyncadd.s32 $0xFFFFB800  }
0xb3: {  	_ =	swait.ge [sflag:s11], $0x4800  }
0xb4: {  	[sflag:s11] =	ssyncset.done $0x0  }
0xb5: {  	s24 =	rddreg [dreg:$0xd];
	[sflag:s11] =	ssyncadd.s32 $0xFFFFB800  }
0xb6: {  	[tilespmem:s4], [sflag:$0x9] =	stream.linear.gather [hbm4b:s24+s4], $0x80, $0x38;
	[tilespmem:$0x1FA10] =	vst v63  }
0xb7: {  	_ =	swait.ge [sflag:s26], $0x80  }
0xb8: {  	[sflag:s26] =	ssyncset.done $0x0  }
0xb9: {  	s18 =	rddreg [dreg:$0xe];
	[sflag:s26] =	ssyncadd.s32 $0xFFFFFF80  }
0xba: {  	[tilespmem:s28], [sflag:$0x9] =	stream.linear.gather [hbm4b:s18+s4], $0x80, $0x38;
	[tilespmem:$0x1FA10] =	vst v63  }
0xbb: {  	_ =	swait.ge [sflag:s26], $0x80  }
0xbc: {  	[sflag:s26] =	ssyncset.done $0x0  }
0xbd: {  	[sflag:s26] =	ssyncadd.s32 $0xFFFFFF80  }
0xbe: {  	[tilespmem:s0], [sflag:$0x1] =	stream.indirect.gather [hbm4b:s5+s31], $0x90, s4, s31, $0xb8;
	[tilespmem:$0x1FA10] =	vst v63  }
0xbf: {  	_ =	swait.ge [sflag:s2], $0x4800  }
0xc0: {  	[sflag:s2] =	ssyncset.done $0x0  }
0xc1: {  	[sflag:s2] =	ssyncadd.s32 $0xFFFFB800  }
0xc2: {  	[spmem:s3] =	stream.indirect.scatter.add.bf16 [tilespmem:s0], [sflag:$0x9], $0x90, s28, s31, $0xb8;
	[tilespmem:$0x1FA10] =	vst v63  }
0xc3: {  	_ =	swait.ge [sflag:s26], $0x4800  }
0xc4: {  	[sflag:s26] =	ssyncset.done $0x0  }
0xc5: {  	s24 =	rddreg [dreg:$0xf];
	[sflag:s26] =	ssyncadd.s32 $0xFFFFB800  }
0xc6: {  	[tilespmem:s12], [sflag:$0x9] =	stream.linear.gather [hbm4b:s24+s4], $0x8, $0x38;
	[tilespmem:$0x1FA10] =	vst v63  }
0xc7: {  	_ =	swait.ge [sflag:s26], $0x8  }
0xc8: {  	[sflag:s26] =	ssyncset.done $0x0  }
0xc9: {  	s18 =	rddreg [dreg:$0x10];
	[sflag:s26] =	ssyncadd.s32 $0xFFFFFFF8  }
0xca: {  	[tilespmem:s13], [sflag:$0x9] =	stream.linear.gather [hbm4b:s18+s4], $0x8, $0x38;
	[tilespmem:$0x1FA10] =	vst v63  }
0xcb: {  	_ =	swait.ge [sflag:s26], $0x8  }
0xcc: {  	[sflag:s26] =	ssyncset.done $0x0  }
0xcd: {  	[sflag:s26] =	ssyncadd.s32 $0xFFFFFFF8  }
0xce: {  	[tilespmem:s14], [sflag:$0x1] =	stream.indirect.gather [hbm4b:s5+s11], $0x90, s12, s11, $0xb8;
	[tilespmem:$0x1FA10] =	vst v63  }
0xcf: {  	_ =	swait.ge [sflag:s2], $0x480  }
0xd0: {  	[sflag:s2] =	ssyncset.done $0x0  }
0xd1: {  	[sflag:s2] =	ssyncadd.s32 $0xFFFFFB80  }
0xd2: {  	[spmem:s3] =	stream.indirect.scatter.add.bf16 [tilespmem:s14], [sflag:$0x9], $0x90, s13, s11, $0xb8;
	[tilespmem:$0x1FA10] =	vst v63  }
0xd3: {  	_ =	swait.ge [sflag:s26], $0x480  }
0xd4: {  	[sflag:s26] =	ssyncset.done $0x0  }
0xd5: {  	s15 =	sadd.s32 $0x1, s15;
	[sflag:s26] =	ssyncadd.s32 $0xFFFFFB80  }
0xd6: {  	p0 =	sne.s32 s15, s25;
	[bflag:$0x0] =	sbarrier.arrive $0xFFFF  }
.Ltmp1:
0xd7: {  	s24 =	rddreg [dreg:$0x11];
	(pc) =	sbr.rel @p0 .LBB2_1-.Ltmp1, $4  }
0xd8: {  	[hbm:s24], [sflag:s23] =	dma.local [spmem:s16], $0x2C70  }
0xd9: {  	_ =	swait.ge [sflag:s26], $0x2C70  }
0xda: {  	[sflag:s26] =	ssyncset.done $0x0  }
0xdb: {  	[sflag:s26] =	ssyncadd.s32 $0xFFFFD390  }
0xdc: {  	_ =	sfence.sel $0x180000  }
0xdd: {  	[bflag:$0x0] =	sbarrier.arrive $0xFFFF  }
0xde: {  	_ =	strace $0x90000047  }
0xdf: {  	s0 =	stileid.u32;
	[bflag:$0x2] =	sbarrier.arrive $0xFFFF  }
0xe0: {  	p0 =	sne.s32 s0, $0x0;
	s0 =	rddreg [dreg:$0x3]  }
0xe1: {  	s0 =	sadd.s32 @!p0 $0x100000, s0  }
0xe2: {  	[sflag:s0] =	ssyncadd.tile.s32 @!p0 $0x1;
	_ =	shalt  }
.Lfunc_end2:
_tile_overlayer_lowered:
.L_overlay_start_2:
0xe3: {  	(tag) =	ssettag $0x2  }
0xe4: {  	s0 =	rddreg [dreg:$0x0];
	s2 =	stileid.u32  }
0xe5: {  	s1 =	rddreg [dreg:$0x1];
	p0 =	sne.s32 s2, $0x0  }
0xe6: {  	s3 =	rddreg [dreg:$0x2];
	[bflag:$0x3] =	sbarrier.arrive $0xFFFF;
	s2 =	simm.s32 @!p0 $0x1C09  }
0xe7: {  	[timem:s3], [sflag:s2] =	dma.local @!p0 [hbm:s0], s1  }
0xe8: {  	s0 =	simm.s32 @!p0 $0x9  }
0xe9: {  	_ =	swait.ge @!p0 [sflag:s0], s1  }
0xea: {  	s1 =	ssub.s32 @!p0 $0x0, s1;
	[sflag:s0] =	ssyncset.done @!p0 $0x0  }
0xeb: {  	[sflag:s0] =	ssyncadd.s32 @!p0 s1  }
0xec: {  	[bflag:$0x3] =	sbarrier.arrive $0xFFFF  }
0xed: {  	_ =	shalt  }

</sc_bundles>
